<compile_context>
chip_gen: v7x
topology: tpu7x:2x2x1
jax: 0.10.2.dev20260603
libtpu: 0.0.44.dev20260713+nightly
codegen_flags: <defaults>
</compile_context>

<pallas_src>
import functools

import jax
import jax.numpy as jnp
from jax import lax
from jax.experimental import pallas as pl
from jax.experimental.pallas import tpu as pltpu
from jax.experimental.pallas import tpu_sc as plsc

NUM_CLASSES = 1024
EMBED_DIM = 1024
BATCH = 16384

B_SC = 10240
B_TC = BATCH - B_SC

NC = 2
NS = 16
L = 16
NW = NC * NS
ROWS_PER_W = B_SC // NW
GROUP = 16
NGROUPS = ROWS_PER_W // GROUP
NCHUNK = EMBED_DIM // L
NBUF = 4

TB = 1024
NBLK = B_TC // TB
NBLK0 = B_SC // TB


def _rsqrt(s):
    i = lax.bitcast_convert_type(s, jnp.int32)
    i = jnp.int32(0x5F3759DF) - lax.shift_right_logical(i, 1)
    r = lax.bitcast_convert_type(i, jnp.float32)
    half = s * 0.5
    for _ in range(3):
        r = r * (1.5 - half * r * r)
    return r


def _tile_body(emb_hbm, lab_hbm, anc_hbm, out_hbm,
               idx_v, emb_v, anc_v, dots_v, sqs_v, acc_v,
               sem_e, sem_a):
    sid = lax.axis_index("s")
    wid = sid * NC + lax.axis_index("c")
    base = wid * ROWS_PER_W

    pltpu.sync_copy(lab_hbm.at[pl.ds(base, ROWS_PER_W)], idx_v)

    acc_v[...] = jnp.zeros((L,), jnp.float32)

    def start(g, b):
        pltpu.async_copy(
            emb_hbm.at[pl.ds(base + g * GROUP, GROUP)], emb_v.at[b], sem_e[b])
        idxs = idx_v[pl.ds(g * GROUP, GROUP)]
        pltpu.async_copy(anc_hbm.at[idxs], anc_v.at[b], sem_a[b])

    def wait(b):
        pltpu.make_async_copy(
            emb_hbm.at[pl.ds(0, GROUP)], emb_v.at[b], sem_e[b]).wait()
        pltpu.make_async_copy(
            anc_hbm.at[pl.ds(0, GROUP)], anc_v.at[b], sem_a[b]).wait()

    def compute(b):
        def row_body(r, _):
            zero = jnp.zeros((L,), jnp.float32)
            zbf = jnp.zeros((2 * L,), jnp.bfloat16)
            df = [zero, zero]
            sf = [zero, zero]
            for w in range(4):
                accd = zbf
                accs = zbf
                for u in range(8):
                    t = w * 8 + u
                    ab = plsc.bitcast(anc_v[b, r, pl.ds(t * L, L)],
                                      jnp.bfloat16)
                    e0 = emb_v[b, r, pl.ds((2 * t) * L, L)]
                    e1 = emb_v[b, r, pl.ds((2 * t + 1) * L, L)]
                    e01 = plsc.pack(e0, e1,
                                    format=plsc.PackFormat.INTERLEAVED)
                    accd = accd + e01 * ab
                    accs = accs + e01 * e01
                dl, dh = plsc.unpack(accd,
                                     format=plsc.PackFormat.INTERLEAVED)
                sl, sh = plsc.unpack(accs,
                                     format=plsc.PackFormat.INTERLEAVED)
                df[0] = df[0] + dl
                df[1] = df[1] + dh
                sf[0] = sf[0] + sl
                sf[1] = sf[1] + sh
            dots_v[pl.ds(r * L, L)] = df[0] + df[1]
            sqs_v[pl.ds(r * L, L)] = sf[0] + sf[1]
            return 0

        lax.fori_loop(0, GROUP, row_body, 0)

        rows = lax.iota(jnp.int32, L) * L
        tot_d = jnp.zeros((L,), jnp.float32)
        tot_s = jnp.zeros((L,), jnp.float32)
        for j in range(L):
            idx = rows + j
            tot_d = tot_d + plsc.load_gather(dots_v, [idx])
            tot_s = tot_s + plsc.load_gather(sqs_v, [idx])

        acc_v[...] = acc_v[...] + tot_d * _rsqrt(tot_s)

    for p in range(NBUF - 1):
        start(p, p)

    @pl.loop(0, NGROUPS, step=NBUF)
    def _(g):
        for b in range(NBUF):
            gg = g + b
            nxt = gg + NBUF - 1

            @pl.when(nxt < NGROUPS)
            def _():
                start(nxt, (b + NBUF - 1) % NBUF)

            wait(b)
            compute(b)

    pltpu.sync_copy(acc_v, out_hbm.at[wid])


@jax.jit
def _oar_partials(embeddings, labels, anchors):
    anchors = (anchors.astype(jnp.bfloat16)
               .reshape(NUM_CLASSES, EMBED_DIM // 32, 2, L)
               .transpose(0, 1, 3, 2)
               .reshape(NUM_CLASSES, EMBED_DIM // 2, 2))
    anchors = lax.bitcast_convert_type(anchors, jnp.int32)
    mesh = plsc.VectorSubcoreMesh(
        core_axis_name="c", subcore_axis_name="s", num_cores=NC)
    k = pl.kernel(
        _tile_body,
        out_type=jax.ShapeDtypeStruct((NW, L), jnp.float32),
        mesh=mesh,
        compiler_params=pltpu.CompilerParams(needs_layout_passes=False),
        scratch_types=[
            pltpu.VMEM((ROWS_PER_W,), jnp.int32),
            pltpu.VMEM((NBUF, GROUP, EMBED_DIM), jnp.float32),
            pltpu.VMEM((NBUF, GROUP, EMBED_DIM // 2), jnp.int32),
            pltpu.VMEM((L * L,), jnp.float32),
            pltpu.VMEM((L * L,), jnp.float32),
            pltpu.VMEM((L,), jnp.float32),
            [pltpu.SemaphoreType.DMA] * NBUF,
            [pltpu.SemaphoreType.DMA] * NBUF,
        ],
    )
    return k(embeddings, labels, anchors)


def _tc_body(emb_ref, lab_ref, anc_ref, out_ref, anc_bf_ref):
    @pl.when(pl.program_id(0) == 0)
    def _():
        anc_bf_ref[...] = anc_ref[...].astype(jnp.bfloat16)

    e = emb_ref[...]
    lab = lab_ref[0]
    onehot_t = (lab == lax.broadcasted_iota(
        jnp.int32, (NUM_CLASSES, TB), 0)).astype(jnp.bfloat16)
    g = lax.dot_general(onehot_t, anc_bf_ref[...],
                        dimension_numbers=(((0,), (0,)), ((), ())),
                        preferred_element_type=jnp.float32)
    dots = jnp.sum(e * g, axis=1, keepdims=True)
    sq = jnp.sum(e * e, axis=1, keepdims=True)
    norm = jnp.maximum(jnp.sqrt(sq), 1e-12)
    out_ref[0] = dots / norm


def _tc_partials(embeddings, labels, anchors):
    lab3 = labels.reshape(BATCH // TB, 1, TB)
    return pl.pallas_call(
        _tc_body,
        grid=(NBLK,),
        in_specs=[
            pl.BlockSpec((TB, EMBED_DIM), lambda i: (i + NBLK0, 0)),
            pl.BlockSpec((1, 1, TB), lambda i: (i + NBLK0, 0, 0)),
            pl.BlockSpec((NUM_CLASSES, NUM_CLASSES), lambda i: (0, 0)),
        ],
        out_specs=pl.BlockSpec((1, TB, 1), lambda i: (i, 0, 0)),
        out_shape=jax.ShapeDtypeStruct((NBLK, TB, 1), jnp.float32),
        scratch_shapes=[
            pltpu.VMEM((NUM_CLASSES, NUM_CLASSES), jnp.bfloat16)],
    )(embeddings, lab3, anchors)


def kernel(embeddings, labels, anchors):
    sc = _oar_partials(embeddings, labels, anchors)
    tc = _tc_partials(embeddings, labels, anchors)
    total = jnp.sum(sc) + jnp.sum(tc)
    return (1.0 - total / BATCH).astype(jnp.float32)

# --- scband reference (transcript-rebuilt; emitter-appended) ---
"""Pipeline reference for scband-oarloss-60189671686733 (READ-ONLY COPY).

The authoritative reference and input builder live on the scoring server;
editing this copy changes nothing except your own understanding.
"""

import jax, jax.numpy as jnp
import numpy as np

NUM_CLASSES = 1024
EMBED_DIM = 1024
BATCH = 16384


def _make_anchors(num_classes, embedding_dim, seed=0):
    # Mirrors: random_matrix = torch.randn(C, D); _, _, v = torch.svd(random_matrix); anchors = v[:C]
    # torch.svd returns V (D x min(C,D)); numpy returns vh, so V = vh.T
    rng = np.random.default_rng(seed)
    random_matrix = rng.standard_normal((num_classes, embedding_dim)).astype(np.float32)
    _, _, vh = np.linalg.svd(random_matrix, full_matrices=False)
    v = vh.T  # (D, min(C, D))
    anchors = v[:num_classes]
    return jnp.asarray(anchors, dtype=jnp.float32)


def setup_inputs(seed: int = 0) -> dict:
    key = jax.random.key(seed)
    k1, k2 = jax.random.split(key, 2)
    embeddings = jax.random.normal(k1, (BATCH, EMBED_DIM), dtype=jnp.float32)
    labels = jax.random.randint(k2, (BATCH,), 0, NUM_CLASSES, dtype=jnp.int32)
    anchors = _make_anchors(NUM_CLASSES, EMBED_DIM)
    return {"embeddings": embeddings, "labels": labels, "anchors": anchors}


def reference(embeddings, labels, anchors):
    # F.normalize(p=2, dim=1) with eps=1e-12
    norms = jnp.linalg.norm(embeddings, ord=2, axis=1, keepdims=True)
    embeddings_norm = embeddings / jnp.maximum(norms, 1e-12)
    anchors_selected = jnp.take(anchors, labels, axis=0)  # gather, SparseCore-friendly
    cosine_similarity = jnp.sum(embeddings_norm * anchors_selected, axis=1)
    loss = 1.0 - cosine_similarity
    loss = jnp.mean(loss)
    return loss

if __name__ == "__main__":
    import jax
    _d = setup_inputs()
    print(jax.jit(kernel)(*tuple(_d.values())))

</pallas_src>

<mosaic_0001>
#map = affine_map<(d0, d1) -> (0, 0)>
#map1 = affine_map<(d0, d1) -> (0)>
module attributes {stable_mosaic.version = 14 : i64} {
  func.func @_tile_body(%arg0: i32, %arg1: i32, %arg2: memref<16384x1024xf32, #tpu.memory_space<hbm>>, %arg3: memref<16384xi32, #tpu.memory_space<hbm>>, %arg4: memref<1024x512xi32, #tpu.memory_space<hbm>>, %arg5: memref<32x16xf32, #tpu.memory_space<hbm>>, %arg6: memref<320xi32, #tpu.memory_space<vmem>>, %arg7: memref<4x16x1024xf32, #tpu.memory_space<vmem>>, %arg8: memref<4x16x512xi32, #tpu.memory_space<vmem>>, %arg9: memref<256xf32, #tpu.memory_space<vmem>>, %arg10: memref<256xf32, #tpu.memory_space<vmem>>, %arg11: memref<16xf32, #tpu.memory_space<vmem>>, %arg12: memref<!tpu.dma_semaphore, #tpu.memory_space<semaphore_mem>>, %arg13: memref<!tpu.dma_semaphore, #tpu.memory_space<semaphore_mem>>, %arg14: memref<!tpu.dma_semaphore, #tpu.memory_space<semaphore_mem>>, %arg15: memref<!tpu.dma_semaphore, #tpu.memory_space<semaphore_mem>>, %arg16: memref<!tpu.dma_semaphore, #tpu.memory_space<semaphore_mem>>, %arg17: memref<!tpu.dma_semaphore, #tpu.memory_space<semaphore_mem>>, %arg18: memref<!tpu.dma_semaphore, #tpu.memory_space<semaphore_mem>>, %arg19: memref<!tpu.dma_semaphore, #tpu.memory_space<semaphore_mem>>) attributes {dimension_semantics = [#tpu.dimension_semantics<core_parallel>, #tpu.dimension_semantics<subcore_parallel>], iteration_bounds = array<i64: 2, 16>, scalar_prefetch = 0 : i64, scratch_operands = 14 : i64, tpu.core_type = #tpu.core_type<sc_vector_subcore>, window_params = [{transform_indices = #map}, {transform_indices = #map1}, {transform_indices = #map}, {transform_indices = #map}]} {
    %mul3A = arith.constant 2 : i32
    %mul3A_0 = arith.muli %arg1, %mul3A : i32
    %add3A = arith.addi %mul3A_0, %arg0 : i32
    %mul3A_1 = arith.constant 320 : i32
    %mul3A_2 = arith.muli %add3A, %mul3A_1 : i32
    "tpu.region"() ({
      %run_scoped3A = tpu.sem_alloc : memref<!tpu.dma_semaphore, #tpu.memory_space<semaphore_mem>>
      %dma_start3A_82 = tpu.memref_slice %arg3[%mul3A_2] : memref<16384xi32, #tpu.memory_space<hbm>> -> memref<320xi32, #tpu.memory_space<hbm>>
      %dma_start3A_83 = tpu.memref_slice %arg3[%mul3A_2] : memref<16384xi32, #tpu.memory_space<hbm>> -> memref<320xi32, #tpu.memory_space<hbm>>
      tpu.enqueue_dma source(%dma_start3A_83 : memref<320xi32, #tpu.memory_space<hbm>>) target(%arg6 : memref<320xi32, #tpu.memory_space<vmem>>) target_semaphore(%run_scoped3A : memref<!tpu.dma_semaphore, #tpu.memory_space<semaphore_mem>>)
      %dma_wait3A = tpu.memref_slice %arg3[%mul3A_2] : memref<16384xi32, #tpu.memory_space<hbm>> -> memref<320xi32, #tpu.memory_space<hbm>>
      %dma_wait3A_84 = tpu.memref_slice %arg3[%mul3A_2] : memref<16384xi32, #tpu.memory_space<hbm>> -> memref<320xi32, #tpu.memory_space<hbm>>
      tpu.wait_dma2 semaphore(%run_scoped3A : memref<!tpu.dma_semaphore, #tpu.memory_space<semaphore_mem>>) src(%dma_wait3A_84 : memref<320xi32, #tpu.memory_space<hbm>>) dst(%arg6 : memref<320xi32, #tpu.memory_space<vmem>>)
      tpu.yield
    }) : () -> ()
    %broadcast_in_dim3A = arith.constant 0.000000e+00 : f32
    %broadcast_in_dim3A_3 = vector.broadcast %broadcast_in_dim3A : f32 to vector<16xf32>
    %swap3A = arith.constant 0 : index
    %swap3A_4 = tpu.vector_load %arg11[%swap3A] {strides = array<i32>} : memref<16xf32, #tpu.memory_space<vmem>>, vector<16xf32>,
    tpu.vector_store %arg11[%swap3A], %broadcast_in_dim3A_3 {strides = array<i32>} : memref<16xf32, #tpu.memory_space<vmem>>, vector<16xf32>,
    %add3A_5 = arith.constant 0 : i32
    %add3A_6 = arith.addi %mul3A_2, %add3A_5 : i32
    %dma_start3A = arith.constant 0 : i32
    %dma_start3A_7 = arith.constant 0 : i32
    %dma_start3A_8 = arith.constant 0 : i32
    %dma_start3A_9 = tpu.memref_slice %arg7[%dma_start3A, %dma_start3A_7, %dma_start3A_8] : memref<4x16x1024xf32, #tpu.memory_space<vmem>> -> memref<1x16x1024xf32, #tpu.memory_space<vmem>>
    %dma_start3A_10 = tpu.memref_squeeze %dma_start3A_9 : memref<1x16x1024xf32, #tpu.memory_space<vmem>> -> memref<16x1024xf32, #tpu.memory_space<vmem>>
    %dma_start3A_11 = arith.constant 0 : i32
    %dma_start3A_12 = tpu.memref_slice %arg2[%add3A_6, %dma_start3A_11] : memref<16384x1024xf32, #tpu.memory_space<hbm>> -> memref<16x1024xf32, #tpu.memory_space<hbm>>
    %dma_start3A_13 = arith.constant 0 : i32
    %dma_start3A_14 = arith.constant 0 : i32
    %dma_start3A_15 = tpu.memref_slice %arg7[%dma_start3A, %dma_start3A_13, %dma_start3A_14] : memref<4x16x1024xf32, #tpu.memory_space<vmem>> -> memref<1x16x1024xf32, #tpu.memory_space<vmem>>
    %dma_start3A_16 = tpu.memref_squeeze %dma_start3A_15 : memref<1x16x1024xf32, #tpu.memory_space<vmem>> -> memref<16x1024xf32, #tpu.memory_space<vmem>>
    %dma_start3A_17 = arith.constant 0 : i32
    %dma_start3A_18 = tpu.memref_slice %arg2[%add3A_6, %dma_start3A_17] : memref<16384x1024xf32, #tpu.memory_space<hbm>> -> memref<16x1024xf32, #tpu.memory_space<hbm>>
    tpu.enqueue_dma source(%dma_start3A_18 : memref<16x1024xf32, #tpu.memory_space<hbm>>) target(%dma_start3A_16 : memref<16x1024xf32, #tpu.memory_space<vmem>>) target_semaphore(%arg12 : memref<!tpu.dma_semaphore, #tpu.memory_space<semaphore_mem>>)
    %get3A = arith.constant 0 : index
    %get3A_19 = tpu.vector_load %arg6[%get3A] {strides = array<i32>} : memref<320xi32, #tpu.memory_space<vmem>>, vector<16xi32>,
    %dma_start3A_20 = arith.constant 0 : i32
    %dma_start3A_21 = arith.constant 0 : i32
    %dma_start3A_22 = arith.constant 0 : i32
    %dma_start3A_23 = tpu.memref_slice %arg8[%dma_start3A_20, %dma_start3A_21, %dma_start3A_22] : memref<4x16x512xi32, #tpu.memory_space<vmem>> -> memref<1x16x512xi32, #tpu.memory_space<vmem>>
    %dma_start3A_24 = tpu.memref_squeeze %dma_start3A_23 : memref<1x16x512xi32, #tpu.memory_space<vmem>> -> memref<16x512xi32, #tpu.memory_space<vmem>>
    %dma_start3A_25 = arith.constant 0 : i32
    %dma_start3A_26 = arith.constant 0 : i32
    %dma_start3A_27 = tpu.memref_slice %arg4[%dma_start3A_25, %dma_start3A_26] : memref<1024x512xi32, #tpu.memory_space<hbm>> -> memref<1024x512xi32, #tpu.memory_space<hbm>>
    tpu.enqueue_indirect_dma source(%dma_start3A_27 : memref<1024x512xi32, #tpu.memory_space<hbm>>) target(%dma_start3A_24 : memref<16x512xi32, #tpu.memory_space<vmem>>) offsets(%get3A_19 : vector<16xi32>) semaphore(%arg16 : memref<!tpu.dma_semaphore, #tpu.memory_space<semaphore_mem>>)
    %add3A_28 = arith.constant 16 : i32
    %add3A_29 = arith.addi %mul3A_2, %add3A_28 : i32
    %dma_start3A_30 = arith.constant 1 : i32
    %dma_start3A_31 = arith.constant 0 : i32
    %dma_start3A_32 = arith.constant 0 : i32
    %dma_start3A_33 = tpu.memref_slice %arg7[%dma_start3A_30, %dma_start3A_31, %dma_start3A_32] : memref<4x16x1024xf32, #tpu.memory_space<vmem>> -> memref<1x16x1024xf32, #tpu.memory_space<vmem>>
    %dma_start3A_34 = tpu.memref_squeeze %dma_start3A_33 : memref<1x16x1024xf32, #tpu.memory_space<vmem>> -> memref<16x1024xf32, #tpu.memory_space<vmem>>
    %dma_start3A_35 = arith.constant 0 : i32
    %dma_start3A_36 = tpu.memref_slice %arg2[%add3A_29, %dma_start3A_35] : memref<16384x1024xf32, #tpu.memory_space<hbm>> -> memref<16x1024xf32, #tpu.memory_space<hbm>>
    %dma_start3A_37 = arith.constant 0 : i32
    %dma_start3A_38 = arith.constant 0 : i32
    %dma_start3A_39 = tpu.memref_slice %arg7[%dma_start3A_30, %dma_start3A_37, %dma_start3A_38] : memref<4x16x1024xf32, #tpu.memory_space<vmem>> -> memref<1x16x1024xf32, #tpu.memory_space<vmem>>
    %dma_start3A_40 = tpu.memref_squeeze %dma_start3A_39 : memref<1x16x1024xf32, #tpu.memory_space<vmem>> -> memref<16x1024xf32, #tpu.memory_space<vmem>>
    %dma_start3A_41 = arith.constant 0 : i32
    %dma_start3A_42 = tpu.memref_slice %arg2[%add3A_29, %dma_start3A_41] : memref<16384x1024xf32, #tpu.memory_space<hbm>> -> memref<16x1024xf32, #tpu.memory_space<hbm>>
    tpu.enqueue_dma source(%dma_start3A_42 : memref<16x1024xf32, #tpu.memory_space<hbm>>) target(%dma_start3A_40 : memref<16x1024xf32, #tpu.memory_space<vmem>>) target_semaphore(%arg13 : memref<!tpu.dma_semaphore, #tpu.memory_space<semaphore_mem>>)
    %get3A_43 = arith.constant 16 : index
    %get3A_44 = tpu.vector_load %arg6[%get3A_43] {strides = array<i32>} : memref<320xi32, #tpu.memory_space<vmem>>, vector<16xi32>,
    %dma_start3A_45 = arith.constant 1 : i32
    %dma_start3A_46 = arith.constant 0 : i32
    %dma_start3A_47 = arith.constant 0 : i32
    %dma_start3A_48 = tpu.memref_slice %arg8[%dma_start3A_45, %dma_start3A_46, %dma_start3A_47] : memref<4x16x512xi32, #tpu.memory_space<vmem>> -> memref<1x16x512xi32, #tpu.memory_space<vmem>>
    %dma_start3A_49 = tpu.memref_squeeze %dma_start3A_48 : memref<1x16x512xi32, #tpu.memory_space<vmem>> -> memref<16x512xi32, #tpu.memory_space<vmem>>
    %dma_start3A_50 = arith.constant 0 : i32
    %dma_start3A_51 = arith.constant 0 : i32
    %dma_start3A_52 = tpu.memref_slice %arg4[%dma_start3A_50, %dma_start3A_51] : memref<1024x512xi32, #tpu.memory_space<hbm>> -> memref<1024x512xi32, #tpu.memory_space<hbm>>
    tpu.enqueue_indirect_dma source(%dma_start3A_52 : memref<1024x512xi32, #tpu.memory_space<hbm>>) target(%dma_start3A_49 : memref<16x512xi32, #tpu.memory_space<vmem>>) offsets(%get3A_44 : vector<16xi32>) semaphore(%arg17 : memref<!tpu.dma_semaphore, #tpu.memory_space<semaphore_mem>>)
    %add3A_53 = arith.constant 32 : i32
    %add3A_54 = arith.addi %mul3A_2, %add3A_53 : i32
    %dma_start3A_55 = arith.constant 2 : i32
    %dma_start3A_56 = arith.constant 0 : i32
    %dma_start3A_57 = arith.constant 0 : i32
    %dma_start3A_58 = tpu.memref_slice %arg7[%dma_start3A_55, %dma_start3A_56, %dma_start3A_57] : memref<4x16x1024xf32, #tpu.memory_space<vmem>> -> memref<1x16x1024xf32, #tpu.memory_space<vmem>>
    %dma_start3A_59 = tpu.memref_squeeze %dma_start3A_58 : memref<1x16x1024xf32, #tpu.memory_space<vmem>> -> memref<16x1024xf32, #tpu.memory_space<vmem>>
    %dma_start3A_60 = arith.constant 0 : i32
    %dma_start3A_61 = tpu.memref_slice %arg2[%add3A_54, %dma_start3A_60] : memref<16384x1024xf32, #tpu.memory_space<hbm>> -> memref<16x1024xf32, #tpu.memory_space<hbm>>
    %dma_start3A_62 = arith.constant 0 : i32
    %dma_start3A_63 = arith.constant 0 : i32
    %dma_start3A_64 = tpu.memref_slice %arg7[%dma_start3A_55, %dma_start3A_62, %dma_start3A_63] : memref<4x16x1024xf32, #tpu.memory_space<vmem>> -> memref<1x16x1024xf32, #tpu.memory_space<vmem>>
    %dma_start3A_65 = tpu.memref_squeeze %dma_start3A_64 : memref<1x16x1024xf32, #tpu.memory_space<vmem>> -> memref<16x1024xf32, #tpu.memory_space<vmem>>
    %dma_start3A_66 = arith.constant 0 : i32
    %dma_start3A_67 = tpu.memref_slice %arg2[%add3A_54, %dma_start3A_66] : memref<16384x1024xf32, #tpu.memory_space<hbm>> -> memref<16x1024xf32, #tpu.memory_space<hbm>>
    tpu.enqueue_dma source(%dma_start3A_67 : memref<16x1024xf32, #tpu.memory_space<hbm>>) target(%dma_start3A_65 : memref<16x1024xf32, #tpu.memory_space<vmem>>) target_semaphore(%arg14 : memref<!tpu.dma_semaphore, #tpu.memory_space<semaphore_mem>>)
    %get3A_68 = arith.constant 32 : index
    %get3A_69 = tpu.vector_load %arg6[%get3A_68] {strides = array<i32>} : memref<320xi32, #tpu.memory_space<vmem>>, vector<16xi32>,
    %dma_start3A_70 = arith.constant 2 : i32
    %dma_start3A_71 = arith.constant 0 : i32
    %dma_start3A_72 = arith.constant 0 : i32
    %dma_start3A_73 = tpu.memref_slice %arg8[%dma_start3A_70, %dma_start3A_71, %dma_start3A_72] : memref<4x16x512xi32, #tpu.memory_space<vmem>> -> memref<1x16x512xi32, #tpu.memory_space<vmem>>
    %dma_start3A_74 = tpu.memref_squeeze %dma_start3A_73 : memref<1x16x512xi32, #tpu.memory_space<vmem>> -> memref<16x512xi32, #tpu.memory_space<vmem>>
    %dma_start3A_75 = arith.constant 0 : i32
    %dma_start3A_76 = arith.constant 0 : i32
    %dma_start3A_77 = tpu.memref_slice %arg4[%dma_start3A_75, %dma_start3A_76] : memref<1024x512xi32, #tpu.memory_space<hbm>> -> memref<1024x512xi32, #tpu.memory_space<hbm>>
    tpu.enqueue_indirect_dma source(%dma_start3A_77 : memref<1024x512xi32, #tpu.memory_space<hbm>>) target(%dma_start3A_74 : memref<16x512xi32, #tpu.memory_space<vmem>>) offsets(%get3A_69 : vector<16xi32>) semaphore(%arg18 : memref<!tpu.dma_semaphore, #tpu.memory_space<semaphore_mem>>)
    %scan3A = arith.constant 0 : i32
    %scan3A_78 = arith.constant 5 : i32
    %scan3A_79 = arith.addi %scan3A, %scan3A_78 : i32
    %scan3A_80 = arith.constant 1 : i32
    scf.for %scan3A_82 = %scan3A to %scan3A_79 step %scan3A_80  : i32 {
      %mul3A_83 = arith.constant 4 : i32
      %mul3A_84 = arith.muli %scan3A_82, %mul3A_83 : i32
      %add3A_85 = arith.constant 0 : i32
      %add3A_86 = arith.addi %add3A_85, %mul3A_84 : i32
      %add3A_87 = arith.constant 0 : i32
      %add3A_88 = arith.addi %add3A_86, %add3A_87 : i32
      %add3A_89 = arith.constant 4 : i32
      %add3A_90 = arith.addi %add3A_88, %add3A_89 : i32
      %sub3A = arith.constant 1 : i32
      %sub3A_91 = arith.subi %add3A_90, %sub3A : i32
      %lt3A = arith.constant 20 : i32
      %lt3A_92 = arith.cmpi slt, %sub3A_91, %lt3A : i32
      %convert_element_type3A = arith.extui %lt3A_92 : i1 to i32
      %cond3A = arith.constant 0 : i32
      %cond3A_93 = arith.cmpi ne, %convert_element_type3A, %cond3A : i32
      scf.if %cond3A_93 {
        %mul3A_890 = arith.constant 16 : i32
        %mul3A_891 = arith.muli %sub3A_91, %mul3A_890 : i32
        %add3A_892 = arith.addi %mul3A_2, %mul3A_891 : i32
        %dma_start3A_893 = arith.constant 3 : i32
        %dma_start3A_894 = arith.constant 0 : i32
        %dma_start3A_895 = arith.constant 0 : i32
        %dma_start3A_896 = tpu.memref_slice %arg7[%dma_start3A_893, %dma_start3A_894, %dma_start3A_895] : memref<4x16x1024xf32, #tpu.memory_space<vmem>> -> memref<1x16x1024xf32, #tpu.memory_space<vmem>>
        %dma_start3A_897 = tpu.memref_squeeze %dma_start3A_896 : memref<1x16x1024xf32, #tpu.memory_space<vmem>> -> memref<16x1024xf32, #tpu.memory_space<vmem>>
        %dma_start3A_898 = arith.constant 0 : i32
        %dma_start3A_899 = tpu.memref_slice %arg2[%add3A_892, %dma_start3A_898] : memref<16384x1024xf32, #tpu.memory_space<hbm>> -> memref<16x1024xf32, #tpu.memory_space<hbm>>
        %dma_start3A_900 = arith.constant 0 : i32
        %dma_start3A_901 = arith.constant 0 : i32
        %dma_start3A_902 = tpu.memref_slice %arg7[%dma_start3A_893, %dma_start3A_900, %dma_start3A_901] : memref<4x16x1024xf32, #tpu.memory_space<vmem>> -> memref<1x16x1024xf32, #tpu.memory_space<vmem>>
        %dma_start3A_903 = tpu.memref_squeeze %dma_start3A_902 : memref<1x16x1024xf32, #tpu.memory_space<vmem>> -> memref<16x1024xf32, #tpu.memory_space<vmem>>
        %dma_start3A_904 = arith.constant 0 : i32
        %dma_start3A_905 = tpu.memref_slice %arg2[%add3A_892, %dma_start3A_904] : memref<16384x1024xf32, #tpu.memory_space<hbm>> -> memref<16x1024xf32, #tpu.memory_space<hbm>>
        tpu.enqueue_dma source(%dma_start3A_905 : memref<16x1024xf32, #tpu.memory_space<hbm>>) target(%dma_start3A_903 : memref<16x1024xf32, #tpu.memory_space<vmem>>) target_semaphore(%arg15 : memref<!tpu.dma_semaphore, #tpu.memory_space<semaphore_mem>>)
        %mul3A_906 = arith.constant 16 : i32
        %mul3A_907 = arith.muli %sub3A_91, %mul3A_906 : i32
        %get3A_908 = arith.index_cast %mul3A_907 : i32 to index
        %get3A_909 = tpu.vector_load %arg6[%get3A_908] {strides = array<i32>} : memref<320xi32, #tpu.memory_space<vmem>>, vector<16xi32>,
        %dma_start3A_910 = arith.constant 3 : i32
        %dma_start3A_911 = arith.constant 0 : i32
        %dma_start3A_912 = arith.constant 0 : i32
        %dma_start3A_913 = tpu.memref_slice %arg8[%dma_start3A_910, %dma_start3A_911, %dma_start3A_912] : memref<4x16x512xi32, #tpu.memory_space<vmem>> -> memref<1x16x512xi32, #tpu.memory_space<vmem>>
        %dma_start3A_914 = tpu.memref_squeeze %dma_start3A_913 : memref<1x16x512xi32, #tpu.memory_space<vmem>> -> memref<16x512xi32, #tpu.memory_space<vmem>>
        %dma_start3A_915 = arith.constant 0 : i32
        %dma_start3A_916 = arith.constant 0 : i32
        %dma_start3A_917 = tpu.memref_slice %arg4[%dma_start3A_915, %dma_start3A_916] : memref<1024x512xi32, #tpu.memory_space<hbm>> -> memref<1024x512xi32, #tpu.memory_space<hbm>>
        tpu.enqueue_indirect_dma source(%dma_start3A_917 : memref<1024x512xi32, #tpu.memory_space<hbm>>) target(%dma_start3A_914 : memref<16x512xi32, #tpu.memory_space<vmem>>) offsets(%get3A_909 : vector<16xi32>) semaphore(%arg19 : memref<!tpu.dma_semaphore, #tpu.memory_space<semaphore_mem>>)
      } else {
      }
      %dma_wait3A = arith.constant 0 : i32
      %dma_wait3A_94 = arith.constant 0 : i32
      %dma_wait3A_95 = arith.constant 0 : i32
      %dma_wait3A_96 = tpu.memref_slice %arg7[%dma_wait3A, %dma_wait3A_94, %dma_wait3A_95] : memref<4x16x1024xf32, #tpu.memory_space<vmem>> -> memref<1x16x1024xf32, #tpu.memory_space<vmem>>
      %dma_wait3A_97 = tpu.memref_squeeze %dma_wait3A_96 : memref<1x16x1024xf32, #tpu.memory_space<vmem>> -> memref<16x1024xf32, #tpu.memory_space<vmem>>
      %dma_wait3A_98 = arith.constant 0 : i32
      %dma_wait3A_99 = arith.constant 0 : i32
      %dma_wait3A_100 = tpu.memref_slice %arg2[%dma_wait3A_98, %dma_wait3A_99] : memref<16384x1024xf32, #tpu.memory_space<hbm>> -> memref<16x1024xf32, #tpu.memory_space<hbm>>
      %dma_wait3A_101 = arith.constant 0 : i32
      %dma_wait3A_102 = arith.constant 0 : i32
      %dma_wait3A_103 = tpu.memref_slice %arg7[%dma_wait3A, %dma_wait3A_101, %dma_wait3A_102] : memref<4x16x1024xf32, #tpu.memory_space<vmem>> -> memref<1x16x1024xf32, #tpu.memory_space<vmem>>
      %dma_wait3A_104 = tpu.memref_squeeze %dma_wait3A_103 : memref<1x16x1024xf32, #tpu.memory_space<vmem>> -> memref<16x1024xf32, #tpu.memory_space<vmem>>
      %dma_wait3A_105 = arith.constant 0 : i32
      %dma_wait3A_106 = arith.constant 0 : i32
      %dma_wait3A_107 = tpu.memref_slice %arg2[%dma_wait3A_105, %dma_wait3A_106] : memref<16384x1024xf32, #tpu.memory_space<hbm>> -> memref<16x1024xf32, #tpu.memory_space<hbm>>
      tpu.wait_dma2 semaphore(%arg12 : memref<!tpu.dma_semaphore, #tpu.memory_space<semaphore_mem>>) src(%dma_wait3A_107 : memref<16x1024xf32, #tpu.memory_space<hbm>>) dst(%dma_wait3A_104 : memref<16x1024xf32, #tpu.memory_space<vmem>>)
      %dma_wait3A_108 = arith.constant 0 : i32
      %dma_wait3A_109 = arith.constant 0 : i32
      %dma_wait3A_110 = arith.constant 0 : i32
      %dma_wait3A_111 = tpu.memref_slice %arg8[%dma_wait3A_108, %dma_wait3A_109, %dma_wait3A_110] : memref<4x16x512xi32, #tpu.memory_space<vmem>> -> memref<1x16x512xi32, #tpu.memory_space<vmem>>
      %dma_wait3A_112 = tpu.memref_squeeze %dma_wait3A_111 : memref<1x16x512xi32, #tpu.memory_space<vmem>> -> memref<16x512xi32, #tpu.memory_space<vmem>>
      %dma_wait3A_113 = arith.constant 0 : i32
      %dma_wait3A_114 = arith.constant 0 : i32
      %dma_wait3A_115 = tpu.memref_slice %arg4[%dma_wait3A_113, %dma_wait3A_114] : memref<1024x512xi32, #tpu.memory_space<hbm>> -> memref<16x512xi32, #tpu.memory_space<hbm>>
      %dma_wait3A_116 = arith.constant 0 : i32
      %dma_wait3A_117 = arith.constant 0 : i32
      %dma_wait3A_118 = tpu.memref_slice %arg8[%dma_wait3A_108, %dma_wait3A_116, %dma_wait3A_117] : memref<4x16x512xi32, #tpu.memory_space<vmem>> -> memref<1x16x512xi32, #tpu.memory_space<vmem>>
      %dma_wait3A_119 = tpu.memref_squeeze %dma_wait3A_118 : memref<1x16x512xi32, #tpu.memory_space<vmem>> -> memref<16x512xi32, #tpu.memory_space<vmem>>
      %dma_wait3A_120 = arith.constant 0 : i32
      %dma_wait3A_121 = arith.constant 0 : i32
      %dma_wait3A_122 = tpu.memref_slice %arg4[%dma_wait3A_120, %dma_wait3A_121] : memref<1024x512xi32, #tpu.memory_space<hbm>> -> memref<16x512xi32, #tpu.memory_space<hbm>>
      tpu.wait_dma2 semaphore(%arg16 : memref<!tpu.dma_semaphore, #tpu.memory_space<semaphore_mem>>) src(%dma_wait3A_122 : memref<16x512xi32, #tpu.memory_space<hbm>>) dst(%dma_wait3A_119 : memref<16x512xi32, #tpu.memory_space<vmem>>)
      %scan3A_123 = arith.constant 0 : i32
      %scan3A_124 = arith.constant 0 : i32
      %scan3A_125 = arith.constant 16 : i32
      %scan3A_126 = arith.addi %scan3A_124, %scan3A_125 : i32
      %scan3A_127 = arith.constant 1 : i32
      %scan3A_128 = scf.for %scan3A_890 = %scan3A_124 to %scan3A_126 step %scan3A_127 iter_args(%scan3A_891 = %scan3A_123) -> (i32)  : i32 {
        %broadcast_in_dim3A_892 = arith.constant 0.000000e+00 : f32
        %broadcast_in_dim3A_893 = vector.broadcast %broadcast_in_dim3A_892 : f32 to vector<16xf32>
        %broadcast_in_dim3A_894 = arith.constant 0.000000e+00 : bf16
        %broadcast_in_dim3A_895 = vector.broadcast %broadcast_in_dim3A_894 : bf16 to vector<32xbf16>
        %get3A_896 = arith.constant 0 : i32
        %get3A_897 = arith.index_cast %get3A_896 : i32 to index
        %get3A_898 = arith.index_cast %scan3A_890 : i32 to index
        %get3A_899 = arith.constant 0 : index
        %get3A_900 = tpu.vector_load %arg8[%get3A_897, %get3A_898, %get3A_899] {strides = array<i32>} : memref<4x16x512xi32, #tpu.memory_space<vmem>>, vector<16xi32>,
        %bitcast3A = vector.bitcast %get3A_900 : vector<16xi32> to vector<32xbf16>
        %get3A_901 = arith.constant 0 : i32
        %get3A_902 = arith.index_cast %get3A_901 : i32 to index
        %get3A_903 = arith.index_cast %scan3A_890 : i32 to index
        %get3A_904 = arith.constant 0 : index
        %get3A_905 = tpu.vector_load %arg7[%get3A_902, %get3A_903, %get3A_904] {strides = array<i32>} : memref<4x16x1024xf32, #tpu.memory_space<vmem>>, vector<16xf32>,
        %get3A_906 = arith.constant 0 : i32
        %get3A_907 = arith.index_cast %get3A_906 : i32 to index
        %get3A_908 = arith.index_cast %scan3A_890 : i32 to index
        %get3A_909 = arith.constant 16 : index
        %get3A_910 = tpu.vector_load %arg7[%get3A_907, %get3A_908, %get3A_909] {strides = array<i32>} : memref<4x16x1024xf32, #tpu.memory_space<vmem>>, vector<16xf32>,
        %pack3A = tpu.pack_subelements %get3A_905, %get3A_910 {pack_format = #tpu.pack_format<interleaved>, positions = array<i32: 0, 1>} : vector<16xf32>, vector<16xf32> -> vector<32xbf16>
        %mul3A_911 = arith.mulf %pack3A, %bitcast3A : vector<32xbf16>
        %add3A_912 = arith.addf %broadcast_in_dim3A_895, %mul3A_911 : vector<32xbf16>
        %mul3A_913 = arith.mulf %pack3A, %pack3A : vector<32xbf16>
        %add3A_914 = arith.addf %broadcast_in_dim3A_895, %mul3A_913 : vector<32xbf16>
        %get3A_915 = arith.constant 0 : i32
        %get3A_916 = arith.index_cast %get3A_915 : i32 to index
        %get3A_917 = arith.index_cast %scan3A_890 : i32 to index
        %get3A_918 = arith.constant 16 : index
        %get3A_919 = tpu.vector_load %arg8[%get3A_916, %get3A_917, %get3A_918] {strides = array<i32>} : memref<4x16x512xi32, #tpu.memory_space<vmem>>, vector<16xi32>,
        %bitcast3A_920 = vector.bitcast %get3A_919 : vector<16xi32> to vector<32xbf16>
        %get3A_921 = arith.constant 0 : i32
        %get3A_922 = arith.index_cast %get3A_921 : i32 to index
        %get3A_923 = arith.index_cast %scan3A_890 : i32 to index
        %get3A_924 = arith.constant 32 : index
        %get3A_925 = tpu.vector_load %arg7[%get3A_922, %get3A_923, %get3A_924] {strides = array<i32>} : memref<4x16x1024xf32, #tpu.memory_space<vmem>>, vector<16xf32>,
        %get3A_926 = arith.constant 0 : i32
        %get3A_927 = arith.index_cast %get3A_926 : i32 to index
        %get3A_928 = arith.index_cast %scan3A_890 : i32 to index
        %get3A_929 = arith.constant 48 : index
        %get3A_930 = tpu.vector_load %arg7[%get3A_927, %get3A_928, %get3A_929] {strides = array<i32>} : memref<4x16x1024xf32, #tpu.memory_space<vmem>>, vector<16xf32>,
        %pack3A_931 = tpu.pack_subelements %get3A_925, %get3A_930 {pack_format = #tpu.pack_format<interleaved>, positions = array<i32: 0, 1>} : vector<16xf32>, vector<16xf32> -> vector<32xbf16>
        %mul3A_932 = arith.mulf %pack3A_931, %bitcast3A_920 : vector<32xbf16>
        %add3A_933 = arith.addf %add3A_912, %mul3A_932 : vector<32xbf16>
        %mul3A_934 = arith.mulf %pack3A_931, %pack3A_931 : vector<32xbf16>
        %add3A_935 = arith.addf %add3A_914, %mul3A_934 : vector<32xbf16>
        %get3A_936 = arith.constant 0 : i32
        %get3A_937 = arith.index_cast %get3A_936 : i32 to index
        %get3A_938 = arith.index_cast %scan3A_890 : i32 to index
        %get3A_939 = arith.constant 32 : index
        %get3A_940 = tpu.vector_load %arg8[%get3A_937, %get3A_938, %get3A_939] {strides = array<i32>} : memref<4x16x512xi32, #tpu.memory_space<vmem>>, vector<16xi32>,
        %bitcast3A_941 = vector.bitcast %get3A_940 : vector<16xi32> to vector<32xbf16>
        %get3A_942 = arith.constant 0 : i32
        %get3A_943 = arith.index_cast %get3A_942 : i32 to index
        %get3A_944 = arith.index_cast %scan3A_890 : i32 to index
        %get3A_945 = arith.constant 64 : index
        %get3A_946 = tpu.vector_load %arg7[%get3A_943, %get3A_944, %get3A_945] {strides = array<i32>} : memref<4x16x1024xf32, #tpu.memory_space<vmem>>, vector<16xf32>,
        %get3A_947 = arith.constant 0 : i32
        %get3A_948 = arith.index_cast %get3A_947 : i32 to index
        %get3A_949 = arith.index_cast %scan3A_890 : i32 to index
        %get3A_950 = arith.constant 80 : index
        %get3A_951 = tpu.vector_load %arg7[%get3A_948, %get3A_949, %get3A_950] {strides = array<i32>} : memref<4x16x1024xf32, #tpu.memory_space<vmem>>, vector<16xf32>,
        %pack3A_952 = tpu.pack_subelements %get3A_946, %get3A_951 {pack_format = #tpu.pack_format<interleaved>, positions = array<i32: 0, 1>} : vector<16xf32>, vector<16xf32> -> vector<32xbf16>
        %mul3A_953 = arith.mulf %pack3A_952, %bitcast3A_941 : vector<32xbf16>
        %add3A_954 = arith.addf %add3A_933, %mul3A_953 : vector<32xbf16>
        %mul3A_955 = arith.mulf %pack3A_952, %pack3A_952 : vector<32xbf16>
        %add3A_956 = arith.addf %add3A_935, %mul3A_955 : vector<32xbf16>
        %get3A_957 = arith.constant 0 : i32
        %get3A_958 = arith.index_cast %get3A_957 : i32 to index
        %get3A_959 = arith.index_cast %scan3A_890 : i32 to index
        %get3A_960 = arith.constant 48 : index
        %get3A_961 = tpu.vector_load %arg8[%get3A_958, %get3A_959, %get3A_960] {strides = array<i32>} : memref<4x16x512xi32, #tpu.memory_space<vmem>>, vector<16xi32>,
        %bitcast3A_962 = vector.bitcast %get3A_961 : vector<16xi32> to vector<32xbf16>
        %get3A_963 = arith.constant 0 : i32
        %get3A_964 = arith.index_cast %get3A_963 : i32 to index
        %get3A_965 = arith.index_cast %scan3A_890 : i32 to index
        %get3A_966 = arith.constant 96 : index
        %get3A_967 = tpu.vector_load %arg7[%get3A_964, %get3A_965, %get3A_966] {strides = array<i32>} : memref<4x16x1024xf32, #tpu.memory_space<vmem>>, vector<16xf32>,
        %get3A_968 = arith.constant 0 : i32
        %get3A_969 = arith.index_cast %get3A_968 : i32 to index
        %get3A_970 = arith.index_cast %scan3A_890 : i32 to index
        %get3A_971 = arith.constant 112 : index
        %get3A_972 = tpu.vector_load %arg7[%get3A_969, %get3A_970, %get3A_971] {strides = array<i32>} : memref<4x16x1024xf32, #tpu.memory_space<vmem>>, vector<16xf32>,
        %pack3A_973 = tpu.pack_subelements %get3A_967, %get3A_972 {pack_format = #tpu.pack_format<interleaved>, positions = array<i32: 0, 1>} : vector<16xf32>, vector<16xf32> -> vector<32xbf16>
        %mul3A_974 = arith.mulf %pack3A_973, %bitcast3A_962 : vector<32xbf16>
        %add3A_975 = arith.addf %add3A_954, %mul3A_974 : vector<32xbf16>
        %mul3A_976 = arith.mulf %pack3A_973, %pack3A_973 : vector<32xbf16>
        %add3A_977 = arith.addf %add3A_956, %mul3A_976 : vector<32xbf16>
        %get3A_978 = arith.constant 0 : i32
        %get3A_979 = arith.index_cast %get3A_978 : i32 to index
        %get3A_980 = arith.index_cast %scan3A_890 : i32 to index
        %get3A_981 = arith.constant 64 : index
        %get3A_982 = tpu.vector_load %arg8[%get3A_979, %get3A_980, %get3A_981] {strides = array<i32>} : memref<4x16x512xi32, #tpu.memory_space<vmem>>, vector<16xi32>,
        %bitcast3A_983 = vector.bitcast %get3A_982 : vector<16xi32> to vector<32xbf16>
        %get3A_984 = arith.constant 0 : i32
        %get3A_985 = arith.index_cast %get3A_984 : i32 to index
        %get3A_986 = arith.index_cast %scan3A_890 : i32 to index
        %get3A_987 = arith.constant 128 : index
        %get3A_988 = tpu.vector_load %arg7[%get3A_985, %get3A_986, %get3A_987] {strides = array<i32>} : memref<4x16x1024xf32, #tpu.memory_space<vmem>>, vector<16xf32>,
        %get3A_989 = arith.constant 0 : i32
        %get3A_990 = arith.index_cast %get3A_989 : i32 to index
        %get3A_991 = arith.index_cast %scan3A_890 : i32 to index
        %get3A_992 = arith.constant 144 : index
        %get3A_993 = tpu.vector_load %arg7[%get3A_990, %get3A_991, %get3A_992] {strides = array<i32>} : memref<4x16x1024xf32, #tpu.memory_space<vmem>>, vector<16xf32>,
        %pack3A_994 = tpu.pack_subelements %get3A_988, %get3A_993 {pack_format = #tpu.pack_format<interleaved>, positions = array<i32: 0, 1>} : vector<16xf32>, vector<16xf32> -> vector<32xbf16>
        %mul3A_995 = arith.mulf %pack3A_994, %bitcast3A_983 : vector<32xbf16>
        %add3A_996 = arith.addf %add3A_975, %mul3A_995 : vector<32xbf16>
        %mul3A_997 = arith.mulf %pack3A_994, %pack3A_994 : vector<32xbf16>
        %add3A_998 = arith.addf %add3A_977, %mul3A_997 : vector<32xbf16>
        %get3A_999 = arith.constant 0 : i32
        %get3A_1000 = arith.index_cast %get3A_999 : i32 to index
        %get3A_1001 = arith.index_cast %scan3A_890 : i32 to index
        %get3A_1002 = arith.constant 80 : index
        %get3A_1003 = tpu.vector_load %arg8[%get3A_1000, %get3A_1001, %get3A_1002] {strides = array<i32>} : memref<4x16x512xi32, #tpu.memory_space<vmem>>, vector<16xi32>,
        %bitcast3A_1004 = vector.bitcast %get3A_1003 : vector<16xi32> to vector<32xbf16>
        %get3A_1005 = arith.constant 0 : i32
        %get3A_1006 = arith.index_cast %get3A_1005 : i32 to index
        %get3A_1007 = arith.index_cast %scan3A_890 : i32 to index
        %get3A_1008 = arith.constant 160 : index
        %get3A_1009 = tpu.vector_load %arg7[%get3A_1006, %get3A_1007, %get3A_1008] {strides = array<i32>} : memref<4x16x1024xf32, #tpu.memory_space<vmem>>, vector<16xf32>,
        %get3A_1010 = arith.constant 0 : i32
        %get3A_1011 = arith.index_cast %get3A_1010 : i32 to index
        %get3A_1012 = arith.index_cast %scan3A_890 : i32 to index
        %get3A_1013 = arith.constant 176 : index
        %get3A_1014 = tpu.vector_load %arg7[%get3A_1011, %get3A_1012, %get3A_1013] {strides = array<i32>} : memref<4x16x1024xf32, #tpu.memory_space<vmem>>, vector<16xf32>,
        %pack3A_1015 = tpu.pack_subelements %get3A_1009, %get3A_1014 {pack_format = #tpu.pack_format<interleaved>, positions = array<i32: 0, 1>} : vector<16xf32>, vector<16xf32> -> vector<32xbf16>
        %mul3A_1016 = arith.mulf %pack3A_1015, %bitcast3A_1004 : vector<32xbf16>
        %add3A_1017 = arith.addf %add3A_996, %mul3A_1016 : vector<32xbf16>
        %mul3A_1018 = arith.mulf %pack3A_1015, %pack3A_1015 : vector<32xbf16>
        %add3A_1019 = arith.addf %add3A_998, %mul3A_1018 : vector<32xbf16>
        %get3A_1020 = arith.constant 0 : i32
        %get3A_1021 = arith.index_cast %get3A_1020 : i32 to index
        %get3A_1022 = arith.index_cast %scan3A_890 : i32 to index
        %get3A_1023 = arith.constant 96 : index
        %get3A_1024 = tpu.vector_load %arg8[%get3A_1021, %get3A_1022, %get3A_1023] {strides = array<i32>} : memref<4x16x512xi32, #tpu.memory_space<vmem>>, vector<16xi32>,
        %bitcast3A_1025 = vector.bitcast %get3A_1024 : vector<16xi32> to vector<32xbf16>
        %get3A_1026 = arith.constant 0 : i32
        %get3A_1027 = arith.index_cast %get3A_1026 : i32 to index
        %get3A_1028 = arith.index_cast %scan3A_890 : i32 to index
        %get3A_1029 = arith.constant 192 : index
        %get3A_1030 = tpu.vector_load %arg7[%get3A_1027, %get3A_1028, %get3A_1029] {strides = array<i32>} : memref<4x16x1024xf32, #tpu.memory_space<vmem>>, vector<16xf32>,
        %get3A_1031 = arith.constant 0 : i32
        %get3A_1032 = arith.index_cast %get3A_1031 : i32 to index
        %get3A_1033 = arith.index_cast %scan3A_890 : i32 to index
        %get3A_1034 = arith.constant 208 : index
        %get3A_1035 = tpu.vector_load %arg7[%get3A_1032, %get3A_1033, %get3A_1034] {strides = array<i32>} : memref<4x16x1024xf32, #tpu.memory_space<vmem>>, vector<16xf32>,
        %pack3A_1036 = tpu.pack_subelements %get3A_1030, %get3A_1035 {pack_format = #tpu.pack_format<interleaved>, positions = array<i32: 0, 1>} : vector<16xf32>, vector<16xf32> -> vector<32xbf16>
        %mul3A_1037 = arith.mulf %pack3A_1036, %bitcast3A_1025 : vector<32xbf16>
        %add3A_1038 = arith.addf %add3A_1017, %mul3A_1037 : vector<32xbf16>
        %mul3A_1039 = arith.mulf %pack3A_1036, %pack3A_1036 : vector<32xbf16>
        %add3A_1040 = arith.addf %add3A_1019, %mul3A_1039 : vector<32xbf16>
        %get3A_1041 = arith.constant 0 : i32
        %get3A_1042 = arith.index_cast %get3A_1041 : i32 to index
        %get3A_1043 = arith.index_cast %scan3A_890 : i32 to index
        %get3A_1044 = arith.constant 112 : index
        %get3A_1045 = tpu.vector_load %arg8[%get3A_1042, %get3A_1043, %get3A_1044] {strides = array<i32>} : memref<4x16x512xi32, #tpu.memory_space<vmem>>, vector<16xi32>,
        %bitcast3A_1046 = vector.bitcast %get3A_1045 : vector<16xi32> to vector<32xbf16>
        %get3A_1047 = arith.constant 0 : i32
        %get3A_1048 = arith.index_cast %get3A_1047 : i32 to index
        %get3A_1049 = arith.index_cast %scan3A_890 : i32 to index
        %get3A_1050 = arith.constant 224 : index
        %get3A_1051 = tpu.vector_load %arg7[%get3A_1048, %get3A_1049, %get3A_1050] {strides = array<i32>} : memref<4x16x1024xf32, #tpu.memory_space<vmem>>, vector<16xf32>,
        %get3A_1052 = arith.constant 0 : i32
        %get3A_1053 = arith.index_cast %get3A_1052 : i32 to index
        %get3A_1054 = arith.index_cast %scan3A_890 : i32 to index
        %get3A_1055 = arith.constant 240 : index
        %get3A_1056 = tpu.vector_load %arg7[%get3A_1053, %get3A_1054, %get3A_1055] {strides = array<i32>} : memref<4x16x1024xf32, #tpu.memory_space<vmem>>, vector<16xf32>,
        %pack3A_1057 = tpu.pack_subelements %get3A_1051, %get3A_1056 {pack_format = #tpu.pack_format<interleaved>, positions = array<i32: 0, 1>} : vector<16xf32>, vector<16xf32> -> vector<32xbf16>
        %mul3A_1058 = arith.mulf %pack3A_1057, %bitcast3A_1046 : vector<32xbf16>
        %add3A_1059 = arith.addf %add3A_1038, %mul3A_1058 : vector<32xbf16>
        %mul3A_1060 = arith.mulf %pack3A_1057, %pack3A_1057 : vector<32xbf16>
        %add3A_1061 = arith.addf %add3A_1040, %mul3A_1060 : vector<32xbf16>
        %unpack3A = tpu.unpack_subelements %add3A_1059, 0 {pack_format = #tpu.pack_format<interleaved>} : vector<32xbf16> -> vector<16xf32>
        %unpack3A_1062 = tpu.unpack_subelements %add3A_1059, 1 {pack_format = #tpu.pack_format<interleaved>} : vector<32xbf16> -> vector<16xf32>
        %unpack3A_1063 = tpu.unpack_subelements %add3A_1061, 0 {pack_format = #tpu.pack_format<interleaved>} : vector<32xbf16> -> vector<16xf32>
        %unpack3A_1064 = tpu.unpack_subelements %add3A_1061, 1 {pack_format = #tpu.pack_format<interleaved>} : vector<32xbf16> -> vector<16xf32>
        %add3A_1065 = arith.addf %broadcast_in_dim3A_893, %unpack3A : vector<16xf32>
        %add3A_1066 = arith.addf %broadcast_in_dim3A_893, %unpack3A_1062 : vector<16xf32>
        %add3A_1067 = arith.addf %broadcast_in_dim3A_893, %unpack3A_1063 : vector<16xf32>
        %add3A_1068 = arith.addf %broadcast_in_dim3A_893, %unpack3A_1064 : vector<16xf32>
        %get3A_1069 = arith.constant 0 : i32
        %get3A_1070 = arith.index_cast %get3A_1069 : i32 to index
        %get3A_1071 = arith.index_cast %scan3A_890 : i32 to index
        %get3A_1072 = arith.constant 128 : index
        %get3A_1073 = tpu.vector_load %arg8[%get3A_1070, %get3A_1071, %get3A_1072] {strides = array<i32>} : memref<4x16x512xi32, #tpu.memory_space<vmem>>, vector<16xi32>,
        %bitcast3A_1074 = vector.bitcast %get3A_1073 : vector<16xi32> to vector<32xbf16>
        %get3A_1075 = arith.constant 0 : i32
        %get3A_1076 = arith.index_cast %get3A_1075 : i32 to index
        %get3A_1077 = arith.index_cast %scan3A_890 : i32 to index
        %get3A_1078 = arith.constant 256 : index
        %get3A_1079 = tpu.vector_load %arg7[%get3A_1076, %get3A_1077, %get3A_1078] {strides = array<i32>} : memref<4x16x1024xf32, #tpu.memory_space<vmem>>, vector<16xf32>,
        %get3A_1080 = arith.constant 0 : i32
        %get3A_1081 = arith.index_cast %get3A_1080 : i32 to index
        %get3A_1082 = arith.index_cast %scan3A_890 : i32 to index
        %get3A_1083 = arith.constant 272 : index
        %get3A_1084 = tpu.vector_load %arg7[%get3A_1081, %get3A_1082, %get3A_1083] {strides = array<i32>} : memref<4x16x1024xf32, #tpu.memory_space<vmem>>, vector<16xf32>,
        %pack3A_1085 = tpu.pack_subelements %get3A_1079, %get3A_1084 {pack_format = #tpu.pack_format<interleaved>, positions = array<i32: 0, 1>} : vector<16xf32>, vector<16xf32> -> vector<32xbf16>
        %mul3A_1086 = arith.mulf %pack3A_1085, %bitcast3A_1074 : vector<32xbf16>
        %add3A_1087 = arith.addf %broadcast_in_dim3A_895, %mul3A_1086 : vector<32xbf16>
        %mul3A_1088 = arith.mulf %pack3A_1085, %pack3A_1085 : vector<32xbf16>
        %add3A_1089 = arith.addf %broadcast_in_dim3A_895, %mul3A_1088 : vector<32xbf16>
        %get3A_1090 = arith.constant 0 : i32
        %get3A_1091 = arith.index_cast %get3A_1090 : i32 to index
        %get3A_1092 = arith.index_cast %scan3A_890 : i32 to index
        %get3A_1093 = arith.constant 144 : index
        %get3A_1094 = tpu.vector_load %arg8[%get3A_1091, %get3A_1092, %get3A_1093] {strides = array<i32>} : memref<4x16x512xi32, #tpu.memory_space<vmem>>, vector<16xi32>,
        %bitcast3A_1095 = vector.bitcast %get3A_1094 : vector<16xi32> to vector<32xbf16>
        %get3A_1096 = arith.constant 0 : i32
        %get3A_1097 = arith.index_cast %get3A_1096 : i32 to index
        %get3A_1098 = arith.index_cast %scan3A_890 : i32 to index
        %get3A_1099 = arith.constant 288 : index
        %get3A_1100 = tpu.vector_load %arg7[%get3A_1097, %get3A_1098, %get3A_1099] {strides = array<i32>} : memref<4x16x1024xf32, #tpu.memory_space<vmem>>, vector<16xf32>,
        %get3A_1101 = arith.constant 0 : i32
        %get3A_1102 = arith.index_cast %get3A_1101 : i32 to index
        %get3A_1103 = arith.index_cast %scan3A_890 : i32 to index
        %get3A_1104 = arith.constant 304 : index
        %get3A_1105 = tpu.vector_load %arg7[%get3A_1102, %get3A_1103, %get3A_1104] {strides = array<i32>} : memref<4x16x1024xf32, #tpu.memory_space<vmem>>, vector<16xf32>,
        %pack3A_1106 = tpu.pack_subelements %get3A_1100, %get3A_1105 {pack_format = #tpu.pack_format<interleaved>, positions = array<i32: 0, 1>} : vector<16xf32>, vector<16xf32> -> vector<32xbf16>
        %mul3A_1107 = arith.mulf %pack3A_1106, %bitcast3A_1095 : vector<32xbf16>
        %add3A_1108 = arith.addf %add3A_1087, %mul3A_1107 : vector<32xbf16>
        %mul3A_1109 = arith.mulf %pack3A_1106, %pack3A_1106 : vector<32xbf16>
        %add3A_1110 = arith.addf %add3A_1089, %mul3A_1109 : vector<32xbf16>
        %get3A_1111 = arith.constant 0 : i32
        %get3A_1112 = arith.index_cast %get3A_1111 : i32 to index
        %get3A_1113 = arith.index_cast %scan3A_890 : i32 to index
        %get3A_1114 = arith.constant 160 : index
        %get3A_1115 = tpu.vector_load %arg8[%get3A_1112, %get3A_1113, %get3A_1114] {strides = array<i32>} : memref<4x16x512xi32, #tpu.memory_space<vmem>>, vector<16xi32>,
        %bitcast3A_1116 = vector.bitcast %get3A_1115 : vector<16xi32> to vector<32xbf16>
        %get3A_1117 = arith.constant 0 : i32
        %get3A_1118 = arith.index_cast %get3A_1117 : i32 to index
        %get3A_1119 = arith.index_cast %scan3A_890 : i32 to index
        %get3A_1120 = arith.constant 320 : index
        %get3A_1121 = tpu.vector_load %arg7[%get3A_1118, %get3A_1119, %get3A_1120] {strides = array<i32>} : memref<4x16x1024xf32, #tpu.memory_space<vmem>>, vector<16xf32>,
        %get3A_1122 = arith.constant 0 : i32
        %get3A_1123 = arith.index_cast %get3A_1122 : i32 to index
        %get3A_1124 = arith.index_cast %scan3A_890 : i32 to index
        %get3A_1125 = arith.constant 336 : index
        %get3A_1126 = tpu.vector_load %arg7[%get3A_1123, %get3A_1124, %get3A_1125] {strides = array<i32>} : memref<4x16x1024xf32, #tpu.memory_space<vmem>>, vector<16xf32>,
        %pack3A_1127 = tpu.pack_subelements %get3A_1121, %get3A_1126 {pack_format = #tpu.pack_format<interleaved>, positions = array<i32: 0, 1>} : vector<16xf32>, vector<16xf32> -> vector<32xbf16>
        %mul3A_1128 = arith.mulf %pack3A_1127, %bitcast3A_1116 : vector<32xbf16>
        %add3A_1129 = arith.addf %add3A_1108, %mul3A_1128 : vector<32xbf16>
        %mul3A_1130 = arith.mulf %pack3A_1127, %pack3A_1127 : vector<32xbf16>
        %add3A_1131 = arith.addf %add3A_1110, %mul3A_1130 : vector<32xbf16>
        %get3A_1132 = arith.constant 0 : i32
        %get3A_1133 = arith.index_cast %get3A_1132 : i32 to index
        %get3A_1134 = arith.index_cast %scan3A_890 : i32 to index
        %get3A_1135 = arith.constant 176 : index
        %get3A_1136 = tpu.vector_load %arg8[%get3A_1133, %get3A_1134, %get3A_1135] {strides = array<i32>} : memref<4x16x512xi32, #tpu.memory_space<vmem>>, vector<16xi32>,
        %bitcast3A_1137 = vector.bitcast %get3A_1136 : vector<16xi32> to vector<32xbf16>
        %get3A_1138 = arith.constant 0 : i32
        %get3A_1139 = arith.index_cast %get3A_1138 : i32 to index
        %get3A_1140 = arith.index_cast %scan3A_890 : i32 to index
        %get3A_1141 = arith.constant 352 : index
        %get3A_1142 = tpu.vector_load %arg7[%get3A_1139, %get3A_1140, %get3A_1141] {strides = array<i32>} : memref<4x16x1024xf32, #tpu.memory_space<vmem>>, vector<16xf32>,
        %get3A_1143 = arith.constant 0 : i32
        %get3A_1144 = arith.index_cast %get3A_1143 : i32 to index
        %get3A_1145 = arith.index_cast %scan3A_890 : i32 to index
        %get3A_1146 = arith.constant 368 : index
        %get3A_1147 = tpu.vector_load %arg7[%get3A_1144, %get3A_1145, %get3A_1146] {strides = array<i32>} : memref<4x16x1024xf32, #tpu.memory_space<vmem>>, vector<16xf32>,
        %pack3A_1148 = tpu.pack_subelements %get3A_1142, %get3A_1147 {pack_format = #tpu.pack_format<interleaved>, positions = array<i32: 0, 1>} : vector<16xf32>, vector<16xf32> -> vector<32xbf16>
        %mul3A_1149 = arith.mulf %pack3A_1148, %bitcast3A_1137 : vector<32xbf16>
        %add3A_1150 = arith.addf %add3A_1129, %mul3A_1149 : vector<32xbf16>
        %mul3A_1151 = arith.mulf %pack3A_1148, %pack3A_1148 : vector<32xbf16>
        %add3A_1152 = arith.addf %add3A_1131, %mul3A_1151 : vector<32xbf16>
        %get3A_1153 = arith.constant 0 : i32
        %get3A_1154 = arith.index_cast %get3A_1153 : i32 to index
        %get3A_1155 = arith.index_cast %scan3A_890 : i32 to index
        %get3A_1156 = arith.constant 192 : index
        %get3A_1157 = tpu.vector_load %arg8[%get3A_1154, %get3A_1155, %get3A_1156] {strides = array<i32>} : memref<4x16x512xi32, #tpu.memory_space<vmem>>, vector<16xi32>,
        %bitcast3A_1158 = vector.bitcast %get3A_1157 : vector<16xi32> to vector<32xbf16>
        %get3A_1159 = arith.constant 0 : i32
        %get3A_1160 = arith.index_cast %get3A_1159 : i32 to index
        %get3A_1161 = arith.index_cast %scan3A_890 : i32 to index
        %get3A_1162 = arith.constant 384 : index
        %get3A_1163 = tpu.vector_load %arg7[%get3A_1160, %get3A_1161, %get3A_1162] {strides = array<i32>} : memref<4x16x1024xf32, #tpu.memory_space<vmem>>, vector<16xf32>,
        %get3A_1164 = arith.constant 0 : i32
        %get3A_1165 = arith.index_cast %get3A_1164 : i32 to index
        %get3A_1166 = arith.index_cast %scan3A_890 : i32 to index
        %get3A_1167 = arith.constant 400 : index
        %get3A_1168 = tpu.vector_load %arg7[%get3A_1165, %get3A_1166, %get3A_1167] {strides = array<i32>} : memref<4x16x1024xf32, #tpu.memory_space<vmem>>, vector<16xf32>,
        %pack3A_1169 = tpu.pack_subelements %get3A_1163, %get3A_1168 {pack_format = #tpu.pack_format<interleaved>, positions = array<i32: 0, 1>} : vector<16xf32>, vector<16xf32> -> vector<32xbf16>
        %mul3A_1170 = arith.mulf %pack3A_1169, %bitcast3A_1158 : vector<32xbf16>
        %add3A_1171 = arith.addf %add3A_1150, %mul3A_1170 : vector<32xbf16>
        %mul3A_1172 = arith.mulf %pack3A_1169, %pack3A_1169 : vector<32xbf16>
        %add3A_1173 = arith.addf %add3A_1152, %mul3A_1172 : vector<32xbf16>
        %get3A_1174 = arith.constant 0 : i32
        %get3A_1175 = arith.index_cast %get3A_1174 : i32 to index
        %get3A_1176 = arith.index_cast %scan3A_890 : i32 to index
        %get3A_1177 = arith.constant 208 : index
        %get3A_1178 = tpu.vector_load %arg8[%get3A_1175, %get3A_1176, %get3A_1177] {strides = array<i32>} : memref<4x16x512xi32, #tpu.memory_space<vmem>>, vector<16xi32>,
        %bitcast3A_1179 = vector.bitcast %get3A_1178 : vector<16xi32> to vector<32xbf16>
        %get3A_1180 = arith.constant 0 : i32
        %get3A_1181 = arith.index_cast %get3A_1180 : i32 to index
        %get3A_1182 = arith.index_cast %scan3A_890 : i32 to index
        %get3A_1183 = arith.constant 416 : index
        %get3A_1184 = tpu.vector_load %arg7[%get3A_1181, %get3A_1182, %get3A_1183] {strides = array<i32>} : memref<4x16x1024xf32, #tpu.memory_space<vmem>>, vector<16xf32>,
        %get3A_1185 = arith.constant 0 : i32
        %get3A_1186 = arith.index_cast %get3A_1185 : i32 to index
        %get3A_1187 = arith.index_cast %scan3A_890 : i32 to index
        %get3A_1188 = arith.constant 432 : index
        %get3A_1189 = tpu.vector_load %arg7[%get3A_1186, %get3A_1187, %get3A_1188] {strides = array<i32>} : memref<4x16x1024xf32, #tpu.memory_space<vmem>>, vector<16xf32>,
        %pack3A_1190 = tpu.pack_subelements %get3A_1184, %get3A_1189 {pack_format = #tpu.pack_format<interleaved>, positions = array<i32: 0, 1>} : vector<16xf32>, vector<16xf32> -> vector<32xbf16>
        %mul3A_1191 = arith.mulf %pack3A_1190, %bitcast3A_1179 : vector<32xbf16>
        %add3A_1192 = arith.addf %add3A_1171, %mul3A_1191 : vector<32xbf16>
        %mul3A_1193 = arith.mulf %pack3A_1190, %pack3A_1190 : vector<32xbf16>
        %add3A_1194 = arith.addf %add3A_1173, %mul3A_1193 : vector<32xbf16>
        %get3A_1195 = arith.constant 0 : i32
        %get3A_1196 = arith.index_cast %get3A_1195 : i32 to index
        %get3A_1197 = arith.index_cast %scan3A_890 : i32 to index
        %get3A_1198 = arith.constant 224 : index
        %get3A_1199 = tpu.vector_load %arg8[%get3A_1196, %get3A_1197, %get3A_1198] {strides = array<i32>} : memref<4x16x512xi32, #tpu.memory_space<vmem>>, vector<16xi32>,
        %bitcast3A_1200 = vector.bitcast %get3A_1199 : vector<16xi32> to vector<32xbf16>
        %get3A_1201 = arith.constant 0 : i32
        %get3A_1202 = arith.index_cast %get3A_1201 : i32 to index
        %get3A_1203 = arith.index_cast %scan3A_890 : i32 to index
        %get3A_1204 = arith.constant 448 : index
        %get3A_1205 = tpu.vector_load %arg7[%get3A_1202, %get3A_1203, %get3A_1204] {strides = array<i32>} : memref<4x16x1024xf32, #tpu.memory_space<vmem>>, vector<16xf32>,
        %get3A_1206 = arith.constant 0 : i32
        %get3A_1207 = arith.index_cast %get3A_1206 : i32 to index
        %get3A_1208 = arith.index_cast %scan3A_890 : i32 to index
        %get3A_1209 = arith.constant 464 : index
        %get3A_1210 = tpu.vector_load %arg7[%get3A_1207, %get3A_1208, %get3A_1209] {strides = array<i32>} : memref<4x16x1024xf32, #tpu.memory_space<vmem>>, vector<16xf32>,
        %pack3A_1211 = tpu.pack_subelements %get3A_1205, %get3A_1210 {pack_format = #tpu.pack_format<interleaved>, positions = array<i32: 0, 1>} : vector<16xf32>, vector<16xf32> -> vector<32xbf16>
        %mul3A_1212 = arith.mulf %pack3A_1211, %bitcast3A_1200 : vector<32xbf16>
        %add3A_1213 = arith.addf %add3A_1192, %mul3A_1212 : vector<32xbf16>
        %mul3A_1214 = arith.mulf %pack3A_1211, %pack3A_1211 : vector<32xbf16>
        %add3A_1215 = arith.addf %add3A_1194, %mul3A_1214 : vector<32xbf16>
        %get3A_1216 = arith.constant 0 : i32
        %get3A_1217 = arith.index_cast %get3A_1216 : i32 to index
        %get3A_1218 = arith.index_cast %scan3A_890 : i32 to index
        %get3A_1219 = arith.constant 240 : index
        %get3A_1220 = tpu.vector_load %arg8[%get3A_1217, %get3A_1218, %get3A_1219] {strides = array<i32>} : memref<4x16x512xi32, #tpu.memory_space<vmem>>, vector<16xi32>,
        %bitcast3A_1221 = vector.bitcast %get3A_1220 : vector<16xi32> to vector<32xbf16>
        %get3A_1222 = arith.constant 0 : i32
        %get3A_1223 = arith.index_cast %get3A_1222 : i32 to index
        %get3A_1224 = arith.index_cast %scan3A_890 : i32 to index
        %get3A_1225 = arith.constant 480 : index
        %get3A_1226 = tpu.vector_load %arg7[%get3A_1223, %get3A_1224, %get3A_1225] {strides = array<i32>} : memref<4x16x1024xf32, #tpu.memory_space<vmem>>, vector<16xf32>,
        %get3A_1227 = arith.constant 0 : i32
        %get3A_1228 = arith.index_cast %get3A_1227 : i32 to index
        %get3A_1229 = arith.index_cast %scan3A_890 : i32 to index
        %get3A_1230 = arith.constant 496 : index
        %get3A_1231 = tpu.vector_load %arg7[%get3A_1228, %get3A_1229, %get3A_1230] {strides = array<i32>} : memref<4x16x1024xf32, #tpu.memory_space<vmem>>, vector<16xf32>,
        %pack3A_1232 = tpu.pack_subelements %get3A_1226, %get3A_1231 {pack_format = #tpu.pack_format<interleaved>, positions = array<i32: 0, 1>} : vector<16xf32>, vector<16xf32> -> vector<32xbf16>
        %mul3A_1233 = arith.mulf %pack3A_1232, %bitcast3A_1221 : vector<32xbf16>
        %add3A_1234 = arith.addf %add3A_1213, %mul3A_1233 : vector<32xbf16>
        %mul3A_1235 = arith.mulf %pack3A_1232, %pack3A_1232 : vector<32xbf16>
        %add3A_1236 = arith.addf %add3A_1215, %mul3A_1235 : vector<32xbf16>
        %unpack3A_1237 = tpu.unpack_subelements %add3A_1234, 0 {pack_format = #tpu.pack_format<interleaved>} : vector<32xbf16> -> vector<16xf32>
        %unpack3A_1238 = tpu.unpack_subelements %add3A_1234, 1 {pack_format = #tpu.pack_format<interleaved>} : vector<32xbf16> -> vector<16xf32>
        %unpack3A_1239 = tpu.unpack_subelements %add3A_1236, 0 {pack_format = #tpu.pack_format<interleaved>} : vector<32xbf16> -> vector<16xf32>
        %unpack3A_1240 = tpu.unpack_subelements %add3A_1236, 1 {pack_format = #tpu.pack_format<interleaved>} : vector<32xbf16> -> vector<16xf32>
        %add3A_1241 = arith.addf %add3A_1065, %unpack3A_1237 : vector<16xf32>
        %add3A_1242 = arith.addf %add3A_1066, %unpack3A_1238 : vector<16xf32>
        %add3A_1243 = arith.addf %add3A_1067, %unpack3A_1239 : vector<16xf32>
        %add3A_1244 = arith.addf %add3A_1068, %unpack3A_1240 : vector<16xf32>
        %get3A_1245 = arith.constant 0 : i32
        %get3A_1246 = arith.index_cast %get3A_1245 : i32 to index
        %get3A_1247 = arith.index_cast %scan3A_890 : i32 to index
        %get3A_1248 = arith.constant 256 : index
        %get3A_1249 = tpu.vector_load %arg8[%get3A_1246, %get3A_1247, %get3A_1248] {strides = array<i32>} : memref<4x16x512xi32, #tpu.memory_space<vmem>>, vector<16xi32>,
        %bitcast3A_1250 = vector.bitcast %get3A_1249 : vector<16xi32> to vector<32xbf16>
        %get3A_1251 = arith.constant 0 : i32
        %get3A_1252 = arith.index_cast %get3A_1251 : i32 to index
        %get3A_1253 = arith.index_cast %scan3A_890 : i32 to index
        %get3A_1254 = arith.constant 512 : index
        %get3A_1255 = tpu.vector_load %arg7[%get3A_1252, %get3A_1253, %get3A_1254] {strides = array<i32>} : memref<4x16x1024xf32, #tpu.memory_space<vmem>>, vector<16xf32>,
        %get3A_1256 = arith.constant 0 : i32
        %get3A_1257 = arith.index_cast %get3A_1256 : i32 to index
        %get3A_1258 = arith.index_cast %scan3A_890 : i32 to index
        %get3A_1259 = arith.constant 528 : index
        %get3A_1260 = tpu.vector_load %arg7[%get3A_1257, %get3A_1258, %get3A_1259] {strides = array<i32>} : memref<4x16x1024xf32, #tpu.memory_space<vmem>>, vector<16xf32>,
        %pack3A_1261 = tpu.pack_subelements %get3A_1255, %get3A_1260 {pack_format = #tpu.pack_format<interleaved>, positions = array<i32: 0, 1>} : vector<16xf32>, vector<16xf32> -> vector<32xbf16>
        %mul3A_1262 = arith.mulf %pack3A_1261, %bitcast3A_1250 : vector<32xbf16>
        %add3A_1263 = arith.addf %broadcast_in_dim3A_895, %mul3A_1262 : vector<32xbf16>
        %mul3A_1264 = arith.mulf %pack3A_1261, %pack3A_1261 : vector<32xbf16>
        %add3A_1265 = arith.addf %broadcast_in_dim3A_895, %mul3A_1264 : vector<32xbf16>
        %get3A_1266 = arith.constant 0 : i32
        %get3A_1267 = arith.index_cast %get3A_1266 : i32 to index
        %get3A_1268 = arith.index_cast %scan3A_890 : i32 to index
        %get3A_1269 = arith.constant 272 : index
        %get3A_1270 = tpu.vector_load %arg8[%get3A_1267, %get3A_1268, %get3A_1269] {strides = array<i32>} : memref<4x16x512xi32, #tpu.memory_space<vmem>>, vector<16xi32>,
        %bitcast3A_1271 = vector.bitcast %get3A_1270 : vector<16xi32> to vector<32xbf16>
        %get3A_1272 = arith.constant 0 : i32
        %get3A_1273 = arith.index_cast %get3A_1272 : i32 to index
        %get3A_1274 = arith.index_cast %scan3A_890 : i32 to index
        %get3A_1275 = arith.constant 544 : index
        %get3A_1276 = tpu.vector_load %arg7[%get3A_1273, %get3A_1274, %get3A_1275] {strides = array<i32>} : memref<4x16x1024xf32, #tpu.memory_space<vmem>>, vector<16xf32>,
        %get3A_1277 = arith.constant 0 : i32
        %get3A_1278 = arith.index_cast %get3A_1277 : i32 to index
        %get3A_1279 = arith.index_cast %scan3A_890 : i32 to index
        %get3A_1280 = arith.constant 560 : index
        %get3A_1281 = tpu.vector_load %arg7[%get3A_1278, %get3A_1279, %get3A_1280] {strides = array<i32>} : memref<4x16x1024xf32, #tpu.memory_space<vmem>>, vector<16xf32>,
        %pack3A_1282 = tpu.pack_subelements %get3A_1276, %get3A_1281 {pack_format = #tpu.pack_format<interleaved>, positions = array<i32: 0, 1>} : vector<16xf32>, vector<16xf32> -> vector<32xbf16>
        %mul3A_1283 = arith.mulf %pack3A_1282, %bitcast3A_1271 : vector<32xbf16>
        %add3A_1284 = arith.addf %add3A_1263, %mul3A_1283 : vector<32xbf16>
        %mul3A_1285 = arith.mulf %pack3A_1282, %pack3A_1282 : vector<32xbf16>
        %add3A_1286 = arith.addf %add3A_1265, %mul3A_1285 : vector<32xbf16>
        %get3A_1287 = arith.constant 0 : i32
        %get3A_1288 = arith.index_cast %get3A_1287 : i32 to index
        %get3A_1289 = arith.index_cast %scan3A_890 : i32 to index
        %get3A_1290 = arith.constant 288 : index
        %get3A_1291 = tpu.vector_load %arg8[%get3A_1288, %get3A_1289, %get3A_1290] {strides = array<i32>} : memref<4x16x512xi32, #tpu.memory_space<vmem>>, vector<16xi32>,
        %bitcast3A_1292 = vector.bitcast %get3A_1291 : vector<16xi32> to vector<32xbf16>
        %get3A_1293 = arith.constant 0 : i32
        %get3A_1294 = arith.index_cast %get3A_1293 : i32 to index
        %get3A_1295 = arith.index_cast %scan3A_890 : i32 to index
        %get3A_1296 = arith.constant 576 : index
        %get3A_1297 = tpu.vector_load %arg7[%get3A_1294, %get3A_1295, %get3A_1296] {strides = array<i32>} : memref<4x16x1024xf32, #tpu.memory_space<vmem>>, vector<16xf32>,
        %get3A_1298 = arith.constant 0 : i32
        %get3A_1299 = arith.index_cast %get3A_1298 : i32 to index
        %get3A_1300 = arith.index_cast %scan3A_890 : i32 to index
        %get3A_1301 = arith.constant 592 : index
        %get3A_1302 = tpu.vector_load %arg7[%get3A_1299, %get3A_1300, %get3A_1301] {strides = array<i32>} : memref<4x16x1024xf32, #tpu.memory_space<vmem>>, vector<16xf32>,
        %pack3A_1303 = tpu.pack_subelements %get3A_1297, %get3A_1302 {pack_format = #tpu.pack_format<interleaved>, positions = array<i32: 0, 1>} : vector<16xf32>, vector<16xf32> -> vector<32xbf16>
        %mul3A_1304 = arith.mulf %pack3A_1303, %bitcast3A_1292 : vector<32xbf16>
        %add3A_1305 = arith.addf %add3A_1284, %mul3A_1304 : vector<32xbf16>
        %mul3A_1306 = arith.mulf %pack3A_1303, %pack3A_1303 : vector<32xbf16>
        %add3A_1307 = arith.addf %add3A_1286, %mul3A_1306 : vector<32xbf16>
        %get3A_1308 = arith.constant 0 : i32
        %get3A_1309 = arith.index_cast %get3A_1308 : i32 to index
        %get3A_1310 = arith.index_cast %scan3A_890 : i32 to index
        %get3A_1311 = arith.constant 304 : index
        %get3A_1312 = tpu.vector_load %arg8[%get3A_1309, %get3A_1310, %get3A_1311] {strides = array<i32>} : memref<4x16x512xi32, #tpu.memory_space<vmem>>, vector<16xi32>,
        %bitcast3A_1313 = vector.bitcast %get3A_1312 : vector<16xi32> to vector<32xbf16>
        %get3A_1314 = arith.constant 0 : i32
        %get3A_1315 = arith.index_cast %get3A_1314 : i32 to index
        %get3A_1316 = arith.index_cast %scan3A_890 : i32 to index
        %get3A_1317 = arith.constant 608 : index
        %get3A_1318 = tpu.vector_load %arg7[%get3A_1315, %get3A_1316, %get3A_1317] {strides = array<i32>} : memref<4x16x1024xf32, #tpu.memory_space<vmem>>, vector<16xf32>,
        %get3A_1319 = arith.constant 0 : i32
        %get3A_1320 = arith.index_cast %get3A_1319 : i32 to index
        %get3A_1321 = arith.index_cast %scan3A_890 : i32 to index
        %get3A_1322 = arith.constant 624 : index
        %get3A_1323 = tpu.vector_load %arg7[%get3A_1320, %get3A_1321, %get3A_1322] {strides = array<i32>} : memref<4x16x1024xf32, #tpu.memory_space<vmem>>, vector<16xf32>,
        %pack3A_1324 = tpu.pack_subelements %get3A_1318, %get3A_1323 {pack_format = #tpu.pack_format<interleaved>, positions = array<i32: 0, 1>} : vector<16xf32>, vector<16xf32> -> vector<32xbf16>
        %mul3A_1325 = arith.mulf %pack3A_1324, %bitcast3A_1313 : vector<32xbf16>
        %add3A_1326 = arith.addf %add3A_1305, %mul3A_1325 : vector<32xbf16>
        %mul3A_1327 = arith.mulf %pack3A_1324, %pack3A_1324 : vector<32xbf16>
        %add3A_1328 = arith.addf %add3A_1307, %mul3A_1327 : vector<32xbf16>
        %get3A_1329 = arith.constant 0 : i32
        %get3A_1330 = arith.index_cast %get3A_1329 : i32 to index
        %get3A_1331 = arith.index_cast %scan3A_890 : i32 to index
        %get3A_1332 = arith.constant 320 : index
        %get3A_1333 = tpu.vector_load %arg8[%get3A_1330, %get3A_1331, %get3A_1332] {strides = array<i32>} : memref<4x16x512xi32, #tpu.memory_space<vmem>>, vector<16xi32>,
        %bitcast3A_1334 = vector.bitcast %get3A_1333 : vector<16xi32> to vector<32xbf16>
        %get3A_1335 = arith.constant 0 : i32
        %get3A_1336 = arith.index_cast %get3A_1335 : i32 to index
        %get3A_1337 = arith.index_cast %scan3A_890 : i32 to index
        %get3A_1338 = arith.constant 640 : index
        %get3A_1339 = tpu.vector_load %arg7[%get3A_1336, %get3A_1337, %get3A_1338] {strides = array<i32>} : memref<4x16x1024xf32, #tpu.memory_space<vmem>>, vector<16xf32>,
        %get3A_1340 = arith.constant 0 : i32
        %get3A_1341 = arith.index_cast %get3A_1340 : i32 to index
        %get3A_1342 = arith.index_cast %scan3A_890 : i32 to index
        %get3A_1343 = arith.constant 656 : index
        %get3A_1344 = tpu.vector_load %arg7[%get3A_1341, %get3A_1342, %get3A_1343] {strides = array<i32>} : memref<4x16x1024xf32, #tpu.memory_space<vmem>>, vector<16xf32>,
        %pack3A_1345 = tpu.pack_subelements %get3A_1339, %get3A_1344 {pack_format = #tpu.pack_format<interleaved>, positions = array<i32: 0, 1>} : vector<16xf32>, vector<16xf32> -> vector<32xbf16>
        %mul3A_1346 = arith.mulf %pack3A_1345, %bitcast3A_1334 : vector<32xbf16>
        %add3A_1347 = arith.addf %add3A_1326, %mul3A_1346 : vector<32xbf16>
        %mul3A_1348 = arith.mulf %pack3A_1345, %pack3A_1345 : vector<32xbf16>
        %add3A_1349 = arith.addf %add3A_1328, %mul3A_1348 : vector<32xbf16>
        %get3A_1350 = arith.constant 0 : i32
        %get3A_1351 = arith.index_cast %get3A_1350 : i32 to index
        %get3A_1352 = arith.index_cast %scan3A_890 : i32 to index
        %get3A_1353 = arith.constant 336 : index
        %get3A_1354 = tpu.vector_load %arg8[%get3A_1351, %get3A_1352, %get3A_1353] {strides = array<i32>} : memref<4x16x512xi32, #tpu.memory_space<vmem>>, vector<16xi32>,
        %bitcast3A_1355 = vector.bitcast %get3A_1354 : vector<16xi32> to vector<32xbf16>
        %get3A_1356 = arith.constant 0 : i32
        %get3A_1357 = arith.index_cast %get3A_1356 : i32 to index
        %get3A_1358 = arith.index_cast %scan3A_890 : i32 to index
        %get3A_1359 = arith.constant 672 : index
        %get3A_1360 = tpu.vector_load %arg7[%get3A_1357, %get3A_1358, %get3A_1359] {strides = array<i32>} : memref<4x16x1024xf32, #tpu.memory_space<vmem>>, vector<16xf32>,
        %get3A_1361 = arith.constant 0 : i32
        %get3A_1362 = arith.index_cast %get3A_1361 : i32 to index
        %get3A_1363 = arith.index_cast %scan3A_890 : i32 to index
        %get3A_1364 = arith.constant 688 : index
        %get3A_1365 = tpu.vector_load %arg7[%get3A_1362, %get3A_1363, %get3A_1364] {strides = array<i32>} : memref<4x16x1024xf32, #tpu.memory_space<vmem>>, vector<16xf32>,
        %pack3A_1366 = tpu.pack_subelements %get3A_1360, %get3A_1365 {pack_format = #tpu.pack_format<interleaved>, positions = array<i32: 0, 1>} : vector<16xf32>, vector<16xf32> -> vector<32xbf16>
        %mul3A_1367 = arith.mulf %pack3A_1366, %bitcast3A_1355 : vector<32xbf16>
        %add3A_1368 = arith.addf %add3A_1347, %mul3A_1367 : vector<32xbf16>
        %mul3A_1369 = arith.mulf %pack3A_1366, %pack3A_1366 : vector<32xbf16>
        %add3A_1370 = arith.addf %add3A_1349, %mul3A_1369 : vector<32xbf16>
        %get3A_1371 = arith.constant 0 : i32
        %get3A_1372 = arith.index_cast %get3A_1371 : i32 to index
        %get3A_1373 = arith.index_cast %scan3A_890 : i32 to index
        %get3A_1374 = arith.constant 352 : index
        %get3A_1375 = tpu.vector_load %arg8[%get3A_1372, %get3A_1373, %get3A_1374] {strides = array<i32>} : memref<4x16x512xi32, #tpu.memory_space<vmem>>, vector<16xi32>,
        %bitcast3A_1376 = vector.bitcast %get3A_1375 : vector<16xi32> to vector<32xbf16>
        %get3A_1377 = arith.constant 0 : i32
        %get3A_1378 = arith.index_cast %get3A_1377 : i32 to index
        %get3A_1379 = arith.index_cast %scan3A_890 : i32 to index
        %get3A_1380 = arith.constant 704 : index
        %get3A_1381 = tpu.vector_load %arg7[%get3A_1378, %get3A_1379, %get3A_1380] {strides = array<i32>} : memref<4x16x1024xf32, #tpu.memory_space<vmem>>, vector<16xf32>,
        %get3A_1382 = arith.constant 0 : i32
        %get3A_1383 = arith.index_cast %get3A_1382 : i32 to index
        %get3A_1384 = arith.index_cast %scan3A_890 : i32 to index
        %get3A_1385 = arith.constant 720 : index
        %get3A_1386 = tpu.vector_load %arg7[%get3A_1383, %get3A_1384, %get3A_1385] {strides = array<i32>} : memref<4x16x1024xf32, #tpu.memory_space<vmem>>, vector<16xf32>,
        %pack3A_1387 = tpu.pack_subelements %get3A_1381, %get3A_1386 {pack_format = #tpu.pack_format<interleaved>, positions = array<i32: 0, 1>} : vector<16xf32>, vector<16xf32> -> vector<32xbf16>
        %mul3A_1388 = arith.mulf %pack3A_1387, %bitcast3A_1376 : vector<32xbf16>
        %add3A_1389 = arith.addf %add3A_1368, %mul3A_1388 : vector<32xbf16>
        %mul3A_1390 = arith.mulf %pack3A_1387, %pack3A_1387 : vector<32xbf16>
        %add3A_1391 = arith.addf %add3A_1370, %mul3A_1390 : vector<32xbf16>
        %get3A_1392 = arith.constant 0 : i32
        %get3A_1393 = arith.index_cast %get3A_1392 : i32 to index
        %get3A_1394 = arith.index_cast %scan3A_890 : i32 to index
        %get3A_1395 = arith.constant 368 : index
        %get3A_1396 = tpu.vector_load %arg8[%get3A_1393, %get3A_1394, %get3A_1395] {strides = array<i32>} : memref<4x16x512xi32, #tpu.memory_space<vmem>>, vector<16xi32>,
        %bitcast3A_1397 = vector.bitcast %get3A_1396 : vector<16xi32> to vector<32xbf16>
        %get3A_1398 = arith.constant 0 : i32
        %get3A_1399 = arith.index_cast %get3A_1398 : i32 to index
        %get3A_1400 = arith.index_cast %scan3A_890 : i32 to index
        %get3A_1401 = arith.constant 736 : index
        %get3A_1402 = tpu.vector_load %arg7[%get3A_1399, %get3A_1400, %get3A_1401] {strides = array<i32>} : memref<4x16x1024xf32, #tpu.memory_space<vmem>>, vector<16xf32>,
        %get3A_1403 = arith.constant 0 : i32
        %get3A_1404 = arith.index_cast %get3A_1403 : i32 to index
        %get3A_1405 = arith.index_cast %scan3A_890 : i32 to index
        %get3A_1406 = arith.constant 752 : index
        %get3A_1407 = tpu.vector_load %arg7[%get3A_1404, %get3A_1405, %get3A_1406] {strides = array<i32>} : memref<4x16x1024xf32, #tpu.memory_space<vmem>>, vector<16xf32>,
        %pack3A_1408 = tpu.pack_subelements %get3A_1402, %get3A_1407 {pack_format = #tpu.pack_format<interleaved>, positions = array<i32: 0, 1>} : vector<16xf32>, vector<16xf32> -> vector<32xbf16>
        %mul3A_1409 = arith.mulf %pack3A_1408, %bitcast3A_1397 : vector<32xbf16>
        %add3A_1410 = arith.addf %add3A_1389, %mul3A_1409 : vector<32xbf16>
        %mul3A_1411 = arith.mulf %pack3A_1408, %pack3A_1408 : vector<32xbf16>
        %add3A_1412 = arith.addf %add3A_1391, %mul3A_1411 : vector<32xbf16>
        %unpack3A_1413 = tpu.unpack_subelements %add3A_1410, 0 {pack_format = #tpu.pack_format<interleaved>} : vector<32xbf16> -> vector<16xf32>
        %unpack3A_1414 = tpu.unpack_subelements %add3A_1410, 1 {pack_format = #tpu.pack_format<interleaved>} : vector<32xbf16> -> vector<16xf32>
        %unpack3A_1415 = tpu.unpack_subelements %add3A_1412, 0 {pack_format = #tpu.pack_format<interleaved>} : vector<32xbf16> -> vector<16xf32>
        %unpack3A_1416 = tpu.unpack_subelements %add3A_1412, 1 {pack_format = #tpu.pack_format<interleaved>} : vector<32xbf16> -> vector<16xf32>
        %add3A_1417 = arith.addf %add3A_1241, %unpack3A_1413 : vector<16xf32>
        %add3A_1418 = arith.addf %add3A_1242, %unpack3A_1414 : vector<16xf32>
        %add3A_1419 = arith.addf %add3A_1243, %unpack3A_1415 : vector<16xf32>
        %add3A_1420 = arith.addf %add3A_1244, %unpack3A_1416 : vector<16xf32>
        %get3A_1421 = arith.constant 0 : i32
        %get3A_1422 = arith.index_cast %get3A_1421 : i32 to index
        %get3A_1423 = arith.index_cast %scan3A_890 : i32 to index
        %get3A_1424 = arith.constant 384 : index
        %get3A_1425 = tpu.vector_load %arg8[%get3A_1422, %get3A_1423, %get3A_1424] {strides = array<i32>} : memref<4x16x512xi32, #tpu.memory_space<vmem>>, vector<16xi32>,
        %bitcast3A_1426 = vector.bitcast %get3A_1425 : vector<16xi32> to vector<32xbf16>
        %get3A_1427 = arith.constant 0 : i32
        %get3A_1428 = arith.index_cast %get3A_1427 : i32 to index
        %get3A_1429 = arith.index_cast %scan3A_890 : i32 to index
        %get3A_1430 = arith.constant 768 : index
        %get3A_1431 = tpu.vector_load %arg7[%get3A_1428, %get3A_1429, %get3A_1430] {strides = array<i32>} : memref<4x16x1024xf32, #tpu.memory_space<vmem>>, vector<16xf32>,
        %get3A_1432 = arith.constant 0 : i32
        %get3A_1433 = arith.index_cast %get3A_1432 : i32 to index
        %get3A_1434 = arith.index_cast %scan3A_890 : i32 to index
        %get3A_1435 = arith.constant 784 : index
        %get3A_1436 = tpu.vector_load %arg7[%get3A_1433, %get3A_1434, %get3A_1435] {strides = array<i32>} : memref<4x16x1024xf32, #tpu.memory_space<vmem>>, vector<16xf32>,
        %pack3A_1437 = tpu.pack_subelements %get3A_1431, %get3A_1436 {pack_format = #tpu.pack_format<interleaved>, positions = array<i32: 0, 1>} : vector<16xf32>, vector<16xf32> -> vector<32xbf16>
        %mul3A_1438 = arith.mulf %pack3A_1437, %bitcast3A_1426 : vector<32xbf16>
        %add3A_1439 = arith.addf %broadcast_in_dim3A_895, %mul3A_1438 : vector<32xbf16>
        %mul3A_1440 = arith.mulf %pack3A_1437, %pack3A_1437 : vector<32xbf16>
        %add3A_1441 = arith.addf %broadcast_in_dim3A_895, %mul3A_1440 : vector<32xbf16>
        %get3A_1442 = arith.constant 0 : i32
        %get3A_1443 = arith.index_cast %get3A_1442 : i32 to index
        %get3A_1444 = arith.index_cast %scan3A_890 : i32 to index
        %get3A_1445 = arith.constant 400 : index
        %get3A_1446 = tpu.vector_load %arg8[%get3A_1443, %get3A_1444, %get3A_1445] {strides = array<i32>} : memref<4x16x512xi32, #tpu.memory_space<vmem>>, vector<16xi32>,
        %bitcast3A_1447 = vector.bitcast %get3A_1446 : vector<16xi32> to vector<32xbf16>
        %get3A_1448 = arith.constant 0 : i32
        %get3A_1449 = arith.index_cast %get3A_1448 : i32 to index
        %get3A_1450 = arith.index_cast %scan3A_890 : i32 to index
        %get3A_1451 = arith.constant 800 : index
        %get3A_1452 = tpu.vector_load %arg7[%get3A_1449, %get3A_1450, %get3A_1451] {strides = array<i32>} : memref<4x16x1024xf32, #tpu.memory_space<vmem>>, vector<16xf32>,
        %get3A_1453 = arith.constant 0 : i32
        %get3A_1454 = arith.index_cast %get3A_1453 : i32 to index
        %get3A_1455 = arith.index_cast %scan3A_890 : i32 to index
        %get3A_1456 = arith.constant 816 : index
        %get3A_1457 = tpu.vector_load %arg7[%get3A_1454, %get3A_1455, %get3A_1456] {strides = array<i32>} : memref<4x16x1024xf32, #tpu.memory_space<vmem>>, vector<16xf32>,
        %pack3A_1458 = tpu.pack_subelements %get3A_1452, %get3A_1457 {pack_format = #tpu.pack_format<interleaved>, positions = array<i32: 0, 1>} : vector<16xf32>, vector<16xf32> -> vector<32xbf16>
        %mul3A_1459 = arith.mulf %pack3A_1458, %bitcast3A_1447 : vector<32xbf16>
        %add3A_1460 = arith.addf %add3A_1439, %mul3A_1459 : vector<32xbf16>
        %mul3A_1461 = arith.mulf %pack3A_1458, %pack3A_1458 : vector<32xbf16>
        %add3A_1462 = arith.addf %add3A_1441, %mul3A_1461 : vector<32xbf16>
        %get3A_1463 = arith.constant 0 : i32
        %get3A_1464 = arith.index_cast %get3A_1463 : i32 to index
        %get3A_1465 = arith.index_cast %scan3A_890 : i32 to index
        %get3A_1466 = arith.constant 416 : index
        %get3A_1467 = tpu.vector_load %arg8[%get3A_1464, %get3A_1465, %get3A_1466] {strides = array<i32>} : memref<4x16x512xi32, #tpu.memory_space<vmem>>, vector<16xi32>,
        %bitcast3A_1468 = vector.bitcast %get3A_1467 : vector<16xi32> to vector<32xbf16>
        %get3A_1469 = arith.constant 0 : i32
        %get3A_1470 = arith.index_cast %get3A_1469 : i32 to index
        %get3A_1471 = arith.index_cast %scan3A_890 : i32 to index
        %get3A_1472 = arith.constant 832 : index
        %get3A_1473 = tpu.vector_load %arg7[%get3A_1470, %get3A_1471, %get3A_1472] {strides = array<i32>} : memref<4x16x1024xf32, #tpu.memory_space<vmem>>, vector<16xf32>,
        %get3A_1474 = arith.constant 0 : i32
        %get3A_1475 = arith.index_cast %get3A_1474 : i32 to index
        %get3A_1476 = arith.index_cast %scan3A_890 : i32 to index
        %get3A_1477 = arith.constant 848 : index
        %get3A_1478 = tpu.vector_load %arg7[%get3A_1475, %get3A_1476, %get3A_1477] {strides = array<i32>} : memref<4x16x1024xf32, #tpu.memory_space<vmem>>, vector<16xf32>,
        %pack3A_1479 = tpu.pack_subelements %get3A_1473, %get3A_1478 {pack_format = #tpu.pack_format<interleaved>, positions = array<i32: 0, 1>} : vector<16xf32>, vector<16xf32> -> vector<32xbf16>
        %mul3A_1480 = arith.mulf %pack3A_1479, %bitcast3A_1468 : vector<32xbf16>
        %add3A_1481 = arith.addf %add3A_1460, %mul3A_1480 : vector<32xbf16>
        %mul3A_1482 = arith.mulf %pack3A_1479, %pack3A_1479 : vector<32xbf16>
        %add3A_1483 = arith.addf %add3A_1462, %mul3A_1482 : vector<32xbf16>
        %get3A_1484 = arith.constant 0 : i32
        %get3A_1485 = arith.index_cast %get3A_1484 : i32 to index
        %get3A_1486 = arith.index_cast %scan3A_890 : i32 to index
        %get3A_1487 = arith.constant 432 : index
        %get3A_1488 = tpu.vector_load %arg8[%get3A_1485, %get3A_1486, %get3A_1487] {strides = array<i32>} : memref<4x16x512xi32, #tpu.memory_space<vmem>>, vector<16xi32>,
        %bitcast3A_1489 = vector.bitcast %get3A_1488 : vector<16xi32> to vector<32xbf16>
        %get3A_1490 = arith.constant 0 : i32
        %get3A_1491 = arith.index_cast %get3A_1490 : i32 to index
        %get3A_1492 = arith.index_cast %scan3A_890 : i32 to index
        %get3A_1493 = arith.constant 864 : index
        %get3A_1494 = tpu.vector_load %arg7[%get3A_1491, %get3A_1492, %get3A_1493] {strides = array<i32>} : memref<4x16x1024xf32, #tpu.memory_space<vmem>>, vector<16xf32>,
        %get3A_1495 = arith.constant 0 : i32
        %get3A_1496 = arith.index_cast %get3A_1495 : i32 to index
        %get3A_1497 = arith.index_cast %scan3A_890 : i32 to index
        %get3A_1498 = arith.constant 880 : index
        %get3A_1499 = tpu.vector_load %arg7[%get3A_1496, %get3A_1497, %get3A_1498] {strides = array<i32>} : memref<4x16x1024xf32, #tpu.memory_space<vmem>>, vector<16xf32>,
        %pack3A_1500 = tpu.pack_subelements %get3A_1494, %get3A_1499 {pack_format = #tpu.pack_format<interleaved>, positions = array<i32: 0, 1>} : vector<16xf32>, vector<16xf32> -> vector<32xbf16>
        %mul3A_1501 = arith.mulf %pack3A_1500, %bitcast3A_1489 : vector<32xbf16>
        %add3A_1502 = arith.addf %add3A_1481, %mul3A_1501 : vector<32xbf16>
        %mul3A_1503 = arith.mulf %pack3A_1500, %pack3A_1500 : vector<32xbf16>
        %add3A_1504 = arith.addf %add3A_1483, %mul3A_1503 : vector<32xbf16>
        %get3A_1505 = arith.constant 0 : i32
        %get3A_1506 = arith.index_cast %get3A_1505 : i32 to index
        %get3A_1507 = arith.index_cast %scan3A_890 : i32 to index
        %get3A_1508 = arith.constant 448 : index
        %get3A_1509 = tpu.vector_load %arg8[%get3A_1506, %get3A_1507, %get3A_1508] {strides = array<i32>} : memref<4x16x512xi32, #tpu.memory_space<vmem>>, vector<16xi32>,
        %bitcast3A_1510 = vector.bitcast %get3A_1509 : vector<16xi32> to vector<32xbf16>
        %get3A_1511 = arith.constant 0 : i32
        %get3A_1512 = arith.index_cast %get3A_1511 : i32 to index
        %get3A_1513 = arith.index_cast %scan3A_890 : i32 to index
        %get3A_1514 = arith.constant 896 : index
        %get3A_1515 = tpu.vector_load %arg7[%get3A_1512, %get3A_1513, %get3A_1514] {strides = array<i32>} : memref<4x16x1024xf32, #tpu.memory_space<vmem>>, vector<16xf32>,
        %get3A_1516 = arith.constant 0 : i32
        %get3A_1517 = arith.index_cast %get3A_1516 : i32 to index
        %get3A_1518 = arith.index_cast %scan3A_890 : i32 to index
        %get3A_1519 = arith.constant 912 : index
        %get3A_1520 = tpu.vector_load %arg7[%get3A_1517, %get3A_1518, %get3A_1519] {strides = array<i32>} : memref<4x16x1024xf32, #tpu.memory_space<vmem>>, vector<16xf32>,
        %pack3A_1521 = tpu.pack_subelements %get3A_1515, %get3A_1520 {pack_format = #tpu.pack_format<interleaved>, positions = array<i32: 0, 1>} : vector<16xf32>, vector<16xf32> -> vector<32xbf16>
        %mul3A_1522 = arith.mulf %pack3A_1521, %bitcast3A_1510 : vector<32xbf16>
        %add3A_1523 = arith.addf %add3A_1502, %mul3A_1522 : vector<32xbf16>
        %mul3A_1524 = arith.mulf %pack3A_1521, %pack3A_1521 : vector<32xbf16>
        %add3A_1525 = arith.addf %add3A_1504, %mul3A_1524 : vector<32xbf16>
        %get3A_1526 = arith.constant 0 : i32
        %get3A_1527 = arith.index_cast %get3A_1526 : i32 to index
        %get3A_1528 = arith.index_cast %scan3A_890 : i32 to index
        %get3A_1529 = arith.constant 464 : index
        %get3A_1530 = tpu.vector_load %arg8[%get3A_1527, %get3A_1528, %get3A_1529] {strides = array<i32>} : memref<4x16x512xi32, #tpu.memory_space<vmem>>, vector<16xi32>,
        %bitcast3A_1531 = vector.bitcast %get3A_1530 : vector<16xi32> to vector<32xbf16>
        %get3A_1532 = arith.constant 0 : i32
        %get3A_1533 = arith.index_cast %get3A_1532 : i32 to index
        %get3A_1534 = arith.index_cast %scan3A_890 : i32 to index
        %get3A_1535 = arith.constant 928 : index
        %get3A_1536 = tpu.vector_load %arg7[%get3A_1533, %get3A_1534, %get3A_1535] {strides = array<i32>} : memref<4x16x1024xf32, #tpu.memory_space<vmem>>, vector<16xf32>,
        %get3A_1537 = arith.constant 0 : i32
        %get3A_1538 = arith.index_cast %get3A_1537 : i32 to index
        %get3A_1539 = arith.index_cast %scan3A_890 : i32 to index
        %get3A_1540 = arith.constant 944 : index
        %get3A_1541 = tpu.vector_load %arg7[%get3A_1538, %get3A_1539, %get3A_1540] {strides = array<i32>} : memref<4x16x1024xf32, #tpu.memory_space<vmem>>, vector<16xf32>,
        %pack3A_1542 = tpu.pack_subelements %get3A_1536, %get3A_1541 {pack_format = #tpu.pack_format<interleaved>, positions = array<i32: 0, 1>} : vector<16xf32>, vector<16xf32> -> vector<32xbf16>
        %mul3A_1543 = arith.mulf %pack3A_1542, %bitcast3A_1531 : vector<32xbf16>
        %add3A_1544 = arith.addf %add3A_1523, %mul3A_1543 : vector<32xbf16>
        %mul3A_1545 = arith.mulf %pack3A_1542, %pack3A_1542 : vector<32xbf16>
        %add3A_1546 = arith.addf %add3A_1525, %mul3A_1545 : vector<32xbf16>
        %get3A_1547 = arith.constant 0 : i32
        %get3A_1548 = arith.index_cast %get3A_1547 : i32 to index
        %get3A_1549 = arith.index_cast %scan3A_890 : i32 to index
        %get3A_1550 = arith.constant 480 : index
        %get3A_1551 = tpu.vector_load %arg8[%get3A_1548, %get3A_1549, %get3A_1550] {strides = array<i32>} : memref<4x16x512xi32, #tpu.memory_space<vmem>>, vector<16xi32>,
        %bitcast3A_1552 = vector.bitcast %get3A_1551 : vector<16xi32> to vector<32xbf16>
        %get3A_1553 = arith.constant 0 : i32
        %get3A_1554 = arith.index_cast %get3A_1553 : i32 to index
        %get3A_1555 = arith.index_cast %scan3A_890 : i32 to index
        %get3A_1556 = arith.constant 960 : index
        %get3A_1557 = tpu.vector_load %arg7[%get3A_1554, %get3A_1555, %get3A_1556] {strides = array<i32>} : memref<4x16x1024xf32, #tpu.memory_space<vmem>>, vector<16xf32>,
        %get3A_1558 = arith.constant 0 : i32
        %get3A_1559 = arith.index_cast %get3A_1558 : i32 to index
        %get3A_1560 = arith.index_cast %scan3A_890 : i32 to index
        %get3A_1561 = arith.constant 976 : index
        %get3A_1562 = tpu.vector_load %arg7[%get3A_1559, %get3A_1560, %get3A_1561] {strides = array<i32>} : memref<4x16x1024xf32, #tpu.memory_space<vmem>>, vector<16xf32>,
        %pack3A_1563 = tpu.pack_subelements %get3A_1557, %get3A_1562 {pack_format = #tpu.pack_format<interleaved>, positions = array<i32: 0, 1>} : vector<16xf32>, vector<16xf32> -> vector<32xbf16>
        %mul3A_1564 = arith.mulf %pack3A_1563, %bitcast3A_1552 : vector<32xbf16>
        %add3A_1565 = arith.addf %add3A_1544, %mul3A_1564 : vector<32xbf16>
        %mul3A_1566 = arith.mulf %pack3A_1563, %pack3A_1563 : vector<32xbf16>
        %add3A_1567 = arith.addf %add3A_1546, %mul3A_1566 : vector<32xbf16>
        %get3A_1568 = arith.constant 0 : i32
        %get3A_1569 = arith.index_cast %get3A_1568 : i32 to index
        %get3A_1570 = arith.index_cast %scan3A_890 : i32 to index
        %get3A_1571 = arith.constant 496 : index
        %get3A_1572 = tpu.vector_load %arg8[%get3A_1569, %get3A_1570, %get3A_1571] {strides = array<i32>} : memref<4x16x512xi32, #tpu.memory_space<vmem>>, vector<16xi32>,
        %bitcast3A_1573 = vector.bitcast %get3A_1572 : vector<16xi32> to vector<32xbf16>
        %get3A_1574 = arith.constant 0 : i32
        %get3A_1575 = arith.index_cast %get3A_1574 : i32 to index
        %get3A_1576 = arith.index_cast %scan3A_890 : i32 to index
        %get3A_1577 = arith.constant 992 : index
        %get3A_1578 = tpu.vector_load %arg7[%get3A_1575, %get3A_1576, %get3A_1577] {strides = array<i32>} : memref<4x16x1024xf32, #tpu.memory_space<vmem>>, vector<16xf32>,
        %get3A_1579 = arith.constant 0 : i32
        %get3A_1580 = arith.index_cast %get3A_1579 : i32 to index
        %get3A_1581 = arith.index_cast %scan3A_890 : i32 to index
        %get3A_1582 = arith.constant 1008 : index
        %get3A_1583 = tpu.vector_load %arg7[%get3A_1580, %get3A_1581, %get3A_1582] {strides = array<i32>} : memref<4x16x1024xf32, #tpu.memory_space<vmem>>, vector<16xf32>,
        %pack3A_1584 = tpu.pack_subelements %get3A_1578, %get3A_1583 {pack_format = #tpu.pack_format<interleaved>, positions = array<i32: 0, 1>} : vector<16xf32>, vector<16xf32> -> vector<32xbf16>
        %mul3A_1585 = arith.mulf %pack3A_1584, %bitcast3A_1573 : vector<32xbf16>
        %add3A_1586 = arith.addf %add3A_1565, %mul3A_1585 : vector<32xbf16>
        %mul3A_1587 = arith.mulf %pack3A_1584, %pack3A_1584 : vector<32xbf16>
        %add3A_1588 = arith.addf %add3A_1567, %mul3A_1587 : vector<32xbf16>
        %unpack3A_1589 = tpu.unpack_subelements %add3A_1586, 0 {pack_format = #tpu.pack_format<interleaved>} : vector<32xbf16> -> vector<16xf32>
        %unpack3A_1590 = tpu.unpack_subelements %add3A_1586, 1 {pack_format = #tpu.pack_format<interleaved>} : vector<32xbf16> -> vector<16xf32>
        %unpack3A_1591 = tpu.unpack_subelements %add3A_1588, 0 {pack_format = #tpu.pack_format<interleaved>} : vector<32xbf16> -> vector<16xf32>
        %unpack3A_1592 = tpu.unpack_subelements %add3A_1588, 1 {pack_format = #tpu.pack_format<interleaved>} : vector<32xbf16> -> vector<16xf32>
        %add3A_1593 = arith.addf %add3A_1417, %unpack3A_1589 : vector<16xf32>
        %add3A_1594 = arith.addf %add3A_1418, %unpack3A_1590 : vector<16xf32>
        %add3A_1595 = arith.addf %add3A_1419, %unpack3A_1591 : vector<16xf32>
        %add3A_1596 = arith.addf %add3A_1420, %unpack3A_1592 : vector<16xf32>
        %add3A_1597 = arith.addf %add3A_1593, %add3A_1594 : vector<16xf32>
        %mul3A_1598 = arith.constant 16 : i32
        %mul3A_1599 = arith.muli %scan3A_890, %mul3A_1598 : i32
        %swap3A_1600 = arith.index_cast %mul3A_1599 : i32 to index
        %swap3A_1601 = tpu.vector_load %arg9[%swap3A_1600] {strides = array<i32>} : memref<256xf32, #tpu.memory_space<vmem>>, vector<16xf32>,
        tpu.vector_store %arg9[%swap3A_1600], %add3A_1597 {strides = array<i32>} : memref<256xf32, #tpu.memory_space<vmem>>, vector<16xf32>,
        %add3A_1602 = arith.addf %add3A_1595, %add3A_1596 : vector<16xf32>
        %mul3A_1603 = arith.constant 16 : i32
        %mul3A_1604 = arith.muli %scan3A_890, %mul3A_1603 : i32
        %swap3A_1605 = arith.index_cast %mul3A_1604 : i32 to index
        %swap3A_1606 = tpu.vector_load %arg10[%swap3A_1605] {strides = array<i32>} : memref<256xf32, #tpu.memory_space<vmem>>, vector<16xf32>,
        tpu.vector_store %arg10[%swap3A_1605], %add3A_1602 {strides = array<i32>} : memref<256xf32, #tpu.memory_space<vmem>>, vector<16xf32>,
        %scan3A_1607 = arith.constant 0 : i32
        scf.yield %scan3A_1607 : i32
      }
      %scan3A_129 = arith.constant 16 : i32
      %iota3A = tpu.iota {dimensions = array<i32: 0>} : vector<16xi32>
      %mul3A_130 = arith.constant 16 : i32
      %mul3A_131 = vector.broadcast %mul3A_130 : i32 to vector<16xi32>
      %mul3A_132 = arith.muli %iota3A, %mul3A_131 : vector<16xi32>
      %broadcast_in_dim3A_133 = arith.constant 0.000000e+00 : f32
      %broadcast_in_dim3A_134 = vector.broadcast %broadcast_in_dim3A_133 : f32 to vector<16xf32>
      %broadcast_in_dim3A_135 = arith.constant 0.000000e+00 : f32
      %broadcast_in_dim3A_136 = vector.broadcast %broadcast_in_dim3A_135 : f32 to vector<16xf32>
      %add3A_137 = arith.constant 0 : i32
      %add3A_138 = vector.broadcast %add3A_137 : i32 to vector<16xi32>
      %add3A_139 = arith.addi %mul3A_132, %add3A_138 : vector<16xi32>
      %gather3A = tpu.vector_load_idx %arg9[%add3A_139] : memref<256xf32, #tpu.memory_space<vmem>>[vector<16xi32>], vector<16xf32>,
      %add3A_140 = arith.addf %broadcast_in_dim3A_134, %gather3A : vector<16xf32>
      %gather3A_141 = tpu.vector_load_idx %arg10[%add3A_139] : memref<256xf32, #tpu.memory_space<vmem>>[vector<16xi32>], vector<16xf32>,
      %add3A_142 = arith.addf %broadcast_in_dim3A_136, %gather3A_141 : vector<16xf32>
      %add3A_143 = arith.constant 1 : i32
      %add3A_144 = vector.broadcast %add3A_143 : i32 to vector<16xi32>
      %add3A_145 = arith.addi %mul3A_132, %add3A_144 : vector<16xi32>
      %gather3A_146 = tpu.vector_load_idx %arg9[%add3A_145] : memref<256xf32, #tpu.memory_space<vmem>>[vector<16xi32>], vector<16xf32>,
      %add3A_147 = arith.addf %add3A_140, %gather3A_146 : vector<16xf32>
      %gather3A_148 = tpu.vector_load_idx %arg10[%add3A_145] : memref<256xf32, #tpu.memory_space<vmem>>[vector<16xi32>], vector<16xf32>,
      %add3A_149 = arith.addf %add3A_142, %gather3A_148 : vector<16xf32>
      %add3A_150 = arith.constant 2 : i32
      %add3A_151 = vector.broadcast %add3A_150 : i32 to vector<16xi32>
      %add3A_152 = arith.addi %mul3A_132, %add3A_151 : vector<16xi32>
      %gather3A_153 = tpu.vector_load_idx %arg9[%add3A_152] : memref<256xf32, #tpu.memory_space<vmem>>[vector<16xi32>], vector<16xf32>,
      %add3A_154 = arith.addf %add3A_147, %gather3A_153 : vector<16xf32>
      %gather3A_155 = tpu.vector_load_idx %arg10[%add3A_152] : memref<256xf32, #tpu.memory_space<vmem>>[vector<16xi32>], vector<16xf32>,
      %add3A_156 = arith.addf %add3A_149, %gather3A_155 : vector<16xf32>
      %add3A_157 = arith.constant 3 : i32
      %add3A_158 = vector.broadcast %add3A_157 : i32 to vector<16xi32>
      %add3A_159 = arith.addi %mul3A_132, %add3A_158 : vector<16xi32>
      %gather3A_160 = tpu.vector_load_idx %arg9[%add3A_159] : memref<256xf32, #tpu.memory_space<vmem>>[vector<16xi32>], vector<16xf32>,
      %add3A_161 = arith.addf %add3A_154, %gather3A_160 : vector<16xf32>
      %gather3A_162 = tpu.vector_load_idx %arg10[%add3A_159] : memref<256xf32, #tpu.memory_space<vmem>>[vector<16xi32>], vector<16xf32>,
      %add3A_163 = arith.addf %add3A_156, %gather3A_162 : vector<16xf32>
      %add3A_164 = arith.constant 4 : i32
      %add3A_165 = vector.broadcast %add3A_164 : i32 to vector<16xi32>
      %add3A_166 = arith.addi %mul3A_132, %add3A_165 : vector<16xi32>
      %gather3A_167 = tpu.vector_load_idx %arg9[%add3A_166] : memref<256xf32, #tpu.memory_space<vmem>>[vector<16xi32>], vector<16xf32>,
      %add3A_168 = arith.addf %add3A_161, %gather3A_167 : vector<16xf32>
      %gather3A_169 = tpu.vector_load_idx %arg10[%add3A_166] : memref<256xf32, #tpu.memory_space<vmem>>[vector<16xi32>], vector<16xf32>,
      %add3A_170 = arith.addf %add3A_163, %gather3A_169 : vector<16xf32>
      %add3A_171 = arith.constant 5 : i32
      %add3A_172 = vector.broadcast %add3A_171 : i32 to vector<16xi32>
      %add3A_173 = arith.addi %mul3A_132, %add3A_172 : vector<16xi32>
      %gather3A_174 = tpu.vector_load_idx %arg9[%add3A_173] : memref<256xf32, #tpu.memory_space<vmem>>[vector<16xi32>], vector<16xf32>,
      %add3A_175 = arith.addf %add3A_168, %gather3A_174 : vector<16xf32>
      %gather3A_176 = tpu.vector_load_idx %arg10[%add3A_173] : memref<256xf32, #tpu.memory_space<vmem>>[vector<16xi32>], vector<16xf32>,
      %add3A_177 = arith.addf %add3A_170, %gather3A_176 : vector<16xf32>
      %add3A_178 = arith.constant 6 : i32
      %add3A_179 = vector.broadcast %add3A_178 : i32 to vector<16xi32>
      %add3A_180 = arith.addi %mul3A_132, %add3A_179 : vector<16xi32>
      %gather3A_181 = tpu.vector_load_idx %arg9[%add3A_180] : memref<256xf32, #tpu.memory_space<vmem>>[vector<16xi32>], vector<16xf32>,
      %add3A_182 = arith.addf %add3A_175, %gather3A_181 : vector<16xf32>
      %gather3A_183 = tpu.vector_load_idx %arg10[%add3A_180] : memref<256xf32, #tpu.memory_space<vmem>>[vector<16xi32>], vector<16xf32>,
      %add3A_184 = arith.addf %add3A_177, %gather3A_183 : vector<16xf32>
      %add3A_185 = arith.constant 7 : i32
      %add3A_186 = vector.broadcast %add3A_185 : i32 to vector<16xi32>
      %add3A_187 = arith.addi %mul3A_132, %add3A_186 : vector<16xi32>
      %gather3A_188 = tpu.vector_load_idx %arg9[%add3A_187] : memref<256xf32, #tpu.memory_space<vmem>>[vector<16xi32>], vector<16xf32>,
      %add3A_189 = arith.addf %add3A_182, %gather3A_188 : vector<16xf32>
      %gather3A_190 = tpu.vector_load_idx %arg10[%add3A_187] : memref<256xf32, #tpu.memory_space<vmem>>[vector<16xi32>], vector<16xf32>,
      %add3A_191 = arith.addf %add3A_184, %gather3A_190 : vector<16xf32>
      %add3A_192 = arith.constant 8 : i32
      %add3A_193 = vector.broadcast %add3A_192 : i32 to vector<16xi32>
      %add3A_194 = arith.addi %mul3A_132, %add3A_193 : vector<16xi32>
      %gather3A_195 = tpu.vector_load_idx %arg9[%add3A_194] : memref<256xf32, #tpu.memory_space<vmem>>[vector<16xi32>], vector<16xf32>,
      %add3A_196 = arith.addf %add3A_189, %gather3A_195 : vector<16xf32>
      %gather3A_197 = tpu.vector_load_idx %arg10[%add3A_194] : memref<256xf32, #tpu.memory_space<vmem>>[vector<16xi32>], vector<16xf32>,
      %add3A_198 = arith.addf %add3A_191, %gather3A_197 : vector<16xf32>
      %add3A_199 = arith.constant 9 : i32
      %add3A_200 = vector.broadcast %add3A_199 : i32 to vector<16xi32>
      %add3A_201 = arith.addi %mul3A_132, %add3A_200 : vector<16xi32>
      %gather3A_202 = tpu.vector_load_idx %arg9[%add3A_201] : memref<256xf32, #tpu.memory_space<vmem>>[vector<16xi32>], vector<16xf32>,
      %add3A_203 = arith.addf %add3A_196, %gather3A_202 : vector<16xf32>
      %gather3A_204 = tpu.vector_load_idx %arg10[%add3A_201] : memref<256xf32, #tpu.memory_space<vmem>>[vector<16xi32>], vector<16xf32>,
      %add3A_205 = arith.addf %add3A_198, %gather3A_204 : vector<16xf32>
      %add3A_206 = arith.constant 10 : i32
      %add3A_207 = vector.broadcast %add3A_206 : i32 to vector<16xi32>
      %add3A_208 = arith.addi %mul3A_132, %add3A_207 : vector<16xi32>
      %gather3A_209 = tpu.vector_load_idx %arg9[%add3A_208] : memref<256xf32, #tpu.memory_space<vmem>>[vector<16xi32>], vector<16xf32>,
      %add3A_210 = arith.addf %add3A_203, %gather3A_209 : vector<16xf32>
      %gather3A_211 = tpu.vector_load_idx %arg10[%add3A_208] : memref<256xf32, #tpu.memory_space<vmem>>[vector<16xi32>], vector<16xf32>,
      %add3A_212 = arith.addf %add3A_205, %gather3A_211 : vector<16xf32>
      %add3A_213 = arith.constant 11 : i32
      %add3A_214 = vector.broadcast %add3A_213 : i32 to vector<16xi32>
      %add3A_215 = arith.addi %mul3A_132, %add3A_214 : vector<16xi32>
      %gather3A_216 = tpu.vector_load_idx %arg9[%add3A_215] : memref<256xf32, #tpu.memory_space<vmem>>[vector<16xi32>], vector<16xf32>,
      %add3A_217 = arith.addf %add3A_210, %gather3A_216 : vector<16xf32>
      %gather3A_218 = tpu.vector_load_idx %arg10[%add3A_215] : memref<256xf32, #tpu.memory_space<vmem>>[vector<16xi32>], vector<16xf32>,
      %add3A_219 = arith.addf %add3A_212, %gather3A_218 : vector<16xf32>
      %add3A_220 = arith.constant 12 : i32
      %add3A_221 = vector.broadcast %add3A_220 : i32 to vector<16xi32>
      %add3A_222 = arith.addi %mul3A_132, %add3A_221 : vector<16xi32>
      %gather3A_223 = tpu.vector_load_idx %arg9[%add3A_222] : memref<256xf32, #tpu.memory_space<vmem>>[vector<16xi32>], vector<16xf32>,
      %add3A_224 = arith.addf %add3A_217, %gather3A_223 : vector<16xf32>
      %gather3A_225 = tpu.vector_load_idx %arg10[%add3A_222] : memref<256xf32, #tpu.memory_space<vmem>>[vector<16xi32>], vector<16xf32>,
      %add3A_226 = arith.addf %add3A_219, %gather3A_225 : vector<16xf32>
      %add3A_227 = arith.constant 13 : i32
      %add3A_228 = vector.broadcast %add3A_227 : i32 to vector<16xi32>
      %add3A_229 = arith.addi %mul3A_132, %add3A_228 : vector<16xi32>
      %gather3A_230 = tpu.vector_load_idx %arg9[%add3A_229] : memref<256xf32, #tpu.memory_space<vmem>>[vector<16xi32>], vector<16xf32>,
      %add3A_231 = arith.addf %add3A_224, %gather3A_230 : vector<16xf32>
      %gather3A_232 = tpu.vector_load_idx %arg10[%add3A_229] : memref<256xf32, #tpu.memory_space<vmem>>[vector<16xi32>], vector<16xf32>,
      %add3A_233 = arith.addf %add3A_226, %gather3A_232 : vector<16xf32>
      %add3A_234 = arith.constant 14 : i32
      %add3A_235 = vector.broadcast %add3A_234 : i32 to vector<16xi32>
      %add3A_236 = arith.addi %mul3A_132, %add3A_235 : vector<16xi32>
      %gather3A_237 = tpu.vector_load_idx %arg9[%add3A_236] : memref<256xf32, #tpu.memory_space<vmem>>[vector<16xi32>], vector<16xf32>,
      %add3A_238 = arith.addf %add3A_231, %gather3A_237 : vector<16xf32>
      %gather3A_239 = tpu.vector_load_idx %arg10[%add3A_236] : memref<256xf32, #tpu.memory_space<vmem>>[vector<16xi32>], vector<16xf32>,
      %add3A_240 = arith.addf %add3A_233, %gather3A_239 : vector<16xf32>
      %add3A_241 = arith.constant 15 : i32
      %add3A_242 = vector.broadcast %add3A_241 : i32 to vector<16xi32>
      %add3A_243 = arith.addi %mul3A_132, %add3A_242 : vector<16xi32>
      %gather3A_244 = tpu.vector_load_idx %arg9[%add3A_243] : memref<256xf32, #tpu.memory_space<vmem>>[vector<16xi32>], vector<16xf32>,
      %add3A_245 = arith.addf %add3A_238, %gather3A_244 : vector<16xf32>
      %gather3A_246 = tpu.vector_load_idx %arg10[%add3A_243] : memref<256xf32, #tpu.memory_space<vmem>>[vector<16xi32>], vector<16xf32>,
      %add3A_247 = arith.addf %add3A_240, %gather3A_246 : vector<16xf32>
      %get3A_248 = arith.constant 0 : index
      %get3A_249 = tpu.vector_load %arg11[%get3A_248] {strides = array<i32>} : memref<16xf32, #tpu.memory_space<vmem>>, vector<16xf32>,
      %bitcast_convert_type3A = tpu.bitcast %add3A_247 : vector<16xf32> -> vector<16xi32>
      %shift_right_logical3A = arith.constant 1 : i32
      %shift_right_logical3A_250 = vector.broadcast %shift_right_logical3A : i32 to vector<16xi32>
      %shift_right_logical3A_251 = arith.shrui %bitcast_convert_type3A, %shift_right_logical3A_250 : vector<16xi32>
      %sub3A_252 = arith.constant 1597463007 : i32
      %sub3A_253 = vector.broadcast %sub3A_252 : i32 to vector<16xi32>
      %sub3A_254 = arith.subi %sub3A_253, %shift_right_logical3A_251 : vector<16xi32>
      %bitcast_convert_type3A_255 = tpu.bitcast %sub3A_254 : vector<16xi32> -> vector<16xf32>
      %mul3A_256 = arith.constant 5.000000e-01 : f32
      %mul3A_257 = vector.broadcast %mul3A_256 : f32 to vector<16xf32>
      %mul3A_258 = arith.mulf %add3A_247, %mul3A_257 : vector<16xf32>
      %mul3A_259 = arith.mulf %mul3A_258, %bitcast_convert_type3A_255 : vector<16xf32>
      %mul3A_260 = arith.mulf %mul3A_259, %bitcast_convert_type3A_255 : vector<16xf32>
      %sub3A_261 = arith.constant 1.500000e+00 : f32
      %sub3A_262 = vector.broadcast %sub3A_261 : f32 to vector<16xf32>
      %sub3A_263 = arith.subf %sub3A_262, %mul3A_260 : vector<16xf32>
      %mul3A_264 = arith.mulf %bitcast_convert_type3A_255, %sub3A_263 : vector<16xf32>
      %mul3A_265 = arith.mulf %mul3A_258, %mul3A_264 : vector<16xf32>
      %mul3A_266 = arith.mulf %mul3A_265, %mul3A_264 : vector<16xf32>
      %sub3A_267 = arith.constant 1.500000e+00 : f32
      %sub3A_268 = vector.broadcast %sub3A_267 : f32 to vector<16xf32>
      %sub3A_269 = arith.subf %sub3A_268, %mul3A_266 : vector<16xf32>
      %mul3A_270 = arith.mulf %mul3A_264, %sub3A_269 : vector<16xf32>
      %mul3A_271 = arith.mulf %mul3A_258, %mul3A_270 : vector<16xf32>
      %mul3A_272 = arith.mulf %mul3A_271, %mul3A_270 : vector<16xf32>
      %sub3A_273 = arith.constant 1.500000e+00 : f32
      %sub3A_274 = vector.broadcast %sub3A_273 : f32 to vector<16xf32>
      %sub3A_275 = arith.subf %sub3A_274, %mul3A_272 : vector<16xf32>
      %mul3A_276 = arith.mulf %mul3A_270, %sub3A_275 : vector<16xf32>
      %mul3A_277 = arith.mulf %add3A_245, %mul3A_276 : vector<16xf32>
      %add3A_278 = arith.addf %get3A_249, %mul3A_277 : vector<16xf32>
      %swap3A_279 = arith.constant 0 : index
      %swap3A_280 = tpu.vector_load %arg11[%swap3A_279] {strides = array<i32>} : memref<16xf32, #tpu.memory_space<vmem>>, vector<16xf32>,
      tpu.vector_store %arg11[%swap3A_279], %add3A_278 {strides = array<i32>} : memref<16xf32, #tpu.memory_space<vmem>>, vector<16xf32>,
      %add3A_281 = arith.constant 1 : i32
      %add3A_282 = arith.addi %add3A_86, %add3A_281 : i32
      %add3A_283 = arith.constant 4 : i32
      %add3A_284 = arith.addi %add3A_282, %add3A_283 : i32
      %sub3A_285 = arith.constant 1 : i32
      %sub3A_286 = arith.subi %add3A_284, %sub3A_285 : i32
      %lt3A_287 = arith.constant 20 : i32
      %lt3A_288 = arith.cmpi slt, %sub3A_286, %lt3A_287 : i32
      %convert_element_type3A_289 = arith.extui %lt3A_288 : i1 to i32
      %cond3A_290 = arith.constant 0 : i32
      %cond3A_291 = arith.cmpi ne, %convert_element_type3A_289, %cond3A_290 : i32
      scf.if %cond3A_291 {
        %mul3A_890 = arith.constant 16 : i32
        %mul3A_891 = arith.muli %sub3A_286, %mul3A_890 : i32
        %add3A_892 = arith.addi %mul3A_2, %mul3A_891 : i32
        %dma_start3A_893 = arith.constant 0 : i32
        %dma_start3A_894 = arith.constant 0 : i32
        %dma_start3A_895 = arith.constant 0 : i32
        %dma_start3A_896 = tpu.memref_slice %arg7[%dma_start3A_893, %dma_start3A_894, %dma_start3A_895] : memref<4x16x1024xf32, #tpu.memory_space<vmem>> -> memref<1x16x1024xf32, #tpu.memory_space<vmem>>
        %dma_start3A_897 = tpu.memref_squeeze %dma_start3A_896 : memref<1x16x1024xf32, #tpu.memory_space<vmem>> -> memref<16x1024xf32, #tpu.memory_space<vmem>>
        %dma_start3A_898 = arith.constant 0 : i32
        %dma_start3A_899 = tpu.memref_slice %arg2[%add3A_892, %dma_start3A_898] : memref<16384x1024xf32, #tpu.memory_space<hbm>> -> memref<16x1024xf32, #tpu.memory_space<hbm>>
        %dma_start3A_900 = arith.constant 0 : i32
        %dma_start3A_901 = arith.constant 0 : i32
        %dma_start3A_902 = tpu.memref_slice %arg7[%dma_start3A_893, %dma_start3A_900, %dma_start3A_901] : memref<4x16x1024xf32, #tpu.memory_space<vmem>> -> memref<1x16x1024xf32, #tpu.memory_space<vmem>>
        %dma_start3A_903 = tpu.memref_squeeze %dma_start3A_902 : memref<1x16x1024xf32, #tpu.memory_space<vmem>> -> memref<16x1024xf32, #tpu.memory_space<vmem>>
        %dma_start3A_904 = arith.constant 0 : i32
        %dma_start3A_905 = tpu.memref_slice %arg2[%add3A_892, %dma_start3A_904] : memref<16384x1024xf32, #tpu.memory_space<hbm>> -> memref<16x1024xf32, #tpu.memory_space<hbm>>
        tpu.enqueue_dma source(%dma_start3A_905 : memref<16x1024xf32, #tpu.memory_space<hbm>>) target(%dma_start3A_903 : memref<16x1024xf32, #tpu.memory_space<vmem>>) target_semaphore(%arg12 : memref<!tpu.dma_semaphore, #tpu.memory_space<semaphore_mem>>)
        %mul3A_906 = arith.constant 16 : i32
        %mul3A_907 = arith.muli %sub3A_286, %mul3A_906 : i32
        %get3A_908 = arith.index_cast %mul3A_907 : i32 to index
        %get3A_909 = tpu.vector_load %arg6[%get3A_908] {strides = array<i32>} : memref<320xi32, #tpu.memory_space<vmem>>, vector<16xi32>,
        %dma_start3A_910 = arith.constant 0 : i32
        %dma_start3A_911 = arith.constant 0 : i32
        %dma_start3A_912 = arith.constant 0 : i32
        %dma_start3A_913 = tpu.memref_slice %arg8[%dma_start3A_910, %dma_start3A_911, %dma_start3A_912] : memref<4x16x512xi32, #tpu.memory_space<vmem>> -> memref<1x16x512xi32, #tpu.memory_space<vmem>>
        %dma_start3A_914 = tpu.memref_squeeze %dma_start3A_913 : memref<1x16x512xi32, #tpu.memory_space<vmem>> -> memref<16x512xi32, #tpu.memory_space<vmem>>
        %dma_start3A_915 = arith.constant 0 : i32
        %dma_start3A_916 = arith.constant 0 : i32
        %dma_start3A_917 = tpu.memref_slice %arg4[%dma_start3A_915, %dma_start3A_916] : memref<1024x512xi32, #tpu.memory_space<hbm>> -> memref<1024x512xi32, #tpu.memory_space<hbm>>
        tpu.enqueue_indirect_dma source(%dma_start3A_917 : memref<1024x512xi32, #tpu.memory_space<hbm>>) target(%dma_start3A_914 : memref<16x512xi32, #tpu.memory_space<vmem>>) offsets(%get3A_909 : vector<16xi32>) semaphore(%arg16 : memref<!tpu.dma_semaphore, #tpu.memory_space<semaphore_mem>>)
      } else {
      }
      %dma_wait3A_292 = arith.constant 1 : i32
      %dma_wait3A_293 = arith.constant 0 : i32
      %dma_wait3A_294 = arith.constant 0 : i32
      %dma_wait3A_295 = tpu.memref_slice %arg7[%dma_wait3A_292, %dma_wait3A_293, %dma_wait3A_294] : memref<4x16x1024xf32, #tpu.memory_space<vmem>> -> memref<1x16x1024xf32, #tpu.memory_space<vmem>>
      %dma_wait3A_296 = tpu.memref_squeeze %dma_wait3A_295 : memref<1x16x1024xf32, #tpu.memory_space<vmem>> -> memref<16x1024xf32, #tpu.memory_space<vmem>>
      %dma_wait3A_297 = arith.constant 0 : i32
      %dma_wait3A_298 = arith.constant 0 : i32
      %dma_wait3A_299 = tpu.memref_slice %arg2[%dma_wait3A_297, %dma_wait3A_298] : memref<16384x1024xf32, #tpu.memory_space<hbm>> -> memref<16x1024xf32, #tpu.memory_space<hbm>>
      %dma_wait3A_300 = arith.constant 0 : i32
      %dma_wait3A_301 = arith.constant 0 : i32
      %dma_wait3A_302 = tpu.memref_slice %arg7[%dma_wait3A_292, %dma_wait3A_300, %dma_wait3A_301] : memref<4x16x1024xf32, #tpu.memory_space<vmem>> -> memref<1x16x1024xf32, #tpu.memory_space<vmem>>
      %dma_wait3A_303 = tpu.memref_squeeze %dma_wait3A_302 : memref<1x16x1024xf32, #tpu.memory_space<vmem>> -> memref<16x1024xf32, #tpu.memory_space<vmem>>
      %dma_wait3A_304 = arith.constant 0 : i32
      %dma_wait3A_305 = arith.constant 0 : i32
      %dma_wait3A_306 = tpu.memref_slice %arg2[%dma_wait3A_304, %dma_wait3A_305] : memref<16384x1024xf32, #tpu.memory_space<hbm>> -> memref<16x1024xf32, #tpu.memory_space<hbm>>
      tpu.wait_dma2 semaphore(%arg13 : memref<!tpu.dma_semaphore, #tpu.memory_space<semaphore_mem>>) src(%dma_wait3A_306 : memref<16x1024xf32, #tpu.memory_space<hbm>>) dst(%dma_wait3A_303 : memref<16x1024xf32, #tpu.memory_space<vmem>>)
      %dma_wait3A_307 = arith.constant 1 : i32
      %dma_wait3A_308 = arith.constant 0 : i32
      %dma_wait3A_309 = arith.constant 0 : i32
      %dma_wait3A_310 = tpu.memref_slice %arg8[%dma_wait3A_307, %dma_wait3A_308, %dma_wait3A_309] : memref<4x16x512xi32, #tpu.memory_space<vmem>> -> memref<1x16x512xi32, #tpu.memory_space<vmem>>
      %dma_wait3A_311 = tpu.memref_squeeze %dma_wait3A_310 : memref<1x16x512xi32, #tpu.memory_space<vmem>> -> memref<16x512xi32, #tpu.memory_space<vmem>>
      %dma_wait3A_312 = arith.constant 0 : i32
      %dma_wait3A_313 = arith.constant 0 : i32
      %dma_wait3A_314 = tpu.memref_slice %arg4[%dma_wait3A_312, %dma_wait3A_313] : memref<1024x512xi32, #tpu.memory_space<hbm>> -> memref<16x512xi32, #tpu.memory_space<hbm>>
      %dma_wait3A_315 = arith.constant 0 : i32
      %dma_wait3A_316 = arith.constant 0 : i32
      %dma_wait3A_317 = tpu.memref_slice %arg8[%dma_wait3A_307, %dma_wait3A_315, %dma_wait3A_316] : memref<4x16x512xi32, #tpu.memory_space<vmem>> -> memref<1x16x512xi32, #tpu.memory_space<vmem>>
      %dma_wait3A_318 = tpu.memref_squeeze %dma_wait3A_317 : memref<1x16x512xi32, #tpu.memory_space<vmem>> -> memref<16x512xi32, #tpu.memory_space<vmem>>
      %dma_wait3A_319 = arith.constant 0 : i32
      %dma_wait3A_320 = arith.constant 0 : i32
      %dma_wait3A_321 = tpu.memref_slice %arg4[%dma_wait3A_319, %dma_wait3A_320] : memref<1024x512xi32, #tpu.memory_space<hbm>> -> memref<16x512xi32, #tpu.memory_space<hbm>>
      tpu.wait_dma2 semaphore(%arg17 : memref<!tpu.dma_semaphore, #tpu.memory_space<semaphore_mem>>) src(%dma_wait3A_321 : memref<16x512xi32, #tpu.memory_space<hbm>>) dst(%dma_wait3A_318 : memref<16x512xi32, #tpu.memory_space<vmem>>)
      %scan3A_322 = arith.constant 0 : i32
      %scan3A_323 = arith.constant 0 : i32
      %scan3A_324 = arith.constant 16 : i32
      %scan3A_325 = arith.addi %scan3A_323, %scan3A_324 : i32
      %scan3A_326 = arith.constant 1 : i32
      %scan3A_327 = scf.for %scan3A_890 = %scan3A_323 to %scan3A_325 step %scan3A_326 iter_args(%scan3A_891 = %scan3A_322) -> (i32)  : i32 {
        %broadcast_in_dim3A_892 = arith.constant 0.000000e+00 : f32
        %broadcast_in_dim3A_893 = vector.broadcast %broadcast_in_dim3A_892 : f32 to vector<16xf32>
        %broadcast_in_dim3A_894 = arith.constant 0.000000e+00 : bf16
        %broadcast_in_dim3A_895 = vector.broadcast %broadcast_in_dim3A_894 : bf16 to vector<32xbf16>
        %get3A_896 = arith.constant 1 : i32
        %get3A_897 = arith.index_cast %get3A_896 : i32 to index
        %get3A_898 = arith.index_cast %scan3A_890 : i32 to index
        %get3A_899 = arith.constant 0 : index
        %get3A_900 = tpu.vector_load %arg8[%get3A_897, %get3A_898, %get3A_899] {strides = array<i32>} : memref<4x16x512xi32, #tpu.memory_space<vmem>>, vector<16xi32>,
        %bitcast3A = vector.bitcast %get3A_900 : vector<16xi32> to vector<32xbf16>
        %get3A_901 = arith.constant 1 : i32
        %get3A_902 = arith.index_cast %get3A_901 : i32 to index
        %get3A_903 = arith.index_cast %scan3A_890 : i32 to index
        %get3A_904 = arith.constant 0 : index
        %get3A_905 = tpu.vector_load %arg7[%get3A_902, %get3A_903, %get3A_904] {strides = array<i32>} : memref<4x16x1024xf32, #tpu.memory_space<vmem>>, vector<16xf32>,
        %get3A_906 = arith.constant 1 : i32
        %get3A_907 = arith.index_cast %get3A_906 : i32 to index
        %get3A_908 = arith.index_cast %scan3A_890 : i32 to index
        %get3A_909 = arith.constant 16 : index
        %get3A_910 = tpu.vector_load %arg7[%get3A_907, %get3A_908, %get3A_909] {strides = array<i32>} : memref<4x16x1024xf32, #tpu.memory_space<vmem>>, vector<16xf32>,
        %pack3A = tpu.pack_subelements %get3A_905, %get3A_910 {pack_format = #tpu.pack_format<interleaved>, positions = array<i32: 0, 1>} : vector<16xf32>, vector<16xf32> -> vector<32xbf16>
        %mul3A_911 = arith.mulf %pack3A, %bitcast3A : vector<32xbf16>
        %add3A_912 = arith.addf %broadcast_in_dim3A_895, %mul3A_911 : vector<32xbf16>
        %mul3A_913 = arith.mulf %pack3A, %pack3A : vector<32xbf16>
        %add3A_914 = arith.addf %broadcast_in_dim3A_895, %mul3A_913 : vector<32xbf16>
        %get3A_915 = arith.constant 1 : i32
        %get3A_916 = arith.index_cast %get3A_915 : i32 to index
        %get3A_917 = arith.index_cast %scan3A_890 : i32 to index
        %get3A_918 = arith.constant 16 : index
        %get3A_919 = tpu.vector_load %arg8[%get3A_916, %get3A_917, %get3A_918] {strides = array<i32>} : memref<4x16x512xi32, #tpu.memory_space<vmem>>, vector<16xi32>,
        %bitcast3A_920 = vector.bitcast %get3A_919 : vector<16xi32> to vector<32xbf16>
        %get3A_921 = arith.constant 1 : i32
        %get3A_922 = arith.index_cast %get3A_921 : i32 to index
        %get3A_923 = arith.index_cast %scan3A_890 : i32 to index
        %get3A_924 = arith.constant 32 : index
        %get3A_925 = tpu.vector_load %arg7[%get3A_922, %get3A_923, %get3A_924] {strides = array<i32>} : memref<4x16x1024xf32, #tpu.memory_space<vmem>>, vector<16xf32>,
        %get3A_926 = arith.constant 1 : i32
        %get3A_927 = arith.index_cast %get3A_926 : i32 to index
        %get3A_928 = arith.index_cast %scan3A_890 : i32 to index
        %get3A_929 = arith.constant 48 : index
        %get3A_930 = tpu.vector_load %arg7[%get3A_927, %get3A_928, %get3A_929] {strides = array<i32>} : memref<4x16x1024xf32, #tpu.memory_space<vmem>>, vector<16xf32>,
        %pack3A_931 = tpu.pack_subelements %get3A_925, %get3A_930 {pack_format = #tpu.pack_format<interleaved>, positions = array<i32: 0, 1>} : vector<16xf32>, vector<16xf32> -> vector<32xbf16>
        %mul3A_932 = arith.mulf %pack3A_931, %bitcast3A_920 : vector<32xbf16>
        %add3A_933 = arith.addf %add3A_912, %mul3A_932 : vector<32xbf16>
        %mul3A_934 = arith.mulf %pack3A_931, %pack3A_931 : vector<32xbf16>
        %add3A_935 = arith.addf %add3A_914, %mul3A_934 : vector<32xbf16>
        %get3A_936 = arith.constant 1 : i32
        %get3A_937 = arith.index_cast %get3A_936 : i32 to index
        %get3A_938 = arith.index_cast %scan3A_890 : i32 to index
        %get3A_939 = arith.constant 32 : index
        %get3A_940 = tpu.vector_load %arg8[%get3A_937, %get3A_938, %get3A_939] {strides = array<i32>} : memref<4x16x512xi32, #tpu.memory_space<vmem>>, vector<16xi32>,
        %bitcast3A_941 = vector.bitcast %get3A_940 : vector<16xi32> to vector<32xbf16>
        %get3A_942 = arith.constant 1 : i32
        %get3A_943 = arith.index_cast %get3A_942 : i32 to index
        %get3A_944 = arith.index_cast %scan3A_890 : i32 to index
        %get3A_945 = arith.constant 64 : index
        %get3A_946 = tpu.vector_load %arg7[%get3A_943, %get3A_944, %get3A_945] {strides = array<i32>} : memref<4x16x1024xf32, #tpu.memory_space<vmem>>, vector<16xf32>,
        %get3A_947 = arith.constant 1 : i32
        %get3A_948 = arith.index_cast %get3A_947 : i32 to index
        %get3A_949 = arith.index_cast %scan3A_890 : i32 to index
        %get3A_950 = arith.constant 80 : index
        %get3A_951 = tpu.vector_load %arg7[%get3A_948, %get3A_949, %get3A_950] {strides = array<i32>} : memref<4x16x1024xf32, #tpu.memory_space<vmem>>, vector<16xf32>,
        %pack3A_952 = tpu.pack_subelements %get3A_946, %get3A_951 {pack_format = #tpu.pack_format<interleaved>, positions = array<i32: 0, 1>} : vector<16xf32>, vector<16xf32> -> vector<32xbf16>
        %mul3A_953 = arith.mulf %pack3A_952, %bitcast3A_941 : vector<32xbf16>
        %add3A_954 = arith.addf %add3A_933, %mul3A_953 : vector<32xbf16>
        %mul3A_955 = arith.mulf %pack3A_952, %pack3A_952 : vector<32xbf16>
        %add3A_956 = arith.addf %add3A_935, %mul3A_955 : vector<32xbf16>
        %get3A_957 = arith.constant 1 : i32
        %get3A_958 = arith.index_cast %get3A_957 : i32 to index
        %get3A_959 = arith.index_cast %scan3A_890 : i32 to index
        %get3A_960 = arith.constant 48 : index
        %get3A_961 = tpu.vector_load %arg8[%get3A_958, %get3A_959, %get3A_960] {strides = array<i32>} : memref<4x16x512xi32, #tpu.memory_space<vmem>>, vector<16xi32>,
        %bitcast3A_962 = vector.bitcast %get3A_961 : vector<16xi32> to vector<32xbf16>
        %get3A_963 = arith.constant 1 : i32
        %get3A_964 = arith.index_cast %get3A_963 : i32 to index
        %get3A_965 = arith.index_cast %scan3A_890 : i32 to index
        %get3A_966 = arith.constant 96 : index
        %get3A_967 = tpu.vector_load %arg7[%get3A_964, %get3A_965, %get3A_966] {strides = array<i32>} : memref<4x16x1024xf32, #tpu.memory_space<vmem>>, vector<16xf32>,
        %get3A_968 = arith.constant 1 : i32
        %get3A_969 = arith.index_cast %get3A_968 : i32 to index
        %get3A_970 = arith.index_cast %scan3A_890 : i32 to index
        %get3A_971 = arith.constant 112 : index
        %get3A_972 = tpu.vector_load %arg7[%get3A_969, %get3A_970, %get3A_971] {strides = array<i32>} : memref<4x16x1024xf32, #tpu.memory_space<vmem>>, vector<16xf32>,
        %pack3A_973 = tpu.pack_subelements %get3A_967, %get3A_972 {pack_format = #tpu.pack_format<interleaved>, positions = array<i32: 0, 1>} : vector<16xf32>, vector<16xf32> -> vector<32xbf16>
        %mul3A_974 = arith.mulf %pack3A_973, %bitcast3A_962 : vector<32xbf16>
        %add3A_975 = arith.addf %add3A_954, %mul3A_974 : vector<32xbf16>
        %mul3A_976 = arith.mulf %pack3A_973, %pack3A_973 : vector<32xbf16>
        %add3A_977 = arith.addf %add3A_956, %mul3A_976 : vector<32xbf16>
        %get3A_978 = arith.constant 1 : i32
        %get3A_979 = arith.index_cast %get3A_978 : i32 to index
        %get3A_980 = arith.index_cast %scan3A_890 : i32 to index
        %get3A_981 = arith.constant 64 : index
        %get3A_982 = tpu.vector_load %arg8[%get3A_979, %get3A_980, %get3A_981] {strides = array<i32>} : memref<4x16x512xi32, #tpu.memory_space<vmem>>, vector<16xi32>,
        %bitcast3A_983 = vector.bitcast %get3A_982 : vector<16xi32> to vector<32xbf16>
        %get3A_984 = arith.constant 1 : i32
        %get3A_985 = arith.index_cast %get3A_984 : i32 to index
        %get3A_986 = arith.index_cast %scan3A_890 : i32 to index
        %get3A_987 = arith.constant 128 : index
        %get3A_988 = tpu.vector_load %arg7[%get3A_985, %get3A_986, %get3A_987] {strides = array<i32>} : memref<4x16x1024xf32, #tpu.memory_space<vmem>>, vector<16xf32>,
        %get3A_989 = arith.constant 1 : i32
        %get3A_990 = arith.index_cast %get3A_989 : i32 to index
        %get3A_991 = arith.index_cast %scan3A_890 : i32 to index
        %get3A_992 = arith.constant 144 : index
        %get3A_993 = tpu.vector_load %arg7[%get3A_990, %get3A_991, %get3A_992] {strides = array<i32>} : memref<4x16x1024xf32, #tpu.memory_space<vmem>>, vector<16xf32>,
        %pack3A_994 = tpu.pack_subelements %get3A_988, %get3A_993 {pack_format = #tpu.pack_format<interleaved>, positions = array<i32: 0, 1>} : vector<16xf32>, vector<16xf32> -> vector<32xbf16>
        %mul3A_995 = arith.mulf %pack3A_994, %bitcast3A_983 : vector<32xbf16>
        %add3A_996 = arith.addf %add3A_975, %mul3A_995 : vector<32xbf16>
        %mul3A_997 = arith.mulf %pack3A_994, %pack3A_994 : vector<32xbf16>
        %add3A_998 = arith.addf %add3A_977, %mul3A_997 : vector<32xbf16>
        %get3A_999 = arith.constant 1 : i32
        %get3A_1000 = arith.index_cast %get3A_999 : i32 to index
        %get3A_1001 = arith.index_cast %scan3A_890 : i32 to index
        %get3A_1002 = arith.constant 80 : index
        %get3A_1003 = tpu.vector_load %arg8[%get3A_1000, %get3A_1001, %get3A_1002] {strides = array<i32>} : memref<4x16x512xi32, #tpu.memory_space<vmem>>, vector<16xi32>,
        %bitcast3A_1004 = vector.bitcast %get3A_1003 : vector<16xi32> to vector<32xbf16>
        %get3A_1005 = arith.constant 1 : i32
        %get3A_1006 = arith.index_cast %get3A_1005 : i32 to index
        %get3A_1007 = arith.index_cast %scan3A_890 : i32 to index
        %get3A_1008 = arith.constant 160 : index
        %get3A_1009 = tpu.vector_load %arg7[%get3A_1006, %get3A_1007, %get3A_1008] {strides = array<i32>} : memref<4x16x1024xf32, #tpu.memory_space<vmem>>, vector<16xf32>,
        %get3A_1010 = arith.constant 1 : i32
        %get3A_1011 = arith.index_cast %get3A_1010 : i32 to index
        %get3A_1012 = arith.index_cast %scan3A_890 : i32 to index
        %get3A_1013 = arith.constant 176 : index
        %get3A_1014 = tpu.vector_load %arg7[%get3A_1011, %get3A_1012, %get3A_1013] {strides = array<i32>} : memref<4x16x1024xf32, #tpu.memory_space<vmem>>, vector<16xf32>,
        %pack3A_1015 = tpu.pack_subelements %get3A_1009, %get3A_1014 {pack_format = #tpu.pack_format<interleaved>, positions = array<i32: 0, 1>} : vector<16xf32>, vector<16xf32> -> vector<32xbf16>
        %mul3A_1016 = arith.mulf %pack3A_1015, %bitcast3A_1004 : vector<32xbf16>
        %add3A_1017 = arith.addf %add3A_996, %mul3A_1016 : vector<32xbf16>
        %mul3A_1018 = arith.mulf %pack3A_1015, %pack3A_1015 : vector<32xbf16>
        %add3A_1019 = arith.addf %add3A_998, %mul3A_1018 : vector<32xbf16>
        %get3A_1020 = arith.constant 1 : i32
        %get3A_1021 = arith.index_cast %get3A_1020 : i32 to index
        %get3A_1022 = arith.index_cast %scan3A_890 : i32 to index
        %get3A_1023 = arith.constant 96 : index
        %get3A_1024 = tpu.vector_load %arg8[%get3A_1021, %get3A_1022, %get3A_1023] {strides = array<i32>} : memref<4x16x512xi32, #tpu.memory_space<vmem>>, vector<16xi32>,
        %bitcast3A_1025 = vector.bitcast %get3A_1024 : vector<16xi32> to vector<32xbf16>
        %get3A_1026 = arith.constant 1 : i32
        %get3A_1027 = arith.index_cast %get3A_1026 : i32 to index
        %get3A_1028 = arith.index_cast %scan3A_890 : i32 to index
        %get3A_1029 = arith.constant 192 : index
        %get3A_1030 = tpu.vector_load %arg7[%get3A_1027, %get3A_1028, %get3A_1029] {strides = array<i32>} : memref<4x16x1024xf32, #tpu.memory_space<vmem>>, vector<16xf32>,
        %get3A_1031 = arith.constant 1 : i32
        %get3A_1032 = arith.index_cast %get3A_1031 : i32 to index
        %get3A_1033 = arith.index_cast %scan3A_890 : i32 to index
        %get3A_1034 = arith.constant 208 : index
        %get3A_1035 = tpu.vector_load %arg7[%get3A_1032, %get3A_1033, %get3A_1034] {strides = array<i32>} : memref<4x16x1024xf32, #tpu.memory_space<vmem>>, vector<16xf32>,
        %pack3A_1036 = tpu.pack_subelements %get3A_1030, %get3A_1035 {pack_format = #tpu.pack_format<interleaved>, positions = array<i32: 0, 1>} : vector<16xf32>, vector<16xf32> -> vector<32xbf16>
        %mul3A_1037 = arith.mulf %pack3A_1036, %bitcast3A_1025 : vector<32xbf16>
        %add3A_1038 = arith.addf %add3A_1017, %mul3A_1037 : vector<32xbf16>
        %mul3A_1039 = arith.mulf %pack3A_1036, %pack3A_1036 : vector<32xbf16>
        %add3A_1040 = arith.addf %add3A_1019, %mul3A_1039 : vector<32xbf16>
        %get3A_1041 = arith.constant 1 : i32
        %get3A_1042 = arith.index_cast %get3A_1041 : i32 to index
        %get3A_1043 = arith.index_cast %scan3A_890 : i32 to index
        %get3A_1044 = arith.constant 112 : index
        %get3A_1045 = tpu.vector_load %arg8[%get3A_1042, %get3A_1043, %get3A_1044] {strides = array<i32>} : memref<4x16x512xi32, #tpu.memory_space<vmem>>, vector<16xi32>,
        %bitcast3A_1046 = vector.bitcast %get3A_1045 : vector<16xi32> to vector<32xbf16>
        %get3A_1047 = arith.constant 1 : i32
        %get3A_1048 = arith.index_cast %get3A_1047 : i32 to index
        %get3A_1049 = arith.index_cast %scan3A_890 : i32 to index
        %get3A_1050 = arith.constant 224 : index
        %get3A_1051 = tpu.vector_load %arg7[%get3A_1048, %get3A_1049, %get3A_1050] {strides = array<i32>} : memref<4x16x1024xf32, #tpu.memory_space<vmem>>, vector<16xf32>,
        %get3A_1052 = arith.constant 1 : i32
        %get3A_1053 = arith.index_cast %get3A_1052 : i32 to index
        %get3A_1054 = arith.index_cast %scan3A_890 : i32 to index
        %get3A_1055 = arith.constant 240 : index
        %get3A_1056 = tpu.vector_load %arg7[%get3A_1053, %get3A_1054, %get3A_1055] {strides = array<i32>} : memref<4x16x1024xf32, #tpu.memory_space<vmem>>, vector<16xf32>,
        %pack3A_1057 = tpu.pack_subelements %get3A_1051, %get3A_1056 {pack_format = #tpu.pack_format<interleaved>, positions = array<i32: 0, 1>} : vector<16xf32>, vector<16xf32> -> vector<32xbf16>
        %mul3A_1058 = arith.mulf %pack3A_1057, %bitcast3A_1046 : vector<32xbf16>
        %add3A_1059 = arith.addf %add3A_1038, %mul3A_1058 : vector<32xbf16>
        %mul3A_1060 = arith.mulf %pack3A_1057, %pack3A_1057 : vector<32xbf16>
        %add3A_1061 = arith.addf %add3A_1040, %mul3A_1060 : vector<32xbf16>
        %unpack3A = tpu.unpack_subelements %add3A_1059, 0 {pack_format = #tpu.pack_format<interleaved>} : vector<32xbf16> -> vector<16xf32>
        %unpack3A_1062 = tpu.unpack_subelements %add3A_1059, 1 {pack_format = #tpu.pack_format<interleaved>} : vector<32xbf16> -> vector<16xf32>
        %unpack3A_1063 = tpu.unpack_subelements %add3A_1061, 0 {pack_format = #tpu.pack_format<interleaved>} : vector<32xbf16> -> vector<16xf32>
        %unpack3A_1064 = tpu.unpack_subelements %add3A_1061, 1 {pack_format = #tpu.pack_format<interleaved>} : vector<32xbf16> -> vector<16xf32>
        %add3A_1065 = arith.addf %broadcast_in_dim3A_893, %unpack3A : vector<16xf32>
        %add3A_1066 = arith.addf %broadcast_in_dim3A_893, %unpack3A_1062 : vector<16xf32>
        %add3A_1067 = arith.addf %broadcast_in_dim3A_893, %unpack3A_1063 : vector<16xf32>
        %add3A_1068 = arith.addf %broadcast_in_dim3A_893, %unpack3A_1064 : vector<16xf32>
        %get3A_1069 = arith.constant 1 : i32
        %get3A_1070 = arith.index_cast %get3A_1069 : i32 to index
        %get3A_1071 = arith.index_cast %scan3A_890 : i32 to index
        %get3A_1072 = arith.constant 128 : index
        %get3A_1073 = tpu.vector_load %arg8[%get3A_1070, %get3A_1071, %get3A_1072] {strides = array<i32>} : memref<4x16x512xi32, #tpu.memory_space<vmem>>, vector<16xi32>,
        %bitcast3A_1074 = vector.bitcast %get3A_1073 : vector<16xi32> to vector<32xbf16>
        %get3A_1075 = arith.constant 1 : i32
        %get3A_1076 = arith.index_cast %get3A_1075 : i32 to index
        %get3A_1077 = arith.index_cast %scan3A_890 : i32 to index
        %get3A_1078 = arith.constant 256 : index
        %get3A_1079 = tpu.vector_load %arg7[%get3A_1076, %get3A_1077, %get3A_1078] {strides = array<i32>} : memref<4x16x1024xf32, #tpu.memory_space<vmem>>, vector<16xf32>,
        %get3A_1080 = arith.constant 1 : i32
        %get3A_1081 = arith.index_cast %get3A_1080 : i32 to index
        %get3A_1082 = arith.index_cast %scan3A_890 : i32 to index
        %get3A_1083 = arith.constant 272 : index
        %get3A_1084 = tpu.vector_load %arg7[%get3A_1081, %get3A_1082, %get3A_1083] {strides = array<i32>} : memref<4x16x1024xf32, #tpu.memory_space<vmem>>, vector<16xf32>,
        %pack3A_1085 = tpu.pack_subelements %get3A_1079, %get3A_1084 {pack_format = #tpu.pack_format<interleaved>, positions = array<i32: 0, 1>} : vector<16xf32>, vector<16xf32> -> vector<32xbf16>
        %mul3A_1086 = arith.mulf %pack3A_1085, %bitcast3A_1074 : vector<32xbf16>
        %add3A_1087 = arith.addf %broadcast_in_dim3A_895, %mul3A_1086 : vector<32xbf16>
        %mul3A_1088 = arith.mulf %pack3A_1085, %pack3A_1085 : vector<32xbf16>
        %add3A_1089 = arith.addf %broadcast_in_dim3A_895, %mul3A_1088 : vector<32xbf16>
        %get3A_1090 = arith.constant 1 : i32
        %get3A_1091 = arith.index_cast %get3A_1090 : i32 to index
        %get3A_1092 = arith.index_cast %scan3A_890 : i32 to index
        %get3A_1093 = arith.constant 144 : index
        %get3A_1094 = tpu.vector_load %arg8[%get3A_1091, %get3A_1092, %get3A_1093] {strides = array<i32>} : memref<4x16x512xi32, #tpu.memory_space<vmem>>, vector<16xi32>,
        %bitcast3A_1095 = vector.bitcast %get3A_1094 : vector<16xi32> to vector<32xbf16>
        %get3A_1096 = arith.constant 1 : i32
        %get3A_1097 = arith.index_cast %get3A_1096 : i32 to index
        %get3A_1098 = arith.index_cast %scan3A_890 : i32 to index
        %get3A_1099 = arith.constant 288 : index
        %get3A_1100 = tpu.vector_load %arg7[%get3A_1097, %get3A_1098, %get3A_1099] {strides = array<i32>} : memref<4x16x1024xf32, #tpu.memory_space<vmem>>, vector<16xf32>,
        %get3A_1101 = arith.constant 1 : i32
        %get3A_1102 = arith.index_cast %get3A_1101 : i32 to index
        %get3A_1103 = arith.index_cast %scan3A_890 : i32 to index
        %get3A_1104 = arith.constant 304 : index
        %get3A_1105 = tpu.vector_load %arg7[%get3A_1102, %get3A_1103, %get3A_1104] {strides = array<i32>} : memref<4x16x1024xf32, #tpu.memory_space<vmem>>, vector<16xf32>,
        %pack3A_1106 = tpu.pack_subelements %get3A_1100, %get3A_1105 {pack_format = #tpu.pack_format<interleaved>, positions = array<i32: 0, 1>} : vector<16xf32>, vector<16xf32> -> vector<32xbf16>
        %mul3A_1107 = arith.mulf %pack3A_1106, %bitcast3A_1095 : vector<32xbf16>
        %add3A_1108 = arith.addf %add3A_1087, %mul3A_1107 : vector<32xbf16>
        %mul3A_1109 = arith.mulf %pack3A_1106, %pack3A_1106 : vector<32xbf16>
        %add3A_1110 = arith.addf %add3A_1089, %mul3A_1109 : vector<32xbf16>
        %get3A_1111 = arith.constant 1 : i32
        %get3A_1112 = arith.index_cast %get3A_1111 : i32 to index
        %get3A_1113 = arith.index_cast %scan3A_890 : i32 to index
        %get3A_1114 = arith.constant 160 : index
        %get3A_1115 = tpu.vector_load %arg8[%get3A_1112, %get3A_1113, %get3A_1114] {strides = array<i32>} : memref<4x16x512xi32, #tpu.memory_space<vmem>>, vector<16xi32>,
        %bitcast3A_1116 = vector.bitcast %get3A_1115 : vector<16xi32> to vector<32xbf16>
        %get3A_1117 = arith.constant 1 : i32
        %get3A_1118 = arith.index_cast %get3A_1117 : i32 to index
        %get3A_1119 = arith.index_cast %scan3A_890 : i32 to index
        %get3A_1120 = arith.constant 320 : index
        %get3A_1121 = tpu.vector_load %arg7[%get3A_1118, %get3A_1119, %get3A_1120] {strides = array<i32>} : memref<4x16x1024xf32, #tpu.memory_space<vmem>>, vector<16xf32>,
        %get3A_1122 = arith.constant 1 : i32
        %get3A_1123 = arith.index_cast %get3A_1122 : i32 to index
        %get3A_1124 = arith.index_cast %scan3A_890 : i32 to index
        %get3A_1125 = arith.constant 336 : index
        %get3A_1126 = tpu.vector_load %arg7[%get3A_1123, %get3A_1124, %get3A_1125] {strides = array<i32>} : memref<4x16x1024xf32, #tpu.memory_space<vmem>>, vector<16xf32>,
        %pack3A_1127 = tpu.pack_subelements %get3A_1121, %get3A_1126 {pack_format = #tpu.pack_format<interleaved>, positions = array<i32: 0, 1>} : vector<16xf32>, vector<16xf32> -> vector<32xbf16>
        %mul3A_1128 = arith.mulf %pack3A_1127, %bitcast3A_1116 : vector<32xbf16>
        %add3A_1129 = arith.addf %add3A_1108, %mul3A_1128 : vector<32xbf16>
        %mul3A_1130 = arith.mulf %pack3A_1127, %pack3A_1127 : vector<32xbf16>
        %add3A_1131 = arith.addf %add3A_1110, %mul3A_1130 : vector<32xbf16>
        %get3A_1132 = arith.constant 1 : i32
        %get3A_1133 = arith.index_cast %get3A_1132 : i32 to index
        %get3A_1134 = arith.index_cast %scan3A_890 : i32 to index
        %get3A_1135 = arith.constant 176 : index
        %get3A_1136 = tpu.vector_load %arg8[%get3A_1133, %get3A_1134, %get3A_1135] {strides = array<i32>} : memref<4x16x512xi32, #tpu.memory_space<vmem>>, vector<16xi32>,
        %bitcast3A_1137 = vector.bitcast %get3A_1136 : vector<16xi32> to vector<32xbf16>
        %get3A_1138 = arith.constant 1 : i32
        %get3A_1139 = arith.index_cast %get3A_1138 : i32 to index
        %get3A_1140 = arith.index_cast %scan3A_890 : i32 to index
        %get3A_1141 = arith.constant 352 : index
        %get3A_1142 = tpu.vector_load %arg7[%get3A_1139, %get3A_1140, %get3A_1141] {strides = array<i32>} : memref<4x16x1024xf32, #tpu.memory_space<vmem>>, vector<16xf32>,
        %get3A_1143 = arith.constant 1 : i32
        %get3A_1144 = arith.index_cast %get3A_1143 : i32 to index
        %get3A_1145 = arith.index_cast %scan3A_890 : i32 to index
        %get3A_1146 = arith.constant 368 : index
        %get3A_1147 = tpu.vector_load %arg7[%get3A_1144, %get3A_1145, %get3A_1146] {strides = array<i32>} : memref<4x16x1024xf32, #tpu.memory_space<vmem>>, vector<16xf32>,
        %pack3A_1148 = tpu.pack_subelements %get3A_1142, %get3A_1147 {pack_format = #tpu.pack_format<interleaved>, positions = array<i32: 0, 1>} : vector<16xf32>, vector<16xf32> -> vector<32xbf16>
        %mul3A_1149 = arith.mulf %pack3A_1148, %bitcast3A_1137 : vector<32xbf16>
        %add3A_1150 = arith.addf %add3A_1129, %mul3A_1149 : vector<32xbf16>
        %mul3A_1151 = arith.mulf %pack3A_1148, %pack3A_1148 : vector<32xbf16>
        %add3A_1152 = arith.addf %add3A_1131, %mul3A_1151 : vector<32xbf16>
        %get3A_1153 = arith.constant 1 : i32
        %get3A_1154 = arith.index_cast %get3A_1153 : i32 to index
        %get3A_1155 = arith.index_cast %scan3A_890 : i32 to index
        %get3A_1156 = arith.constant 192 : index
        %get3A_1157 = tpu.vector_load %arg8[%get3A_1154, %get3A_1155, %get3A_1156] {strides = array<i32>} : memref<4x16x512xi32, #tpu.memory_space<vmem>>, vector<16xi32>,
        %bitcast3A_1158 = vector.bitcast %get3A_1157 : vector<16xi32> to vector<32xbf16>
        %get3A_1159 = arith.constant 1 : i32
        %get3A_1160 = arith.index_cast %get3A_1159 : i32 to index
        %get3A_1161 = arith.index_cast %scan3A_890 : i32 to index
        %get3A_1162 = arith.constant 384 : index
        %get3A_1163 = tpu.vector_load %arg7[%get3A_1160, %get3A_1161, %get3A_1162] {strides = array<i32>} : memref<4x16x1024xf32, #tpu.memory_space<vmem>>, vector<16xf32>,
        %get3A_1164 = arith.constant 1 : i32
        %get3A_1165 = arith.index_cast %get3A_1164 : i32 to index
        %get3A_1166 = arith.index_cast %scan3A_890 : i32 to index
        %get3A_1167 = arith.constant 400 : index
        %get3A_1168 = tpu.vector_load %arg7[%get3A_1165, %get3A_1166, %get3A_1167] {strides = array<i32>} : memref<4x16x1024xf32, #tpu.memory_space<vmem>>, vector<16xf32>,
        %pack3A_1169 = tpu.pack_subelements %get3A_1163, %get3A_1168 {pack_format = #tpu.pack_format<interleaved>, positions = array<i32: 0, 1>} : vector<16xf32>, vector<16xf32> -> vector<32xbf16>
        %mul3A_1170 = arith.mulf %pack3A_1169, %bitcast3A_1158 : vector<32xbf16>
        %add3A_1171 = arith.addf %add3A_1150, %mul3A_1170 : vector<32xbf16>
        %mul3A_1172 = arith.mulf %pack3A_1169, %pack3A_1169 : vector<32xbf16>
        %add3A_1173 = arith.addf %add3A_1152, %mul3A_1172 : vector<32xbf16>
        %get3A_1174 = arith.constant 1 : i32
        %get3A_1175 = arith.index_cast %get3A_1174 : i32 to index
        %get3A_1176 = arith.index_cast %scan3A_890 : i32 to index
        %get3A_1177 = arith.constant 208 : index
        %get3A_1178 = tpu.vector_load %arg8[%get3A_1175, %get3A_1176, %get3A_1177] {strides = array<i32>} : memref<4x16x512xi32, #tpu.memory_space<vmem>>, vector<16xi32>,
        %bitcast3A_1179 = vector.bitcast %get3A_1178 : vector<16xi32> to vector<32xbf16>
        %get3A_1180 = arith.constant 1 : i32
        %get3A_1181 = arith.index_cast %get3A_1180 : i32 to index
        %get3A_1182 = arith.index_cast %scan3A_890 : i32 to index
        %get3A_1183 = arith.constant 416 : index
        %get3A_1184 = tpu.vector_load %arg7[%get3A_1181, %get3A_1182, %get3A_1183] {strides = array<i32>} : memref<4x16x1024xf32, #tpu.memory_space<vmem>>, vector<16xf32>,
        %get3A_1185 = arith.constant 1 : i32
        %get3A_1186 = arith.index_cast %get3A_1185 : i32 to index
        %get3A_1187 = arith.index_cast %scan3A_890 : i32 to index
        %get3A_1188 = arith.constant 432 : index
        %get3A_1189 = tpu.vector_load %arg7[%get3A_1186, %get3A_1187, %get3A_1188] {strides = array<i32>} : memref<4x16x1024xf32, #tpu.memory_space<vmem>>, vector<16xf32>,
        %pack3A_1190 = tpu.pack_subelements %get3A_1184, %get3A_1189 {pack_format = #tpu.pack_format<interleaved>, positions = array<i32: 0, 1>} : vector<16xf32>, vector<16xf32> -> vector<32xbf16>
        %mul3A_1191 = arith.mulf %pack3A_1190, %bitcast3A_1179 : vector<32xbf16>
        %add3A_1192 = arith.addf %add3A_1171, %mul3A_1191 : vector<32xbf16>
        %mul3A_1193 = arith.mulf %pack3A_1190, %pack3A_1190 : vector<32xbf16>
        %add3A_1194 = arith.addf %add3A_1173, %mul3A_1193 : vector<32xbf16>
        %get3A_1195 = arith.constant 1 : i32
        %get3A_1196 = arith.index_cast %get3A_1195 : i32 to index
        %get3A_1197 = arith.index_cast %scan3A_890 : i32 to index
        %get3A_1198 = arith.constant 224 : index
        %get3A_1199 = tpu.vector_load %arg8[%get3A_1196, %get3A_1197, %get3A_1198] {strides = array<i32>} : memref<4x16x512xi32, #tpu.memory_space<vmem>>, vector<16xi32>,
        %bitcast3A_1200 = vector.bitcast %get3A_1199 : vector<16xi32> to vector<32xbf16>
        %get3A_1201 = arith.constant 1 : i32
        %get3A_1202 = arith.index_cast %get3A_1201 : i32 to index
        %get3A_1203 = arith.index_cast %scan3A_890 : i32 to index
        %get3A_1204 = arith.constant 448 : index
        %get3A_1205 = tpu.vector_load %arg7[%get3A_1202, %get3A_1203, %get3A_1204] {strides = array<i32>} : memref<4x16x1024xf32, #tpu.memory_space<vmem>>, vector<16xf32>,
        %get3A_1206 = arith.constant 1 : i32
        %get3A_1207 = arith.index_cast %get3A_1206 : i32 to index
        %get3A_1208 = arith.index_cast %scan3A_890 : i32 to index
        %get3A_1209 = arith.constant 464 : index
        %get3A_1210 = tpu.vector_load %arg7[%get3A_1207, %get3A_1208, %get3A_1209] {strides = array<i32>} : memref<4x16x1024xf32, #tpu.memory_space<vmem>>, vector<16xf32>,
        %pack3A_1211 = tpu.pack_subelements %get3A_1205, %get3A_1210 {pack_format = #tpu.pack_format<interleaved>, positions = array<i32: 0, 1>} : vector<16xf32>, vector<16xf32> -> vector<32xbf16>
        %mul3A_1212 = arith.mulf %pack3A_1211, %bitcast3A_1200 : vector<32xbf16>
        %add3A_1213 = arith.addf %add3A_1192, %mul3A_1212 : vector<32xbf16>
        %mul3A_1214 = arith.mulf %pack3A_1211, %pack3A_1211 : vector<32xbf16>
        %add3A_1215 = arith.addf %add3A_1194, %mul3A_1214 : vector<32xbf16>
        %get3A_1216 = arith.constant 1 : i32
        %get3A_1217 = arith.index_cast %get3A_1216 : i32 to index
        %get3A_1218 = arith.index_cast %scan3A_890 : i32 to index
        %get3A_1219 = arith.constant 240 : index
        %get3A_1220 = tpu.vector_load %arg8[%get3A_1217, %get3A_1218, %get3A_1219] {strides = array<i32>} : memref<4x16x512xi32, #tpu.memory_space<vmem>>, vector<16xi32>,
        %bitcast3A_1221 = vector.bitcast %get3A_1220 : vector<16xi32> to vector<32xbf16>
        %get3A_1222 = arith.constant 1 : i32
        %get3A_1223 = arith.index_cast %get3A_1222 : i32 to index
        %get3A_1224 = arith.index_cast %scan3A_890 : i32 to index
        %get3A_1225 = arith.constant 480 : index
        %get3A_1226 = tpu.vector_load %arg7[%get3A_1223, %get3A_1224, %get3A_1225] {strides = array<i32>} : memref<4x16x1024xf32, #tpu.memory_space<vmem>>, vector<16xf32>,
        %get3A_1227 = arith.constant 1 : i32
        %get3A_1228 = arith.index_cast %get3A_1227 : i32 to index
        %get3A_1229 = arith.index_cast %scan3A_890 : i32 to index
        %get3A_1230 = arith.constant 496 : index
        %get3A_1231 = tpu.vector_load %arg7[%get3A_1228, %get3A_1229, %get3A_1230] {strides = array<i32>} : memref<4x16x1024xf32, #tpu.memory_space<vmem>>, vector<16xf32>,
        %pack3A_1232 = tpu.pack_subelements %get3A_1226, %get3A_1231 {pack_format = #tpu.pack_format<interleaved>, positions = array<i32: 0, 1>} : vector<16xf32>, vector<16xf32> -> vector<32xbf16>
        %mul3A_1233 = arith.mulf %pack3A_1232, %bitcast3A_1221 : vector<32xbf16>
        %add3A_1234 = arith.addf %add3A_1213, %mul3A_1233 : vector<32xbf16>
        %mul3A_1235 = arith.mulf %pack3A_1232, %pack3A_1232 : vector<32xbf16>
        %add3A_1236 = arith.addf %add3A_1215, %mul3A_1235 : vector<32xbf16>
        %unpack3A_1237 = tpu.unpack_subelements %add3A_1234, 0 {pack_format = #tpu.pack_format<interleaved>} : vector<32xbf16> -> vector<16xf32>
        %unpack3A_1238 = tpu.unpack_subelements %add3A_1234, 1 {pack_format = #tpu.pack_format<interleaved>} : vector<32xbf16> -> vector<16xf32>
        %unpack3A_1239 = tpu.unpack_subelements %add3A_1236, 0 {pack_format = #tpu.pack_format<interleaved>} : vector<32xbf16> -> vector<16xf32>
        %unpack3A_1240 = tpu.unpack_subelements %add3A_1236, 1 {pack_format = #tpu.pack_format<interleaved>} : vector<32xbf16> -> vector<16xf32>
        %add3A_1241 = arith.addf %add3A_1065, %unpack3A_1237 : vector<16xf32>
        %add3A_1242 = arith.addf %add3A_1066, %unpack3A_1238 : vector<16xf32>
        %add3A_1243 = arith.addf %add3A_1067, %unpack3A_1239 : vector<16xf32>
        %add3A_1244 = arith.addf %add3A_1068, %unpack3A_1240 : vector<16xf32>
        %get3A_1245 = arith.constant 1 : i32
        %get3A_1246 = arith.index_cast %get3A_1245 : i32 to index
        %get3A_1247 = arith.index_cast %scan3A_890 : i32 to index
        %get3A_1248 = arith.constant 256 : index
        %get3A_1249 = tpu.vector_load %arg8[%get3A_1246, %get3A_1247, %get3A_1248] {strides = array<i32>} : memref<4x16x512xi32, #tpu.memory_space<vmem>>, vector<16xi32>,
        %bitcast3A_1250 = vector.bitcast %get3A_1249 : vector<16xi32> to vector<32xbf16>
        %get3A_1251 = arith.constant 1 : i32
        %get3A_1252 = arith.index_cast %get3A_1251 : i32 to index
        %get3A_1253 = arith.index_cast %scan3A_890 : i32 to index
        %get3A_1254 = arith.constant 512 : index
        %get3A_1255 = tpu.vector_load %arg7[%get3A_1252, %get3A_1253, %get3A_1254] {strides = array<i32>} : memref<4x16x1024xf32, #tpu.memory_space<vmem>>, vector<16xf32>,
        %get3A_1256 = arith.constant 1 : i32
        %get3A_1257 = arith.index_cast %get3A_1256 : i32 to index
        %get3A_1258 = arith.index_cast %scan3A_890 : i32 to index
        %get3A_1259 = arith.constant 528 : index
        %get3A_1260 = tpu.vector_load %arg7[%get3A_1257, %get3A_1258, %get3A_1259] {strides = array<i32>} : memref<4x16x1024xf32, #tpu.memory_space<vmem>>, vector<16xf32>,
        %pack3A_1261 = tpu.pack_subelements %get3A_1255, %get3A_1260 {pack_format = #tpu.pack_format<interleaved>, positions = array<i32: 0, 1>} : vector<16xf32>, vector<16xf32> -> vector<32xbf16>
        %mul3A_1262 = arith.mulf %pack3A_1261, %bitcast3A_1250 : vector<32xbf16>
        %add3A_1263 = arith.addf %broadcast_in_dim3A_895, %mul3A_1262 : vector<32xbf16>
        %mul3A_1264 = arith.mulf %pack3A_1261, %pack3A_1261 : vector<32xbf16>
        %add3A_1265 = arith.addf %broadcast_in_dim3A_895, %mul3A_1264 : vector<32xbf16>
        %get3A_1266 = arith.constant 1 : i32
        %get3A_1267 = arith.index_cast %get3A_1266 : i32 to index
        %get3A_1268 = arith.index_cast %scan3A_890 : i32 to index
        %get3A_1269 = arith.constant 272 : index
        %get3A_1270 = tpu.vector_load %arg8[%get3A_1267, %get3A_1268, %get3A_1269] {strides = array<i32>} : memref<4x16x512xi32, #tpu.memory_space<vmem>>, vector<16xi32>,
        %bitcast3A_1271 = vector.bitcast %get3A_1270 : vector<16xi32> to vector<32xbf16>
        %get3A_1272 = arith.constant 1 : i32
        %get3A_1273 = arith.index_cast %get3A_1272 : i32 to index
        %get3A_1274 = arith.index_cast %scan3A_890 : i32 to index
        %get3A_1275 = arith.constant 544 : index
        %get3A_1276 = tpu.vector_load %arg7[%get3A_1273, %get3A_1274, %get3A_1275] {strides = array<i32>} : memref<4x16x1024xf32, #tpu.memory_space<vmem>>, vector<16xf32>,
        %get3A_1277 = arith.constant 1 : i32
        %get3A_1278 = arith.index_cast %get3A_1277 : i32 to index
        %get3A_1279 = arith.index_cast %scan3A_890 : i32 to index
        %get3A_1280 = arith.constant 560 : index
        %get3A_1281 = tpu.vector_load %arg7[%get3A_1278, %get3A_1279, %get3A_1280] {strides = array<i32>} : memref<4x16x1024xf32, #tpu.memory_space<vmem>>, vector<16xf32>,
        %pack3A_1282 = tpu.pack_subelements %get3A_1276, %get3A_1281 {pack_format = #tpu.pack_format<interleaved>, positions = array<i32: 0, 1>} : vector<16xf32>, vector<16xf32> -> vector<32xbf16>
        %mul3A_1283 = arith.mulf %pack3A_1282, %bitcast3A_1271 : vector<32xbf16>
        %add3A_1284 = arith.addf %add3A_1263, %mul3A_1283 : vector<32xbf16>
        %mul3A_1285 = arith.mulf %pack3A_1282, %pack3A_1282 : vector<32xbf16>
        %add3A_1286 = arith.addf %add3A_1265, %mul3A_1285 : vector<32xbf16>
        %get3A_1287 = arith.constant 1 : i32
        %get3A_1288 = arith.index_cast %get3A_1287 : i32 to index
        %get3A_1289 = arith.index_cast %scan3A_890 : i32 to index
        %get3A_1290 = arith.constant 288 : index
        %get3A_1291 = tpu.vector_load %arg8[%get3A_1288, %get3A_1289, %get3A_1290] {strides = array<i32>} : memref<4x16x512xi32, #tpu.memory_space<vmem>>, vector<16xi32>,
        %bitcast3A_1292 = vector.bitcast %get3A_1291 : vector<16xi32> to vector<32xbf16>
        %get3A_1293 = arith.constant 1 : i32
        %get3A_1294 = arith.index_cast %get3A_1293 : i32 to index
        %get3A_1295 = arith.index_cast %scan3A_890 : i32 to index
        %get3A_1296 = arith.constant 576 : index
        %get3A_1297 = tpu.vector_load %arg7[%get3A_1294, %get3A_1295, %get3A_1296] {strides = array<i32>} : memref<4x16x1024xf32, #tpu.memory_space<vmem>>, vector<16xf32>,
        %get3A_1298 = arith.constant 1 : i32
        %get3A_1299 = arith.index_cast %get3A_1298 : i32 to index
        %get3A_1300 = arith.index_cast %scan3A_890 : i32 to index
        %get3A_1301 = arith.constant 592 : index
        %get3A_1302 = tpu.vector_load %arg7[%get3A_1299, %get3A_1300, %get3A_1301] {strides = array<i32>} : memref<4x16x1024xf32, #tpu.memory_space<vmem>>, vector<16xf32>,
        %pack3A_1303 = tpu.pack_subelements %get3A_1297, %get3A_1302 {pack_format = #tpu.pack_format<interleaved>, positions = array<i32: 0, 1>} : vector<16xf32>, vector<16xf32> -> vector<32xbf16>
        %mul3A_1304 = arith.mulf %pack3A_1303, %bitcast3A_1292 : vector<32xbf16>
        %add3A_1305 = arith.addf %add3A_1284, %mul3A_1304 : vector<32xbf16>
        %mul3A_1306 = arith.mulf %pack3A_1303, %pack3A_1303 : vector<32xbf16>
        %add3A_1307 = arith.addf %add3A_1286, %mul3A_1306 : vector<32xbf16>
        %get3A_1308 = arith.constant 1 : i32
        %get3A_1309 = arith.index_cast %get3A_1308 : i32 to index
        %get3A_1310 = arith.index_cast %scan3A_890 : i32 to index
        %get3A_1311 = arith.constant 304 : index
        %get3A_1312 = tpu.vector_load %arg8[%get3A_1309, %get3A_1310, %get3A_1311] {strides = array<i32>} : memref<4x16x512xi32, #tpu.memory_space<vmem>>, vector<16xi32>,
        %bitcast3A_1313 = vector.bitcast %get3A_1312 : vector<16xi32> to vector<32xbf16>
        %get3A_1314 = arith.constant 1 : i32
        %get3A_1315 = arith.index_cast %get3A_1314 : i32 to index
        %get3A_1316 = arith.index_cast %scan3A_890 : i32 to index
        %get3A_1317 = arith.constant 608 : index
        %get3A_1318 = tpu.vector_load %arg7[%get3A_1315, %get3A_1316, %get3A_1317] {strides = array<i32>} : memref<4x16x1024xf32, #tpu.memory_space<vmem>>, vector<16xf32>,
        %get3A_1319 = arith.constant 1 : i32
        %get3A_1320 = arith.index_cast %get3A_1319 : i32 to index
        %get3A_1321 = arith.index_cast %scan3A_890 : i32 to index
        %get3A_1322 = arith.constant 624 : index
        %get3A_1323 = tpu.vector_load %arg7[%get3A_1320, %get3A_1321, %get3A_1322] {strides = array<i32>} : memref<4x16x1024xf32, #tpu.memory_space<vmem>>, vector<16xf32>,
        %pack3A_1324 = tpu.pack_subelements %get3A_1318, %get3A_1323 {pack_format = #tpu.pack_format<interleaved>, positions = array<i32: 0, 1>} : vector<16xf32>, vector<16xf32> -> vector<32xbf16>
        %mul3A_1325 = arith.mulf %pack3A_1324, %bitcast3A_1313 : vector<32xbf16>
        %add3A_1326 = arith.addf %add3A_1305, %mul3A_1325 : vector<32xbf16>
        %mul3A_1327 = arith.mulf %pack3A_1324, %pack3A_1324 : vector<32xbf16>
        %add3A_1328 = arith.addf %add3A_1307, %mul3A_1327 : vector<32xbf16>
        %get3A_1329 = arith.constant 1 : i32
        %get3A_1330 = arith.index_cast %get3A_1329 : i32 to index
        %get3A_1331 = arith.index_cast %scan3A_890 : i32 to index
        %get3A_1332 = arith.constant 320 : index
        %get3A_1333 = tpu.vector_load %arg8[%get3A_1330, %get3A_1331, %get3A_1332] {strides = array<i32>} : memref<4x16x512xi32, #tpu.memory_space<vmem>>, vector<16xi32>,
        %bitcast3A_1334 = vector.bitcast %get3A_1333 : vector<16xi32> to vector<32xbf16>
        %get3A_1335 = arith.constant 1 : i32
        %get3A_1336 = arith.index_cast %get3A_1335 : i32 to index
        %get3A_1337 = arith.index_cast %scan3A_890 : i32 to index
        %get3A_1338 = arith.constant 640 : index
        %get3A_1339 = tpu.vector_load %arg7[%get3A_1336, %get3A_1337, %get3A_1338] {strides = array<i32>} : memref<4x16x1024xf32, #tpu.memory_space<vmem>>, vector<16xf32>,
        %get3A_1340 = arith.constant 1 : i32
        %get3A_1341 = arith.index_cast %get3A_1340 : i32 to index
        %get3A_1342 = arith.index_cast %scan3A_890 : i32 to index
        %get3A_1343 = arith.constant 656 : index
        %get3A_1344 = tpu.vector_load %arg7[%get3A_1341, %get3A_1342, %get3A_1343] {strides = array<i32>} : memref<4x16x1024xf32, #tpu.memory_space<vmem>>, vector<16xf32>,
        %pack3A_1345 = tpu.pack_subelements %get3A_1339, %get3A_1344 {pack_format = #tpu.pack_format<interleaved>, positions = array<i32: 0, 1>} : vector<16xf32>, vector<16xf32> -> vector<32xbf16>
        %mul3A_1346 = arith.mulf %pack3A_1345, %bitcast3A_1334 : vector<32xbf16>
        %add3A_1347 = arith.addf %add3A_1326, %mul3A_1346 : vector<32xbf16>
        %mul3A_1348 = arith.mulf %pack3A_1345, %pack3A_1345 : vector<32xbf16>
        %add3A_1349 = arith.addf %add3A_1328, %mul3A_1348 : vector<32xbf16>
        %get3A_1350 = arith.constant 1 : i32
        %get3A_1351 = arith.index_cast %get3A_1350 : i32 to index
        %get3A_1352 = arith.index_cast %scan3A_890 : i32 to index
        %get3A_1353 = arith.constant 336 : index
        %get3A_1354 = tpu.vector_load %arg8[%get3A_1351, %get3A_1352, %get3A_1353] {strides = array<i32>} : memref<4x16x512xi32, #tpu.memory_space<vmem>>, vector<16xi32>,
        %bitcast3A_1355 = vector.bitcast %get3A_1354 : vector<16xi32> to vector<32xbf16>
        %get3A_1356 = arith.constant 1 : i32
        %get3A_1357 = arith.index_cast %get3A_1356 : i32 to index
        %get3A_1358 = arith.index_cast %scan3A_890 : i32 to index
        %get3A_1359 = arith.constant 672 : index
        %get3A_1360 = tpu.vector_load %arg7[%get3A_1357, %get3A_1358, %get3A_1359] {strides = array<i32>} : memref<4x16x1024xf32, #tpu.memory_space<vmem>>, vector<16xf32>,
        %get3A_1361 = arith.constant 1 : i32
        %get3A_1362 = arith.index_cast %get3A_1361 : i32 to index
        %get3A_1363 = arith.index_cast %scan3A_890 : i32 to index
        %get3A_1364 = arith.constant 688 : index
        %get3A_1365 = tpu.vector_load %arg7[%get3A_1362, %get3A_1363, %get3A_1364] {strides = array<i32>} : memref<4x16x1024xf32, #tpu.memory_space<vmem>>, vector<16xf32>,
        %pack3A_1366 = tpu.pack_subelements %get3A_1360, %get3A_1365 {pack_format = #tpu.pack_format<interleaved>, positions = array<i32: 0, 1>} : vector<16xf32>, vector<16xf32> -> vector<32xbf16>
        %mul3A_1367 = arith.mulf %pack3A_1366, %bitcast3A_1355 : vector<32xbf16>
        %add3A_1368 = arith.addf %add3A_1347, %mul3A_1367 : vector<32xbf16>
        %mul3A_1369 = arith.mulf %pack3A_1366, %pack3A_1366 : vector<32xbf16>
        %add3A_1370 = arith.addf %add3A_1349, %mul3A_1369 : vector<32xbf16>
        %get3A_1371 = arith.constant 1 : i32
        %get3A_1372 = arith.index_cast %get3A_1371 : i32 to index
        %get3A_1373 = arith.index_cast %scan3A_890 : i32 to index
        %get3A_1374 = arith.constant 352 : index
        %get3A_1375 = tpu.vector_load %arg8[%get3A_1372, %get3A_1373, %get3A_1374] {strides = array<i32>} : memref<4x16x512xi32, #tpu.memory_space<vmem>>, vector<16xi32>,
        %bitcast3A_1376 = vector.bitcast %get3A_1375 : vector<16xi32> to vector<32xbf16>
        %get3A_1377 = arith.constant 1 : i32
        %get3A_1378 = arith.index_cast %get3A_1377 : i32 to index
        %get3A_1379 = arith.index_cast %scan3A_890 : i32 to index
        %get3A_1380 = arith.constant 704 : index
        %get3A_1381 = tpu.vector_load %arg7[%get3A_1378, %get3A_1379, %get3A_1380] {strides = array<i32>} : memref<4x16x1024xf32, #tpu.memory_space<vmem>>, vector<16xf32>,
        %get3A_1382 = arith.constant 1 : i32
        %get3A_1383 = arith.index_cast %get3A_1382 : i32 to index
        %get3A_1384 = arith.index_cast %scan3A_890 : i32 to index
        %get3A_1385 = arith.constant 720 : index
        %get3A_1386 = tpu.vector_load %arg7[%get3A_1383, %get3A_1384, %get3A_1385] {strides = array<i32>} : memref<4x16x1024xf32, #tpu.memory_space<vmem>>, vector<16xf32>,
        %pack3A_1387 = tpu.pack_subelements %get3A_1381, %get3A_1386 {pack_format = #tpu.pack_format<interleaved>, positions = array<i32: 0, 1>} : vector<16xf32>, vector<16xf32> -> vector<32xbf16>
        %mul3A_1388 = arith.mulf %pack3A_1387, %bitcast3A_1376 : vector<32xbf16>
        %add3A_1389 = arith.addf %add3A_1368, %mul3A_1388 : vector<32xbf16>
        %mul3A_1390 = arith.mulf %pack3A_1387, %pack3A_1387 : vector<32xbf16>
        %add3A_1391 = arith.addf %add3A_1370, %mul3A_1390 : vector<32xbf16>
        %get3A_1392 = arith.constant 1 : i32
        %get3A_1393 = arith.index_cast %get3A_1392 : i32 to index
        %get3A_1394 = arith.index_cast %scan3A_890 : i32 to index
        %get3A_1395 = arith.constant 368 : index
        %get3A_1396 = tpu.vector_load %arg8[%get3A_1393, %get3A_1394, %get3A_1395] {strides = array<i32>} : memref<4x16x512xi32, #tpu.memory_space<vmem>>, vector<16xi32>,
        %bitcast3A_1397 = vector.bitcast %get3A_1396 : vector<16xi32> to vector<32xbf16>
        %get3A_1398 = arith.constant 1 : i32
        %get3A_1399 = arith.index_cast %get3A_1398 : i32 to index
        %get3A_1400 = arith.index_cast %scan3A_890 : i32 to index
        %get3A_1401 = arith.constant 736 : index
        %get3A_1402 = tpu.vector_load %arg7[%get3A_1399, %get3A_1400, %get3A_1401] {strides = array<i32>} : memref<4x16x1024xf32, #tpu.memory_space<vmem>>, vector<16xf32>,
        %get3A_1403 = arith.constant 1 : i32
        %get3A_1404 = arith.index_cast %get3A_1403 : i32 to index
        %get3A_1405 = arith.index_cast %scan3A_890 : i32 to index
        %get3A_1406 = arith.constant 752 : index
        %get3A_1407 = tpu.vector_load %arg7[%get3A_1404, %get3A_1405, %get3A_1406] {strides = array<i32>} : memref<4x16x1024xf32, #tpu.memory_space<vmem>>, vector<16xf32>,
        %pack3A_1408 = tpu.pack_subelements %get3A_1402, %get3A_1407 {pack_format = #tpu.pack_format<interleaved>, positions = array<i32: 0, 1>} : vector<16xf32>, vector<16xf32> -> vector<32xbf16>
        %mul3A_1409 = arith.mulf %pack3A_1408, %bitcast3A_1397 : vector<32xbf16>
        %add3A_1410 = arith.addf %add3A_1389, %mul3A_1409 : vector<32xbf16>
        %mul3A_1411 = arith.mulf %pack3A_1408, %pack3A_1408 : vector<32xbf16>
        %add3A_1412 = arith.addf %add3A_1391, %mul3A_1411 : vector<32xbf16>
        %unpack3A_1413 = tpu.unpack_subelements %add3A_1410, 0 {pack_format = #tpu.pack_format<interleaved>} : vector<32xbf16> -> vector<16xf32>
        %unpack3A_1414 = tpu.unpack_subelements %add3A_1410, 1 {pack_format = #tpu.pack_format<interleaved>} : vector<32xbf16> -> vector<16xf32>
        %unpack3A_1415 = tpu.unpack_subelements %add3A_1412, 0 {pack_format = #tpu.pack_format<interleaved>} : vector<32xbf16> -> vector<16xf32>
        %unpack3A_1416 = tpu.unpack_subelements %add3A_1412, 1 {pack_format = #tpu.pack_format<interleaved>} : vector<32xbf16> -> vector<16xf32>
        %add3A_1417 = arith.addf %add3A_1241, %unpack3A_1413 : vector<16xf32>
        %add3A_1418 = arith.addf %add3A_1242, %unpack3A_1414 : vector<16xf32>
        %add3A_1419 = arith.addf %add3A_1243, %unpack3A_1415 : vector<16xf32>
        %add3A_1420 = arith.addf %add3A_1244, %unpack3A_1416 : vector<16xf32>
        %get3A_1421 = arith.constant 1 : i32
        %get3A_1422 = arith.index_cast %get3A_1421 : i32 to index
        %get3A_1423 = arith.index_cast %scan3A_890 : i32 to index
        %get3A_1424 = arith.constant 384 : index
        %get3A_1425 = tpu.vector_load %arg8[%get3A_1422, %get3A_1423, %get3A_1424] {strides = array<i32>} : memref<4x16x512xi32, #tpu.memory_space<vmem>>, vector<16xi32>,
        %bitcast3A_1426 = vector.bitcast %get3A_1425 : vector<16xi32> to vector<32xbf16>
        %get3A_1427 = arith.constant 1 : i32
        %get3A_1428 = arith.index_cast %get3A_1427 : i32 to index
        %get3A_1429 = arith.index_cast %scan3A_890 : i32 to index
        %get3A_1430 = arith.constant 768 : index
        %get3A_1431 = tpu.vector_load %arg7[%get3A_1428, %get3A_1429, %get3A_1430] {strides = array<i32>} : memref<4x16x1024xf32, #tpu.memory_space<vmem>>, vector<16xf32>,
        %get3A_1432 = arith.constant 1 : i32
        %get3A_1433 = arith.index_cast %get3A_1432 : i32 to index
        %get3A_1434 = arith.index_cast %scan3A_890 : i32 to index
        %get3A_1435 = arith.constant 784 : index
        %get3A_1436 = tpu.vector_load %arg7[%get3A_1433, %get3A_1434, %get3A_1435] {strides = array<i32>} : memref<4x16x1024xf32, #tpu.memory_space<vmem>>, vector<16xf32>,
        %pack3A_1437 = tpu.pack_subelements %get3A_1431, %get3A_1436 {pack_format = #tpu.pack_format<interleaved>, positions = array<i32: 0, 1>} : vector<16xf32>, vector<16xf32> -> vector<32xbf16>
        %mul3A_1438 = arith.mulf %pack3A_1437, %bitcast3A_1426 : vector<32xbf16>
        %add3A_1439 = arith.addf %broadcast_in_dim3A_895, %mul3A_1438 : vector<32xbf16>
        %mul3A_1440 = arith.mulf %pack3A_1437, %pack3A_1437 : vector<32xbf16>
        %add3A_1441 = arith.addf %broadcast_in_dim3A_895, %mul3A_1440 : vector<32xbf16>
        %get3A_1442 = arith.constant 1 : i32
        %get3A_1443 = arith.index_cast %get3A_1442 : i32 to index
        %get3A_1444 = arith.index_cast %scan3A_890 : i32 to index
        %get3A_1445 = arith.constant 400 : index
        %get3A_1446 = tpu.vector_load %arg8[%get3A_1443, %get3A_1444, %get3A_1445] {strides = array<i32>} : memref<4x16x512xi32, #tpu.memory_space<vmem>>, vector<16xi32>,
        %bitcast3A_1447 = vector.bitcast %get3A_1446 : vector<16xi32> to vector<32xbf16>
        %get3A_1448 = arith.constant 1 : i32
        %get3A_1449 = arith.index_cast %get3A_1448 : i32 to index
        %get3A_1450 = arith.index_cast %scan3A_890 : i32 to index
        %get3A_1451 = arith.constant 800 : index
        %get3A_1452 = tpu.vector_load %arg7[%get3A_1449, %get3A_1450, %get3A_1451] {strides = array<i32>} : memref<4x16x1024xf32, #tpu.memory_space<vmem>>, vector<16xf32>,
        %get3A_1453 = arith.constant 1 : i32
        %get3A_1454 = arith.index_cast %get3A_1453 : i32 to index
        %get3A_1455 = arith.index_cast %scan3A_890 : i32 to index
        %get3A_1456 = arith.constant 816 : index
        %get3A_1457 = tpu.vector_load %arg7[%get3A_1454, %get3A_1455, %get3A_1456] {strides = array<i32>} : memref<4x16x1024xf32, #tpu.memory_space<vmem>>, vector<16xf32>,
        %pack3A_1458 = tpu.pack_subelements %get3A_1452, %get3A_1457 {pack_format = #tpu.pack_format<interleaved>, positions = array<i32: 0, 1>} : vector<16xf32>, vector<16xf32> -> vector<32xbf16>
        %mul3A_1459 = arith.mulf %pack3A_1458, %bitcast3A_1447 : vector<32xbf16>
        %add3A_1460 = arith.addf %add3A_1439, %mul3A_1459 : vector<32xbf16>
        %mul3A_1461 = arith.mulf %pack3A_1458, %pack3A_1458 : vector<32xbf16>
        %add3A_1462 = arith.addf %add3A_1441, %mul3A_1461 : vector<32xbf16>
        %get3A_1463 = arith.constant 1 : i32
        %get3A_1464 = arith.index_cast %get3A_1463 : i32 to index
        %get3A_1465 = arith.index_cast %scan3A_890 : i32 to index
        %get3A_1466 = arith.constant 416 : index
        %get3A_1467 = tpu.vector_load %arg8[%get3A_1464, %get3A_1465, %get3A_1466] {strides = array<i32>} : memref<4x16x512xi32, #tpu.memory_space<vmem>>, vector<16xi32>,
        %bitcast3A_1468 = vector.bitcast %get3A_1467 : vector<16xi32> to vector<32xbf16>
        %get3A_1469 = arith.constant 1 : i32
        %get3A_1470 = arith.index_cast %get3A_1469 : i32 to index
        %get3A_1471 = arith.index_cast %scan3A_890 : i32 to index
        %get3A_1472 = arith.constant 832 : index
        %get3A_1473 = tpu.vector_load %arg7[%get3A_1470, %get3A_1471, %get3A_1472] {strides = array<i32>} : memref<4x16x1024xf32, #tpu.memory_space<vmem>>, vector<16xf32>,
        %get3A_1474 = arith.constant 1 : i32
        %get3A_1475 = arith.index_cast %get3A_1474 : i32 to index
        %get3A_1476 = arith.index_cast %scan3A_890 : i32 to index
        %get3A_1477 = arith.constant 848 : index
        %get3A_1478 = tpu.vector_load %arg7[%get3A_1475, %get3A_1476, %get3A_1477] {strides = array<i32>} : memref<4x16x1024xf32, #tpu.memory_space<vmem>>, vector<16xf32>,
        %pack3A_1479 = tpu.pack_subelements %get3A_1473, %get3A_1478 {pack_format = #tpu.pack_format<interleaved>, positions = array<i32: 0, 1>} : vector<16xf32>, vector<16xf32> -> vector<32xbf16>
        %mul3A_1480 = arith.mulf %pack3A_1479, %bitcast3A_1468 : vector<32xbf16>
        %add3A_1481 = arith.addf %add3A_1460, %mul3A_1480 : vector<32xbf16>
        %mul3A_1482 = arith.mulf %pack3A_1479, %pack3A_1479 : vector<32xbf16>
        %add3A_1483 = arith.addf %add3A_1462, %mul3A_1482 : vector<32xbf16>
        %get3A_1484 = arith.constant 1 : i32
        %get3A_1485 = arith.index_cast %get3A_1484 : i32 to index
        %get3A_1486 = arith.index_cast %scan3A_890 : i32 to index
        %get3A_1487 = arith.constant 432 : index
        %get3A_1488 = tpu.vector_load %arg8[%get3A_1485, %get3A_1486, %get3A_1487] {strides = array<i32>} : memref<4x16x512xi32, #tpu.memory_space<vmem>>, vector<16xi32>,
        %bitcast3A_1489 = vector.bitcast %get3A_1488 : vector<16xi32> to vector<32xbf16>
        %get3A_1490 = arith.constant 1 : i32
        %get3A_1491 = arith.index_cast %get3A_1490 : i32 to index
        %get3A_1492 = arith.index_cast %scan3A_890 : i32 to index
        %get3A_1493 = arith.constant 864 : index
        %get3A_1494 = tpu.vector_load %arg7[%get3A_1491, %get3A_1492, %get3A_1493] {strides = array<i32>} : memref<4x16x1024xf32, #tpu.memory_space<vmem>>, vector<16xf32>,
        %get3A_1495 = arith.constant 1 : i32
        %get3A_1496 = arith.index_cast %get3A_1495 : i32 to index
        %get3A_1497 = arith.index_cast %scan3A_890 : i32 to index
        %get3A_1498 = arith.constant 880 : index
        %get3A_1499 = tpu.vector_load %arg7[%get3A_1496, %get3A_1497, %get3A_1498] {strides = array<i32>} : memref<4x16x1024xf32, #tpu.memory_space<vmem>>, vector<16xf32>,
        %pack3A_1500 = tpu.pack_subelements %get3A_1494, %get3A_1499 {pack_format = #tpu.pack_format<interleaved>, positions = array<i32: 0, 1>} : vector<16xf32>, vector<16xf32> -> vector<32xbf16>
        %mul3A_1501 = arith.mulf %pack3A_1500, %bitcast3A_1489 : vector<32xbf16>
        %add3A_1502 = arith.addf %add3A_1481, %mul3A_1501 : vector<32xbf16>
        %mul3A_1503 = arith.mulf %pack3A_1500, %pack3A_1500 : vector<32xbf16>
        %add3A_1504 = arith.addf %add3A_1483, %mul3A_1503 : vector<32xbf16>
        %get3A_1505 = arith.constant 1 : i32
        %get3A_1506 = arith.index_cast %get3A_1505 : i32 to index
        %get3A_1507 = arith.index_cast %scan3A_890 : i32 to index
        %get3A_1508 = arith.constant 448 : index
        %get3A_1509 = tpu.vector_load %arg8[%get3A_1506, %get3A_1507, %get3A_1508] {strides = array<i32>} : memref<4x16x512xi32, #tpu.memory_space<vmem>>, vector<16xi32>,
        %bitcast3A_1510 = vector.bitcast %get3A_1509 : vector<16xi32> to vector<32xbf16>
        %get3A_1511 = arith.constant 1 : i32
        %get3A_1512 = arith.index_cast %get3A_1511 : i32 to index
        %get3A_1513 = arith.index_cast %scan3A_890 : i32 to index
        %get3A_1514 = arith.constant 896 : index
        %get3A_1515 = tpu.vector_load %arg7[%get3A_1512, %get3A_1513, %get3A_1514] {strides = array<i32>} : memref<4x16x1024xf32, #tpu.memory_space<vmem>>, vector<16xf32>,
        %get3A_1516 = arith.constant 1 : i32
        %get3A_1517 = arith.index_cast %get3A_1516 : i32 to index
        %get3A_1518 = arith.index_cast %scan3A_890 : i32 to index
        %get3A_1519 = arith.constant 912 : index
        %get3A_1520 = tpu.vector_load %arg7[%get3A_1517, %get3A_1518, %get3A_1519] {strides = array<i32>} : memref<4x16x1024xf32, #tpu.memory_space<vmem>>, vector<16xf32>,
        %pack3A_1521 = tpu.pack_subelements %get3A_1515, %get3A_1520 {pack_format = #tpu.pack_format<interleaved>, positions = array<i32: 0, 1>} : vector<16xf32>, vector<16xf32> -> vector<32xbf16>
        %mul3A_1522 = arith.mulf %pack3A_1521, %bitcast3A_1510 : vector<32xbf16>
        %add3A_1523 = arith.addf %add3A_1502, %mul3A_1522 : vector<32xbf16>
        %mul3A_1524 = arith.mulf %pack3A_1521, %pack3A_1521 : vector<32xbf16>
        %add3A_1525 = arith.addf %add3A_1504, %mul3A_1524 : vector<32xbf16>
        %get3A_1526 = arith.constant 1 : i32
        %get3A_1527 = arith.index_cast %get3A_1526 : i32 to index
        %get3A_1528 = arith.index_cast %scan3A_890 : i32 to index
        %get3A_1529 = arith.constant 464 : index
        %get3A_1530 = tpu.vector_load %arg8[%get3A_1527, %get3A_1528, %get3A_1529] {strides = array<i32>} : memref<4x16x512xi32, #tpu.memory_space<vmem>>, vector<16xi32>,
        %bitcast3A_1531 = vector.bitcast %get3A_1530 : vector<16xi32> to vector<32xbf16>
        %get3A_1532 = arith.constant 1 : i32
        %get3A_1533 = arith.index_cast %get3A_1532 : i32 to index
        %get3A_1534 = arith.index_cast %scan3A_890 : i32 to index
        %get3A_1535 = arith.constant 928 : index
        %get3A_1536 = tpu.vector_load %arg7[%get3A_1533, %get3A_1534, %get3A_1535] {strides = array<i32>} : memref<4x16x1024xf32, #tpu.memory_space<vmem>>, vector<16xf32>,
        %get3A_1537 = arith.constant 1 : i32
        %get3A_1538 = arith.index_cast %get3A_1537 : i32 to index
        %get3A_1539 = arith.index_cast %scan3A_890 : i32 to index
        %get3A_1540 = arith.constant 944 : index
        %get3A_1541 = tpu.vector_load %arg7[%get3A_1538, %get3A_1539, %get3A_1540] {strides = array<i32>} : memref<4x16x1024xf32, #tpu.memory_space<vmem>>, vector<16xf32>,
        %pack3A_1542 = tpu.pack_subelements %get3A_1536, %get3A_1541 {pack_format = #tpu.pack_format<interleaved>, positions = array<i32: 0, 1>} : vector<16xf32>, vector<16xf32> -> vector<32xbf16>
        %mul3A_1543 = arith.mulf %pack3A_1542, %bitcast3A_1531 : vector<32xbf16>
        %add3A_1544 = arith.addf %add3A_1523, %mul3A_1543 : vector<32xbf16>
        %mul3A_1545 = arith.mulf %pack3A_1542, %pack3A_1542 : vector<32xbf16>
        %add3A_1546 = arith.addf %add3A_1525, %mul3A_1545 : vector<32xbf16>
        %get3A_1547 = arith.constant 1 : i32
        %get3A_1548 = arith.index_cast %get3A_1547 : i32 to index
        %get3A_1549 = arith.index_cast %scan3A_890 : i32 to index
        %get3A_1550 = arith.constant 480 : index
        %get3A_1551 = tpu.vector_load %arg8[%get3A_1548, %get3A_1549, %get3A_1550] {strides = array<i32>} : memref<4x16x512xi32, #tpu.memory_space<vmem>>, vector<16xi32>,
        %bitcast3A_1552 = vector.bitcast %get3A_1551 : vector<16xi32> to vector<32xbf16>
        %get3A_1553 = arith.constant 1 : i32
        %get3A_1554 = arith.index_cast %get3A_1553 : i32 to index
        %get3A_1555 = arith.index_cast %scan3A_890 : i32 to index
        %get3A_1556 = arith.constant 960 : index
        %get3A_1557 = tpu.vector_load %arg7[%get3A_1554, %get3A_1555, %get3A_1556] {strides = array<i32>} : memref<4x16x1024xf32, #tpu.memory_space<vmem>>, vector<16xf32>,
        %get3A_1558 = arith.constant 1 : i32
        %get3A_1559 = arith.index_cast %get3A_1558 : i32 to index
        %get3A_1560 = arith.index_cast %scan3A_890 : i32 to index
        %get3A_1561 = arith.constant 976 : index
        %get3A_1562 = tpu.vector_load %arg7[%get3A_1559, %get3A_1560, %get3A_1561] {strides = array<i32>} : memref<4x16x1024xf32, #tpu.memory_space<vmem>>, vector<16xf32>,
        %pack3A_1563 = tpu.pack_subelements %get3A_1557, %get3A_1562 {pack_format = #tpu.pack_format<interleaved>, positions = array<i32: 0, 1>} : vector<16xf32>, vector<16xf32> -> vector<32xbf16>
        %mul3A_1564 = arith.mulf %pack3A_1563, %bitcast3A_1552 : vector<32xbf16>
        %add3A_1565 = arith.addf %add3A_1544, %mul3A_1564 : vector<32xbf16>
        %mul3A_1566 = arith.mulf %pack3A_1563, %pack3A_1563 : vector<32xbf16>
        %add3A_1567 = arith.addf %add3A_1546, %mul3A_1566 : vector<32xbf16>
        %get3A_1568 = arith.constant 1 : i32
        %get3A_1569 = arith.index_cast %get3A_1568 : i32 to index
        %get3A_1570 = arith.index_cast %scan3A_890 : i32 to index
        %get3A_1571 = arith.constant 496 : index
        %get3A_1572 = tpu.vector_load %arg8[%get3A_1569, %get3A_1570, %get3A_1571] {strides = array<i32>} : memref<4x16x512xi32, #tpu.memory_space<vmem>>, vector<16xi32>,
        %bitcast3A_1573 = vector.bitcast %get3A_1572 : vector<16xi32> to vector<32xbf16>
        %get3A_1574 = arith.constant 1 : i32
        %get3A_1575 = arith.index_cast %get3A_1574 : i32 to index
        %get3A_1576 = arith.index_cast %scan3A_890 : i32 to index
        %get3A_1577 = arith.constant 992 : index
        %get3A_1578 = tpu.vector_load %arg7[%get3A_1575, %get3A_1576, %get3A_1577] {strides = array<i32>} : memref<4x16x1024xf32, #tpu.memory_space<vmem>>, vector<16xf32>,
        %get3A_1579 = arith.constant 1 : i32
        %get3A_1580 = arith.index_cast %get3A_1579 : i32 to index
        %get3A_1581 = arith.index_cast %scan3A_890 : i32 to index
        %get3A_1582 = arith.constant 1008 : index
        %get3A_1583 = tpu.vector_load %arg7[%get3A_1580, %get3A_1581, %get3A_1582] {strides = array<i32>} : memref<4x16x1024xf32, #tpu.memory_space<vmem>>, vector<16xf32>,
        %pack3A_1584 = tpu.pack_subelements %get3A_1578, %get3A_1583 {pack_format = #tpu.pack_format<interleaved>, positions = array<i32: 0, 1>} : vector<16xf32>, vector<16xf32> -> vector<32xbf16>
        %mul3A_1585 = arith.mulf %pack3A_1584, %bitcast3A_1573 : vector<32xbf16>
        %add3A_1586 = arith.addf %add3A_1565, %mul3A_1585 : vector<32xbf16>
        %mul3A_1587 = arith.mulf %pack3A_1584, %pack3A_1584 : vector<32xbf16>
        %add3A_1588 = arith.addf %add3A_1567, %mul3A_1587 : vector<32xbf16>
        %unpack3A_1589 = tpu.unpack_subelements %add3A_1586, 0 {pack_format = #tpu.pack_format<interleaved>} : vector<32xbf16> -> vector<16xf32>
        %unpack3A_1590 = tpu.unpack_subelements %add3A_1586, 1 {pack_format = #tpu.pack_format<interleaved>} : vector<32xbf16> -> vector<16xf32>
        %unpack3A_1591 = tpu.unpack_subelements %add3A_1588, 0 {pack_format = #tpu.pack_format<interleaved>} : vector<32xbf16> -> vector<16xf32>
        %unpack3A_1592 = tpu.unpack_subelements %add3A_1588, 1 {pack_format = #tpu.pack_format<interleaved>} : vector<32xbf16> -> vector<16xf32>
        %add3A_1593 = arith.addf %add3A_1417, %unpack3A_1589 : vector<16xf32>
        %add3A_1594 = arith.addf %add3A_1418, %unpack3A_1590 : vector<16xf32>
        %add3A_1595 = arith.addf %add3A_1419, %unpack3A_1591 : vector<16xf32>
        %add3A_1596 = arith.addf %add3A_1420, %unpack3A_1592 : vector<16xf32>
        %add3A_1597 = arith.addf %add3A_1593, %add3A_1594 : vector<16xf32>
        %mul3A_1598 = arith.constant 16 : i32
        %mul3A_1599 = arith.muli %scan3A_890, %mul3A_1598 : i32
        %swap3A_1600 = arith.index_cast %mul3A_1599 : i32 to index
        %swap3A_1601 = tpu.vector_load %arg9[%swap3A_1600] {strides = array<i32>} : memref<256xf32, #tpu.memory_space<vmem>>, vector<16xf32>,
        tpu.vector_store %arg9[%swap3A_1600], %add3A_1597 {strides = array<i32>} : memref<256xf32, #tpu.memory_space<vmem>>, vector<16xf32>,
        %add3A_1602 = arith.addf %add3A_1595, %add3A_1596 : vector<16xf32>
        %mul3A_1603 = arith.constant 16 : i32
        %mul3A_1604 = arith.muli %scan3A_890, %mul3A_1603 : i32
        %swap3A_1605 = arith.index_cast %mul3A_1604 : i32 to index
        %swap3A_1606 = tpu.vector_load %arg10[%swap3A_1605] {strides = array<i32>} : memref<256xf32, #tpu.memory_space<vmem>>, vector<16xf32>,
        tpu.vector_store %arg10[%swap3A_1605], %add3A_1602 {strides = array<i32>} : memref<256xf32, #tpu.memory_space<vmem>>, vector<16xf32>,
        %scan3A_1607 = arith.constant 0 : i32
        scf.yield %scan3A_1607 : i32
      }
      %scan3A_328 = arith.constant 16 : i32
      %iota3A_329 = tpu.iota {dimensions = array<i32: 0>} : vector<16xi32>
      %mul3A_330 = arith.constant 16 : i32
      %mul3A_331 = vector.broadcast %mul3A_330 : i32 to vector<16xi32>
      %mul3A_332 = arith.muli %iota3A_329, %mul3A_331 : vector<16xi32>
      %broadcast_in_dim3A_333 = arith.constant 0.000000e+00 : f32
      %broadcast_in_dim3A_334 = vector.broadcast %broadcast_in_dim3A_333 : f32 to vector<16xf32>
      %broadcast_in_dim3A_335 = arith.constant 0.000000e+00 : f32
      %broadcast_in_dim3A_336 = vector.broadcast %broadcast_in_dim3A_335 : f32 to vector<16xf32>
      %add3A_337 = arith.constant 0 : i32
      %add3A_338 = vector.broadcast %add3A_337 : i32 to vector<16xi32>
      %add3A_339 = arith.addi %mul3A_332, %add3A_338 : vector<16xi32>
      %gather3A_340 = tpu.vector_load_idx %arg9[%add3A_339] : memref<256xf32, #tpu.memory_space<vmem>>[vector<16xi32>], vector<16xf32>,
      %add3A_341 = arith.addf %broadcast_in_dim3A_334, %gather3A_340 : vector<16xf32>
      %gather3A_342 = tpu.vector_load_idx %arg10[%add3A_339] : memref<256xf32, #tpu.memory_space<vmem>>[vector<16xi32>], vector<16xf32>,
      %add3A_343 = arith.addf %broadcast_in_dim3A_336, %gather3A_342 : vector<16xf32>
      %add3A_344 = arith.constant 1 : i32
      %add3A_345 = vector.broadcast %add3A_344 : i32 to vector<16xi32>
      %add3A_346 = arith.addi %mul3A_332, %add3A_345 : vector<16xi32>
      %gather3A_347 = tpu.vector_load_idx %arg9[%add3A_346] : memref<256xf32, #tpu.memory_space<vmem>>[vector<16xi32>], vector<16xf32>,
      %add3A_348 = arith.addf %add3A_341, %gather3A_347 : vector<16xf32>
      %gather3A_349 = tpu.vector_load_idx %arg10[%add3A_346] : memref<256xf32, #tpu.memory_space<vmem>>[vector<16xi32>], vector<16xf32>,
      %add3A_350 = arith.addf %add3A_343, %gather3A_349 : vector<16xf32>
      %add3A_351 = arith.constant 2 : i32
      %add3A_352 = vector.broadcast %add3A_351 : i32 to vector<16xi32>
      %add3A_353 = arith.addi %mul3A_332, %add3A_352 : vector<16xi32>
      %gather3A_354 = tpu.vector_load_idx %arg9[%add3A_353] : memref<256xf32, #tpu.memory_space<vmem>>[vector<16xi32>], vector<16xf32>,
      %add3A_355 = arith.addf %add3A_348, %gather3A_354 : vector<16xf32>
      %gather3A_356 = tpu.vector_load_idx %arg10[%add3A_353] : memref<256xf32, #tpu.memory_space<vmem>>[vector<16xi32>], vector<16xf32>,
      %add3A_357 = arith.addf %add3A_350, %gather3A_356 : vector<16xf32>
      %add3A_358 = arith.constant 3 : i32
      %add3A_359 = vector.broadcast %add3A_358 : i32 to vector<16xi32>
      %add3A_360 = arith.addi %mul3A_332, %add3A_359 : vector<16xi32>
      %gather3A_361 = tpu.vector_load_idx %arg9[%add3A_360] : memref<256xf32, #tpu.memory_space<vmem>>[vector<16xi32>], vector<16xf32>,
      %add3A_362 = arith.addf %add3A_355, %gather3A_361 : vector<16xf32>
      %gather3A_363 = tpu.vector_load_idx %arg10[%add3A_360] : memref<256xf32, #tpu.memory_space<vmem>>[vector<16xi32>], vector<16xf32>,
      %add3A_364 = arith.addf %add3A_357, %gather3A_363 : vector<16xf32>
      %add3A_365 = arith.constant 4 : i32
      %add3A_366 = vector.broadcast %add3A_365 : i32 to vector<16xi32>
      %add3A_367 = arith.addi %mul3A_332, %add3A_366 : vector<16xi32>
      %gather3A_368 = tpu.vector_load_idx %arg9[%add3A_367] : memref<256xf32, #tpu.memory_space<vmem>>[vector<16xi32>], vector<16xf32>,
      %add3A_369 = arith.addf %add3A_362, %gather3A_368 : vector<16xf32>
      %gather3A_370 = tpu.vector_load_idx %arg10[%add3A_367] : memref<256xf32, #tpu.memory_space<vmem>>[vector<16xi32>], vector<16xf32>,
      %add3A_371 = arith.addf %add3A_364, %gather3A_370 : vector<16xf32>
      %add3A_372 = arith.constant 5 : i32
      %add3A_373 = vector.broadcast %add3A_372 : i32 to vector<16xi32>
      %add3A_374 = arith.addi %mul3A_332, %add3A_373 : vector<16xi32>
      %gather3A_375 = tpu.vector_load_idx %arg9[%add3A_374] : memref<256xf32, #tpu.memory_space<vmem>>[vector<16xi32>], vector<16xf32>,
      %add3A_376 = arith.addf %add3A_369, %gather3A_375 : vector<16xf32>
      %gather3A_377 = tpu.vector_load_idx %arg10[%add3A_374] : memref<256xf32, #tpu.memory_space<vmem>>[vector<16xi32>], vector<16xf32>,
      %add3A_378 = arith.addf %add3A_371, %gather3A_377 : vector<16xf32>
      %add3A_379 = arith.constant 6 : i32
      %add3A_380 = vector.broadcast %add3A_379 : i32 to vector<16xi32>
      %add3A_381 = arith.addi %mul3A_332, %add3A_380 : vector<16xi32>
      %gather3A_382 = tpu.vector_load_idx %arg9[%add3A_381] : memref<256xf32, #tpu.memory_space<vmem>>[vector<16xi32>], vector<16xf32>,
      %add3A_383 = arith.addf %add3A_376, %gather3A_382 : vector<16xf32>
      %gather3A_384 = tpu.vector_load_idx %arg10[%add3A_381] : memref<256xf32, #tpu.memory_space<vmem>>[vector<16xi32>], vector<16xf32>,
      %add3A_385 = arith.addf %add3A_378, %gather3A_384 : vector<16xf32>
      %add3A_386 = arith.constant 7 : i32
      %add3A_387 = vector.broadcast %add3A_386 : i32 to vector<16xi32>
      %add3A_388 = arith.addi %mul3A_332, %add3A_387 : vector<16xi32>
      %gather3A_389 = tpu.vector_load_idx %arg9[%add3A_388] : memref<256xf32, #tpu.memory_space<vmem>>[vector<16xi32>], vector<16xf32>,
      %add3A_390 = arith.addf %add3A_383, %gather3A_389 : vector<16xf32>
      %gather3A_391 = tpu.vector_load_idx %arg10[%add3A_388] : memref<256xf32, #tpu.memory_space<vmem>>[vector<16xi32>], vector<16xf32>,
      %add3A_392 = arith.addf %add3A_385, %gather3A_391 : vector<16xf32>
      %add3A_393 = arith.constant 8 : i32
      %add3A_394 = vector.broadcast %add3A_393 : i32 to vector<16xi32>
      %add3A_395 = arith.addi %mul3A_332, %add3A_394 : vector<16xi32>
      %gather3A_396 = tpu.vector_load_idx %arg9[%add3A_395] : memref<256xf32, #tpu.memory_space<vmem>>[vector<16xi32>], vector<16xf32>,
      %add3A_397 = arith.addf %add3A_390, %gather3A_396 : vector<16xf32>
      %gather3A_398 = tpu.vector_load_idx %arg10[%add3A_395] : memref<256xf32, #tpu.memory_space<vmem>>[vector<16xi32>], vector<16xf32>,
      %add3A_399 = arith.addf %add3A_392, %gather3A_398 : vector<16xf32>
      %add3A_400 = arith.constant 9 : i32
      %add3A_401 = vector.broadcast %add3A_400 : i32 to vector<16xi32>
      %add3A_402 = arith.addi %mul3A_332, %add3A_401 : vector<16xi32>
      %gather3A_403 = tpu.vector_load_idx %arg9[%add3A_402] : memref<256xf32, #tpu.memory_space<vmem>>[vector<16xi32>], vector<16xf32>,
      %add3A_404 = arith.addf %add3A_397, %gather3A_403 : vector<16xf32>
      %gather3A_405 = tpu.vector_load_idx %arg10[%add3A_402] : memref<256xf32, #tpu.memory_space<vmem>>[vector<16xi32>], vector<16xf32>,
      %add3A_406 = arith.addf %add3A_399, %gather3A_405 : vector<16xf32>
      %add3A_407 = arith.constant 10 : i32
      %add3A_408 = vector.broadcast %add3A_407 : i32 to vector<16xi32>
      %add3A_409 = arith.addi %mul3A_332, %add3A_408 : vector<16xi32>
      %gather3A_410 = tpu.vector_load_idx %arg9[%add3A_409] : memref<256xf32, #tpu.memory_space<vmem>>[vector<16xi32>], vector<16xf32>,
      %add3A_411 = arith.addf %add3A_404, %gather3A_410 : vector<16xf32>
      %gather3A_412 = tpu.vector_load_idx %arg10[%add3A_409] : memref<256xf32, #tpu.memory_space<vmem>>[vector<16xi32>], vector<16xf32>,
      %add3A_413 = arith.addf %add3A_406, %gather3A_412 : vector<16xf32>
      %add3A_414 = arith.constant 11 : i32
      %add3A_415 = vector.broadcast %add3A_414 : i32 to vector<16xi32>
      %add3A_416 = arith.addi %mul3A_332, %add3A_415 : vector<16xi32>
      %gather3A_417 = tpu.vector_load_idx %arg9[%add3A_416] : memref<256xf32, #tpu.memory_space<vmem>>[vector<16xi32>], vector<16xf32>,
      %add3A_418 = arith.addf %add3A_411, %gather3A_417 : vector<16xf32>
      %gather3A_419 = tpu.vector_load_idx %arg10[%add3A_416] : memref<256xf32, #tpu.memory_space<vmem>>[vector<16xi32>], vector<16xf32>,
      %add3A_420 = arith.addf %add3A_413, %gather3A_419 : vector<16xf32>
      %add3A_421 = arith.constant 12 : i32
      %add3A_422 = vector.broadcast %add3A_421 : i32 to vector<16xi32>
      %add3A_423 = arith.addi %mul3A_332, %add3A_422 : vector<16xi32>
      %gather3A_424 = tpu.vector_load_idx %arg9[%add3A_423] : memref<256xf32, #tpu.memory_space<vmem>>[vector<16xi32>], vector<16xf32>,
      %add3A_425 = arith.addf %add3A_418, %gather3A_424 : vector<16xf32>
      %gather3A_426 = tpu.vector_load_idx %arg10[%add3A_423] : memref<256xf32, #tpu.memory_space<vmem>>[vector<16xi32>], vector<16xf32>,
      %add3A_427 = arith.addf %add3A_420, %gather3A_426 : vector<16xf32>
      %add3A_428 = arith.constant 13 : i32
      %add3A_429 = vector.broadcast %add3A_428 : i32 to vector<16xi32>
      %add3A_430 = arith.addi %mul3A_332, %add3A_429 : vector<16xi32>
      %gather3A_431 = tpu.vector_load_idx %arg9[%add3A_430] : memref<256xf32, #tpu.memory_space<vmem>>[vector<16xi32>], vector<16xf32>,
      %add3A_432 = arith.addf %add3A_425, %gather3A_431 : vector<16xf32>
      %gather3A_433 = tpu.vector_load_idx %arg10[%add3A_430] : memref<256xf32, #tpu.memory_space<vmem>>[vector<16xi32>], vector<16xf32>,
      %add3A_434 = arith.addf %add3A_427, %gather3A_433 : vector<16xf32>
      %add3A_435 = arith.constant 14 : i32
      %add3A_436 = vector.broadcast %add3A_435 : i32 to vector<16xi32>
      %add3A_437 = arith.addi %mul3A_332, %add3A_436 : vector<16xi32>
      %gather3A_438 = tpu.vector_load_idx %arg9[%add3A_437] : memref<256xf32, #tpu.memory_space<vmem>>[vector<16xi32>], vector<16xf32>,
      %add3A_439 = arith.addf %add3A_432, %gather3A_438 : vector<16xf32>
      %gather3A_440 = tpu.vector_load_idx %arg10[%add3A_437] : memref<256xf32, #tpu.memory_space<vmem>>[vector<16xi32>], vector<16xf32>,
      %add3A_441 = arith.addf %add3A_434, %gather3A_440 : vector<16xf32>
      %add3A_442 = arith.constant 15 : i32
      %add3A_443 = vector.broadcast %add3A_442 : i32 to vector<16xi32>
      %add3A_444 = arith.addi %mul3A_332, %add3A_443 : vector<16xi32>
      %gather3A_445 = tpu.vector_load_idx %arg9[%add3A_444] : memref<256xf32, #tpu.memory_space<vmem>>[vector<16xi32>], vector<16xf32>,
      %add3A_446 = arith.addf %add3A_439, %gather3A_445 : vector<16xf32>
      %gather3A_447 = tpu.vector_load_idx %arg10[%add3A_444] : memref<256xf32, #tpu.memory_space<vmem>>[vector<16xi32>], vector<16xf32>,
      %add3A_448 = arith.addf %add3A_441, %gather3A_447 : vector<16xf32>
      %get3A_449 = arith.constant 0 : index
      %get3A_450 = tpu.vector_load %arg11[%get3A_449] {strides = array<i32>} : memref<16xf32, #tpu.memory_space<vmem>>, vector<16xf32>,
      %bitcast_convert_type3A_451 = tpu.bitcast %add3A_448 : vector<16xf32> -> vector<16xi32>
      %shift_right_logical3A_452 = arith.constant 1 : i32
      %shift_right_logical3A_453 = vector.broadcast %shift_right_logical3A_452 : i32 to vector<16xi32>
      %shift_right_logical3A_454 = arith.shrui %bitcast_convert_type3A_451, %shift_right_logical3A_453 : vector<16xi32>
      %sub3A_455 = arith.constant 1597463007 : i32
      %sub3A_456 = vector.broadcast %sub3A_455 : i32 to vector<16xi32>
      %sub3A_457 = arith.subi %sub3A_456, %shift_right_logical3A_454 : vector<16xi32>
      %bitcast_convert_type3A_458 = tpu.bitcast %sub3A_457 : vector<16xi32> -> vector<16xf32>
      %mul3A_459 = arith.constant 5.000000e-01 : f32
      %mul3A_460 = vector.broadcast %mul3A_459 : f32 to vector<16xf32>
      %mul3A_461 = arith.mulf %add3A_448, %mul3A_460 : vector<16xf32>
      %mul3A_462 = arith.mulf %mul3A_461, %bitcast_convert_type3A_458 : vector<16xf32>
      %mul3A_463 = arith.mulf %mul3A_462, %bitcast_convert_type3A_458 : vector<16xf32>
      %sub3A_464 = arith.constant 1.500000e+00 : f32
      %sub3A_465 = vector.broadcast %sub3A_464 : f32 to vector<16xf32>
      %sub3A_466 = arith.subf %sub3A_465, %mul3A_463 : vector<16xf32>
      %mul3A_467 = arith.mulf %bitcast_convert_type3A_458, %sub3A_466 : vector<16xf32>
      %mul3A_468 = arith.mulf %mul3A_461, %mul3A_467 : vector<16xf32>
      %mul3A_469 = arith.mulf %mul3A_468, %mul3A_467 : vector<16xf32>
      %sub3A_470 = arith.constant 1.500000e+00 : f32
      %sub3A_471 = vector.broadcast %sub3A_470 : f32 to vector<16xf32>
      %sub3A_472 = arith.subf %sub3A_471, %mul3A_469 : vector<16xf32>
      %mul3A_473 = arith.mulf %mul3A_467, %sub3A_472 : vector<16xf32>
      %mul3A_474 = arith.mulf %mul3A_461, %mul3A_473 : vector<16xf32>
      %mul3A_475 = arith.mulf %mul3A_474, %mul3A_473 : vector<16xf32>
      %sub3A_476 = arith.constant 1.500000e+00 : f32
      %sub3A_477 = vector.broadcast %sub3A_476 : f32 to vector<16xf32>
      %sub3A_478 = arith.subf %sub3A_477, %mul3A_475 : vector<16xf32>
      %mul3A_479 = arith.mulf %mul3A_473, %sub3A_478 : vector<16xf32>
      %mul3A_480 = arith.mulf %add3A_446, %mul3A_479 : vector<16xf32>
      %add3A_481 = arith.addf %get3A_450, %mul3A_480 : vector<16xf32>
      %swap3A_482 = arith.constant 0 : index
      %swap3A_483 = tpu.vector_load %arg11[%swap3A_482] {strides = array<i32>} : memref<16xf32, #tpu.memory_space<vmem>>, vector<16xf32>,
      tpu.vector_store %arg11[%swap3A_482], %add3A_481 {strides = array<i32>} : memref<16xf32, #tpu.memory_space<vmem>>, vector<16xf32>,
      %add3A_484 = arith.constant 2 : i32
      %add3A_485 = arith.addi %add3A_86, %add3A_484 : i32
      %add3A_486 = arith.constant 4 : i32
      %add3A_487 = arith.addi %add3A_485, %add3A_486 : i32
      %sub3A_488 = arith.constant 1 : i32
      %sub3A_489 = arith.subi %add3A_487, %sub3A_488 : i32
      %lt3A_490 = arith.constant 20 : i32
      %lt3A_491 = arith.cmpi slt, %sub3A_489, %lt3A_490 : i32
      %convert_element_type3A_492 = arith.extui %lt3A_491 : i1 to i32
      %cond3A_493 = arith.constant 0 : i32
      %cond3A_494 = arith.cmpi ne, %convert_element_type3A_492, %cond3A_493 : i32
      scf.if %cond3A_494 {
        %mul3A_890 = arith.constant 16 : i32
        %mul3A_891 = arith.muli %sub3A_489, %mul3A_890 : i32
        %add3A_892 = arith.addi %mul3A_2, %mul3A_891 : i32
        %dma_start3A_893 = arith.constant 1 : i32
        %dma_start3A_894 = arith.constant 0 : i32
        %dma_start3A_895 = arith.constant 0 : i32
        %dma_start3A_896 = tpu.memref_slice %arg7[%dma_start3A_893, %dma_start3A_894, %dma_start3A_895] : memref<4x16x1024xf32, #tpu.memory_space<vmem>> -> memref<1x16x1024xf32, #tpu.memory_space<vmem>>
        %dma_start3A_897 = tpu.memref_squeeze %dma_start3A_896 : memref<1x16x1024xf32, #tpu.memory_space<vmem>> -> memref<16x1024xf32, #tpu.memory_space<vmem>>
        %dma_start3A_898 = arith.constant 0 : i32
        %dma_start3A_899 = tpu.memref_slice %arg2[%add3A_892, %dma_start3A_898] : memref<16384x1024xf32, #tpu.memory_space<hbm>> -> memref<16x1024xf32, #tpu.memory_space<hbm>>
        %dma_start3A_900 = arith.constant 0 : i32
        %dma_start3A_901 = arith.constant 0 : i32
        %dma_start3A_902 = tpu.memref_slice %arg7[%dma_start3A_893, %dma_start3A_900, %dma_start3A_901] : memref<4x16x1024xf32, #tpu.memory_space<vmem>> -> memref<1x16x1024xf32, #tpu.memory_space<vmem>>
        %dma_start3A_903 = tpu.memref_squeeze %dma_start3A_902 : memref<1x16x1024xf32, #tpu.memory_space<vmem>> -> memref<16x1024xf32, #tpu.memory_space<vmem>>
        %dma_start3A_904 = arith.constant 0 : i32
        %dma_start3A_905 = tpu.memref_slice %arg2[%add3A_892, %dma_start3A_904] : memref<16384x1024xf32, #tpu.memory_space<hbm>> -> memref<16x1024xf32, #tpu.memory_space<hbm>>
        tpu.enqueue_dma source(%dma_start3A_905 : memref<16x1024xf32, #tpu.memory_space<hbm>>) target(%dma_start3A_903 : memref<16x1024xf32, #tpu.memory_space<vmem>>) target_semaphore(%arg13 : memref<!tpu.dma_semaphore, #tpu.memory_space<semaphore_mem>>)
        %mul3A_906 = arith.constant 16 : i32
        %mul3A_907 = arith.muli %sub3A_489, %mul3A_906 : i32
        %get3A_908 = arith.index_cast %mul3A_907 : i32 to index
        %get3A_909 = tpu.vector_load %arg6[%get3A_908] {strides = array<i32>} : memref<320xi32, #tpu.memory_space<vmem>>, vector<16xi32>,
        %dma_start3A_910 = arith.constant 1 : i32
        %dma_start3A_911 = arith.constant 0 : i32
        %dma_start3A_912 = arith.constant 0 : i32
        %dma_start3A_913 = tpu.memref_slice %arg8[%dma_start3A_910, %dma_start3A_911, %dma_start3A_912] : memref<4x16x512xi32, #tpu.memory_space<vmem>> -> memref<1x16x512xi32, #tpu.memory_space<vmem>>
        %dma_start3A_914 = tpu.memref_squeeze %dma_start3A_913 : memref<1x16x512xi32, #tpu.memory_space<vmem>> -> memref<16x512xi32, #tpu.memory_space<vmem>>
        %dma_start3A_915 = arith.constant 0 : i32
        %dma_start3A_916 = arith.constant 0 : i32
        %dma_start3A_917 = tpu.memref_slice %arg4[%dma_start3A_915, %dma_start3A_916] : memref<1024x512xi32, #tpu.memory_space<hbm>> -> memref<1024x512xi32, #tpu.memory_space<hbm>>
        tpu.enqueue_indirect_dma source(%dma_start3A_917 : memref<1024x512xi32, #tpu.memory_space<hbm>>) target(%dma_start3A_914 : memref<16x512xi32, #tpu.memory_space<vmem>>) offsets(%get3A_909 : vector<16xi32>) semaphore(%arg17 : memref<!tpu.dma_semaphore, #tpu.memory_space<semaphore_mem>>)
      } else {
      }
      %dma_wait3A_495 = arith.constant 2 : i32
      %dma_wait3A_496 = arith.constant 0 : i32
      %dma_wait3A_497 = arith.constant 0 : i32
      %dma_wait3A_498 = tpu.memref_slice %arg7[%dma_wait3A_495, %dma_wait3A_496, %dma_wait3A_497] : memref<4x16x1024xf32, #tpu.memory_space<vmem>> -> memref<1x16x1024xf32, #tpu.memory_space<vmem>>
      %dma_wait3A_499 = tpu.memref_squeeze %dma_wait3A_498 : memref<1x16x1024xf32, #tpu.memory_space<vmem>> -> memref<16x1024xf32, #tpu.memory_space<vmem>>
      %dma_wait3A_500 = arith.constant 0 : i32
      %dma_wait3A_501 = arith.constant 0 : i32
      %dma_wait3A_502 = tpu.memref_slice %arg2[%dma_wait3A_500, %dma_wait3A_501] : memref<16384x1024xf32, #tpu.memory_space<hbm>> -> memref<16x1024xf32, #tpu.memory_space<hbm>>
      %dma_wait3A_503 = arith.constant 0 : i32
      %dma_wait3A_504 = arith.constant 0 : i32
      %dma_wait3A_505 = tpu.memref_slice %arg7[%dma_wait3A_495, %dma_wait3A_503, %dma_wait3A_504] : memref<4x16x1024xf32, #tpu.memory_space<vmem>> -> memref<1x16x1024xf32, #tpu.memory_space<vmem>>
      %dma_wait3A_506 = tpu.memref_squeeze %dma_wait3A_505 : memref<1x16x1024xf32, #tpu.memory_space<vmem>> -> memref<16x1024xf32, #tpu.memory_space<vmem>>
      %dma_wait3A_507 = arith.constant 0 : i32
      %dma_wait3A_508 = arith.constant 0 : i32
      %dma_wait3A_509 = tpu.memref_slice %arg2[%dma_wait3A_507, %dma_wait3A_508] : memref<16384x1024xf32, #tpu.memory_space<hbm>> -> memref<16x1024xf32, #tpu.memory_space<hbm>>
      tpu.wait_dma2 semaphore(%arg14 : memref<!tpu.dma_semaphore, #tpu.memory_space<semaphore_mem>>) src(%dma_wait3A_509 : memref<16x1024xf32, #tpu.memory_space<hbm>>) dst(%dma_wait3A_506 : memref<16x1024xf32, #tpu.memory_space<vmem>>)
      %dma_wait3A_510 = arith.constant 2 : i32
      %dma_wait3A_511 = arith.constant 0 : i32
      %dma_wait3A_512 = arith.constant 0 : i32
      %dma_wait3A_513 = tpu.memref_slice %arg8[%dma_wait3A_510, %dma_wait3A_511, %dma_wait3A_512] : memref<4x16x512xi32, #tpu.memory_space<vmem>> -> memref<1x16x512xi32, #tpu.memory_space<vmem>>
      %dma_wait3A_514 = tpu.memref_squeeze %dma_wait3A_513 : memref<1x16x512xi32, #tpu.memory_space<vmem>> -> memref<16x512xi32, #tpu.memory_space<vmem>>
      %dma_wait3A_515 = arith.constant 0 : i32
      %dma_wait3A_516 = arith.constant 0 : i32
      %dma_wait3A_517 = tpu.memref_slice %arg4[%dma_wait3A_515, %dma_wait3A_516] : memref<1024x512xi32, #tpu.memory_space<hbm>> -> memref<16x512xi32, #tpu.memory_space<hbm>>
      %dma_wait3A_518 = arith.constant 0 : i32
      %dma_wait3A_519 = arith.constant 0 : i32
      %dma_wait3A_520 = tpu.memref_slice %arg8[%dma_wait3A_510, %dma_wait3A_518, %dma_wait3A_519] : memref<4x16x512xi32, #tpu.memory_space<vmem>> -> memref<1x16x512xi32, #tpu.memory_space<vmem>>
      %dma_wait3A_521 = tpu.memref_squeeze %dma_wait3A_520 : memref<1x16x512xi32, #tpu.memory_space<vmem>> -> memref<16x512xi32, #tpu.memory_space<vmem>>
      %dma_wait3A_522 = arith.constant 0 : i32
      %dma_wait3A_523 = arith.constant 0 : i32
      %dma_wait3A_524 = tpu.memref_slice %arg4[%dma_wait3A_522, %dma_wait3A_523] : memref<1024x512xi32, #tpu.memory_space<hbm>> -> memref<16x512xi32, #tpu.memory_space<hbm>>
      tpu.wait_dma2 semaphore(%arg18 : memref<!tpu.dma_semaphore, #tpu.memory_space<semaphore_mem>>) src(%dma_wait3A_524 : memref<16x512xi32, #tpu.memory_space<hbm>>) dst(%dma_wait3A_521 : memref<16x512xi32, #tpu.memory_space<vmem>>)
      %scan3A_525 = arith.constant 0 : i32
      %scan3A_526 = arith.constant 0 : i32
      %scan3A_527 = arith.constant 16 : i32
      %scan3A_528 = arith.addi %scan3A_526, %scan3A_527 : i32
      %scan3A_529 = arith.constant 1 : i32
      %scan3A_530 = scf.for %scan3A_890 = %scan3A_526 to %scan3A_528 step %scan3A_529 iter_args(%scan3A_891 = %scan3A_525) -> (i32)  : i32 {
        %broadcast_in_dim3A_892 = arith.constant 0.000000e+00 : f32
        %broadcast_in_dim3A_893 = vector.broadcast %broadcast_in_dim3A_892 : f32 to vector<16xf32>
        %broadcast_in_dim3A_894 = arith.constant 0.000000e+00 : bf16
        %broadcast_in_dim3A_895 = vector.broadcast %broadcast_in_dim3A_894 : bf16 to vector<32xbf16>
        %get3A_896 = arith.constant 2 : i32
        %get3A_897 = arith.index_cast %get3A_896 : i32 to index
        %get3A_898 = arith.index_cast %scan3A_890 : i32 to index
        %get3A_899 = arith.constant 0 : index
        %get3A_900 = tpu.vector_load %arg8[%get3A_897, %get3A_898, %get3A_899] {strides = array<i32>} : memref<4x16x512xi32, #tpu.memory_space<vmem>>, vector<16xi32>,
        %bitcast3A = vector.bitcast %get3A_900 : vector<16xi32> to vector<32xbf16>
        %get3A_901 = arith.constant 2 : i32
        %get3A_902 = arith.index_cast %get3A_901 : i32 to index
        %get3A_903 = arith.index_cast %scan3A_890 : i32 to index
        %get3A_904 = arith.constant 0 : index
        %get3A_905 = tpu.vector_load %arg7[%get3A_902, %get3A_903, %get3A_904] {strides = array<i32>} : memref<4x16x1024xf32, #tpu.memory_space<vmem>>, vector<16xf32>,
        %get3A_906 = arith.constant 2 : i32
        %get3A_907 = arith.index_cast %get3A_906 : i32 to index
        %get3A_908 = arith.index_cast %scan3A_890 : i32 to index
        %get3A_909 = arith.constant 16 : index
        %get3A_910 = tpu.vector_load %arg7[%get3A_907, %get3A_908, %get3A_909] {strides = array<i32>} : memref<4x16x1024xf32, #tpu.memory_space<vmem>>, vector<16xf32>,
        %pack3A = tpu.pack_subelements %get3A_905, %get3A_910 {pack_format = #tpu.pack_format<interleaved>, positions = array<i32: 0, 1>} : vector<16xf32>, vector<16xf32> -> vector<32xbf16>
        %mul3A_911 = arith.mulf %pack3A, %bitcast3A : vector<32xbf16>
        %add3A_912 = arith.addf %broadcast_in_dim3A_895, %mul3A_911 : vector<32xbf16>
        %mul3A_913 = arith.mulf %pack3A, %pack3A : vector<32xbf16>
        %add3A_914 = arith.addf %broadcast_in_dim3A_895, %mul3A_913 : vector<32xbf16>
        %get3A_915 = arith.constant 2 : i32
        %get3A_916 = arith.index_cast %get3A_915 : i32 to index
        %get3A_917 = arith.index_cast %scan3A_890 : i32 to index
        %get3A_918 = arith.constant 16 : index
        %get3A_919 = tpu.vector_load %arg8[%get3A_916, %get3A_917, %get3A_918] {strides = array<i32>} : memref<4x16x512xi32, #tpu.memory_space<vmem>>, vector<16xi32>,
        %bitcast3A_920 = vector.bitcast %get3A_919 : vector<16xi32> to vector<32xbf16>
        %get3A_921 = arith.constant 2 : i32
        %get3A_922 = arith.index_cast %get3A_921 : i32 to index
        %get3A_923 = arith.index_cast %scan3A_890 : i32 to index
        %get3A_924 = arith.constant 32 : index
        %get3A_925 = tpu.vector_load %arg7[%get3A_922, %get3A_923, %get3A_924] {strides = array<i32>} : memref<4x16x1024xf32, #tpu.memory_space<vmem>>, vector<16xf32>,
        %get3A_926 = arith.constant 2 : i32
        %get3A_927 = arith.index_cast %get3A_926 : i32 to index
        %get3A_928 = arith.index_cast %scan3A_890 : i32 to index
        %get3A_929 = arith.constant 48 : index
        %get3A_930 = tpu.vector_load %arg7[%get3A_927, %get3A_928, %get3A_929] {strides = array<i32>} : memref<4x16x1024xf32, #tpu.memory_space<vmem>>, vector<16xf32>,
        %pack3A_931 = tpu.pack_subelements %get3A_925, %get3A_930 {pack_format = #tpu.pack_format<interleaved>, positions = array<i32: 0, 1>} : vector<16xf32>, vector<16xf32> -> vector<32xbf16>
        %mul3A_932 = arith.mulf %pack3A_931, %bitcast3A_920 : vector<32xbf16>
        %add3A_933 = arith.addf %add3A_912, %mul3A_932 : vector<32xbf16>
        %mul3A_934 = arith.mulf %pack3A_931, %pack3A_931 : vector<32xbf16>
        %add3A_935 = arith.addf %add3A_914, %mul3A_934 : vector<32xbf16>
        %get3A_936 = arith.constant 2 : i32
        %get3A_937 = arith.index_cast %get3A_936 : i32 to index
        %get3A_938 = arith.index_cast %scan3A_890 : i32 to index
        %get3A_939 = arith.constant 32 : index
        %get3A_940 = tpu.vector_load %arg8[%get3A_937, %get3A_938, %get3A_939] {strides = array<i32>} : memref<4x16x512xi32, #tpu.memory_space<vmem>>, vector<16xi32>,
        %bitcast3A_941 = vector.bitcast %get3A_940 : vector<16xi32> to vector<32xbf16>
        %get3A_942 = arith.constant 2 : i32
        %get3A_943 = arith.index_cast %get3A_942 : i32 to index
        %get3A_944 = arith.index_cast %scan3A_890 : i32 to index
        %get3A_945 = arith.constant 64 : index
        %get3A_946 = tpu.vector_load %arg7[%get3A_943, %get3A_944, %get3A_945] {strides = array<i32>} : memref<4x16x1024xf32, #tpu.memory_space<vmem>>, vector<16xf32>,
        %get3A_947 = arith.constant 2 : i32
        %get3A_948 = arith.index_cast %get3A_947 : i32 to index
        %get3A_949 = arith.index_cast %scan3A_890 : i32 to index
        %get3A_950 = arith.constant 80 : index
        %get3A_951 = tpu.vector_load %arg7[%get3A_948, %get3A_949, %get3A_950] {strides = array<i32>} : memref<4x16x1024xf32, #tpu.memory_space<vmem>>, vector<16xf32>,
        %pack3A_952 = tpu.pack_subelements %get3A_946, %get3A_951 {pack_format = #tpu.pack_format<interleaved>, positions = array<i32: 0, 1>} : vector<16xf32>, vector<16xf32> -> vector<32xbf16>
        %mul3A_953 = arith.mulf %pack3A_952, %bitcast3A_941 : vector<32xbf16>
        %add3A_954 = arith.addf %add3A_933, %mul3A_953 : vector<32xbf16>
        %mul3A_955 = arith.mulf %pack3A_952, %pack3A_952 : vector<32xbf16>
        %add3A_956 = arith.addf %add3A_935, %mul3A_955 : vector<32xbf16>
        %get3A_957 = arith.constant 2 : i32
        %get3A_958 = arith.index_cast %get3A_957 : i32 to index
        %get3A_959 = arith.index_cast %scan3A_890 : i32 to index
        %get3A_960 = arith.constant 48 : index
        %get3A_961 = tpu.vector_load %arg8[%get3A_958, %get3A_959, %get3A_960] {strides = array<i32>} : memref<4x16x512xi32, #tpu.memory_space<vmem>>, vector<16xi32>,
        %bitcast3A_962 = vector.bitcast %get3A_961 : vector<16xi32> to vector<32xbf16>
        %get3A_963 = arith.constant 2 : i32
        %get3A_964 = arith.index_cast %get3A_963 : i32 to index
        %get3A_965 = arith.index_cast %scan3A_890 : i32 to index
        %get3A_966 = arith.constant 96 : index
        %get3A_967 = tpu.vector_load %arg7[%get3A_964, %get3A_965, %get3A_966] {strides = array<i32>} : memref<4x16x1024xf32, #tpu.memory_space<vmem>>, vector<16xf32>,
        %get3A_968 = arith.constant 2 : i32
        %get3A_969 = arith.index_cast %get3A_968 : i32 to index
        %get3A_970 = arith.index_cast %scan3A_890 : i32 to index
        %get3A_971 = arith.constant 112 : index
        %get3A_972 = tpu.vector_load %arg7[%get3A_969, %get3A_970, %get3A_971] {strides = array<i32>} : memref<4x16x1024xf32, #tpu.memory_space<vmem>>, vector<16xf32>,
        %pack3A_973 = tpu.pack_subelements %get3A_967, %get3A_972 {pack_format = #tpu.pack_format<interleaved>, positions = array<i32: 0, 1>} : vector<16xf32>, vector<16xf32> -> vector<32xbf16>
        %mul3A_974 = arith.mulf %pack3A_973, %bitcast3A_962 : vector<32xbf16>
        %add3A_975 = arith.addf %add3A_954, %mul3A_974 : vector<32xbf16>
        %mul3A_976 = arith.mulf %pack3A_973, %pack3A_973 : vector<32xbf16>
        %add3A_977 = arith.addf %add3A_956, %mul3A_976 : vector<32xbf16>
        %get3A_978 = arith.constant 2 : i32
        %get3A_979 = arith.index_cast %get3A_978 : i32 to index
        %get3A_980 = arith.index_cast %scan3A_890 : i32 to index
        %get3A_981 = arith.constant 64 : index
        %get3A_982 = tpu.vector_load %arg8[%get3A_979, %get3A_980, %get3A_981] {strides = array<i32>} : memref<4x16x512xi32, #tpu.memory_space<vmem>>, vector<16xi32>,
        %bitcast3A_983 = vector.bitcast %get3A_982 : vector<16xi32> to vector<32xbf16>
        %get3A_984 = arith.constant 2 : i32
        %get3A_985 = arith.index_cast %get3A_984 : i32 to index
        %get3A_986 = arith.index_cast %scan3A_890 : i32 to index
        %get3A_987 = arith.constant 128 : index
        %get3A_988 = tpu.vector_load %arg7[%get3A_985, %get3A_986, %get3A_987] {strides = array<i32>} : memref<4x16x1024xf32, #tpu.memory_space<vmem>>, vector<16xf32>,
        %get3A_989 = arith.constant 2 : i32
        %get3A_990 = arith.index_cast %get3A_989 : i32 to index
        %get3A_991 = arith.index_cast %scan3A_890 : i32 to index
        %get3A_992 = arith.constant 144 : index
        %get3A_993 = tpu.vector_load %arg7[%get3A_990, %get3A_991, %get3A_992] {strides = array<i32>} : memref<4x16x1024xf32, #tpu.memory_space<vmem>>, vector<16xf32>,
        %pack3A_994 = tpu.pack_subelements %get3A_988, %get3A_993 {pack_format = #tpu.pack_format<interleaved>, positions = array<i32: 0, 1>} : vector<16xf32>, vector<16xf32> -> vector<32xbf16>
        %mul3A_995 = arith.mulf %pack3A_994, %bitcast3A_983 : vector<32xbf16>
        %add3A_996 = arith.addf %add3A_975, %mul3A_995 : vector<32xbf16>
        %mul3A_997 = arith.mulf %pack3A_994, %pack3A_994 : vector<32xbf16>
        %add3A_998 = arith.addf %add3A_977, %mul3A_997 : vector<32xbf16>
        %get3A_999 = arith.constant 2 : i32
        %get3A_1000 = arith.index_cast %get3A_999 : i32 to index
        %get3A_1001 = arith.index_cast %scan3A_890 : i32 to index
        %get3A_1002 = arith.constant 80 : index
        %get3A_1003 = tpu.vector_load %arg8[%get3A_1000, %get3A_1001, %get3A_1002] {strides = array<i32>} : memref<4x16x512xi32, #tpu.memory_space<vmem>>, vector<16xi32>,
        %bitcast3A_1004 = vector.bitcast %get3A_1003 : vector<16xi32> to vector<32xbf16>
        %get3A_1005 = arith.constant 2 : i32
        %get3A_1006 = arith.index_cast %get3A_1005 : i32 to index
        %get3A_1007 = arith.index_cast %scan3A_890 : i32 to index
        %get3A_1008 = arith.constant 160 : index
        %get3A_1009 = tpu.vector_load %arg7[%get3A_1006, %get3A_1007, %get3A_1008] {strides = array<i32>} : memref<4x16x1024xf32, #tpu.memory_space<vmem>>, vector<16xf32>,
        %get3A_1010 = arith.constant 2 : i32
        %get3A_1011 = arith.index_cast %get3A_1010 : i32 to index
        %get3A_1012 = arith.index_cast %scan3A_890 : i32 to index
        %get3A_1013 = arith.constant 176 : index
        %get3A_1014 = tpu.vector_load %arg7[%get3A_1011, %get3A_1012, %get3A_1013] {strides = array<i32>} : memref<4x16x1024xf32, #tpu.memory_space<vmem>>, vector<16xf32>,
        %pack3A_1015 = tpu.pack_subelements %get3A_1009, %get3A_1014 {pack_format = #tpu.pack_format<interleaved>, positions = array<i32: 0, 1>} : vector<16xf32>, vector<16xf32> -> vector<32xbf16>
        %mul3A_1016 = arith.mulf %pack3A_1015, %bitcast3A_1004 : vector<32xbf16>
        %add3A_1017 = arith.addf %add3A_996, %mul3A_1016 : vector<32xbf16>
        %mul3A_1018 = arith.mulf %pack3A_1015, %pack3A_1015 : vector<32xbf16>
        %add3A_1019 = arith.addf %add3A_998, %mul3A_1018 : vector<32xbf16>
        %get3A_1020 = arith.constant 2 : i32
        %get3A_1021 = arith.index_cast %get3A_1020 : i32 to index
        %get3A_1022 = arith.index_cast %scan3A_890 : i32 to index
        %get3A_1023 = arith.constant 96 : index
        %get3A_1024 = tpu.vector_load %arg8[%get3A_1021, %get3A_1022, %get3A_1023] {strides = array<i32>} : memref<4x16x512xi32, #tpu.memory_space<vmem>>, vector<16xi32>,
        %bitcast3A_1025 = vector.bitcast %get3A_1024 : vector<16xi32> to vector<32xbf16>
        %get3A_1026 = arith.constant 2 : i32
        %get3A_1027 = arith.index_cast %get3A_1026 : i32 to index
        %get3A_1028 = arith.index_cast %scan3A_890 : i32 to index
        %get3A_1029 = arith.constant 192 : index
        %get3A_1030 = tpu.vector_load %arg7[%get3A_1027, %get3A_1028, %get3A_1029] {strides = array<i32>} : memref<4x16x1024xf32, #tpu.memory_space<vmem>>, vector<16xf32>,
        %get3A_1031 = arith.constant 2 : i32
        %get3A_1032 = arith.index_cast %get3A_1031 : i32 to index
        %get3A_1033 = arith.index_cast %scan3A_890 : i32 to index
        %get3A_1034 = arith.constant 208 : index
        %get3A_1035 = tpu.vector_load %arg7[%get3A_1032, %get3A_1033, %get3A_1034] {strides = array<i32>} : memref<4x16x1024xf32, #tpu.memory_space<vmem>>, vector<16xf32>,
        %pack3A_1036 = tpu.pack_subelements %get3A_1030, %get3A_1035 {pack_format = #tpu.pack_format<interleaved>, positions = array<i32: 0, 1>} : vector<16xf32>, vector<16xf32> -> vector<32xbf16>
        %mul3A_1037 = arith.mulf %pack3A_1036, %bitcast3A_1025 : vector<32xbf16>
        %add3A_1038 = arith.addf %add3A_1017, %mul3A_1037 : vector<32xbf16>
        %mul3A_1039 = arith.mulf %pack3A_1036, %pack3A_1036 : vector<32xbf16>
        %add3A_1040 = arith.addf %add3A_1019, %mul3A_1039 : vector<32xbf16>
        %get3A_1041 = arith.constant 2 : i32
        %get3A_1042 = arith.index_cast %get3A_1041 : i32 to index
        %get3A_1043 = arith.index_cast %scan3A_890 : i32 to index
        %get3A_1044 = arith.constant 112 : index
        %get3A_1045 = tpu.vector_load %arg8[%get3A_1042, %get3A_1043, %get3A_1044] {strides = array<i32>} : memref<4x16x512xi32, #tpu.memory_space<vmem>>, vector<16xi32>,
        %bitcast3A_1046 = vector.bitcast %get3A_1045 : vector<16xi32> to vector<32xbf16>
        %get3A_1047 = arith.constant 2 : i32
        %get3A_1048 = arith.index_cast %get3A_1047 : i32 to index
        %get3A_1049 = arith.index_cast %scan3A_890 : i32 to index
        %get3A_1050 = arith.constant 224 : index
        %get3A_1051 = tpu.vector_load %arg7[%get3A_1048, %get3A_1049, %get3A_1050] {strides = array<i32>} : memref<4x16x1024xf32, #tpu.memory_space<vmem>>, vector<16xf32>,
        %get3A_1052 = arith.constant 2 : i32
        %get3A_1053 = arith.index_cast %get3A_1052 : i32 to index
        %get3A_1054 = arith.index_cast %scan3A_890 : i32 to index
        %get3A_1055 = arith.constant 240 : index
        %get3A_1056 = tpu.vector_load %arg7[%get3A_1053, %get3A_1054, %get3A_1055] {strides = array<i32>} : memref<4x16x1024xf32, #tpu.memory_space<vmem>>, vector<16xf32>,
        %pack3A_1057 = tpu.pack_subelements %get3A_1051, %get3A_1056 {pack_format = #tpu.pack_format<interleaved>, positions = array<i32: 0, 1>} : vector<16xf32>, vector<16xf32> -> vector<32xbf16>
        %mul3A_1058 = arith.mulf %pack3A_1057, %bitcast3A_1046 : vector<32xbf16>
        %add3A_1059 = arith.addf %add3A_1038, %mul3A_1058 : vector<32xbf16>
        %mul3A_1060 = arith.mulf %pack3A_1057, %pack3A_1057 : vector<32xbf16>
        %add3A_1061 = arith.addf %add3A_1040, %mul3A_1060 : vector<32xbf16>
        %unpack3A = tpu.unpack_subelements %add3A_1059, 0 {pack_format = #tpu.pack_format<interleaved>} : vector<32xbf16> -> vector<16xf32>
        %unpack3A_1062 = tpu.unpack_subelements %add3A_1059, 1 {pack_format = #tpu.pack_format<interleaved>} : vector<32xbf16> -> vector<16xf32>
        %unpack3A_1063 = tpu.unpack_subelements %add3A_1061, 0 {pack_format = #tpu.pack_format<interleaved>} : vector<32xbf16> -> vector<16xf32>
        %unpack3A_1064 = tpu.unpack_subelements %add3A_1061, 1 {pack_format = #tpu.pack_format<interleaved>} : vector<32xbf16> -> vector<16xf32>
        %add3A_1065 = arith.addf %broadcast_in_dim3A_893, %unpack3A : vector<16xf32>
        %add3A_1066 = arith.addf %broadcast_in_dim3A_893, %unpack3A_1062 : vector<16xf32>
        %add3A_1067 = arith.addf %broadcast_in_dim3A_893, %unpack3A_1063 : vector<16xf32>
        %add3A_1068 = arith.addf %broadcast_in_dim3A_893, %unpack3A_1064 : vector<16xf32>
        %get3A_1069 = arith.constant 2 : i32
        %get3A_1070 = arith.index_cast %get3A_1069 : i32 to index
        %get3A_1071 = arith.index_cast %scan3A_890 : i32 to index
        %get3A_1072 = arith.constant 128 : index
        %get3A_1073 = tpu.vector_load %arg8[%get3A_1070, %get3A_1071, %get3A_1072] {strides = array<i32>} : memref<4x16x512xi32, #tpu.memory_space<vmem>>, vector<16xi32>,
        %bitcast3A_1074 = vector.bitcast %get3A_1073 : vector<16xi32> to vector<32xbf16>
        %get3A_1075 = arith.constant 2 : i32
        %get3A_1076 = arith.index_cast %get3A_1075 : i32 to index
        %get3A_1077 = arith.index_cast %scan3A_890 : i32 to index
        %get3A_1078 = arith.constant 256 : index
        %get3A_1079 = tpu.vector_load %arg7[%get3A_1076, %get3A_1077, %get3A_1078] {strides = array<i32>} : memref<4x16x1024xf32, #tpu.memory_space<vmem>>, vector<16xf32>,
        %get3A_1080 = arith.constant 2 : i32
        %get3A_1081 = arith.index_cast %get3A_1080 : i32 to index
        %get3A_1082 = arith.index_cast %scan3A_890 : i32 to index
        %get3A_1083 = arith.constant 272 : index
        %get3A_1084 = tpu.vector_load %arg7[%get3A_1081, %get3A_1082, %get3A_1083] {strides = array<i32>} : memref<4x16x1024xf32, #tpu.memory_space<vmem>>, vector<16xf32>,
        %pack3A_1085 = tpu.pack_subelements %get3A_1079, %get3A_1084 {pack_format = #tpu.pack_format<interleaved>, positions = array<i32: 0, 1>} : vector<16xf32>, vector<16xf32> -> vector<32xbf16>
        %mul3A_1086 = arith.mulf %pack3A_1085, %bitcast3A_1074 : vector<32xbf16>
        %add3A_1087 = arith.addf %broadcast_in_dim3A_895, %mul3A_1086 : vector<32xbf16>
        %mul3A_1088 = arith.mulf %pack3A_1085, %pack3A_1085 : vector<32xbf16>
        %add3A_1089 = arith.addf %broadcast_in_dim3A_895, %mul3A_1088 : vector<32xbf16>
        %get3A_1090 = arith.constant 2 : i32
        %get3A_1091 = arith.index_cast %get3A_1090 : i32 to index
        %get3A_1092 = arith.index_cast %scan3A_890 : i32 to index
        %get3A_1093 = arith.constant 144 : index
        %get3A_1094 = tpu.vector_load %arg8[%get3A_1091, %get3A_1092, %get3A_1093] {strides = array<i32>} : memref<4x16x512xi32, #tpu.memory_space<vmem>>, vector<16xi32>,
        %bitcast3A_1095 = vector.bitcast %get3A_1094 : vector<16xi32> to vector<32xbf16>
        %get3A_1096 = arith.constant 2 : i32
        %get3A_1097 = arith.index_cast %get3A_1096 : i32 to index
        %get3A_1098 = arith.index_cast %scan3A_890 : i32 to index
        %get3A_1099 = arith.constant 288 : index
        %get3A_1100 = tpu.vector_load %arg7[%get3A_1097, %get3A_1098, %get3A_1099] {strides = array<i32>} : memref<4x16x1024xf32, #tpu.memory_space<vmem>>, vector<16xf32>,
        %get3A_1101 = arith.constant 2 : i32
        %get3A_1102 = arith.index_cast %get3A_1101 : i32 to index
        %get3A_1103 = arith.index_cast %scan3A_890 : i32 to index
        %get3A_1104 = arith.constant 304 : index
        %get3A_1105 = tpu.vector_load %arg7[%get3A_1102, %get3A_1103, %get3A_1104] {strides = array<i32>} : memref<4x16x1024xf32, #tpu.memory_space<vmem>>, vector<16xf32>,
        %pack3A_1106 = tpu.pack_subelements %get3A_1100, %get3A_1105 {pack_format = #tpu.pack_format<interleaved>, positions = array<i32: 0, 1>} : vector<16xf32>, vector<16xf32> -> vector<32xbf16>
        %mul3A_1107 = arith.mulf %pack3A_1106, %bitcast3A_1095 : vector<32xbf16>
        %add3A_1108 = arith.addf %add3A_1087, %mul3A_1107 : vector<32xbf16>
        %mul3A_1109 = arith.mulf %pack3A_1106, %pack3A_1106 : vector<32xbf16>
        %add3A_1110 = arith.addf %add3A_1089, %mul3A_1109 : vector<32xbf16>
        %get3A_1111 = arith.constant 2 : i32
        %get3A_1112 = arith.index_cast %get3A_1111 : i32 to index
        %get3A_1113 = arith.index_cast %scan3A_890 : i32 to index
        %get3A_1114 = arith.constant 160 : index
        %get3A_1115 = tpu.vector_load %arg8[%get3A_1112, %get3A_1113, %get3A_1114] {strides = array<i32>} : memref<4x16x512xi32, #tpu.memory_space<vmem>>, vector<16xi32>,
        %bitcast3A_1116 = vector.bitcast %get3A_1115 : vector<16xi32> to vector<32xbf16>
        %get3A_1117 = arith.constant 2 : i32
        %get3A_1118 = arith.index_cast %get3A_1117 : i32 to index
        %get3A_1119 = arith.index_cast %scan3A_890 : i32 to index
        %get3A_1120 = arith.constant 320 : index
        %get3A_1121 = tpu.vector_load %arg7[%get3A_1118, %get3A_1119, %get3A_1120] {strides = array<i32>} : memref<4x16x1024xf32, #tpu.memory_space<vmem>>, vector<16xf32>,
        %get3A_1122 = arith.constant 2 : i32
        %get3A_1123 = arith.index_cast %get3A_1122 : i32 to index
        %get3A_1124 = arith.index_cast %scan3A_890 : i32 to index
        %get3A_1125 = arith.constant 336 : index
        %get3A_1126 = tpu.vector_load %arg7[%get3A_1123, %get3A_1124, %get3A_1125] {strides = array<i32>} : memref<4x16x1024xf32, #tpu.memory_space<vmem>>, vector<16xf32>,
        %pack3A_1127 = tpu.pack_subelements %get3A_1121, %get3A_1126 {pack_format = #tpu.pack_format<interleaved>, positions = array<i32: 0, 1>} : vector<16xf32>, vector<16xf32> -> vector<32xbf16>
        %mul3A_1128 = arith.mulf %pack3A_1127, %bitcast3A_1116 : vector<32xbf16>
        %add3A_1129 = arith.addf %add3A_1108, %mul3A_1128 : vector<32xbf16>
        %mul3A_1130 = arith.mulf %pack3A_1127, %pack3A_1127 : vector<32xbf16>
        %add3A_1131 = arith.addf %add3A_1110, %mul3A_1130 : vector<32xbf16>
        %get3A_1132 = arith.constant 2 : i32
        %get3A_1133 = arith.index_cast %get3A_1132 : i32 to index
        %get3A_1134 = arith.index_cast %scan3A_890 : i32 to index
        %get3A_1135 = arith.constant 176 : index
        %get3A_1136 = tpu.vector_load %arg8[%get3A_1133, %get3A_1134, %get3A_1135] {strides = array<i32>} : memref<4x16x512xi32, #tpu.memory_space<vmem>>, vector<16xi32>,
        %bitcast3A_1137 = vector.bitcast %get3A_1136 : vector<16xi32> to vector<32xbf16>
        %get3A_1138 = arith.constant 2 : i32
        %get3A_1139 = arith.index_cast %get3A_1138 : i32 to index
        %get3A_1140 = arith.index_cast %scan3A_890 : i32 to index
        %get3A_1141 = arith.constant 352 : index
        %get3A_1142 = tpu.vector_load %arg7[%get3A_1139, %get3A_1140, %get3A_1141] {strides = array<i32>} : memref<4x16x1024xf32, #tpu.memory_space<vmem>>, vector<16xf32>,
        %get3A_1143 = arith.constant 2 : i32
        %get3A_1144 = arith.index_cast %get3A_1143 : i32 to index
        %get3A_1145 = arith.index_cast %scan3A_890 : i32 to index
        %get3A_1146 = arith.constant 368 : index
        %get3A_1147 = tpu.vector_load %arg7[%get3A_1144, %get3A_1145, %get3A_1146] {strides = array<i32>} : memref<4x16x1024xf32, #tpu.memory_space<vmem>>, vector<16xf32>,
        %pack3A_1148 = tpu.pack_subelements %get3A_1142, %get3A_1147 {pack_format = #tpu.pack_format<interleaved>, positions = array<i32: 0, 1>} : vector<16xf32>, vector<16xf32> -> vector<32xbf16>
        %mul3A_1149 = arith.mulf %pack3A_1148, %bitcast3A_1137 : vector<32xbf16>
        %add3A_1150 = arith.addf %add3A_1129, %mul3A_1149 : vector<32xbf16>
        %mul3A_1151 = arith.mulf %pack3A_1148, %pack3A_1148 : vector<32xbf16>
        %add3A_1152 = arith.addf %add3A_1131, %mul3A_1151 : vector<32xbf16>
        %get3A_1153 = arith.constant 2 : i32
        %get3A_1154 = arith.index_cast %get3A_1153 : i32 to index
        %get3A_1155 = arith.index_cast %scan3A_890 : i32 to index
        %get3A_1156 = arith.constant 192 : index
        %get3A_1157 = tpu.vector_load %arg8[%get3A_1154, %get3A_1155, %get3A_1156] {strides = array<i32>} : memref<4x16x512xi32, #tpu.memory_space<vmem>>, vector<16xi32>,
        %bitcast3A_1158 = vector.bitcast %get3A_1157 : vector<16xi32> to vector<32xbf16>
        %get3A_1159 = arith.constant 2 : i32
        %get3A_1160 = arith.index_cast %get3A_1159 : i32 to index
        %get3A_1161 = arith.index_cast %scan3A_890 : i32 to index
        %get3A_1162 = arith.constant 384 : index
        %get3A_1163 = tpu.vector_load %arg7[%get3A_1160, %get3A_1161, %get3A_1162] {strides = array<i32>} : memref<4x16x1024xf32, #tpu.memory_space<vmem>>, vector<16xf32>,
        %get3A_1164 = arith.constant 2 : i32
        %get3A_1165 = arith.index_cast %get3A_1164 : i32 to index
        %get3A_1166 = arith.index_cast %scan3A_890 : i32 to index
        %get3A_1167 = arith.constant 400 : index
        %get3A_1168 = tpu.vector_load %arg7[%get3A_1165, %get3A_1166, %get3A_1167] {strides = array<i32>} : memref<4x16x1024xf32, #tpu.memory_space<vmem>>, vector<16xf32>,
        %pack3A_1169 = tpu.pack_subelements %get3A_1163, %get3A_1168 {pack_format = #tpu.pack_format<interleaved>, positions = array<i32: 0, 1>} : vector<16xf32>, vector<16xf32> -> vector<32xbf16>
        %mul3A_1170 = arith.mulf %pack3A_1169, %bitcast3A_1158 : vector<32xbf16>
        %add3A_1171 = arith.addf %add3A_1150, %mul3A_1170 : vector<32xbf16>
        %mul3A_1172 = arith.mulf %pack3A_1169, %pack3A_1169 : vector<32xbf16>
        %add3A_1173 = arith.addf %add3A_1152, %mul3A_1172 : vector<32xbf16>
        %get3A_1174 = arith.constant 2 : i32
        %get3A_1175 = arith.index_cast %get3A_1174 : i32 to index
        %get3A_1176 = arith.index_cast %scan3A_890 : i32 to index
        %get3A_1177 = arith.constant 208 : index
        %get3A_1178 = tpu.vector_load %arg8[%get3A_1175, %get3A_1176, %get3A_1177] {strides = array<i32>} : memref<4x16x512xi32, #tpu.memory_space<vmem>>, vector<16xi32>,
        %bitcast3A_1179 = vector.bitcast %get3A_1178 : vector<16xi32> to vector<32xbf16>
        %get3A_1180 = arith.constant 2 : i32
        %get3A_1181 = arith.index_cast %get3A_1180 : i32 to index
        %get3A_1182 = arith.index_cast %scan3A_890 : i32 to index
        %get3A_1183 = arith.constant 416 : index
        %get3A_1184 = tpu.vector_load %arg7[%get3A_1181, %get3A_1182, %get3A_1183] {strides = array<i32>} : memref<4x16x1024xf32, #tpu.memory_space<vmem>>, vector<16xf32>,
        %get3A_1185 = arith.constant 2 : i32
        %get3A_1186 = arith.index_cast %get3A_1185 : i32 to index
        %get3A_1187 = arith.index_cast %scan3A_890 : i32 to index
        %get3A_1188 = arith.constant 432 : index
        %get3A_1189 = tpu.vector_load %arg7[%get3A_1186, %get3A_1187, %get3A_1188] {strides = array<i32>} : memref<4x16x1024xf32, #tpu.memory_space<vmem>>, vector<16xf32>,
        %pack3A_1190 = tpu.pack_subelements %get3A_1184, %get3A_1189 {pack_format = #tpu.pack_format<interleaved>, positions = array<i32: 0, 1>} : vector<16xf32>, vector<16xf32> -> vector<32xbf16>
        %mul3A_1191 = arith.mulf %pack3A_1190, %bitcast3A_1179 : vector<32xbf16>
        %add3A_1192 = arith.addf %add3A_1171, %mul3A_1191 : vector<32xbf16>
        %mul3A_1193 = arith.mulf %pack3A_1190, %pack3A_1190 : vector<32xbf16>
        %add3A_1194 = arith.addf %add3A_1173, %mul3A_1193 : vector<32xbf16>
        %get3A_1195 = arith.constant 2 : i32
        %get3A_1196 = arith.index_cast %get3A_1195 : i32 to index
        %get3A_1197 = arith.index_cast %scan3A_890 : i32 to index
        %get3A_1198 = arith.constant 224 : index
        %get3A_1199 = tpu.vector_load %arg8[%get3A_1196, %get3A_1197, %get3A_1198] {strides = array<i32>} : memref<4x16x512xi32, #tpu.memory_space<vmem>>, vector<16xi32>,
        %bitcast3A_1200 = vector.bitcast %get3A_1199 : vector<16xi32> to vector<32xbf16>
        %get3A_1201 = arith.constant 2 : i32
        %get3A_1202 = arith.index_cast %get3A_1201 : i32 to index
        %get3A_1203 = arith.index_cast %scan3A_890 : i32 to index
        %get3A_1204 = arith.constant 448 : index
        %get3A_1205 = tpu.vector_load %arg7[%get3A_1202, %get3A_1203, %get3A_1204] {strides = array<i32>} : memref<4x16x1024xf32, #tpu.memory_space<vmem>>, vector<16xf32>,
        %get3A_1206 = arith.constant 2 : i32
        %get3A_1207 = arith.index_cast %get3A_1206 : i32 to index
        %get3A_1208 = arith.index_cast %scan3A_890 : i32 to index
        %get3A_1209 = arith.constant 464 : index
        %get3A_1210 = tpu.vector_load %arg7[%get3A_1207, %get3A_1208, %get3A_1209] {strides = array<i32>} : memref<4x16x1024xf32, #tpu.memory_space<vmem>>, vector<16xf32>,
        %pack3A_1211 = tpu.pack_subelements %get3A_1205, %get3A_1210 {pack_format = #tpu.pack_format<interleaved>, positions = array<i32: 0, 1>} : vector<16xf32>, vector<16xf32> -> vector<32xbf16>
        %mul3A_1212 = arith.mulf %pack3A_1211, %bitcast3A_1200 : vector<32xbf16>
        %add3A_1213 = arith.addf %add3A_1192, %mul3A_1212 : vector<32xbf16>
        %mul3A_1214 = arith.mulf %pack3A_1211, %pack3A_1211 : vector<32xbf16>
        %add3A_1215 = arith.addf %add3A_1194, %mul3A_1214 : vector<32xbf16>
        %get3A_1216 = arith.constant 2 : i32
        %get3A_1217 = arith.index_cast %get3A_1216 : i32 to index
        %get3A_1218 = arith.index_cast %scan3A_890 : i32 to index
        %get3A_1219 = arith.constant 240 : index
        %get3A_1220 = tpu.vector_load %arg8[%get3A_1217, %get3A_1218, %get3A_1219] {strides = array<i32>} : memref<4x16x512xi32, #tpu.memory_space<vmem>>, vector<16xi32>,
        %bitcast3A_1221 = vector.bitcast %get3A_1220 : vector<16xi32> to vector<32xbf16>
        %get3A_1222 = arith.constant 2 : i32
        %get3A_1223 = arith.index_cast %get3A_1222 : i32 to index
        %get3A_1224 = arith.index_cast %scan3A_890 : i32 to index
        %get3A_1225 = arith.constant 480 : index
        %get3A_1226 = tpu.vector_load %arg7[%get3A_1223, %get3A_1224, %get3A_1225] {strides = array<i32>} : memref<4x16x1024xf32, #tpu.memory_space<vmem>>, vector<16xf32>,
        %get3A_1227 = arith.constant 2 : i32
        %get3A_1228 = arith.index_cast %get3A_1227 : i32 to index
        %get3A_1229 = arith.index_cast %scan3A_890 : i32 to index
        %get3A_1230 = arith.constant 496 : index
        %get3A_1231 = tpu.vector_load %arg7[%get3A_1228, %get3A_1229, %get3A_1230] {strides = array<i32>} : memref<4x16x1024xf32, #tpu.memory_space<vmem>>, vector<16xf32>,
        %pack3A_1232 = tpu.pack_subelements %get3A_1226, %get3A_1231 {pack_format = #tpu.pack_format<interleaved>, positions = array<i32: 0, 1>} : vector<16xf32>, vector<16xf32> -> vector<32xbf16>
        %mul3A_1233 = arith.mulf %pack3A_1232, %bitcast3A_1221 : vector<32xbf16>
        %add3A_1234 = arith.addf %add3A_1213, %mul3A_1233 : vector<32xbf16>
        %mul3A_1235 = arith.mulf %pack3A_1232, %pack3A_1232 : vector<32xbf16>
        %add3A_1236 = arith.addf %add3A_1215, %mul3A_1235 : vector<32xbf16>
        %unpack3A_1237 = tpu.unpack_subelements %add3A_1234, 0 {pack_format = #tpu.pack_format<interleaved>} : vector<32xbf16> -> vector<16xf32>
        %unpack3A_1238 = tpu.unpack_subelements %add3A_1234, 1 {pack_format = #tpu.pack_format<interleaved>} : vector<32xbf16> -> vector<16xf32>
        %unpack3A_1239 = tpu.unpack_subelements %add3A_1236, 0 {pack_format = #tpu.pack_format<interleaved>} : vector<32xbf16> -> vector<16xf32>
        %unpack3A_1240 = tpu.unpack_subelements %add3A_1236, 1 {pack_format = #tpu.pack_format<interleaved>} : vector<32xbf16> -> vector<16xf32>
        %add3A_1241 = arith.addf %add3A_1065, %unpack3A_1237 : vector<16xf32>
        %add3A_1242 = arith.addf %add3A_1066, %unpack3A_1238 : vector<16xf32>
        %add3A_1243 = arith.addf %add3A_1067, %unpack3A_1239 : vector<16xf32>
        %add3A_1244 = arith.addf %add3A_1068, %unpack3A_1240 : vector<16xf32>
        %get3A_1245 = arith.constant 2 : i32
        %get3A_1246 = arith.index_cast %get3A_1245 : i32 to index
        %get3A_1247 = arith.index_cast %scan3A_890 : i32 to index
        %get3A_1248 = arith.constant 256 : index
        %get3A_1249 = tpu.vector_load %arg8[%get3A_1246, %get3A_1247, %get3A_1248] {strides = array<i32>} : memref<4x16x512xi32, #tpu.memory_space<vmem>>, vector<16xi32>,
        %bitcast3A_1250 = vector.bitcast %get3A_1249 : vector<16xi32> to vector<32xbf16>
        %get3A_1251 = arith.constant 2 : i32
        %get3A_1252 = arith.index_cast %get3A_1251 : i32 to index
        %get3A_1253 = arith.index_cast %scan3A_890 : i32 to index
        %get3A_1254 = arith.constant 512 : index
        %get3A_1255 = tpu.vector_load %arg7[%get3A_1252, %get3A_1253, %get3A_1254] {strides = array<i32>} : memref<4x16x1024xf32, #tpu.memory_space<vmem>>, vector<16xf32>,
        %get3A_1256 = arith.constant 2 : i32
        %get3A_1257 = arith.index_cast %get3A_1256 : i32 to index
        %get3A_1258 = arith.index_cast %scan3A_890 : i32 to index
        %get3A_1259 = arith.constant 528 : index
        %get3A_1260 = tpu.vector_load %arg7[%get3A_1257, %get3A_1258, %get3A_1259] {strides = array<i32>} : memref<4x16x1024xf32, #tpu.memory_space<vmem>>, vector<16xf32>,
        %pack3A_1261 = tpu.pack_subelements %get3A_1255, %get3A_1260 {pack_format = #tpu.pack_format<interleaved>, positions = array<i32: 0, 1>} : vector<16xf32>, vector<16xf32> -> vector<32xbf16>
        %mul3A_1262 = arith.mulf %pack3A_1261, %bitcast3A_1250 : vector<32xbf16>
        %add3A_1263 = arith.addf %broadcast_in_dim3A_895, %mul3A_1262 : vector<32xbf16>
        %mul3A_1264 = arith.mulf %pack3A_1261, %pack3A_1261 : vector<32xbf16>
        %add3A_1265 = arith.addf %broadcast_in_dim3A_895, %mul3A_1264 : vector<32xbf16>
        %get3A_1266 = arith.constant 2 : i32
        %get3A_1267 = arith.index_cast %get3A_1266 : i32 to index
        %get3A_1268 = arith.index_cast %scan3A_890 : i32 to index
        %get3A_1269 = arith.constant 272 : index
        %get3A_1270 = tpu.vector_load %arg8[%get3A_1267, %get3A_1268, %get3A_1269] {strides = array<i32>} : memref<4x16x512xi32, #tpu.memory_space<vmem>>, vector<16xi32>,
        %bitcast3A_1271 = vector.bitcast %get3A_1270 : vector<16xi32> to vector<32xbf16>
        %get3A_1272 = arith.constant 2 : i32
        %get3A_1273 = arith.index_cast %get3A_1272 : i32 to index
        %get3A_1274 = arith.index_cast %scan3A_890 : i32 to index
        %get3A_1275 = arith.constant 544 : index
        %get3A_1276 = tpu.vector_load %arg7[%get3A_1273, %get3A_1274, %get3A_1275] {strides = array<i32>} : memref<4x16x1024xf32, #tpu.memory_space<vmem>>, vector<16xf32>,
        %get3A_1277 = arith.constant 2 : i32
        %get3A_1278 = arith.index_cast %get3A_1277 : i32 to index
        %get3A_1279 = arith.index_cast %scan3A_890 : i32 to index
        %get3A_1280 = arith.constant 560 : index
        %get3A_1281 = tpu.vector_load %arg7[%get3A_1278, %get3A_1279, %get3A_1280] {strides = array<i32>} : memref<4x16x1024xf32, #tpu.memory_space<vmem>>, vector<16xf32>,
        %pack3A_1282 = tpu.pack_subelements %get3A_1276, %get3A_1281 {pack_format = #tpu.pack_format<interleaved>, positions = array<i32: 0, 1>} : vector<16xf32>, vector<16xf32> -> vector<32xbf16>
        %mul3A_1283 = arith.mulf %pack3A_1282, %bitcast3A_1271 : vector<32xbf16>
        %add3A_1284 = arith.addf %add3A_1263, %mul3A_1283 : vector<32xbf16>
        %mul3A_1285 = arith.mulf %pack3A_1282, %pack3A_1282 : vector<32xbf16>
        %add3A_1286 = arith.addf %add3A_1265, %mul3A_1285 : vector<32xbf16>
        %get3A_1287 = arith.constant 2 : i32
        %get3A_1288 = arith.index_cast %get3A_1287 : i32 to index
        %get3A_1289 = arith.index_cast %scan3A_890 : i32 to index
        %get3A_1290 = arith.constant 288 : index
        %get3A_1291 = tpu.vector_load %arg8[%get3A_1288, %get3A_1289, %get3A_1290] {strides = array<i32>} : memref<4x16x512xi32, #tpu.memory_space<vmem>>, vector<16xi32>,
        %bitcast3A_1292 = vector.bitcast %get3A_1291 : vector<16xi32> to vector<32xbf16>
        %get3A_1293 = arith.constant 2 : i32
        %get3A_1294 = arith.index_cast %get3A_1293 : i32 to index
        %get3A_1295 = arith.index_cast %scan3A_890 : i32 to index
        %get3A_1296 = arith.constant 576 : index
        %get3A_1297 = tpu.vector_load %arg7[%get3A_1294, %get3A_1295, %get3A_1296] {strides = array<i32>} : memref<4x16x1024xf32, #tpu.memory_space<vmem>>, vector<16xf32>,
        %get3A_1298 = arith.constant 2 : i32
        %get3A_1299 = arith.index_cast %get3A_1298 : i32 to index
        %get3A_1300 = arith.index_cast %scan3A_890 : i32 to index
        %get3A_1301 = arith.constant 592 : index
        %get3A_1302 = tpu.vector_load %arg7[%get3A_1299, %get3A_1300, %get3A_1301] {strides = array<i32>} : memref<4x16x1024xf32, #tpu.memory_space<vmem>>, vector<16xf32>,
        %pack3A_1303 = tpu.pack_subelements %get3A_1297, %get3A_1302 {pack_format = #tpu.pack_format<interleaved>, positions = array<i32: 0, 1>} : vector<16xf32>, vector<16xf32> -> vector<32xbf16>
        %mul3A_1304 = arith.mulf %pack3A_1303, %bitcast3A_1292 : vector<32xbf16>
        %add3A_1305 = arith.addf %add3A_1284, %mul3A_1304 : vector<32xbf16>
        %mul3A_1306 = arith.mulf %pack3A_1303, %pack3A_1303 : vector<32xbf16>
        %add3A_1307 = arith.addf %add3A_1286, %mul3A_1306 : vector<32xbf16>
        %get3A_1308 = arith.constant 2 : i32
        %get3A_1309 = arith.index_cast %get3A_1308 : i32 to index
        %get3A_1310 = arith.index_cast %scan3A_890 : i32 to index
        %get3A_1311 = arith.constant 304 : index
        %get3A_1312 = tpu.vector_load %arg8[%get3A_1309, %get3A_1310, %get3A_1311] {strides = array<i32>} : memref<4x16x512xi32, #tpu.memory_space<vmem>>, vector<16xi32>,
        %bitcast3A_1313 = vector.bitcast %get3A_1312 : vector<16xi32> to vector<32xbf16>
        %get3A_1314 = arith.constant 2 : i32
        %get3A_1315 = arith.index_cast %get3A_1314 : i32 to index
        %get3A_1316 = arith.index_cast %scan3A_890 : i32 to index
        %get3A_1317 = arith.constant 608 : index
        %get3A_1318 = tpu.vector_load %arg7[%get3A_1315, %get3A_1316, %get3A_1317] {strides = array<i32>} : memref<4x16x1024xf32, #tpu.memory_space<vmem>>, vector<16xf32>,
        %get3A_1319 = arith.constant 2 : i32
        %get3A_1320 = arith.index_cast %get3A_1319 : i32 to index
        %get3A_1321 = arith.index_cast %scan3A_890 : i32 to index
        %get3A_1322 = arith.constant 624 : index
        %get3A_1323 = tpu.vector_load %arg7[%get3A_1320, %get3A_1321, %get3A_1322] {strides = array<i32>} : memref<4x16x1024xf32, #tpu.memory_space<vmem>>, vector<16xf32>,
        %pack3A_1324 = tpu.pack_subelements %get3A_1318, %get3A_1323 {pack_format = #tpu.pack_format<interleaved>, positions = array<i32: 0, 1>} : vector<16xf32>, vector<16xf32> -> vector<32xbf16>
        %mul3A_1325 = arith.mulf %pack3A_1324, %bitcast3A_1313 : vector<32xbf16>
        %add3A_1326 = arith.addf %add3A_1305, %mul3A_1325 : vector<32xbf16>
        %mul3A_1327 = arith.mulf %pack3A_1324, %pack3A_1324 : vector<32xbf16>
        %add3A_1328 = arith.addf %add3A_1307, %mul3A_1327 : vector<32xbf16>
        %get3A_1329 = arith.constant 2 : i32
        %get3A_1330 = arith.index_cast %get3A_1329 : i32 to index
        %get3A_1331 = arith.index_cast %scan3A_890 : i32 to index
        %get3A_1332 = arith.constant 320 : index
        %get3A_1333 = tpu.vector_load %arg8[%get3A_1330, %get3A_1331, %get3A_1332] {strides = array<i32>} : memref<4x16x512xi32, #tpu.memory_space<vmem>>, vector<16xi32>,
        %bitcast3A_1334 = vector.bitcast %get3A_1333 : vector<16xi32> to vector<32xbf16>
        %get3A_1335 = arith.constant 2 : i32
        %get3A_1336 = arith.index_cast %get3A_1335 : i32 to index
        %get3A_1337 = arith.index_cast %scan3A_890 : i32 to index
        %get3A_1338 = arith.constant 640 : index
        %get3A_1339 = tpu.vector_load %arg7[%get3A_1336, %get3A_1337, %get3A_1338] {strides = array<i32>} : memref<4x16x1024xf32, #tpu.memory_space<vmem>>, vector<16xf32>,
        %get3A_1340 = arith.constant 2 : i32
        %get3A_1341 = arith.index_cast %get3A_1340 : i32 to index
        %get3A_1342 = arith.index_cast %scan3A_890 : i32 to index
        %get3A_1343 = arith.constant 656 : index
        %get3A_1344 = tpu.vector_load %arg7[%get3A_1341, %get3A_1342, %get3A_1343] {strides = array<i32>} : memref<4x16x1024xf32, #tpu.memory_space<vmem>>, vector<16xf32>,
        %pack3A_1345 = tpu.pack_subelements %get3A_1339, %get3A_1344 {pack_format = #tpu.pack_format<interleaved>, positions = array<i32: 0, 1>} : vector<16xf32>, vector<16xf32> -> vector<32xbf16>
        %mul3A_1346 = arith.mulf %pack3A_1345, %bitcast3A_1334 : vector<32xbf16>
        %add3A_1347 = arith.addf %add3A_1326, %mul3A_1346 : vector<32xbf16>
        %mul3A_1348 = arith.mulf %pack3A_1345, %pack3A_1345 : vector<32xbf16>
        %add3A_1349 = arith.addf %add3A_1328, %mul3A_1348 : vector<32xbf16>
        %get3A_1350 = arith.constant 2 : i32
        %get3A_1351 = arith.index_cast %get3A_1350 : i32 to index
        %get3A_1352 = arith.index_cast %scan3A_890 : i32 to index
        %get3A_1353 = arith.constant 336 : index
        %get3A_1354 = tpu.vector_load %arg8[%get3A_1351, %get3A_1352, %get3A_1353] {strides = array<i32>} : memref<4x16x512xi32, #tpu.memory_space<vmem>>, vector<16xi32>,
        %bitcast3A_1355 = vector.bitcast %get3A_1354 : vector<16xi32> to vector<32xbf16>
        %get3A_1356 = arith.constant 2 : i32
        %get3A_1357 = arith.index_cast %get3A_1356 : i32 to index
        %get3A_1358 = arith.index_cast %scan3A_890 : i32 to index
        %get3A_1359 = arith.constant 672 : index
        %get3A_1360 = tpu.vector_load %arg7[%get3A_1357, %get3A_1358, %get3A_1359] {strides = array<i32>} : memref<4x16x1024xf32, #tpu.memory_space<vmem>>, vector<16xf32>,
        %get3A_1361 = arith.constant 2 : i32
        %get3A_1362 = arith.index_cast %get3A_1361 : i32 to index
        %get3A_1363 = arith.index_cast %scan3A_890 : i32 to index
        %get3A_1364 = arith.constant 688 : index
        %get3A_1365 = tpu.vector_load %arg7[%get3A_1362, %get3A_1363, %get3A_1364] {strides = array<i32>} : memref<4x16x1024xf32, #tpu.memory_space<vmem>>, vector<16xf32>,
        %pack3A_1366 = tpu.pack_subelements %get3A_1360, %get3A_1365 {pack_format = #tpu.pack_format<interleaved>, positions = array<i32: 0, 1>} : vector<16xf32>, vector<16xf32> -> vector<32xbf16>
        %mul3A_1367 = arith.mulf %pack3A_1366, %bitcast3A_1355 : vector<32xbf16>
        %add3A_1368 = arith.addf %add3A_1347, %mul3A_1367 : vector<32xbf16>
        %mul3A_1369 = arith.mulf %pack3A_1366, %pack3A_1366 : vector<32xbf16>
        %add3A_1370 = arith.addf %add3A_1349, %mul3A_1369 : vector<32xbf16>
        %get3A_1371 = arith.constant 2 : i32
        %get3A_1372 = arith.index_cast %get3A_1371 : i32 to index
        %get3A_1373 = arith.index_cast %scan3A_890 : i32 to index
        %get3A_1374 = arith.constant 352 : index
        %get3A_1375 = tpu.vector_load %arg8[%get3A_1372, %get3A_1373, %get3A_1374] {strides = array<i32>} : memref<4x16x512xi32, #tpu.memory_space<vmem>>, vector<16xi32>,
        %bitcast3A_1376 = vector.bitcast %get3A_1375 : vector<16xi32> to vector<32xbf16>
        %get3A_1377 = arith.constant 2 : i32
        %get3A_1378 = arith.index_cast %get3A_1377 : i32 to index
        %get3A_1379 = arith.index_cast %scan3A_890 : i32 to index
        %get3A_1380 = arith.constant 704 : index
        %get3A_1381 = tpu.vector_load %arg7[%get3A_1378, %get3A_1379, %get3A_1380] {strides = array<i32>} : memref<4x16x1024xf32, #tpu.memory_space<vmem>>, vector<16xf32>,
        %get3A_1382 = arith.constant 2 : i32
        %get3A_1383 = arith.index_cast %get3A_1382 : i32 to index
        %get3A_1384 = arith.index_cast %scan3A_890 : i32 to index
        %get3A_1385 = arith.constant 720 : index
        %get3A_1386 = tpu.vector_load %arg7[%get3A_1383, %get3A_1384, %get3A_1385] {strides = array<i32>} : memref<4x16x1024xf32, #tpu.memory_space<vmem>>, vector<16xf32>,
        %pack3A_1387 = tpu.pack_subelements %get3A_1381, %get3A_1386 {pack_format = #tpu.pack_format<interleaved>, positions = array<i32: 0, 1>} : vector<16xf32>, vector<16xf32> -> vector<32xbf16>
        %mul3A_1388 = arith.mulf %pack3A_1387, %bitcast3A_1376 : vector<32xbf16>
        %add3A_1389 = arith.addf %add3A_1368, %mul3A_1388 : vector<32xbf16>
        %mul3A_1390 = arith.mulf %pack3A_1387, %pack3A_1387 : vector<32xbf16>
        %add3A_1391 = arith.addf %add3A_1370, %mul3A_1390 : vector<32xbf16>
        %get3A_1392 = arith.constant 2 : i32
        %get3A_1393 = arith.index_cast %get3A_1392 : i32 to index
        %get3A_1394 = arith.index_cast %scan3A_890 : i32 to index
        %get3A_1395 = arith.constant 368 : index
        %get3A_1396 = tpu.vector_load %arg8[%get3A_1393, %get3A_1394, %get3A_1395] {strides = array<i32>} : memref<4x16x512xi32, #tpu.memory_space<vmem>>, vector<16xi32>,
        %bitcast3A_1397 = vector.bitcast %get3A_1396 : vector<16xi32> to vector<32xbf16>
        %get3A_1398 = arith.constant 2 : i32
        %get3A_1399 = arith.index_cast %get3A_1398 : i32 to index
        %get3A_1400 = arith.index_cast %scan3A_890 : i32 to index
        %get3A_1401 = arith.constant 736 : index
        %get3A_1402 = tpu.vector_load %arg7[%get3A_1399, %get3A_1400, %get3A_1401] {strides = array<i32>} : memref<4x16x1024xf32, #tpu.memory_space<vmem>>, vector<16xf32>,
        %get3A_1403 = arith.constant 2 : i32
        %get3A_1404 = arith.index_cast %get3A_1403 : i32 to index
        %get3A_1405 = arith.index_cast %scan3A_890 : i32 to index
        %get3A_1406 = arith.constant 752 : index
        %get3A_1407 = tpu.vector_load %arg7[%get3A_1404, %get3A_1405, %get3A_1406] {strides = array<i32>} : memref<4x16x1024xf32, #tpu.memory_space<vmem>>, vector<16xf32>,
        %pack3A_1408 = tpu.pack_subelements %get3A_1402, %get3A_1407 {pack_format = #tpu.pack_format<interleaved>, positions = array<i32: 0, 1>} : vector<16xf32>, vector<16xf32> -> vector<32xbf16>
        %mul3A_1409 = arith.mulf %pack3A_1408, %bitcast3A_1397 : vector<32xbf16>
        %add3A_1410 = arith.addf %add3A_1389, %mul3A_1409 : vector<32xbf16>
        %mul3A_1411 = arith.mulf %pack3A_1408, %pack3A_1408 : vector<32xbf16>
        %add3A_1412 = arith.addf %add3A_1391, %mul3A_1411 : vector<32xbf16>
        %unpack3A_1413 = tpu.unpack_subelements %add3A_1410, 0 {pack_format = #tpu.pack_format<interleaved>} : vector<32xbf16> -> vector<16xf32>
        %unpack3A_1414 = tpu.unpack_subelements %add3A_1410, 1 {pack_format = #tpu.pack_format<interleaved>} : vector<32xbf16> -> vector<16xf32>
        %unpack3A_1415 = tpu.unpack_subelements %add3A_1412, 0 {pack_format = #tpu.pack_format<interleaved>} : vector<32xbf16> -> vector<16xf32>
        %unpack3A_1416 = tpu.unpack_subelements %add3A_1412, 1 {pack_format = #tpu.pack_format<interleaved>} : vector<32xbf16> -> vector<16xf32>
        %add3A_1417 = arith.addf %add3A_1241, %unpack3A_1413 : vector<16xf32>
        %add3A_1418 = arith.addf %add3A_1242, %unpack3A_1414 : vector<16xf32>
        %add3A_1419 = arith.addf %add3A_1243, %unpack3A_1415 : vector<16xf32>
        %add3A_1420 = arith.addf %add3A_1244, %unpack3A_1416 : vector<16xf32>
        %get3A_1421 = arith.constant 2 : i32
        %get3A_1422 = arith.index_cast %get3A_1421 : i32 to index
        %get3A_1423 = arith.index_cast %scan3A_890 : i32 to index
        %get3A_1424 = arith.constant 384 : index
        %get3A_1425 = tpu.vector_load %arg8[%get3A_1422, %get3A_1423, %get3A_1424] {strides = array<i32>} : memref<4x16x512xi32, #tpu.memory_space<vmem>>, vector<16xi32>,
        %bitcast3A_1426 = vector.bitcast %get3A_1425 : vector<16xi32> to vector<32xbf16>
        %get3A_1427 = arith.constant 2 : i32
        %get3A_1428 = arith.index_cast %get3A_1427 : i32 to index
        %get3A_1429 = arith.index_cast %scan3A_890 : i32 to index
        %get3A_1430 = arith.constant 768 : index
        %get3A_1431 = tpu.vector_load %arg7[%get3A_1428, %get3A_1429, %get3A_1430] {strides = array<i32>} : memref<4x16x1024xf32, #tpu.memory_space<vmem>>, vector<16xf32>,
        %get3A_1432 = arith.constant 2 : i32
        %get3A_1433 = arith.index_cast %get3A_1432 : i32 to index
        %get3A_1434 = arith.index_cast %scan3A_890 : i32 to index
        %get3A_1435 = arith.constant 784 : index
        %get3A_1436 = tpu.vector_load %arg7[%get3A_1433, %get3A_1434, %get3A_1435] {strides = array<i32>} : memref<4x16x1024xf32, #tpu.memory_space<vmem>>, vector<16xf32>,
        %pack3A_1437 = tpu.pack_subelements %get3A_1431, %get3A_1436 {pack_format = #tpu.pack_format<interleaved>, positions = array<i32: 0, 1>} : vector<16xf32>, vector<16xf32> -> vector<32xbf16>
        %mul3A_1438 = arith.mulf %pack3A_1437, %bitcast3A_1426 : vector<32xbf16>
        %add3A_1439 = arith.addf %broadcast_in_dim3A_895, %mul3A_1438 : vector<32xbf16>
        %mul3A_1440 = arith.mulf %pack3A_1437, %pack3A_1437 : vector<32xbf16>
        %add3A_1441 = arith.addf %broadcast_in_dim3A_895, %mul3A_1440 : vector<32xbf16>
        %get3A_1442 = arith.constant 2 : i32
        %get3A_1443 = arith.index_cast %get3A_1442 : i32 to index
        %get3A_1444 = arith.index_cast %scan3A_890 : i32 to index
        %get3A_1445 = arith.constant 400 : index
        %get3A_1446 = tpu.vector_load %arg8[%get3A_1443, %get3A_1444, %get3A_1445] {strides = array<i32>} : memref<4x16x512xi32, #tpu.memory_space<vmem>>, vector<16xi32>,
        %bitcast3A_1447 = vector.bitcast %get3A_1446 : vector<16xi32> to vector<32xbf16>
        %get3A_1448 = arith.constant 2 : i32
        %get3A_1449 = arith.index_cast %get3A_1448 : i32 to index
        %get3A_1450 = arith.index_cast %scan3A_890 : i32 to index
        %get3A_1451 = arith.constant 800 : index
        %get3A_1452 = tpu.vector_load %arg7[%get3A_1449, %get3A_1450, %get3A_1451] {strides = array<i32>} : memref<4x16x1024xf32, #tpu.memory_space<vmem>>, vector<16xf32>,
        %get3A_1453 = arith.constant 2 : i32
        %get3A_1454 = arith.index_cast %get3A_1453 : i32 to index
        %get3A_1455 = arith.index_cast %scan3A_890 : i32 to index
        %get3A_1456 = arith.constant 816 : index
        %get3A_1457 = tpu.vector_load %arg7[%get3A_1454, %get3A_1455, %get3A_1456] {strides = array<i32>} : memref<4x16x1024xf32, #tpu.memory_space<vmem>>, vector<16xf32>,
        %pack3A_1458 = tpu.pack_subelements %get3A_1452, %get3A_1457 {pack_format = #tpu.pack_format<interleaved>, positions = array<i32: 0, 1>} : vector<16xf32>, vector<16xf32> -> vector<32xbf16>
        %mul3A_1459 = arith.mulf %pack3A_1458, %bitcast3A_1447 : vector<32xbf16>
        %add3A_1460 = arith.addf %add3A_1439, %mul3A_1459 : vector<32xbf16>
        %mul3A_1461 = arith.mulf %pack3A_1458, %pack3A_1458 : vector<32xbf16>
        %add3A_1462 = arith.addf %add3A_1441, %mul3A_1461 : vector<32xbf16>
        %get3A_1463 = arith.constant 2 : i32
        %get3A_1464 = arith.index_cast %get3A_1463 : i32 to index
        %get3A_1465 = arith.index_cast %scan3A_890 : i32 to index
        %get3A_1466 = arith.constant 416 : index
        %get3A_1467 = tpu.vector_load %arg8[%get3A_1464, %get3A_1465, %get3A_1466] {strides = array<i32>} : memref<4x16x512xi32, #tpu.memory_space<vmem>>, vector<16xi32>,
        %bitcast3A_1468 = vector.bitcast %get3A_1467 : vector<16xi32> to vector<32xbf16>
        %get3A_1469 = arith.constant 2 : i32
        %get3A_1470 = arith.index_cast %get3A_1469 : i32 to index
        %get3A_1471 = arith.index_cast %scan3A_890 : i32 to index
        %get3A_1472 = arith.constant 832 : index
        %get3A_1473 = tpu.vector_load %arg7[%get3A_1470, %get3A_1471, %get3A_1472] {strides = array<i32>} : memref<4x16x1024xf32, #tpu.memory_space<vmem>>, vector<16xf32>,
        %get3A_1474 = arith.constant 2 : i32
        %get3A_1475 = arith.index_cast %get3A_1474 : i32 to index
        %get3A_1476 = arith.index_cast %scan3A_890 : i32 to index
        %get3A_1477 = arith.constant 848 : index
        %get3A_1478 = tpu.vector_load %arg7[%get3A_1475, %get3A_1476, %get3A_1477] {strides = array<i32>} : memref<4x16x1024xf32, #tpu.memory_space<vmem>>, vector<16xf32>,
        %pack3A_1479 = tpu.pack_subelements %get3A_1473, %get3A_1478 {pack_format = #tpu.pack_format<interleaved>, positions = array<i32: 0, 1>} : vector<16xf32>, vector<16xf32> -> vector<32xbf16>
        %mul3A_1480 = arith.mulf %pack3A_1479, %bitcast3A_1468 : vector<32xbf16>
        %add3A_1481 = arith.addf %add3A_1460, %mul3A_1480 : vector<32xbf16>
        %mul3A_1482 = arith.mulf %pack3A_1479, %pack3A_1479 : vector<32xbf16>
        %add3A_1483 = arith.addf %add3A_1462, %mul3A_1482 : vector<32xbf16>
        %get3A_1484 = arith.constant 2 : i32
        %get3A_1485 = arith.index_cast %get3A_1484 : i32 to index
        %get3A_1486 = arith.index_cast %scan3A_890 : i32 to index
        %get3A_1487 = arith.constant 432 : index
        %get3A_1488 = tpu.vector_load %arg8[%get3A_1485, %get3A_1486, %get3A_1487] {strides = array<i32>} : memref<4x16x512xi32, #tpu.memory_space<vmem>>, vector<16xi32>,
        %bitcast3A_1489 = vector.bitcast %get3A_1488 : vector<16xi32> to vector<32xbf16>
        %get3A_1490 = arith.constant 2 : i32
        %get3A_1491 = arith.index_cast %get3A_1490 : i32 to index
        %get3A_1492 = arith.index_cast %scan3A_890 : i32 to index
        %get3A_1493 = arith.constant 864 : index
        %get3A_1494 = tpu.vector_load %arg7[%get3A_1491, %get3A_1492, %get3A_1493] {strides = array<i32>} : memref<4x16x1024xf32, #tpu.memory_space<vmem>>, vector<16xf32>,
        %get3A_1495 = arith.constant 2 : i32
        %get3A_1496 = arith.index_cast %get3A_1495 : i32 to index
        %get3A_1497 = arith.index_cast %scan3A_890 : i32 to index
        %get3A_1498 = arith.constant 880 : index
        %get3A_1499 = tpu.vector_load %arg7[%get3A_1496, %get3A_1497, %get3A_1498] {strides = array<i32>} : memref<4x16x1024xf32, #tpu.memory_space<vmem>>, vector<16xf32>,
        %pack3A_1500 = tpu.pack_subelements %get3A_1494, %get3A_1499 {pack_format = #tpu.pack_format<interleaved>, positions = array<i32: 0, 1>} : vector<16xf32>, vector<16xf32> -> vector<32xbf16>
        %mul3A_1501 = arith.mulf %pack3A_1500, %bitcast3A_1489 : vector<32xbf16>
        %add3A_1502 = arith.addf %add3A_1481, %mul3A_1501 : vector<32xbf16>
        %mul3A_1503 = arith.mulf %pack3A_1500, %pack3A_1500 : vector<32xbf16>
        %add3A_1504 = arith.addf %add3A_1483, %mul3A_1503 : vector<32xbf16>
        %get3A_1505 = arith.constant 2 : i32
        %get3A_1506 = arith.index_cast %get3A_1505 : i32 to index
        %get3A_1507 = arith.index_cast %scan3A_890 : i32 to index
        %get3A_1508 = arith.constant 448 : index
        %get3A_1509 = tpu.vector_load %arg8[%get3A_1506, %get3A_1507, %get3A_1508] {strides = array<i32>} : memref<4x16x512xi32, #tpu.memory_space<vmem>>, vector<16xi32>,
        %bitcast3A_1510 = vector.bitcast %get3A_1509 : vector<16xi32> to vector<32xbf16>
        %get3A_1511 = arith.constant 2 : i32
        %get3A_1512 = arith.index_cast %get3A_1511 : i32 to index
        %get3A_1513 = arith.index_cast %scan3A_890 : i32 to index
        %get3A_1514 = arith.constant 896 : index
        %get3A_1515 = tpu.vector_load %arg7[%get3A_1512, %get3A_1513, %get3A_1514] {strides = array<i32>} : memref<4x16x1024xf32, #tpu.memory_space<vmem>>, vector<16xf32>,
        %get3A_1516 = arith.constant 2 : i32
        %get3A_1517 = arith.index_cast %get3A_1516 : i32 to index
        %get3A_1518 = arith.index_cast %scan3A_890 : i32 to index
        %get3A_1519 = arith.constant 912 : index
        %get3A_1520 = tpu.vector_load %arg7[%get3A_1517, %get3A_1518, %get3A_1519] {strides = array<i32>} : memref<4x16x1024xf32, #tpu.memory_space<vmem>>, vector<16xf32>,
        %pack3A_1521 = tpu.pack_subelements %get3A_1515, %get3A_1520 {pack_format = #tpu.pack_format<interleaved>, positions = array<i32: 0, 1>} : vector<16xf32>, vector<16xf32> -> vector<32xbf16>
        %mul3A_1522 = arith.mulf %pack3A_1521, %bitcast3A_1510 : vector<32xbf16>
        %add3A_1523 = arith.addf %add3A_1502, %mul3A_1522 : vector<32xbf16>
        %mul3A_1524 = arith.mulf %pack3A_1521, %pack3A_1521 : vector<32xbf16>
        %add3A_1525 = arith.addf %add3A_1504, %mul3A_1524 : vector<32xbf16>
        %get3A_1526 = arith.constant 2 : i32
        %get3A_1527 = arith.index_cast %get3A_1526 : i32 to index
        %get3A_1528 = arith.index_cast %scan3A_890 : i32 to index
        %get3A_1529 = arith.constant 464 : index
        %get3A_1530 = tpu.vector_load %arg8[%get3A_1527, %get3A_1528, %get3A_1529] {strides = array<i32>} : memref<4x16x512xi32, #tpu.memory_space<vmem>>, vector<16xi32>,
        %bitcast3A_1531 = vector.bitcast %get3A_1530 : vector<16xi32> to vector<32xbf16>
        %get3A_1532 = arith.constant 2 : i32
        %get3A_1533 = arith.index_cast %get3A_1532 : i32 to index
        %get3A_1534 = arith.index_cast %scan3A_890 : i32 to index
        %get3A_1535 = arith.constant 928 : index
        %get3A_1536 = tpu.vector_load %arg7[%get3A_1533, %get3A_1534, %get3A_1535] {strides = array<i32>} : memref<4x16x1024xf32, #tpu.memory_space<vmem>>, vector<16xf32>,
        %get3A_1537 = arith.constant 2 : i32
        %get3A_1538 = arith.index_cast %get3A_1537 : i32 to index
        %get3A_1539 = arith.index_cast %scan3A_890 : i32 to index
        %get3A_1540 = arith.constant 944 : index
        %get3A_1541 = tpu.vector_load %arg7[%get3A_1538, %get3A_1539, %get3A_1540] {strides = array<i32>} : memref<4x16x1024xf32, #tpu.memory_space<vmem>>, vector<16xf32>,
        %pack3A_1542 = tpu.pack_subelements %get3A_1536, %get3A_1541 {pack_format = #tpu.pack_format<interleaved>, positions = array<i32: 0, 1>} : vector<16xf32>, vector<16xf32> -> vector<32xbf16>
        %mul3A_1543 = arith.mulf %pack3A_1542, %bitcast3A_1531 : vector<32xbf16>
        %add3A_1544 = arith.addf %add3A_1523, %mul3A_1543 : vector<32xbf16>
        %mul3A_1545 = arith.mulf %pack3A_1542, %pack3A_1542 : vector<32xbf16>
        %add3A_1546 = arith.addf %add3A_1525, %mul3A_1545 : vector<32xbf16>
        %get3A_1547 = arith.constant 2 : i32
        %get3A_1548 = arith.index_cast %get3A_1547 : i32 to index
        %get3A_1549 = arith.index_cast %scan3A_890 : i32 to index
        %get3A_1550 = arith.constant 480 : index
        %get3A_1551 = tpu.vector_load %arg8[%get3A_1548, %get3A_1549, %get3A_1550] {strides = array<i32>} : memref<4x16x512xi32, #tpu.memory_space<vmem>>, vector<16xi32>,
        %bitcast3A_1552 = vector.bitcast %get3A_1551 : vector<16xi32> to vector<32xbf16>
        %get3A_1553 = arith.constant 2 : i32
        %get3A_1554 = arith.index_cast %get3A_1553 : i32 to index
        %get3A_1555 = arith.index_cast %scan3A_890 : i32 to index
        %get3A_1556 = arith.constant 960 : index
        %get3A_1557 = tpu.vector_load %arg7[%get3A_1554, %get3A_1555, %get3A_1556] {strides = array<i32>} : memref<4x16x1024xf32, #tpu.memory_space<vmem>>, vector<16xf32>,
        %get3A_1558 = arith.constant 2 : i32
        %get3A_1559 = arith.index_cast %get3A_1558 : i32 to index
        %get3A_1560 = arith.index_cast %scan3A_890 : i32 to index
        %get3A_1561 = arith.constant 976 : index
        %get3A_1562 = tpu.vector_load %arg7[%get3A_1559, %get3A_1560, %get3A_1561] {strides = array<i32>} : memref<4x16x1024xf32, #tpu.memory_space<vmem>>, vector<16xf32>,
        %pack3A_1563 = tpu.pack_subelements %get3A_1557, %get3A_1562 {pack_format = #tpu.pack_format<interleaved>, positions = array<i32: 0, 1>} : vector<16xf32>, vector<16xf32> -> vector<32xbf16>
        %mul3A_1564 = arith.mulf %pack3A_1563, %bitcast3A_1552 : vector<32xbf16>
        %add3A_1565 = arith.addf %add3A_1544, %mul3A_1564 : vector<32xbf16>
        %mul3A_1566 = arith.mulf %pack3A_1563, %pack3A_1563 : vector<32xbf16>
        %add3A_1567 = arith.addf %add3A_1546, %mul3A_1566 : vector<32xbf16>
        %get3A_1568 = arith.constant 2 : i32
        %get3A_1569 = arith.index_cast %get3A_1568 : i32 to index
        %get3A_1570 = arith.index_cast %scan3A_890 : i32 to index
        %get3A_1571 = arith.constant 496 : index
        %get3A_1572 = tpu.vector_load %arg8[%get3A_1569, %get3A_1570, %get3A_1571] {strides = array<i32>} : memref<4x16x512xi32, #tpu.memory_space<vmem>>, vector<16xi32>,
        %bitcast3A_1573 = vector.bitcast %get3A_1572 : vector<16xi32> to vector<32xbf16>
        %get3A_1574 = arith.constant 2 : i32
        %get3A_1575 = arith.index_cast %get3A_1574 : i32 to index
        %get3A_1576 = arith.index_cast %scan3A_890 : i32 to index
        %get3A_1577 = arith.constant 992 : index
        %get3A_1578 = tpu.vector_load %arg7[%get3A_1575, %get3A_1576, %get3A_1577] {strides = array<i32>} : memref<4x16x1024xf32, #tpu.memory_space<vmem>>, vector<16xf32>,
        %get3A_1579 = arith.constant 2 : i32
        %get3A_1580 = arith.index_cast %get3A_1579 : i32 to index
        %get3A_1581 = arith.index_cast %scan3A_890 : i32 to index
        %get3A_1582 = arith.constant 1008 : index
        %get3A_1583 = tpu.vector_load %arg7[%get3A_1580, %get3A_1581, %get3A_1582] {strides = array<i32>} : memref<4x16x1024xf32, #tpu.memory_space<vmem>>, vector<16xf32>,
        %pack3A_1584 = tpu.pack_subelements %get3A_1578, %get3A_1583 {pack_format = #tpu.pack_format<interleaved>, positions = array<i32: 0, 1>} : vector<16xf32>, vector<16xf32> -> vector<32xbf16>
        %mul3A_1585 = arith.mulf %pack3A_1584, %bitcast3A_1573 : vector<32xbf16>
        %add3A_1586 = arith.addf %add3A_1565, %mul3A_1585 : vector<32xbf16>
        %mul3A_1587 = arith.mulf %pack3A_1584, %pack3A_1584 : vector<32xbf16>
        %add3A_1588 = arith.addf %add3A_1567, %mul3A_1587 : vector<32xbf16>
        %unpack3A_1589 = tpu.unpack_subelements %add3A_1586, 0 {pack_format = #tpu.pack_format<interleaved>} : vector<32xbf16> -> vector<16xf32>
        %unpack3A_1590 = tpu.unpack_subelements %add3A_1586, 1 {pack_format = #tpu.pack_format<interleaved>} : vector<32xbf16> -> vector<16xf32>
        %unpack3A_1591 = tpu.unpack_subelements %add3A_1588, 0 {pack_format = #tpu.pack_format<interleaved>} : vector<32xbf16> -> vector<16xf32>
        %unpack3A_1592 = tpu.unpack_subelements %add3A_1588, 1 {pack_format = #tpu.pack_format<interleaved>} : vector<32xbf16> -> vector<16xf32>
        %add3A_1593 = arith.addf %add3A_1417, %unpack3A_1589 : vector<16xf32>
        %add3A_1594 = arith.addf %add3A_1418, %unpack3A_1590 : vector<16xf32>
        %add3A_1595 = arith.addf %add3A_1419, %unpack3A_1591 : vector<16xf32>
        %add3A_1596 = arith.addf %add3A_1420, %unpack3A_1592 : vector<16xf32>
        %add3A_1597 = arith.addf %add3A_1593, %add3A_1594 : vector<16xf32>
        %mul3A_1598 = arith.constant 16 : i32
        %mul3A_1599 = arith.muli %scan3A_890, %mul3A_1598 : i32
        %swap3A_1600 = arith.index_cast %mul3A_1599 : i32 to index
        %swap3A_1601 = tpu.vector_load %arg9[%swap3A_1600] {strides = array<i32>} : memref<256xf32, #tpu.memory_space<vmem>>, vector<16xf32>,
        tpu.vector_store %arg9[%swap3A_1600], %add3A_1597 {strides = array<i32>} : memref<256xf32, #tpu.memory_space<vmem>>, vector<16xf32>,
        %add3A_1602 = arith.addf %add3A_1595, %add3A_1596 : vector<16xf32>
        %mul3A_1603 = arith.constant 16 : i32
        %mul3A_1604 = arith.muli %scan3A_890, %mul3A_1603 : i32
        %swap3A_1605 = arith.index_cast %mul3A_1604 : i32 to index
        %swap3A_1606 = tpu.vector_load %arg10[%swap3A_1605] {strides = array<i32>} : memref<256xf32, #tpu.memory_space<vmem>>, vector<16xf32>,
        tpu.vector_store %arg10[%swap3A_1605], %add3A_1602 {strides = array<i32>} : memref<256xf32, #tpu.memory_space<vmem>>, vector<16xf32>,
        %scan3A_1607 = arith.constant 0 : i32
        scf.yield %scan3A_1607 : i32
      }
      %scan3A_531 = arith.constant 16 : i32
      %iota3A_532 = tpu.iota {dimensions = array<i32: 0>} : vector<16xi32>
      %mul3A_533 = arith.constant 16 : i32
      %mul3A_534 = vector.broadcast %mul3A_533 : i32 to vector<16xi32>
      %mul3A_535 = arith.muli %iota3A_532, %mul3A_534 : vector<16xi32>
      %broadcast_in_dim3A_536 = arith.constant 0.000000e+00 : f32
      %broadcast_in_dim3A_537 = vector.broadcast %broadcast_in_dim3A_536 : f32 to vector<16xf32>
      %broadcast_in_dim3A_538 = arith.constant 0.000000e+00 : f32
      %broadcast_in_dim3A_539 = vector.broadcast %broadcast_in_dim3A_538 : f32 to vector<16xf32>
      %add3A_540 = arith.constant 0 : i32
      %add3A_541 = vector.broadcast %add3A_540 : i32 to vector<16xi32>
      %add3A_542 = arith.addi %mul3A_535, %add3A_541 : vector<16xi32>
      %gather3A_543 = tpu.vector_load_idx %arg9[%add3A_542] : memref<256xf32, #tpu.memory_space<vmem>>[vector<16xi32>], vector<16xf32>,
      %add3A_544 = arith.addf %broadcast_in_dim3A_537, %gather3A_543 : vector<16xf32>
      %gather3A_545 = tpu.vector_load_idx %arg10[%add3A_542] : memref<256xf32, #tpu.memory_space<vmem>>[vector<16xi32>], vector<16xf32>,
      %add3A_546 = arith.addf %broadcast_in_dim3A_539, %gather3A_545 : vector<16xf32>
      %add3A_547 = arith.constant 1 : i32
      %add3A_548 = vector.broadcast %add3A_547 : i32 to vector<16xi32>
      %add3A_549 = arith.addi %mul3A_535, %add3A_548 : vector<16xi32>
      %gather3A_550 = tpu.vector_load_idx %arg9[%add3A_549] : memref<256xf32, #tpu.memory_space<vmem>>[vector<16xi32>], vector<16xf32>,
      %add3A_551 = arith.addf %add3A_544, %gather3A_550 : vector<16xf32>
      %gather3A_552 = tpu.vector_load_idx %arg10[%add3A_549] : memref<256xf32, #tpu.memory_space<vmem>>[vector<16xi32>], vector<16xf32>,
      %add3A_553 = arith.addf %add3A_546, %gather3A_552 : vector<16xf32>
      %add3A_554 = arith.constant 2 : i32
      %add3A_555 = vector.broadcast %add3A_554 : i32 to vector<16xi32>
      %add3A_556 = arith.addi %mul3A_535, %add3A_555 : vector<16xi32>
      %gather3A_557 = tpu.vector_load_idx %arg9[%add3A_556] : memref<256xf32, #tpu.memory_space<vmem>>[vector<16xi32>], vector<16xf32>,
      %add3A_558 = arith.addf %add3A_551, %gather3A_557 : vector<16xf32>
      %gather3A_559 = tpu.vector_load_idx %arg10[%add3A_556] : memref<256xf32, #tpu.memory_space<vmem>>[vector<16xi32>], vector<16xf32>,
      %add3A_560 = arith.addf %add3A_553, %gather3A_559 : vector<16xf32>
      %add3A_561 = arith.constant 3 : i32
      %add3A_562 = vector.broadcast %add3A_561 : i32 to vector<16xi32>
      %add3A_563 = arith.addi %mul3A_535, %add3A_562 : vector<16xi32>
      %gather3A_564 = tpu.vector_load_idx %arg9[%add3A_563] : memref<256xf32, #tpu.memory_space<vmem>>[vector<16xi32>], vector<16xf32>,
      %add3A_565 = arith.addf %add3A_558, %gather3A_564 : vector<16xf32>
      %gather3A_566 = tpu.vector_load_idx %arg10[%add3A_563] : memref<256xf32, #tpu.memory_space<vmem>>[vector<16xi32>], vector<16xf32>,
      %add3A_567 = arith.addf %add3A_560, %gather3A_566 : vector<16xf32>
      %add3A_568 = arith.constant 4 : i32
      %add3A_569 = vector.broadcast %add3A_568 : i32 to vector<16xi32>
      %add3A_570 = arith.addi %mul3A_535, %add3A_569 : vector<16xi32>
      %gather3A_571 = tpu.vector_load_idx %arg9[%add3A_570] : memref<256xf32, #tpu.memory_space<vmem>>[vector<16xi32>], vector<16xf32>,
      %add3A_572 = arith.addf %add3A_565, %gather3A_571 : vector<16xf32>
      %gather3A_573 = tpu.vector_load_idx %arg10[%add3A_570] : memref<256xf32, #tpu.memory_space<vmem>>[vector<16xi32>], vector<16xf32>,
      %add3A_574 = arith.addf %add3A_567, %gather3A_573 : vector<16xf32>
      %add3A_575 = arith.constant 5 : i32
      %add3A_576 = vector.broadcast %add3A_575 : i32 to vector<16xi32>
      %add3A_577 = arith.addi %mul3A_535, %add3A_576 : vector<16xi32>
      %gather3A_578 = tpu.vector_load_idx %arg9[%add3A_577] : memref<256xf32, #tpu.memory_space<vmem>>[vector<16xi32>], vector<16xf32>,
      %add3A_579 = arith.addf %add3A_572, %gather3A_578 : vector<16xf32>
      %gather3A_580 = tpu.vector_load_idx %arg10[%add3A_577] : memref<256xf32, #tpu.memory_space<vmem>>[vector<16xi32>], vector<16xf32>,
      %add3A_581 = arith.addf %add3A_574, %gather3A_580 : vector<16xf32>
      %add3A_582 = arith.constant 6 : i32
      %add3A_583 = vector.broadcast %add3A_582 : i32 to vector<16xi32>
      %add3A_584 = arith.addi %mul3A_535, %add3A_583 : vector<16xi32>
      %gather3A_585 = tpu.vector_load_idx %arg9[%add3A_584] : memref<256xf32, #tpu.memory_space<vmem>>[vector<16xi32>], vector<16xf32>,
      %add3A_586 = arith.addf %add3A_579, %gather3A_585 : vector<16xf32>
      %gather3A_587 = tpu.vector_load_idx %arg10[%add3A_584] : memref<256xf32, #tpu.memory_space<vmem>>[vector<16xi32>], vector<16xf32>,
      %add3A_588 = arith.addf %add3A_581, %gather3A_587 : vector<16xf32>
      %add3A_589 = arith.constant 7 : i32
      %add3A_590 = vector.broadcast %add3A_589 : i32 to vector<16xi32>
      %add3A_591 = arith.addi %mul3A_535, %add3A_590 : vector<16xi32>
      %gather3A_592 = tpu.vector_load_idx %arg9[%add3A_591] : memref<256xf32, #tpu.memory_space<vmem>>[vector<16xi32>], vector<16xf32>,
      %add3A_593 = arith.addf %add3A_586, %gather3A_592 : vector<16xf32>
      %gather3A_594 = tpu.vector_load_idx %arg10[%add3A_591] : memref<256xf32, #tpu.memory_space<vmem>>[vector<16xi32>], vector<16xf32>,
      %add3A_595 = arith.addf %add3A_588, %gather3A_594 : vector<16xf32>
      %add3A_596 = arith.constant 8 : i32
      %add3A_597 = vector.broadcast %add3A_596 : i32 to vector<16xi32>
      %add3A_598 = arith.addi %mul3A_535, %add3A_597 : vector<16xi32>
      %gather3A_599 = tpu.vector_load_idx %arg9[%add3A_598] : memref<256xf32, #tpu.memory_space<vmem>>[vector<16xi32>], vector<16xf32>,
      %add3A_600 = arith.addf %add3A_593, %gather3A_599 : vector<16xf32>
      %gather3A_601 = tpu.vector_load_idx %arg10[%add3A_598] : memref<256xf32, #tpu.memory_space<vmem>>[vector<16xi32>], vector<16xf32>,
      %add3A_602 = arith.addf %add3A_595, %gather3A_601 : vector<16xf32>
      %add3A_603 = arith.constant 9 : i32
      %add3A_604 = vector.broadcast %add3A_603 : i32 to vector<16xi32>
      %add3A_605 = arith.addi %mul3A_535, %add3A_604 : vector<16xi32>
      %gather3A_606 = tpu.vector_load_idx %arg9[%add3A_605] : memref<256xf32, #tpu.memory_space<vmem>>[vector<16xi32>], vector<16xf32>,
      %add3A_607 = arith.addf %add3A_600, %gather3A_606 : vector<16xf32>
      %gather3A_608 = tpu.vector_load_idx %arg10[%add3A_605] : memref<256xf32, #tpu.memory_space<vmem>>[vector<16xi32>], vector<16xf32>,
      %add3A_609 = arith.addf %add3A_602, %gather3A_608 : vector<16xf32>
      %add3A_610 = arith.constant 10 : i32
      %add3A_611 = vector.broadcast %add3A_610 : i32 to vector<16xi32>
      %add3A_612 = arith.addi %mul3A_535, %add3A_611 : vector<16xi32>
      %gather3A_613 = tpu.vector_load_idx %arg9[%add3A_612] : memref<256xf32, #tpu.memory_space<vmem>>[vector<16xi32>], vector<16xf32>,
      %add3A_614 = arith.addf %add3A_607, %gather3A_613 : vector<16xf32>
      %gather3A_615 = tpu.vector_load_idx %arg10[%add3A_612] : memref<256xf32, #tpu.memory_space<vmem>>[vector<16xi32>], vector<16xf32>,
      %add3A_616 = arith.addf %add3A_609, %gather3A_615 : vector<16xf32>
      %add3A_617 = arith.constant 11 : i32
      %add3A_618 = vector.broadcast %add3A_617 : i32 to vector<16xi32>
      %add3A_619 = arith.addi %mul3A_535, %add3A_618 : vector<16xi32>
      %gather3A_620 = tpu.vector_load_idx %arg9[%add3A_619] : memref<256xf32, #tpu.memory_space<vmem>>[vector<16xi32>], vector<16xf32>,
      %add3A_621 = arith.addf %add3A_614, %gather3A_620 : vector<16xf32>
      %gather3A_622 = tpu.vector_load_idx %arg10[%add3A_619] : memref<256xf32, #tpu.memory_space<vmem>>[vector<16xi32>], vector<16xf32>,
      %add3A_623 = arith.addf %add3A_616, %gather3A_622 : vector<16xf32>
      %add3A_624 = arith.constant 12 : i32
      %add3A_625 = vector.broadcast %add3A_624 : i32 to vector<16xi32>
      %add3A_626 = arith.addi %mul3A_535, %add3A_625 : vector<16xi32>
      %gather3A_627 = tpu.vector_load_idx %arg9[%add3A_626] : memref<256xf32, #tpu.memory_space<vmem>>[vector<16xi32>], vector<16xf32>,
      %add3A_628 = arith.addf %add3A_621, %gather3A_627 : vector<16xf32>
      %gather3A_629 = tpu.vector_load_idx %arg10[%add3A_626] : memref<256xf32, #tpu.memory_space<vmem>>[vector<16xi32>], vector<16xf32>,
      %add3A_630 = arith.addf %add3A_623, %gather3A_629 : vector<16xf32>
      %add3A_631 = arith.constant 13 : i32
      %add3A_632 = vector.broadcast %add3A_631 : i32 to vector<16xi32>
      %add3A_633 = arith.addi %mul3A_535, %add3A_632 : vector<16xi32>
      %gather3A_634 = tpu.vector_load_idx %arg9[%add3A_633] : memref<256xf32, #tpu.memory_space<vmem>>[vector<16xi32>], vector<16xf32>,
      %add3A_635 = arith.addf %add3A_628, %gather3A_634 : vector<16xf32>
      %gather3A_636 = tpu.vector_load_idx %arg10[%add3A_633] : memref<256xf32, #tpu.memory_space<vmem>>[vector<16xi32>], vector<16xf32>,
      %add3A_637 = arith.addf %add3A_630, %gather3A_636 : vector<16xf32>
      %add3A_638 = arith.constant 14 : i32
      %add3A_639 = vector.broadcast %add3A_638 : i32 to vector<16xi32>
      %add3A_640 = arith.addi %mul3A_535, %add3A_639 : vector<16xi32>
      %gather3A_641 = tpu.vector_load_idx %arg9[%add3A_640] : memref<256xf32, #tpu.memory_space<vmem>>[vector<16xi32>], vector<16xf32>,
      %add3A_642 = arith.addf %add3A_635, %gather3A_641 : vector<16xf32>
      %gather3A_643 = tpu.vector_load_idx %arg10[%add3A_640] : memref<256xf32, #tpu.memory_space<vmem>>[vector<16xi32>], vector<16xf32>,
      %add3A_644 = arith.addf %add3A_637, %gather3A_643 : vector<16xf32>
      %add3A_645 = arith.constant 15 : i32
      %add3A_646 = vector.broadcast %add3A_645 : i32 to vector<16xi32>
      %add3A_647 = arith.addi %mul3A_535, %add3A_646 : vector<16xi32>
      %gather3A_648 = tpu.vector_load_idx %arg9[%add3A_647] : memref<256xf32, #tpu.memory_space<vmem>>[vector<16xi32>], vector<16xf32>,
      %add3A_649 = arith.addf %add3A_642, %gather3A_648 : vector<16xf32>
      %gather3A_650 = tpu.vector_load_idx %arg10[%add3A_647] : memref<256xf32, #tpu.memory_space<vmem>>[vector<16xi32>], vector<16xf32>,
      %add3A_651 = arith.addf %add3A_644, %gather3A_650 : vector<16xf32>
      %get3A_652 = arith.constant 0 : index
      %get3A_653 = tpu.vector_load %arg11[%get3A_652] {strides = array<i32>} : memref<16xf32, #tpu.memory_space<vmem>>, vector<16xf32>,
      %bitcast_convert_type3A_654 = tpu.bitcast %add3A_651 : vector<16xf32> -> vector<16xi32>
      %shift_right_logical3A_655 = arith.constant 1 : i32
      %shift_right_logical3A_656 = vector.broadcast %shift_right_logical3A_655 : i32 to vector<16xi32>
      %shift_right_logical3A_657 = arith.shrui %bitcast_convert_type3A_654, %shift_right_logical3A_656 : vector<16xi32>
      %sub3A_658 = arith.constant 1597463007 : i32
      %sub3A_659 = vector.broadcast %sub3A_658 : i32 to vector<16xi32>
      %sub3A_660 = arith.subi %sub3A_659, %shift_right_logical3A_657 : vector<16xi32>
      %bitcast_convert_type3A_661 = tpu.bitcast %sub3A_660 : vector<16xi32> -> vector<16xf32>
      %mul3A_662 = arith.constant 5.000000e-01 : f32
      %mul3A_663 = vector.broadcast %mul3A_662 : f32 to vector<16xf32>
      %mul3A_664 = arith.mulf %add3A_651, %mul3A_663 : vector<16xf32>
      %mul3A_665 = arith.mulf %mul3A_664, %bitcast_convert_type3A_661 : vector<16xf32>
      %mul3A_666 = arith.mulf %mul3A_665, %bitcast_convert_type3A_661 : vector<16xf32>
      %sub3A_667 = arith.constant 1.500000e+00 : f32
      %sub3A_668 = vector.broadcast %sub3A_667 : f32 to vector<16xf32>
      %sub3A_669 = arith.subf %sub3A_668, %mul3A_666 : vector<16xf32>
      %mul3A_670 = arith.mulf %bitcast_convert_type3A_661, %sub3A_669 : vector<16xf32>
      %mul3A_671 = arith.mulf %mul3A_664, %mul3A_670 : vector<16xf32>
      %mul3A_672 = arith.mulf %mul3A_671, %mul3A_670 : vector<16xf32>
      %sub3A_673 = arith.constant 1.500000e+00 : f32
      %sub3A_674 = vector.broadcast %sub3A_673 : f32 to vector<16xf32>
      %sub3A_675 = arith.subf %sub3A_674, %mul3A_672 : vector<16xf32>
      %mul3A_676 = arith.mulf %mul3A_670, %sub3A_675 : vector<16xf32>
      %mul3A_677 = arith.mulf %mul3A_664, %mul3A_676 : vector<16xf32>
      %mul3A_678 = arith.mulf %mul3A_677, %mul3A_676 : vector<16xf32>
      %sub3A_679 = arith.constant 1.500000e+00 : f32
      %sub3A_680 = vector.broadcast %sub3A_679 : f32 to vector<16xf32>
      %sub3A_681 = arith.subf %sub3A_680, %mul3A_678 : vector<16xf32>
      %mul3A_682 = arith.mulf %mul3A_676, %sub3A_681 : vector<16xf32>
      %mul3A_683 = arith.mulf %add3A_649, %mul3A_682 : vector<16xf32>
      %add3A_684 = arith.addf %get3A_653, %mul3A_683 : vector<16xf32>
      %swap3A_685 = arith.constant 0 : index
      %swap3A_686 = tpu.vector_load %arg11[%swap3A_685] {strides = array<i32>} : memref<16xf32, #tpu.memory_space<vmem>>, vector<16xf32>,
      tpu.vector_store %arg11[%swap3A_685], %add3A_684 {strides = array<i32>} : memref<16xf32, #tpu.memory_space<vmem>>, vector<16xf32>,
      %add3A_687 = arith.constant 3 : i32
      %add3A_688 = arith.addi %add3A_86, %add3A_687 : i32
      %add3A_689 = arith.constant 4 : i32
      %add3A_690 = arith.addi %add3A_688, %add3A_689 : i32
      %sub3A_691 = arith.constant 1 : i32
      %sub3A_692 = arith.subi %add3A_690, %sub3A_691 : i32
      %lt3A_693 = arith.constant 20 : i32
      %lt3A_694 = arith.cmpi slt, %sub3A_692, %lt3A_693 : i32
      %convert_element_type3A_695 = arith.extui %lt3A_694 : i1 to i32
      %cond3A_696 = arith.constant 0 : i32
      %cond3A_697 = arith.cmpi ne, %convert_element_type3A_695, %cond3A_696 : i32
      scf.if %cond3A_697 {
        %mul3A_890 = arith.constant 16 : i32
        %mul3A_891 = arith.muli %sub3A_692, %mul3A_890 : i32
        %add3A_892 = arith.addi %mul3A_2, %mul3A_891 : i32
        %dma_start3A_893 = arith.constant 2 : i32
        %dma_start3A_894 = arith.constant 0 : i32
        %dma_start3A_895 = arith.constant 0 : i32
        %dma_start3A_896 = tpu.memref_slice %arg7[%dma_start3A_893, %dma_start3A_894, %dma_start3A_895] : memref<4x16x1024xf32, #tpu.memory_space<vmem>> -> memref<1x16x1024xf32, #tpu.memory_space<vmem>>
        %dma_start3A_897 = tpu.memref_squeeze %dma_start3A_896 : memref<1x16x1024xf32, #tpu.memory_space<vmem>> -> memref<16x1024xf32, #tpu.memory_space<vmem>>
        %dma_start3A_898 = arith.constant 0 : i32
        %dma_start3A_899 = tpu.memref_slice %arg2[%add3A_892, %dma_start3A_898] : memref<16384x1024xf32, #tpu.memory_space<hbm>> -> memref<16x1024xf32, #tpu.memory_space<hbm>>
        %dma_start3A_900 = arith.constant 0 : i32
        %dma_start3A_901 = arith.constant 0 : i32
        %dma_start3A_902 = tpu.memref_slice %arg7[%dma_start3A_893, %dma_start3A_900, %dma_start3A_901] : memref<4x16x1024xf32, #tpu.memory_space<vmem>> -> memref<1x16x1024xf32, #tpu.memory_space<vmem>>
        %dma_start3A_903 = tpu.memref_squeeze %dma_start3A_902 : memref<1x16x1024xf32, #tpu.memory_space<vmem>> -> memref<16x1024xf32, #tpu.memory_space<vmem>>
        %dma_start3A_904 = arith.constant 0 : i32
        %dma_start3A_905 = tpu.memref_slice %arg2[%add3A_892, %dma_start3A_904] : memref<16384x1024xf32, #tpu.memory_space<hbm>> -> memref<16x1024xf32, #tpu.memory_space<hbm>>
        tpu.enqueue_dma source(%dma_start3A_905 : memref<16x1024xf32, #tpu.memory_space<hbm>>) target(%dma_start3A_903 : memref<16x1024xf32, #tpu.memory_space<vmem>>) target_semaphore(%arg14 : memref<!tpu.dma_semaphore, #tpu.memory_space<semaphore_mem>>)
        %mul3A_906 = arith.constant 16 : i32
        %mul3A_907 = arith.muli %sub3A_692, %mul3A_906 : i32
        %get3A_908 = arith.index_cast %mul3A_907 : i32 to index
        %get3A_909 = tpu.vector_load %arg6[%get3A_908] {strides = array<i32>} : memref<320xi32, #tpu.memory_space<vmem>>, vector<16xi32>,
        %dma_start3A_910 = arith.constant 2 : i32
        %dma_start3A_911 = arith.constant 0 : i32
        %dma_start3A_912 = arith.constant 0 : i32
        %dma_start3A_913 = tpu.memref_slice %arg8[%dma_start3A_910, %dma_start3A_911, %dma_start3A_912] : memref<4x16x512xi32, #tpu.memory_space<vmem>> -> memref<1x16x512xi32, #tpu.memory_space<vmem>>
        %dma_start3A_914 = tpu.memref_squeeze %dma_start3A_913 : memref<1x16x512xi32, #tpu.memory_space<vmem>> -> memref<16x512xi32, #tpu.memory_space<vmem>>
        %dma_start3A_915 = arith.constant 0 : i32
        %dma_start3A_916 = arith.constant 0 : i32
        %dma_start3A_917 = tpu.memref_slice %arg4[%dma_start3A_915, %dma_start3A_916] : memref<1024x512xi32, #tpu.memory_space<hbm>> -> memref<1024x512xi32, #tpu.memory_space<hbm>>
        tpu.enqueue_indirect_dma source(%dma_start3A_917 : memref<1024x512xi32, #tpu.memory_space<hbm>>) target(%dma_start3A_914 : memref<16x512xi32, #tpu.memory_space<vmem>>) offsets(%get3A_909 : vector<16xi32>) semaphore(%arg18 : memref<!tpu.dma_semaphore, #tpu.memory_space<semaphore_mem>>)
      } else {
      }
      %dma_wait3A_698 = arith.constant 3 : i32
      %dma_wait3A_699 = arith.constant 0 : i32
      %dma_wait3A_700 = arith.constant 0 : i32
      %dma_wait3A_701 = tpu.memref_slice %arg7[%dma_wait3A_698, %dma_wait3A_699, %dma_wait3A_700] : memref<4x16x1024xf32, #tpu.memory_space<vmem>> -> memref<1x16x1024xf32, #tpu.memory_space<vmem>>
      %dma_wait3A_702 = tpu.memref_squeeze %dma_wait3A_701 : memref<1x16x1024xf32, #tpu.memory_space<vmem>> -> memref<16x1024xf32, #tpu.memory_space<vmem>>
      %dma_wait3A_703 = arith.constant 0 : i32
      %dma_wait3A_704 = arith.constant 0 : i32
      %dma_wait3A_705 = tpu.memref_slice %arg2[%dma_wait3A_703, %dma_wait3A_704] : memref<16384x1024xf32, #tpu.memory_space<hbm>> -> memref<16x1024xf32, #tpu.memory_space<hbm>>
      %dma_wait3A_706 = arith.constant 0 : i32
      %dma_wait3A_707 = arith.constant 0 : i32
      %dma_wait3A_708 = tpu.memref_slice %arg7[%dma_wait3A_698, %dma_wait3A_706, %dma_wait3A_707] : memref<4x16x1024xf32, #tpu.memory_space<vmem>> -> memref<1x16x1024xf32, #tpu.memory_space<vmem>>
      %dma_wait3A_709 = tpu.memref_squeeze %dma_wait3A_708 : memref<1x16x1024xf32, #tpu.memory_space<vmem>> -> memref<16x1024xf32, #tpu.memory_space<vmem>>
      %dma_wait3A_710 = arith.constant 0 : i32
      %dma_wait3A_711 = arith.constant 0 : i32
      %dma_wait3A_712 = tpu.memref_slice %arg2[%dma_wait3A_710, %dma_wait3A_711] : memref<16384x1024xf32, #tpu.memory_space<hbm>> -> memref<16x1024xf32, #tpu.memory_space<hbm>>
      tpu.wait_dma2 semaphore(%arg15 : memref<!tpu.dma_semaphore, #tpu.memory_space<semaphore_mem>>) src(%dma_wait3A_712 : memref<16x1024xf32, #tpu.memory_space<hbm>>) dst(%dma_wait3A_709 : memref<16x1024xf32, #tpu.memory_space<vmem>>)
      %dma_wait3A_713 = arith.constant 3 : i32
      %dma_wait3A_714 = arith.constant 0 : i32
      %dma_wait3A_715 = arith.constant 0 : i32
      %dma_wait3A_716 = tpu.memref_slice %arg8[%dma_wait3A_713, %dma_wait3A_714, %dma_wait3A_715] : memref<4x16x512xi32, #tpu.memory_space<vmem>> -> memref<1x16x512xi32, #tpu.memory_space<vmem>>
      %dma_wait3A_717 = tpu.memref_squeeze %dma_wait3A_716 : memref<1x16x512xi32, #tpu.memory_space<vmem>> -> memref<16x512xi32, #tpu.memory_space<vmem>>
      %dma_wait3A_718 = arith.constant 0 : i32
      %dma_wait3A_719 = arith.constant 0 : i32
      %dma_wait3A_720 = tpu.memref_slice %arg4[%dma_wait3A_718, %dma_wait3A_719] : memref<1024x512xi32, #tpu.memory_space<hbm>> -> memref<16x512xi32, #tpu.memory_space<hbm>>
      %dma_wait3A_721 = arith.constant 0 : i32
      %dma_wait3A_722 = arith.constant 0 : i32
      %dma_wait3A_723 = tpu.memref_slice %arg8[%dma_wait3A_713, %dma_wait3A_721, %dma_wait3A_722] : memref<4x16x512xi32, #tpu.memory_space<vmem>> -> memref<1x16x512xi32, #tpu.memory_space<vmem>>
      %dma_wait3A_724 = tpu.memref_squeeze %dma_wait3A_723 : memref<1x16x512xi32, #tpu.memory_space<vmem>> -> memref<16x512xi32, #tpu.memory_space<vmem>>
      %dma_wait3A_725 = arith.constant 0 : i32
      %dma_wait3A_726 = arith.constant 0 : i32
      %dma_wait3A_727 = tpu.memref_slice %arg4[%dma_wait3A_725, %dma_wait3A_726] : memref<1024x512xi32, #tpu.memory_space<hbm>> -> memref<16x512xi32, #tpu.memory_space<hbm>>
      tpu.wait_dma2 semaphore(%arg19 : memref<!tpu.dma_semaphore, #tpu.memory_space<semaphore_mem>>) src(%dma_wait3A_727 : memref<16x512xi32, #tpu.memory_space<hbm>>) dst(%dma_wait3A_724 : memref<16x512xi32, #tpu.memory_space<vmem>>)
      %scan3A_728 = arith.constant 0 : i32
      %scan3A_729 = arith.constant 0 : i32
      %scan3A_730 = arith.constant 16 : i32
      %scan3A_731 = arith.addi %scan3A_729, %scan3A_730 : i32
      %scan3A_732 = arith.constant 1 : i32
      %scan3A_733 = scf.for %scan3A_890 = %scan3A_729 to %scan3A_731 step %scan3A_732 iter_args(%scan3A_891 = %scan3A_728) -> (i32)  : i32 {
        %broadcast_in_dim3A_892 = arith.constant 0.000000e+00 : f32
        %broadcast_in_dim3A_893 = vector.broadcast %broadcast_in_dim3A_892 : f32 to vector<16xf32>
        %broadcast_in_dim3A_894 = arith.constant 0.000000e+00 : bf16
        %broadcast_in_dim3A_895 = vector.broadcast %broadcast_in_dim3A_894 : bf16 to vector<32xbf16>
        %get3A_896 = arith.constant 3 : i32
        %get3A_897 = arith.index_cast %get3A_896 : i32 to index
        %get3A_898 = arith.index_cast %scan3A_890 : i32 to index
        %get3A_899 = arith.constant 0 : index
        %get3A_900 = tpu.vector_load %arg8[%get3A_897, %get3A_898, %get3A_899] {strides = array<i32>} : memref<4x16x512xi32, #tpu.memory_space<vmem>>, vector<16xi32>,
        %bitcast3A = vector.bitcast %get3A_900 : vector<16xi32> to vector<32xbf16>
        %get3A_901 = arith.constant 3 : i32
        %get3A_902 = arith.index_cast %get3A_901 : i32 to index
        %get3A_903 = arith.index_cast %scan3A_890 : i32 to index
        %get3A_904 = arith.constant 0 : index
        %get3A_905 = tpu.vector_load %arg7[%get3A_902, %get3A_903, %get3A_904] {strides = array<i32>} : memref<4x16x1024xf32, #tpu.memory_space<vmem>>, vector<16xf32>,
        %get3A_906 = arith.constant 3 : i32
        %get3A_907 = arith.index_cast %get3A_906 : i32 to index
        %get3A_908 = arith.index_cast %scan3A_890 : i32 to index
        %get3A_909 = arith.constant 16 : index
        %get3A_910 = tpu.vector_load %arg7[%get3A_907, %get3A_908, %get3A_909] {strides = array<i32>} : memref<4x16x1024xf32, #tpu.memory_space<vmem>>, vector<16xf32>,
        %pack3A = tpu.pack_subelements %get3A_905, %get3A_910 {pack_format = #tpu.pack_format<interleaved>, positions = array<i32: 0, 1>} : vector<16xf32>, vector<16xf32> -> vector<32xbf16>
        %mul3A_911 = arith.mulf %pack3A, %bitcast3A : vector<32xbf16>
        %add3A_912 = arith.addf %broadcast_in_dim3A_895, %mul3A_911 : vector<32xbf16>
        %mul3A_913 = arith.mulf %pack3A, %pack3A : vector<32xbf16>
        %add3A_914 = arith.addf %broadcast_in_dim3A_895, %mul3A_913 : vector<32xbf16>
        %get3A_915 = arith.constant 3 : i32
        %get3A_916 = arith.index_cast %get3A_915 : i32 to index
        %get3A_917 = arith.index_cast %scan3A_890 : i32 to index
        %get3A_918 = arith.constant 16 : index
        %get3A_919 = tpu.vector_load %arg8[%get3A_916, %get3A_917, %get3A_918] {strides = array<i32>} : memref<4x16x512xi32, #tpu.memory_space<vmem>>, vector<16xi32>,
        %bitcast3A_920 = vector.bitcast %get3A_919 : vector<16xi32> to vector<32xbf16>
        %get3A_921 = arith.constant 3 : i32
        %get3A_922 = arith.index_cast %get3A_921 : i32 to index
        %get3A_923 = arith.index_cast %scan3A_890 : i32 to index
        %get3A_924 = arith.constant 32 : index
        %get3A_925 = tpu.vector_load %arg7[%get3A_922, %get3A_923, %get3A_924] {strides = array<i32>} : memref<4x16x1024xf32, #tpu.memory_space<vmem>>, vector<16xf32>,
        %get3A_926 = arith.constant 3 : i32
        %get3A_927 = arith.index_cast %get3A_926 : i32 to index
        %get3A_928 = arith.index_cast %scan3A_890 : i32 to index
        %get3A_929 = arith.constant 48 : index
        %get3A_930 = tpu.vector_load %arg7[%get3A_927, %get3A_928, %get3A_929] {strides = array<i32>} : memref<4x16x1024xf32, #tpu.memory_space<vmem>>, vector<16xf32>,
        %pack3A_931 = tpu.pack_subelements %get3A_925, %get3A_930 {pack_format = #tpu.pack_format<interleaved>, positions = array<i32: 0, 1>} : vector<16xf32>, vector<16xf32> -> vector<32xbf16>
        %mul3A_932 = arith.mulf %pack3A_931, %bitcast3A_920 : vector<32xbf16>
        %add3A_933 = arith.addf %add3A_912, %mul3A_932 : vector<32xbf16>
        %mul3A_934 = arith.mulf %pack3A_931, %pack3A_931 : vector<32xbf16>
        %add3A_935 = arith.addf %add3A_914, %mul3A_934 : vector<32xbf16>
        %get3A_936 = arith.constant 3 : i32
        %get3A_937 = arith.index_cast %get3A_936 : i32 to index
        %get3A_938 = arith.index_cast %scan3A_890 : i32 to index
        %get3A_939 = arith.constant 32 : index
        %get3A_940 = tpu.vector_load %arg8[%get3A_937, %get3A_938, %get3A_939] {strides = array<i32>} : memref<4x16x512xi32, #tpu.memory_space<vmem>>, vector<16xi32>,
        %bitcast3A_941 = vector.bitcast %get3A_940 : vector<16xi32> to vector<32xbf16>
        %get3A_942 = arith.constant 3 : i32
        %get3A_943 = arith.index_cast %get3A_942 : i32 to index
        %get3A_944 = arith.index_cast %scan3A_890 : i32 to index
        %get3A_945 = arith.constant 64 : index
        %get3A_946 = tpu.vector_load %arg7[%get3A_943, %get3A_944, %get3A_945] {strides = array<i32>} : memref<4x16x1024xf32, #tpu.memory_space<vmem>>, vector<16xf32>,
        %get3A_947 = arith.constant 3 : i32
        %get3A_948 = arith.index_cast %get3A_947 : i32 to index
        %get3A_949 = arith.index_cast %scan3A_890 : i32 to index
        %get3A_950 = arith.constant 80 : index
        %get3A_951 = tpu.vector_load %arg7[%get3A_948, %get3A_949, %get3A_950] {strides = array<i32>} : memref<4x16x1024xf32, #tpu.memory_space<vmem>>, vector<16xf32>,
        %pack3A_952 = tpu.pack_subelements %get3A_946, %get3A_951 {pack_format = #tpu.pack_format<interleaved>, positions = array<i32: 0, 1>} : vector<16xf32>, vector<16xf32> -> vector<32xbf16>
        %mul3A_953 = arith.mulf %pack3A_952, %bitcast3A_941 : vector<32xbf16>
        %add3A_954 = arith.addf %add3A_933, %mul3A_953 : vector<32xbf16>
        %mul3A_955 = arith.mulf %pack3A_952, %pack3A_952 : vector<32xbf16>
        %add3A_956 = arith.addf %add3A_935, %mul3A_955 : vector<32xbf16>
        %get3A_957 = arith.constant 3 : i32
        %get3A_958 = arith.index_cast %get3A_957 : i32 to index
        %get3A_959 = arith.index_cast %scan3A_890 : i32 to index
        %get3A_960 = arith.constant 48 : index
        %get3A_961 = tpu.vector_load %arg8[%get3A_958, %get3A_959, %get3A_960] {strides = array<i32>} : memref<4x16x512xi32, #tpu.memory_space<vmem>>, vector<16xi32>,
        %bitcast3A_962 = vector.bitcast %get3A_961 : vector<16xi32> to vector<32xbf16>
        %get3A_963 = arith.constant 3 : i32
        %get3A_964 = arith.index_cast %get3A_963 : i32 to index
        %get3A_965 = arith.index_cast %scan3A_890 : i32 to index
        %get3A_966 = arith.constant 96 : index
        %get3A_967 = tpu.vector_load %arg7[%get3A_964, %get3A_965, %get3A_966] {strides = array<i32>} : memref<4x16x1024xf32, #tpu.memory_space<vmem>>, vector<16xf32>,
        %get3A_968 = arith.constant 3 : i32
        %get3A_969 = arith.index_cast %get3A_968 : i32 to index
        %get3A_970 = arith.index_cast %scan3A_890 : i32 to index
        %get3A_971 = arith.constant 112 : index
        %get3A_972 = tpu.vector_load %arg7[%get3A_969, %get3A_970, %get3A_971] {strides = array<i32>} : memref<4x16x1024xf32, #tpu.memory_space<vmem>>, vector<16xf32>,
        %pack3A_973 = tpu.pack_subelements %get3A_967, %get3A_972 {pack_format = #tpu.pack_format<interleaved>, positions = array<i32: 0, 1>} : vector<16xf32>, vector<16xf32> -> vector<32xbf16>
        %mul3A_974 = arith.mulf %pack3A_973, %bitcast3A_962 : vector<32xbf16>
        %add3A_975 = arith.addf %add3A_954, %mul3A_974 : vector<32xbf16>
        %mul3A_976 = arith.mulf %pack3A_973, %pack3A_973 : vector<32xbf16>
        %add3A_977 = arith.addf %add3A_956, %mul3A_976 : vector<32xbf16>
        %get3A_978 = arith.constant 3 : i32
        %get3A_979 = arith.index_cast %get3A_978 : i32 to index
        %get3A_980 = arith.index_cast %scan3A_890 : i32 to index
        %get3A_981 = arith.constant 64 : index
        %get3A_982 = tpu.vector_load %arg8[%get3A_979, %get3A_980, %get3A_981] {strides = array<i32>} : memref<4x16x512xi32, #tpu.memory_space<vmem>>, vector<16xi32>,
        %bitcast3A_983 = vector.bitcast %get3A_982 : vector<16xi32> to vector<32xbf16>
        %get3A_984 = arith.constant 3 : i32
        %get3A_985 = arith.index_cast %get3A_984 : i32 to index
        %get3A_986 = arith.index_cast %scan3A_890 : i32 to index
        %get3A_987 = arith.constant 128 : index
        %get3A_988 = tpu.vector_load %arg7[%get3A_985, %get3A_986, %get3A_987] {strides = array<i32>} : memref<4x16x1024xf32, #tpu.memory_space<vmem>>, vector<16xf32>,
        %get3A_989 = arith.constant 3 : i32
        %get3A_990 = arith.index_cast %get3A_989 : i32 to index
        %get3A_991 = arith.index_cast %scan3A_890 : i32 to index
        %get3A_992 = arith.constant 144 : index
        %get3A_993 = tpu.vector_load %arg7[%get3A_990, %get3A_991, %get3A_992] {strides = array<i32>} : memref<4x16x1024xf32, #tpu.memory_space<vmem>>, vector<16xf32>,
        %pack3A_994 = tpu.pack_subelements %get3A_988, %get3A_993 {pack_format = #tpu.pack_format<interleaved>, positions = array<i32: 0, 1>} : vector<16xf32>, vector<16xf32> -> vector<32xbf16>
        %mul3A_995 = arith.mulf %pack3A_994, %bitcast3A_983 : vector<32xbf16>
        %add3A_996 = arith.addf %add3A_975, %mul3A_995 : vector<32xbf16>
        %mul3A_997 = arith.mulf %pack3A_994, %pack3A_994 : vector<32xbf16>
        %add3A_998 = arith.addf %add3A_977, %mul3A_997 : vector<32xbf16>
        %get3A_999 = arith.constant 3 : i32
        %get3A_1000 = arith.index_cast %get3A_999 : i32 to index
        %get3A_1001 = arith.index_cast %scan3A_890 : i32 to index
        %get3A_1002 = arith.constant 80 : index
        %get3A_1003 = tpu.vector_load %arg8[%get3A_1000, %get3A_1001, %get3A_1002] {strides = array<i32>} : memref<4x16x512xi32, #tpu.memory_space<vmem>>, vector<16xi32>,
        %bitcast3A_1004 = vector.bitcast %get3A_1003 : vector<16xi32> to vector<32xbf16>
        %get3A_1005 = arith.constant 3 : i32
        %get3A_1006 = arith.index_cast %get3A_1005 : i32 to index
        %get3A_1007 = arith.index_cast %scan3A_890 : i32 to index
        %get3A_1008 = arith.constant 160 : index
        %get3A_1009 = tpu.vector_load %arg7[%get3A_1006, %get3A_1007, %get3A_1008] {strides = array<i32>} : memref<4x16x1024xf32, #tpu.memory_space<vmem>>, vector<16xf32>,
        %get3A_1010 = arith.constant 3 : i32
        %get3A_1011 = arith.index_cast %get3A_1010 : i32 to index
        %get3A_1012 = arith.index_cast %scan3A_890 : i32 to index
        %get3A_1013 = arith.constant 176 : index
        %get3A_1014 = tpu.vector_load %arg7[%get3A_1011, %get3A_1012, %get3A_1013] {strides = array<i32>} : memref<4x16x1024xf32, #tpu.memory_space<vmem>>, vector<16xf32>,
        %pack3A_1015 = tpu.pack_subelements %get3A_1009, %get3A_1014 {pack_format = #tpu.pack_format<interleaved>, positions = array<i32: 0, 1>} : vector<16xf32>, vector<16xf32> -> vector<32xbf16>
        %mul3A_1016 = arith.mulf %pack3A_1015, %bitcast3A_1004 : vector<32xbf16>
        %add3A_1017 = arith.addf %add3A_996, %mul3A_1016 : vector<32xbf16>
        %mul3A_1018 = arith.mulf %pack3A_1015, %pack3A_1015 : vector<32xbf16>
        %add3A_1019 = arith.addf %add3A_998, %mul3A_1018 : vector<32xbf16>
        %get3A_1020 = arith.constant 3 : i32
        %get3A_1021 = arith.index_cast %get3A_1020 : i32 to index
        %get3A_1022 = arith.index_cast %scan3A_890 : i32 to index
        %get3A_1023 = arith.constant 96 : index
        %get3A_1024 = tpu.vector_load %arg8[%get3A_1021, %get3A_1022, %get3A_1023] {strides = array<i32>} : memref<4x16x512xi32, #tpu.memory_space<vmem>>, vector<16xi32>,
        %bitcast3A_1025 = vector.bitcast %get3A_1024 : vector<16xi32> to vector<32xbf16>
        %get3A_1026 = arith.constant 3 : i32
        %get3A_1027 = arith.index_cast %get3A_1026 : i32 to index
        %get3A_1028 = arith.index_cast %scan3A_890 : i32 to index
        %get3A_1029 = arith.constant 192 : index
        %get3A_1030 = tpu.vector_load %arg7[%get3A_1027, %get3A_1028, %get3A_1029] {strides = array<i32>} : memref<4x16x1024xf32, #tpu.memory_space<vmem>>, vector<16xf32>,
        %get3A_1031 = arith.constant 3 : i32
        %get3A_1032 = arith.index_cast %get3A_1031 : i32 to index
        %get3A_1033 = arith.index_cast %scan3A_890 : i32 to index
        %get3A_1034 = arith.constant 208 : index
        %get3A_1035 = tpu.vector_load %arg7[%get3A_1032, %get3A_1033, %get3A_1034] {strides = array<i32>} : memref<4x16x1024xf32, #tpu.memory_space<vmem>>, vector<16xf32>,
        %pack3A_1036 = tpu.pack_subelements %get3A_1030, %get3A_1035 {pack_format = #tpu.pack_format<interleaved>, positions = array<i32: 0, 1>} : vector<16xf32>, vector<16xf32> -> vector<32xbf16>
        %mul3A_1037 = arith.mulf %pack3A_1036, %bitcast3A_1025 : vector<32xbf16>
        %add3A_1038 = arith.addf %add3A_1017, %mul3A_1037 : vector<32xbf16>
        %mul3A_1039 = arith.mulf %pack3A_1036, %pack3A_1036 : vector<32xbf16>
        %add3A_1040 = arith.addf %add3A_1019, %mul3A_1039 : vector<32xbf16>
        %get3A_1041 = arith.constant 3 : i32
        %get3A_1042 = arith.index_cast %get3A_1041 : i32 to index
        %get3A_1043 = arith.index_cast %scan3A_890 : i32 to index
        %get3A_1044 = arith.constant 112 : index
        %get3A_1045 = tpu.vector_load %arg8[%get3A_1042, %get3A_1043, %get3A_1044] {strides = array<i32>} : memref<4x16x512xi32, #tpu.memory_space<vmem>>, vector<16xi32>,
        %bitcast3A_1046 = vector.bitcast %get3A_1045 : vector<16xi32> to vector<32xbf16>
        %get3A_1047 = arith.constant 3 : i32
        %get3A_1048 = arith.index_cast %get3A_1047 : i32 to index
        %get3A_1049 = arith.index_cast %scan3A_890 : i32 to index
        %get3A_1050 = arith.constant 224 : index
        %get3A_1051 = tpu.vector_load %arg7[%get3A_1048, %get3A_1049, %get3A_1050] {strides = array<i32>} : memref<4x16x1024xf32, #tpu.memory_space<vmem>>, vector<16xf32>,
        %get3A_1052 = arith.constant 3 : i32
        %get3A_1053 = arith.index_cast %get3A_1052 : i32 to index
        %get3A_1054 = arith.index_cast %scan3A_890 : i32 to index
        %get3A_1055 = arith.constant 240 : index
        %get3A_1056 = tpu.vector_load %arg7[%get3A_1053, %get3A_1054, %get3A_1055] {strides = array<i32>} : memref<4x16x1024xf32, #tpu.memory_space<vmem>>, vector<16xf32>,
        %pack3A_1057 = tpu.pack_subelements %get3A_1051, %get3A_1056 {pack_format = #tpu.pack_format<interleaved>, positions = array<i32: 0, 1>} : vector<16xf32>, vector<16xf32> -> vector<32xbf16>
        %mul3A_1058 = arith.mulf %pack3A_1057, %bitcast3A_1046 : vector<32xbf16>
        %add3A_1059 = arith.addf %add3A_1038, %mul3A_1058 : vector<32xbf16>
        %mul3A_1060 = arith.mulf %pack3A_1057, %pack3A_1057 : vector<32xbf16>
        %add3A_1061 = arith.addf %add3A_1040, %mul3A_1060 : vector<32xbf16>
        %unpack3A = tpu.unpack_subelements %add3A_1059, 0 {pack_format = #tpu.pack_format<interleaved>} : vector<32xbf16> -> vector<16xf32>
        %unpack3A_1062 = tpu.unpack_subelements %add3A_1059, 1 {pack_format = #tpu.pack_format<interleaved>} : vector<32xbf16> -> vector<16xf32>
        %unpack3A_1063 = tpu.unpack_subelements %add3A_1061, 0 {pack_format = #tpu.pack_format<interleaved>} : vector<32xbf16> -> vector<16xf32>
        %unpack3A_1064 = tpu.unpack_subelements %add3A_1061, 1 {pack_format = #tpu.pack_format<interleaved>} : vector<32xbf16> -> vector<16xf32>
        %add3A_1065 = arith.addf %broadcast_in_dim3A_893, %unpack3A : vector<16xf32>
        %add3A_1066 = arith.addf %broadcast_in_dim3A_893, %unpack3A_1062 : vector<16xf32>
        %add3A_1067 = arith.addf %broadcast_in_dim3A_893, %unpack3A_1063 : vector<16xf32>
        %add3A_1068 = arith.addf %broadcast_in_dim3A_893, %unpack3A_1064 : vector<16xf32>
        %get3A_1069 = arith.constant 3 : i32
        %get3A_1070 = arith.index_cast %get3A_1069 : i32 to index
        %get3A_1071 = arith.index_cast %scan3A_890 : i32 to index
        %get3A_1072 = arith.constant 128 : index
        %get3A_1073 = tpu.vector_load %arg8[%get3A_1070, %get3A_1071, %get3A_1072] {strides = array<i32>} : memref<4x16x512xi32, #tpu.memory_space<vmem>>, vector<16xi32>,
        %bitcast3A_1074 = vector.bitcast %get3A_1073 : vector<16xi32> to vector<32xbf16>
        %get3A_1075 = arith.constant 3 : i32
        %get3A_1076 = arith.index_cast %get3A_1075 : i32 to index
        %get3A_1077 = arith.index_cast %scan3A_890 : i32 to index
        %get3A_1078 = arith.constant 256 : index
        %get3A_1079 = tpu.vector_load %arg7[%get3A_1076, %get3A_1077, %get3A_1078] {strides = array<i32>} : memref<4x16x1024xf32, #tpu.memory_space<vmem>>, vector<16xf32>,
        %get3A_1080 = arith.constant 3 : i32
        %get3A_1081 = arith.index_cast %get3A_1080 : i32 to index
        %get3A_1082 = arith.index_cast %scan3A_890 : i32 to index
        %get3A_1083 = arith.constant 272 : index
        %get3A_1084 = tpu.vector_load %arg7[%get3A_1081, %get3A_1082, %get3A_1083] {strides = array<i32>} : memref<4x16x1024xf32, #tpu.memory_space<vmem>>, vector<16xf32>,
        %pack3A_1085 = tpu.pack_subelements %get3A_1079, %get3A_1084 {pack_format = #tpu.pack_format<interleaved>, positions = array<i32: 0, 1>} : vector<16xf32>, vector<16xf32> -> vector<32xbf16>
        %mul3A_1086 = arith.mulf %pack3A_1085, %bitcast3A_1074 : vector<32xbf16>
        %add3A_1087 = arith.addf %broadcast_in_dim3A_895, %mul3A_1086 : vector<32xbf16>
        %mul3A_1088 = arith.mulf %pack3A_1085, %pack3A_1085 : vector<32xbf16>
        %add3A_1089 = arith.addf %broadcast_in_dim3A_895, %mul3A_1088 : vector<32xbf16>
        %get3A_1090 = arith.constant 3 : i32
        %get3A_1091 = arith.index_cast %get3A_1090 : i32 to index
        %get3A_1092 = arith.index_cast %scan3A_890 : i32 to index
        %get3A_1093 = arith.constant 144 : index
        %get3A_1094 = tpu.vector_load %arg8[%get3A_1091, %get3A_1092, %get3A_1093] {strides = array<i32>} : memref<4x16x512xi32, #tpu.memory_space<vmem>>, vector<16xi32>,
        %bitcast3A_1095 = vector.bitcast %get3A_1094 : vector<16xi32> to vector<32xbf16>
        %get3A_1096 = arith.constant 3 : i32
        %get3A_1097 = arith.index_cast %get3A_1096 : i32 to index
        %get3A_1098 = arith.index_cast %scan3A_890 : i32 to index
        %get3A_1099 = arith.constant 288 : index
        %get3A_1100 = tpu.vector_load %arg7[%get3A_1097, %get3A_1098, %get3A_1099] {strides = array<i32>} : memref<4x16x1024xf32, #tpu.memory_space<vmem>>, vector<16xf32>,
        %get3A_1101 = arith.constant 3 : i32
        %get3A_1102 = arith.index_cast %get3A_1101 : i32 to index
        %get3A_1103 = arith.index_cast %scan3A_890 : i32 to index
        %get3A_1104 = arith.constant 304 : index
        %get3A_1105 = tpu.vector_load %arg7[%get3A_1102, %get3A_1103, %get3A_1104] {strides = array<i32>} : memref<4x16x1024xf32, #tpu.memory_space<vmem>>, vector<16xf32>,
        %pack3A_1106 = tpu.pack_subelements %get3A_1100, %get3A_1105 {pack_format = #tpu.pack_format<interleaved>, positions = array<i32: 0, 1>} : vector<16xf32>, vector<16xf32> -> vector<32xbf16>
        %mul3A_1107 = arith.mulf %pack3A_1106, %bitcast3A_1095 : vector<32xbf16>
        %add3A_1108 = arith.addf %add3A_1087, %mul3A_1107 : vector<32xbf16>
        %mul3A_1109 = arith.mulf %pack3A_1106, %pack3A_1106 : vector<32xbf16>
        %add3A_1110 = arith.addf %add3A_1089, %mul3A_1109 : vector<32xbf16>
        %get3A_1111 = arith.constant 3 : i32
        %get3A_1112 = arith.index_cast %get3A_1111 : i32 to index
        %get3A_1113 = arith.index_cast %scan3A_890 : i32 to index
        %get3A_1114 = arith.constant 160 : index
        %get3A_1115 = tpu.vector_load %arg8[%get3A_1112, %get3A_1113, %get3A_1114] {strides = array<i32>} : memref<4x16x512xi32, #tpu.memory_space<vmem>>, vector<16xi32>,
        %bitcast3A_1116 = vector.bitcast %get3A_1115 : vector<16xi32> to vector<32xbf16>
        %get3A_1117 = arith.constant 3 : i32
        %get3A_1118 = arith.index_cast %get3A_1117 : i32 to index
        %get3A_1119 = arith.index_cast %scan3A_890 : i32 to index
        %get3A_1120 = arith.constant 320 : index
        %get3A_1121 = tpu.vector_load %arg7[%get3A_1118, %get3A_1119, %get3A_1120] {strides = array<i32>} : memref<4x16x1024xf32, #tpu.memory_space<vmem>>, vector<16xf32>,
        %get3A_1122 = arith.constant 3 : i32
        %get3A_1123 = arith.index_cast %get3A_1122 : i32 to index
        %get3A_1124 = arith.index_cast %scan3A_890 : i32 to index
        %get3A_1125 = arith.constant 336 : index
        %get3A_1126 = tpu.vector_load %arg7[%get3A_1123, %get3A_1124, %get3A_1125] {strides = array<i32>} : memref<4x16x1024xf32, #tpu.memory_space<vmem>>, vector<16xf32>,
        %pack3A_1127 = tpu.pack_subelements %get3A_1121, %get3A_1126 {pack_format = #tpu.pack_format<interleaved>, positions = array<i32: 0, 1>} : vector<16xf32>, vector<16xf32> -> vector<32xbf16>
        %mul3A_1128 = arith.mulf %pack3A_1127, %bitcast3A_1116 : vector<32xbf16>
        %add3A_1129 = arith.addf %add3A_1108, %mul3A_1128 : vector<32xbf16>
        %mul3A_1130 = arith.mulf %pack3A_1127, %pack3A_1127 : vector<32xbf16>
        %add3A_1131 = arith.addf %add3A_1110, %mul3A_1130 : vector<32xbf16>
        %get3A_1132 = arith.constant 3 : i32
        %get3A_1133 = arith.index_cast %get3A_1132 : i32 to index
        %get3A_1134 = arith.index_cast %scan3A_890 : i32 to index
        %get3A_1135 = arith.constant 176 : index
        %get3A_1136 = tpu.vector_load %arg8[%get3A_1133, %get3A_1134, %get3A_1135] {strides = array<i32>} : memref<4x16x512xi32, #tpu.memory_space<vmem>>, vector<16xi32>,
        %bitcast3A_1137 = vector.bitcast %get3A_1136 : vector<16xi32> to vector<32xbf16>
        %get3A_1138 = arith.constant 3 : i32
        %get3A_1139 = arith.index_cast %get3A_1138 : i32 to index
        %get3A_1140 = arith.index_cast %scan3A_890 : i32 to index
        %get3A_1141 = arith.constant 352 : index
        %get3A_1142 = tpu.vector_load %arg7[%get3A_1139, %get3A_1140, %get3A_1141] {strides = array<i32>} : memref<4x16x1024xf32, #tpu.memory_space<vmem>>, vector<16xf32>,
        %get3A_1143 = arith.constant 3 : i32
        %get3A_1144 = arith.index_cast %get3A_1143 : i32 to index
        %get3A_1145 = arith.index_cast %scan3A_890 : i32 to index
        %get3A_1146 = arith.constant 368 : index
        %get3A_1147 = tpu.vector_load %arg7[%get3A_1144, %get3A_1145, %get3A_1146] {strides = array<i32>} : memref<4x16x1024xf32, #tpu.memory_space<vmem>>, vector<16xf32>,
        %pack3A_1148 = tpu.pack_subelements %get3A_1142, %get3A_1147 {pack_format = #tpu.pack_format<interleaved>, positions = array<i32: 0, 1>} : vector<16xf32>, vector<16xf32> -> vector<32xbf16>
        %mul3A_1149 = arith.mulf %pack3A_1148, %bitcast3A_1137 : vector<32xbf16>
        %add3A_1150 = arith.addf %add3A_1129, %mul3A_1149 : vector<32xbf16>
        %mul3A_1151 = arith.mulf %pack3A_1148, %pack3A_1148 : vector<32xbf16>
        %add3A_1152 = arith.addf %add3A_1131, %mul3A_1151 : vector<32xbf16>
        %get3A_1153 = arith.constant 3 : i32
        %get3A_1154 = arith.index_cast %get3A_1153 : i32 to index
        %get3A_1155 = arith.index_cast %scan3A_890 : i32 to index
        %get3A_1156 = arith.constant 192 : index
        %get3A_1157 = tpu.vector_load %arg8[%get3A_1154, %get3A_1155, %get3A_1156] {strides = array<i32>} : memref<4x16x512xi32, #tpu.memory_space<vmem>>, vector<16xi32>,
        %bitcast3A_1158 = vector.bitcast %get3A_1157 : vector<16xi32> to vector<32xbf16>
        %get3A_1159 = arith.constant 3 : i32
        %get3A_1160 = arith.index_cast %get3A_1159 : i32 to index
        %get3A_1161 = arith.index_cast %scan3A_890 : i32 to index
        %get3A_1162 = arith.constant 384 : index
        %get3A_1163 = tpu.vector_load %arg7[%get3A_1160, %get3A_1161, %get3A_1162] {strides = array<i32>} : memref<4x16x1024xf32, #tpu.memory_space<vmem>>, vector<16xf32>,
        %get3A_1164 = arith.constant 3 : i32
        %get3A_1165 = arith.index_cast %get3A_1164 : i32 to index
        %get3A_1166 = arith.index_cast %scan3A_890 : i32 to index
        %get3A_1167 = arith.constant 400 : index
        %get3A_1168 = tpu.vector_load %arg7[%get3A_1165, %get3A_1166, %get3A_1167] {strides = array<i32>} : memref<4x16x1024xf32, #tpu.memory_space<vmem>>, vector<16xf32>,
        %pack3A_1169 = tpu.pack_subelements %get3A_1163, %get3A_1168 {pack_format = #tpu.pack_format<interleaved>, positions = array<i32: 0, 1>} : vector<16xf32>, vector<16xf32> -> vector<32xbf16>
        %mul3A_1170 = arith.mulf %pack3A_1169, %bitcast3A_1158 : vector<32xbf16>
        %add3A_1171 = arith.addf %add3A_1150, %mul3A_1170 : vector<32xbf16>
        %mul3A_1172 = arith.mulf %pack3A_1169, %pack3A_1169 : vector<32xbf16>
        %add3A_1173 = arith.addf %add3A_1152, %mul3A_1172 : vector<32xbf16>
        %get3A_1174 = arith.constant 3 : i32
        %get3A_1175 = arith.index_cast %get3A_1174 : i32 to index
        %get3A_1176 = arith.index_cast %scan3A_890 : i32 to index
        %get3A_1177 = arith.constant 208 : index
        %get3A_1178 = tpu.vector_load %arg8[%get3A_1175, %get3A_1176, %get3A_1177] {strides = array<i32>} : memref<4x16x512xi32, #tpu.memory_space<vmem>>, vector<16xi32>,
        %bitcast3A_1179 = vector.bitcast %get3A_1178 : vector<16xi32> to vector<32xbf16>
        %get3A_1180 = arith.constant 3 : i32
        %get3A_1181 = arith.index_cast %get3A_1180 : i32 to index
        %get3A_1182 = arith.index_cast %scan3A_890 : i32 to index
        %get3A_1183 = arith.constant 416 : index
        %get3A_1184 = tpu.vector_load %arg7[%get3A_1181, %get3A_1182, %get3A_1183] {strides = array<i32>} : memref<4x16x1024xf32, #tpu.memory_space<vmem>>, vector<16xf32>,
        %get3A_1185 = arith.constant 3 : i32
        %get3A_1186 = arith.index_cast %get3A_1185 : i32 to index
        %get3A_1187 = arith.index_cast %scan3A_890 : i32 to index
        %get3A_1188 = arith.constant 432 : index
        %get3A_1189 = tpu.vector_load %arg7[%get3A_1186, %get3A_1187, %get3A_1188] {strides = array<i32>} : memref<4x16x1024xf32, #tpu.memory_space<vmem>>, vector<16xf32>,
        %pack3A_1190 = tpu.pack_subelements %get3A_1184, %get3A_1189 {pack_format = #tpu.pack_format<interleaved>, positions = array<i32: 0, 1>} : vector<16xf32>, vector<16xf32> -> vector<32xbf16>
        %mul3A_1191 = arith.mulf %pack3A_1190, %bitcast3A_1179 : vector<32xbf16>
        %add3A_1192 = arith.addf %add3A_1171, %mul3A_1191 : vector<32xbf16>
        %mul3A_1193 = arith.mulf %pack3A_1190, %pack3A_1190 : vector<32xbf16>
        %add3A_1194 = arith.addf %add3A_1173, %mul3A_1193 : vector<32xbf16>
        %get3A_1195 = arith.constant 3 : i32
        %get3A_1196 = arith.index_cast %get3A_1195 : i32 to index
        %get3A_1197 = arith.index_cast %scan3A_890 : i32 to index
        %get3A_1198 = arith.constant 224 : index
        %get3A_1199 = tpu.vector_load %arg8[%get3A_1196, %get3A_1197, %get3A_1198] {strides = array<i32>} : memref<4x16x512xi32, #tpu.memory_space<vmem>>, vector<16xi32>,
        %bitcast3A_1200 = vector.bitcast %get3A_1199 : vector<16xi32> to vector<32xbf16>
        %get3A_1201 = arith.constant 3 : i32
        %get3A_1202 = arith.index_cast %get3A_1201 : i32 to index
        %get3A_1203 = arith.index_cast %scan3A_890 : i32 to index
        %get3A_1204 = arith.constant 448 : index
        %get3A_1205 = tpu.vector_load %arg7[%get3A_1202, %get3A_1203, %get3A_1204] {strides = array<i32>} : memref<4x16x1024xf32, #tpu.memory_space<vmem>>, vector<16xf32>,
        %get3A_1206 = arith.constant 3 : i32
        %get3A_1207 = arith.index_cast %get3A_1206 : i32 to index
        %get3A_1208 = arith.index_cast %scan3A_890 : i32 to index
        %get3A_1209 = arith.constant 464 : index
        %get3A_1210 = tpu.vector_load %arg7[%get3A_1207, %get3A_1208, %get3A_1209] {strides = array<i32>} : memref<4x16x1024xf32, #tpu.memory_space<vmem>>, vector<16xf32>,
        %pack3A_1211 = tpu.pack_subelements %get3A_1205, %get3A_1210 {pack_format = #tpu.pack_format<interleaved>, positions = array<i32: 0, 1>} : vector<16xf32>, vector<16xf32> -> vector<32xbf16>
        %mul3A_1212 = arith.mulf %pack3A_1211, %bitcast3A_1200 : vector<32xbf16>
        %add3A_1213 = arith.addf %add3A_1192, %mul3A_1212 : vector<32xbf16>
        %mul3A_1214 = arith.mulf %pack3A_1211, %pack3A_1211 : vector<32xbf16>
        %add3A_1215 = arith.addf %add3A_1194, %mul3A_1214 : vector<32xbf16>
        %get3A_1216 = arith.constant 3 : i32
        %get3A_1217 = arith.index_cast %get3A_1216 : i32 to index
        %get3A_1218 = arith.index_cast %scan3A_890 : i32 to index
        %get3A_1219 = arith.constant 240 : index
        %get3A_1220 = tpu.vector_load %arg8[%get3A_1217, %get3A_1218, %get3A_1219] {strides = array<i32>} : memref<4x16x512xi32, #tpu.memory_space<vmem>>, vector<16xi32>,
        %bitcast3A_1221 = vector.bitcast %get3A_1220 : vector<16xi32> to vector<32xbf16>
        %get3A_1222 = arith.constant 3 : i32
        %get3A_1223 = arith.index_cast %get3A_1222 : i32 to index
        %get3A_1224 = arith.index_cast %scan3A_890 : i32 to index
        %get3A_1225 = arith.constant 480 : index
        %get3A_1226 = tpu.vector_load %arg7[%get3A_1223, %get3A_1224, %get3A_1225] {strides = array<i32>} : memref<4x16x1024xf32, #tpu.memory_space<vmem>>, vector<16xf32>,
        %get3A_1227 = arith.constant 3 : i32
        %get3A_1228 = arith.index_cast %get3A_1227 : i32 to index
        %get3A_1229 = arith.index_cast %scan3A_890 : i32 to index
        %get3A_1230 = arith.constant 496 : index
        %get3A_1231 = tpu.vector_load %arg7[%get3A_1228, %get3A_1229, %get3A_1230] {strides = array<i32>} : memref<4x16x1024xf32, #tpu.memory_space<vmem>>, vector<16xf32>,
        %pack3A_1232 = tpu.pack_subelements %get3A_1226, %get3A_1231 {pack_format = #tpu.pack_format<interleaved>, positions = array<i32: 0, 1>} : vector<16xf32>, vector<16xf32> -> vector<32xbf16>
        %mul3A_1233 = arith.mulf %pack3A_1232, %bitcast3A_1221 : vector<32xbf16>
        %add3A_1234 = arith.addf %add3A_1213, %mul3A_1233 : vector<32xbf16>
        %mul3A_1235 = arith.mulf %pack3A_1232, %pack3A_1232 : vector<32xbf16>
        %add3A_1236 = arith.addf %add3A_1215, %mul3A_1235 : vector<32xbf16>
        %unpack3A_1237 = tpu.unpack_subelements %add3A_1234, 0 {pack_format = #tpu.pack_format<interleaved>} : vector<32xbf16> -> vector<16xf32>
        %unpack3A_1238 = tpu.unpack_subelements %add3A_1234, 1 {pack_format = #tpu.pack_format<interleaved>} : vector<32xbf16> -> vector<16xf32>
        %unpack3A_1239 = tpu.unpack_subelements %add3A_1236, 0 {pack_format = #tpu.pack_format<interleaved>} : vector<32xbf16> -> vector<16xf32>
        %unpack3A_1240 = tpu.unpack_subelements %add3A_1236, 1 {pack_format = #tpu.pack_format<interleaved>} : vector<32xbf16> -> vector<16xf32>
        %add3A_1241 = arith.addf %add3A_1065, %unpack3A_1237 : vector<16xf32>
        %add3A_1242 = arith.addf %add3A_1066, %unpack3A_1238 : vector<16xf32>
        %add3A_1243 = arith.addf %add3A_1067, %unpack3A_1239 : vector<16xf32>
        %add3A_1244 = arith.addf %add3A_1068, %unpack3A_1240 : vector<16xf32>
        %get3A_1245 = arith.constant 3 : i32
        %get3A_1246 = arith.index_cast %get3A_1245 : i32 to index
        %get3A_1247 = arith.index_cast %scan3A_890 : i32 to index
        %get3A_1248 = arith.constant 256 : index
        %get3A_1249 = tpu.vector_load %arg8[%get3A_1246, %get3A_1247, %get3A_1248] {strides = array<i32>} : memref<4x16x512xi32, #tpu.memory_space<vmem>>, vector<16xi32>,
        %bitcast3A_1250 = vector.bitcast %get3A_1249 : vector<16xi32> to vector<32xbf16>
        %get3A_1251 = arith.constant 3 : i32
        %get3A_1252 = arith.index_cast %get3A_1251 : i32 to index
        %get3A_1253 = arith.index_cast %scan3A_890 : i32 to index
        %get3A_1254 = arith.constant 512 : index
        %get3A_1255 = tpu.vector_load %arg7[%get3A_1252, %get3A_1253, %get3A_1254] {strides = array<i32>} : memref<4x16x1024xf32, #tpu.memory_space<vmem>>, vector<16xf32>,
        %get3A_1256 = arith.constant 3 : i32
        %get3A_1257 = arith.index_cast %get3A_1256 : i32 to index
        %get3A_1258 = arith.index_cast %scan3A_890 : i32 to index
        %get3A_1259 = arith.constant 528 : index
        %get3A_1260 = tpu.vector_load %arg7[%get3A_1257, %get3A_1258, %get3A_1259] {strides = array<i32>} : memref<4x16x1024xf32, #tpu.memory_space<vmem>>, vector<16xf32>,
        %pack3A_1261 = tpu.pack_subelements %get3A_1255, %get3A_1260 {pack_format = #tpu.pack_format<interleaved>, positions = array<i32: 0, 1>} : vector<16xf32>, vector<16xf32> -> vector<32xbf16>
        %mul3A_1262 = arith.mulf %pack3A_1261, %bitcast3A_1250 : vector<32xbf16>
        %add3A_1263 = arith.addf %broadcast_in_dim3A_895, %mul3A_1262 : vector<32xbf16>
        %mul3A_1264 = arith.mulf %pack3A_1261, %pack3A_1261 : vector<32xbf16>
        %add3A_1265 = arith.addf %broadcast_in_dim3A_895, %mul3A_1264 : vector<32xbf16>
        %get3A_1266 = arith.constant 3 : i32
        %get3A_1267 = arith.index_cast %get3A_1266 : i32 to index
        %get3A_1268 = arith.index_cast %scan3A_890 : i32 to index
        %get3A_1269 = arith.constant 272 : index
        %get3A_1270 = tpu.vector_load %arg8[%get3A_1267, %get3A_1268, %get3A_1269] {strides = array<i32>} : memref<4x16x512xi32, #tpu.memory_space<vmem>>, vector<16xi32>,
        %bitcast3A_1271 = vector.bitcast %get3A_1270 : vector<16xi32> to vector<32xbf16>
        %get3A_1272 = arith.constant 3 : i32
        %get3A_1273 = arith.index_cast %get3A_1272 : i32 to index
        %get3A_1274 = arith.index_cast %scan3A_890 : i32 to index
        %get3A_1275 = arith.constant 544 : index
        %get3A_1276 = tpu.vector_load %arg7[%get3A_1273, %get3A_1274, %get3A_1275] {strides = array<i32>} : memref<4x16x1024xf32, #tpu.memory_space<vmem>>, vector<16xf32>,
        %get3A_1277 = arith.constant 3 : i32
        %get3A_1278 = arith.index_cast %get3A_1277 : i32 to index
        %get3A_1279 = arith.index_cast %scan3A_890 : i32 to index
        %get3A_1280 = arith.constant 560 : index
        %get3A_1281 = tpu.vector_load %arg7[%get3A_1278, %get3A_1279, %get3A_1280] {strides = array<i32>} : memref<4x16x1024xf32, #tpu.memory_space<vmem>>, vector<16xf32>,
        %pack3A_1282 = tpu.pack_subelements %get3A_1276, %get3A_1281 {pack_format = #tpu.pack_format<interleaved>, positions = array<i32: 0, 1>} : vector<16xf32>, vector<16xf32> -> vector<32xbf16>
        %mul3A_1283 = arith.mulf %pack3A_1282, %bitcast3A_1271 : vector<32xbf16>
        %add3A_1284 = arith.addf %add3A_1263, %mul3A_1283 : vector<32xbf16>
        %mul3A_1285 = arith.mulf %pack3A_1282, %pack3A_1282 : vector<32xbf16>
        %add3A_1286 = arith.addf %add3A_1265, %mul3A_1285 : vector<32xbf16>
        %get3A_1287 = arith.constant 3 : i32
        %get3A_1288 = arith.index_cast %get3A_1287 : i32 to index
        %get3A_1289 = arith.index_cast %scan3A_890 : i32 to index
        %get3A_1290 = arith.constant 288 : index
        %get3A_1291 = tpu.vector_load %arg8[%get3A_1288, %get3A_1289, %get3A_1290] {strides = array<i32>} : memref<4x16x512xi32, #tpu.memory_space<vmem>>, vector<16xi32>,
        %bitcast3A_1292 = vector.bitcast %get3A_1291 : vector<16xi32> to vector<32xbf16>
        %get3A_1293 = arith.constant 3 : i32
        %get3A_1294 = arith.index_cast %get3A_1293 : i32 to index
        %get3A_1295 = arith.index_cast %scan3A_890 : i32 to index
        %get3A_1296 = arith.constant 576 : index
        %get3A_1297 = tpu.vector_load %arg7[%get3A_1294, %get3A_1295, %get3A_1296] {strides = array<i32>} : memref<4x16x1024xf32, #tpu.memory_space<vmem>>, vector<16xf32>,
        %get3A_1298 = arith.constant 3 : i32
        %get3A_1299 = arith.index_cast %get3A_1298 : i32 to index
        %get3A_1300 = arith.index_cast %scan3A_890 : i32 to index
        %get3A_1301 = arith.constant 592 : index
        %get3A_1302 = tpu.vector_load %arg7[%get3A_1299, %get3A_1300, %get3A_1301] {strides = array<i32>} : memref<4x16x1024xf32, #tpu.memory_space<vmem>>, vector<16xf32>,
        %pack3A_1303 = tpu.pack_subelements %get3A_1297, %get3A_1302 {pack_format = #tpu.pack_format<interleaved>, positions = array<i32: 0, 1>} : vector<16xf32>, vector<16xf32> -> vector<32xbf16>
        %mul3A_1304 = arith.mulf %pack3A_1303, %bitcast3A_1292 : vector<32xbf16>
        %add3A_1305 = arith.addf %add3A_1284, %mul3A_1304 : vector<32xbf16>
        %mul3A_1306 = arith.mulf %pack3A_1303, %pack3A_1303 : vector<32xbf16>
        %add3A_1307 = arith.addf %add3A_1286, %mul3A_1306 : vector<32xbf16>
        %get3A_1308 = arith.constant 3 : i32
        %get3A_1309 = arith.index_cast %get3A_1308 : i32 to index
        %get3A_1310 = arith.index_cast %scan3A_890 : i32 to index
        %get3A_1311 = arith.constant 304 : index
        %get3A_1312 = tpu.vector_load %arg8[%get3A_1309, %get3A_1310, %get3A_1311] {strides = array<i32>} : memref<4x16x512xi32, #tpu.memory_space<vmem>>, vector<16xi32>,
        %bitcast3A_1313 = vector.bitcast %get3A_1312 : vector<16xi32> to vector<32xbf16>
        %get3A_1314 = arith.constant 3 : i32
        %get3A_1315 = arith.index_cast %get3A_1314 : i32 to index
        %get3A_1316 = arith.index_cast %scan3A_890 : i32 to index
        %get3A_1317 = arith.constant 608 : index
        %get3A_1318 = tpu.vector_load %arg7[%get3A_1315, %get3A_1316, %get3A_1317] {strides = array<i32>} : memref<4x16x1024xf32, #tpu.memory_space<vmem>>, vector<16xf32>,
        %get3A_1319 = arith.constant 3 : i32
        %get3A_1320 = arith.index_cast %get3A_1319 : i32 to index
        %get3A_1321 = arith.index_cast %scan3A_890 : i32 to index
        %get3A_1322 = arith.constant 624 : index
        %get3A_1323 = tpu.vector_load %arg7[%get3A_1320, %get3A_1321, %get3A_1322] {strides = array<i32>} : memref<4x16x1024xf32, #tpu.memory_space<vmem>>, vector<16xf32>,
        %pack3A_1324 = tpu.pack_subelements %get3A_1318, %get3A_1323 {pack_format = #tpu.pack_format<interleaved>, positions = array<i32: 0, 1>} : vector<16xf32>, vector<16xf32> -> vector<32xbf16>
        %mul3A_1325 = arith.mulf %pack3A_1324, %bitcast3A_1313 : vector<32xbf16>
        %add3A_1326 = arith.addf %add3A_1305, %mul3A_1325 : vector<32xbf16>
        %mul3A_1327 = arith.mulf %pack3A_1324, %pack3A_1324 : vector<32xbf16>
        %add3A_1328 = arith.addf %add3A_1307, %mul3A_1327 : vector<32xbf16>
        %get3A_1329 = arith.constant 3 : i32
        %get3A_1330 = arith.index_cast %get3A_1329 : i32 to index
        %get3A_1331 = arith.index_cast %scan3A_890 : i32 to index
        %get3A_1332 = arith.constant 320 : index
        %get3A_1333 = tpu.vector_load %arg8[%get3A_1330, %get3A_1331, %get3A_1332] {strides = array<i32>} : memref<4x16x512xi32, #tpu.memory_space<vmem>>, vector<16xi32>,
        %bitcast3A_1334 = vector.bitcast %get3A_1333 : vector<16xi32> to vector<32xbf16>
        %get3A_1335 = arith.constant 3 : i32
        %get3A_1336 = arith.index_cast %get3A_1335 : i32 to index
        %get3A_1337 = arith.index_cast %scan3A_890 : i32 to index
        %get3A_1338 = arith.constant 640 : index
        %get3A_1339 = tpu.vector_load %arg7[%get3A_1336, %get3A_1337, %get3A_1338] {strides = array<i32>} : memref<4x16x1024xf32, #tpu.memory_space<vmem>>, vector<16xf32>,
        %get3A_1340 = arith.constant 3 : i32
        %get3A_1341 = arith.index_cast %get3A_1340 : i32 to index
        %get3A_1342 = arith.index_cast %scan3A_890 : i32 to index
        %get3A_1343 = arith.constant 656 : index
        %get3A_1344 = tpu.vector_load %arg7[%get3A_1341, %get3A_1342, %get3A_1343] {strides = array<i32>} : memref<4x16x1024xf32, #tpu.memory_space<vmem>>, vector<16xf32>,
        %pack3A_1345 = tpu.pack_subelements %get3A_1339, %get3A_1344 {pack_format = #tpu.pack_format<interleaved>, positions = array<i32: 0, 1>} : vector<16xf32>, vector<16xf32> -> vector<32xbf16>
        %mul3A_1346 = arith.mulf %pack3A_1345, %bitcast3A_1334 : vector<32xbf16>
        %add3A_1347 = arith.addf %add3A_1326, %mul3A_1346 : vector<32xbf16>
        %mul3A_1348 = arith.mulf %pack3A_1345, %pack3A_1345 : vector<32xbf16>
        %add3A_1349 = arith.addf %add3A_1328, %mul3A_1348 : vector<32xbf16>
        %get3A_1350 = arith.constant 3 : i32
        %get3A_1351 = arith.index_cast %get3A_1350 : i32 to index
        %get3A_1352 = arith.index_cast %scan3A_890 : i32 to index
        %get3A_1353 = arith.constant 336 : index
        %get3A_1354 = tpu.vector_load %arg8[%get3A_1351, %get3A_1352, %get3A_1353] {strides = array<i32>} : memref<4x16x512xi32, #tpu.memory_space<vmem>>, vector<16xi32>,
        %bitcast3A_1355 = vector.bitcast %get3A_1354 : vector<16xi32> to vector<32xbf16>
        %get3A_1356 = arith.constant 3 : i32
        %get3A_1357 = arith.index_cast %get3A_1356 : i32 to index
        %get3A_1358 = arith.index_cast %scan3A_890 : i32 to index
        %get3A_1359 = arith.constant 672 : index
        %get3A_1360 = tpu.vector_load %arg7[%get3A_1357, %get3A_1358, %get3A_1359] {strides = array<i32>} : memref<4x16x1024xf32, #tpu.memory_space<vmem>>, vector<16xf32>,
        %get3A_1361 = arith.constant 3 : i32
        %get3A_1362 = arith.index_cast %get3A_1361 : i32 to index
        %get3A_1363 = arith.index_cast %scan3A_890 : i32 to index
        %get3A_1364 = arith.constant 688 : index
        %get3A_1365 = tpu.vector_load %arg7[%get3A_1362, %get3A_1363, %get3A_1364] {strides = array<i32>} : memref<4x16x1024xf32, #tpu.memory_space<vmem>>, vector<16xf32>,
        %pack3A_1366 = tpu.pack_subelements %get3A_1360, %get3A_1365 {pack_format = #tpu.pack_format<interleaved>, positions = array<i32: 0, 1>} : vector<16xf32>, vector<16xf32> -> vector<32xbf16>
        %mul3A_1367 = arith.mulf %pack3A_1366, %bitcast3A_1355 : vector<32xbf16>
        %add3A_1368 = arith.addf %add3A_1347, %mul3A_1367 : vector<32xbf16>
        %mul3A_1369 = arith.mulf %pack3A_1366, %pack3A_1366 : vector<32xbf16>
        %add3A_1370 = arith.addf %add3A_1349, %mul3A_1369 : vector<32xbf16>
        %get3A_1371 = arith.constant 3 : i32
        %get3A_1372 = arith.index_cast %get3A_1371 : i32 to index
        %get3A_1373 = arith.index_cast %scan3A_890 : i32 to index
        %get3A_1374 = arith.constant 352 : index
        %get3A_1375 = tpu.vector_load %arg8[%get3A_1372, %get3A_1373, %get3A_1374] {strides = array<i32>} : memref<4x16x512xi32, #tpu.memory_space<vmem>>, vector<16xi32>,
        %bitcast3A_1376 = vector.bitcast %get3A_1375 : vector<16xi32> to vector<32xbf16>
        %get3A_1377 = arith.constant 3 : i32
        %get3A_1378 = arith.index_cast %get3A_1377 : i32 to index
        %get3A_1379 = arith.index_cast %scan3A_890 : i32 to index
        %get3A_1380 = arith.constant 704 : index
        %get3A_1381 = tpu.vector_load %arg7[%get3A_1378, %get3A_1379, %get3A_1380] {strides = array<i32>} : memref<4x16x1024xf32, #tpu.memory_space<vmem>>, vector<16xf32>,
        %get3A_1382 = arith.constant 3 : i32
        %get3A_1383 = arith.index_cast %get3A_1382 : i32 to index
        %get3A_1384 = arith.index_cast %scan3A_890 : i32 to index
        %get3A_1385 = arith.constant 720 : index
        %get3A_1386 = tpu.vector_load %arg7[%get3A_1383, %get3A_1384, %get3A_1385] {strides = array<i32>} : memref<4x16x1024xf32, #tpu.memory_space<vmem>>, vector<16xf32>,
        %pack3A_1387 = tpu.pack_subelements %get3A_1381, %get3A_1386 {pack_format = #tpu.pack_format<interleaved>, positions = array<i32: 0, 1>} : vector<16xf32>, vector<16xf32> -> vector<32xbf16>
        %mul3A_1388 = arith.mulf %pack3A_1387, %bitcast3A_1376 : vector<32xbf16>
        %add3A_1389 = arith.addf %add3A_1368, %mul3A_1388 : vector<32xbf16>
        %mul3A_1390 = arith.mulf %pack3A_1387, %pack3A_1387 : vector<32xbf16>
        %add3A_1391 = arith.addf %add3A_1370, %mul3A_1390 : vector<32xbf16>
        %get3A_1392 = arith.constant 3 : i32
        %get3A_1393 = arith.index_cast %get3A_1392 : i32 to index
        %get3A_1394 = arith.index_cast %scan3A_890 : i32 to index
        %get3A_1395 = arith.constant 368 : index
        %get3A_1396 = tpu.vector_load %arg8[%get3A_1393, %get3A_1394, %get3A_1395] {strides = array<i32>} : memref<4x16x512xi32, #tpu.memory_space<vmem>>, vector<16xi32>,
        %bitcast3A_1397 = vector.bitcast %get3A_1396 : vector<16xi32> to vector<32xbf16>
        %get3A_1398 = arith.constant 3 : i32
        %get3A_1399 = arith.index_cast %get3A_1398 : i32 to index
        %get3A_1400 = arith.index_cast %scan3A_890 : i32 to index
        %get3A_1401 = arith.constant 736 : index
        %get3A_1402 = tpu.vector_load %arg7[%get3A_1399, %get3A_1400, %get3A_1401] {strides = array<i32>} : memref<4x16x1024xf32, #tpu.memory_space<vmem>>, vector<16xf32>,
        %get3A_1403 = arith.constant 3 : i32
        %get3A_1404 = arith.index_cast %get3A_1403 : i32 to index
        %get3A_1405 = arith.index_cast %scan3A_890 : i32 to index
        %get3A_1406 = arith.constant 752 : index
        %get3A_1407 = tpu.vector_load %arg7[%get3A_1404, %get3A_1405, %get3A_1406] {strides = array<i32>} : memref<4x16x1024xf32, #tpu.memory_space<vmem>>, vector<16xf32>,
        %pack3A_1408 = tpu.pack_subelements %get3A_1402, %get3A_1407 {pack_format = #tpu.pack_format<interleaved>, positions = array<i32: 0, 1>} : vector<16xf32>, vector<16xf32> -> vector<32xbf16>
        %mul3A_1409 = arith.mulf %pack3A_1408, %bitcast3A_1397 : vector<32xbf16>
        %add3A_1410 = arith.addf %add3A_1389, %mul3A_1409 : vector<32xbf16>
        %mul3A_1411 = arith.mulf %pack3A_1408, %pack3A_1408 : vector<32xbf16>
        %add3A_1412 = arith.addf %add3A_1391, %mul3A_1411 : vector<32xbf16>
        %unpack3A_1413 = tpu.unpack_subelements %add3A_1410, 0 {pack_format = #tpu.pack_format<interleaved>} : vector<32xbf16> -> vector<16xf32>
        %unpack3A_1414 = tpu.unpack_subelements %add3A_1410, 1 {pack_format = #tpu.pack_format<interleaved>} : vector<32xbf16> -> vector<16xf32>
        %unpack3A_1415 = tpu.unpack_subelements %add3A_1412, 0 {pack_format = #tpu.pack_format<interleaved>} : vector<32xbf16> -> vector<16xf32>
        %unpack3A_1416 = tpu.unpack_subelements %add3A_1412, 1 {pack_format = #tpu.pack_format<interleaved>} : vector<32xbf16> -> vector<16xf32>
        %add3A_1417 = arith.addf %add3A_1241, %unpack3A_1413 : vector<16xf32>
        %add3A_1418 = arith.addf %add3A_1242, %unpack3A_1414 : vector<16xf32>
        %add3A_1419 = arith.addf %add3A_1243, %unpack3A_1415 : vector<16xf32>
        %add3A_1420 = arith.addf %add3A_1244, %unpack3A_1416 : vector<16xf32>
        %get3A_1421 = arith.constant 3 : i32
        %get3A_1422 = arith.index_cast %get3A_1421 : i32 to index
        %get3A_1423 = arith.index_cast %scan3A_890 : i32 to index
        %get3A_1424 = arith.constant 384 : index
        %get3A_1425 = tpu.vector_load %arg8[%get3A_1422, %get3A_1423, %get3A_1424] {strides = array<i32>} : memref<4x16x512xi32, #tpu.memory_space<vmem>>, vector<16xi32>,
        %bitcast3A_1426 = vector.bitcast %get3A_1425 : vector<16xi32> to vector<32xbf16>
        %get3A_1427 = arith.constant 3 : i32
        %get3A_1428 = arith.index_cast %get3A_1427 : i32 to index
        %get3A_1429 = arith.index_cast %scan3A_890 : i32 to index
        %get3A_1430 = arith.constant 768 : index
        %get3A_1431 = tpu.vector_load %arg7[%get3A_1428, %get3A_1429, %get3A_1430] {strides = array<i32>} : memref<4x16x1024xf32, #tpu.memory_space<vmem>>, vector<16xf32>,
        %get3A_1432 = arith.constant 3 : i32
        %get3A_1433 = arith.index_cast %get3A_1432 : i32 to index
        %get3A_1434 = arith.index_cast %scan3A_890 : i32 to index
        %get3A_1435 = arith.constant 784 : index
        %get3A_1436 = tpu.vector_load %arg7[%get3A_1433, %get3A_1434, %get3A_1435] {strides = array<i32>} : memref<4x16x1024xf32, #tpu.memory_space<vmem>>, vector<16xf32>,
        %pack3A_1437 = tpu.pack_subelements %get3A_1431, %get3A_1436 {pack_format = #tpu.pack_format<interleaved>, positions = array<i32: 0, 1>} : vector<16xf32>, vector<16xf32> -> vector<32xbf16>
        %mul3A_1438 = arith.mulf %pack3A_1437, %bitcast3A_1426 : vector<32xbf16>
        %add3A_1439 = arith.addf %broadcast_in_dim3A_895, %mul3A_1438 : vector<32xbf16>
        %mul3A_1440 = arith.mulf %pack3A_1437, %pack3A_1437 : vector<32xbf16>
        %add3A_1441 = arith.addf %broadcast_in_dim3A_895, %mul3A_1440 : vector<32xbf16>
        %get3A_1442 = arith.constant 3 : i32
        %get3A_1443 = arith.index_cast %get3A_1442 : i32 to index
        %get3A_1444 = arith.index_cast %scan3A_890 : i32 to index
        %get3A_1445 = arith.constant 400 : index
        %get3A_1446 = tpu.vector_load %arg8[%get3A_1443, %get3A_1444, %get3A_1445] {strides = array<i32>} : memref<4x16x512xi32, #tpu.memory_space<vmem>>, vector<16xi32>,
        %bitcast3A_1447 = vector.bitcast %get3A_1446 : vector<16xi32> to vector<32xbf16>
        %get3A_1448 = arith.constant 3 : i32
        %get3A_1449 = arith.index_cast %get3A_1448 : i32 to index
        %get3A_1450 = arith.index_cast %scan3A_890 : i32 to index
        %get3A_1451 = arith.constant 800 : index
        %get3A_1452 = tpu.vector_load %arg7[%get3A_1449, %get3A_1450, %get3A_1451] {strides = array<i32>} : memref<4x16x1024xf32, #tpu.memory_space<vmem>>, vector<16xf32>,
        %get3A_1453 = arith.constant 3 : i32
        %get3A_1454 = arith.index_cast %get3A_1453 : i32 to index
        %get3A_1455 = arith.index_cast %scan3A_890 : i32 to index
        %get3A_1456 = arith.constant 816 : index
        %get3A_1457 = tpu.vector_load %arg7[%get3A_1454, %get3A_1455, %get3A_1456] {strides = array<i32>} : memref<4x16x1024xf32, #tpu.memory_space<vmem>>, vector<16xf32>,
        %pack3A_1458 = tpu.pack_subelements %get3A_1452, %get3A_1457 {pack_format = #tpu.pack_format<interleaved>, positions = array<i32: 0, 1>} : vector<16xf32>, vector<16xf32> -> vector<32xbf16>
        %mul3A_1459 = arith.mulf %pack3A_1458, %bitcast3A_1447 : vector<32xbf16>
        %add3A_1460 = arith.addf %add3A_1439, %mul3A_1459 : vector<32xbf16>
        %mul3A_1461 = arith.mulf %pack3A_1458, %pack3A_1458 : vector<32xbf16>
        %add3A_1462 = arith.addf %add3A_1441, %mul3A_1461 : vector<32xbf16>
        %get3A_1463 = arith.constant 3 : i32
        %get3A_1464 = arith.index_cast %get3A_1463 : i32 to index
        %get3A_1465 = arith.index_cast %scan3A_890 : i32 to index
        %get3A_1466 = arith.constant 416 : index
        %get3A_1467 = tpu.vector_load %arg8[%get3A_1464, %get3A_1465, %get3A_1466] {strides = array<i32>} : memref<4x16x512xi32, #tpu.memory_space<vmem>>, vector<16xi32>,
        %bitcast3A_1468 = vector.bitcast %get3A_1467 : vector<16xi32> to vector<32xbf16>
        %get3A_1469 = arith.constant 3 : i32
        %get3A_1470 = arith.index_cast %get3A_1469 : i32 to index
        %get3A_1471 = arith.index_cast %scan3A_890 : i32 to index
        %get3A_1472 = arith.constant 832 : index
        %get3A_1473 = tpu.vector_load %arg7[%get3A_1470, %get3A_1471, %get3A_1472] {strides = array<i32>} : memref<4x16x1024xf32, #tpu.memory_space<vmem>>, vector<16xf32>,
        %get3A_1474 = arith.constant 3 : i32
        %get3A_1475 = arith.index_cast %get3A_1474 : i32 to index
        %get3A_1476 = arith.index_cast %scan3A_890 : i32 to index
        %get3A_1477 = arith.constant 848 : index
        %get3A_1478 = tpu.vector_load %arg7[%get3A_1475, %get3A_1476, %get3A_1477] {strides = array<i32>} : memref<4x16x1024xf32, #tpu.memory_space<vmem>>, vector<16xf32>,
        %pack3A_1479 = tpu.pack_subelements %get3A_1473, %get3A_1478 {pack_format = #tpu.pack_format<interleaved>, positions = array<i32: 0, 1>} : vector<16xf32>, vector<16xf32> -> vector<32xbf16>
        %mul3A_1480 = arith.mulf %pack3A_1479, %bitcast3A_1468 : vector<32xbf16>
        %add3A_1481 = arith.addf %add3A_1460, %mul3A_1480 : vector<32xbf16>
        %mul3A_1482 = arith.mulf %pack3A_1479, %pack3A_1479 : vector<32xbf16>
        %add3A_1483 = arith.addf %add3A_1462, %mul3A_1482 : vector<32xbf16>
        %get3A_1484 = arith.constant 3 : i32
        %get3A_1485 = arith.index_cast %get3A_1484 : i32 to index
        %get3A_1486 = arith.index_cast %scan3A_890 : i32 to index
        %get3A_1487 = arith.constant 432 : index
        %get3A_1488 = tpu.vector_load %arg8[%get3A_1485, %get3A_1486, %get3A_1487] {strides = array<i32>} : memref<4x16x512xi32, #tpu.memory_space<vmem>>, vector<16xi32>,
        %bitcast3A_1489 = vector.bitcast %get3A_1488 : vector<16xi32> to vector<32xbf16>
        %get3A_1490 = arith.constant 3 : i32
        %get3A_1491 = arith.index_cast %get3A_1490 : i32 to index
        %get3A_1492 = arith.index_cast %scan3A_890 : i32 to index
        %get3A_1493 = arith.constant 864 : index
        %get3A_1494 = tpu.vector_load %arg7[%get3A_1491, %get3A_1492, %get3A_1493] {strides = array<i32>} : memref<4x16x1024xf32, #tpu.memory_space<vmem>>, vector<16xf32>,
        %get3A_1495 = arith.constant 3 : i32
        %get3A_1496 = arith.index_cast %get3A_1495 : i32 to index
        %get3A_1497 = arith.index_cast %scan3A_890 : i32 to index
        %get3A_1498 = arith.constant 880 : index
        %get3A_1499 = tpu.vector_load %arg7[%get3A_1496, %get3A_1497, %get3A_1498] {strides = array<i32>} : memref<4x16x1024xf32, #tpu.memory_space<vmem>>, vector<16xf32>,
        %pack3A_1500 = tpu.pack_subelements %get3A_1494, %get3A_1499 {pack_format = #tpu.pack_format<interleaved>, positions = array<i32: 0, 1>} : vector<16xf32>, vector<16xf32> -> vector<32xbf16>
        %mul3A_1501 = arith.mulf %pack3A_1500, %bitcast3A_1489 : vector<32xbf16>
        %add3A_1502 = arith.addf %add3A_1481, %mul3A_1501 : vector<32xbf16>
        %mul3A_1503 = arith.mulf %pack3A_1500, %pack3A_1500 : vector<32xbf16>
        %add3A_1504 = arith.addf %add3A_1483, %mul3A_1503 : vector<32xbf16>
        %get3A_1505 = arith.constant 3 : i32
        %get3A_1506 = arith.index_cast %get3A_1505 : i32 to index
        %get3A_1507 = arith.index_cast %scan3A_890 : i32 to index
        %get3A_1508 = arith.constant 448 : index
        %get3A_1509 = tpu.vector_load %arg8[%get3A_1506, %get3A_1507, %get3A_1508] {strides = array<i32>} : memref<4x16x512xi32, #tpu.memory_space<vmem>>, vector<16xi32>,
        %bitcast3A_1510 = vector.bitcast %get3A_1509 : vector<16xi32> to vector<32xbf16>
        %get3A_1511 = arith.constant 3 : i32
        %get3A_1512 = arith.index_cast %get3A_1511 : i32 to index
        %get3A_1513 = arith.index_cast %scan3A_890 : i32 to index
        %get3A_1514 = arith.constant 896 : index
        %get3A_1515 = tpu.vector_load %arg7[%get3A_1512, %get3A_1513, %get3A_1514] {strides = array<i32>} : memref<4x16x1024xf32, #tpu.memory_space<vmem>>, vector<16xf32>,
        %get3A_1516 = arith.constant 3 : i32
        %get3A_1517 = arith.index_cast %get3A_1516 : i32 to index
        %get3A_1518 = arith.index_cast %scan3A_890 : i32 to index
        %get3A_1519 = arith.constant 912 : index
        %get3A_1520 = tpu.vector_load %arg7[%get3A_1517, %get3A_1518, %get3A_1519] {strides = array<i32>} : memref<4x16x1024xf32, #tpu.memory_space<vmem>>, vector<16xf32>,
        %pack3A_1521 = tpu.pack_subelements %get3A_1515, %get3A_1520 {pack_format = #tpu.pack_format<interleaved>, positions = array<i32: 0, 1>} : vector<16xf32>, vector<16xf32> -> vector<32xbf16>
        %mul3A_1522 = arith.mulf %pack3A_1521, %bitcast3A_1510 : vector<32xbf16>
        %add3A_1523 = arith.addf %add3A_1502, %mul3A_1522 : vector<32xbf16>
        %mul3A_1524 = arith.mulf %pack3A_1521, %pack3A_1521 : vector<32xbf16>
        %add3A_1525 = arith.addf %add3A_1504, %mul3A_1524 : vector<32xbf16>
        %get3A_1526 = arith.constant 3 : i32
        %get3A_1527 = arith.index_cast %get3A_1526 : i32 to index
        %get3A_1528 = arith.index_cast %scan3A_890 : i32 to index
        %get3A_1529 = arith.constant 464 : index
        %get3A_1530 = tpu.vector_load %arg8[%get3A_1527, %get3A_1528, %get3A_1529] {strides = array<i32>} : memref<4x16x512xi32, #tpu.memory_space<vmem>>, vector<16xi32>,
        %bitcast3A_1531 = vector.bitcast %get3A_1530 : vector<16xi32> to vector<32xbf16>
        %get3A_1532 = arith.constant 3 : i32
        %get3A_1533 = arith.index_cast %get3A_1532 : i32 to index
        %get3A_1534 = arith.index_cast %scan3A_890 : i32 to index
        %get3A_1535 = arith.constant 928 : index
        %get3A_1536 = tpu.vector_load %arg7[%get3A_1533, %get3A_1534, %get3A_1535] {strides = array<i32>} : memref<4x16x1024xf32, #tpu.memory_space<vmem>>, vector<16xf32>,
        %get3A_1537 = arith.constant 3 : i32
        %get3A_1538 = arith.index_cast %get3A_1537 : i32 to index
        %get3A_1539 = arith.index_cast %scan3A_890 : i32 to index
        %get3A_1540 = arith.constant 944 : index
        %get3A_1541 = tpu.vector_load %arg7[%get3A_1538, %get3A_1539, %get3A_1540] {strides = array<i32>} : memref<4x16x1024xf32, #tpu.memory_space<vmem>>, vector<16xf32>,
        %pack3A_1542 = tpu.pack_subelements %get3A_1536, %get3A_1541 {pack_format = #tpu.pack_format<interleaved>, positions = array<i32: 0, 1>} : vector<16xf32>, vector<16xf32> -> vector<32xbf16>
        %mul3A_1543 = arith.mulf %pack3A_1542, %bitcast3A_1531 : vector<32xbf16>
        %add3A_1544 = arith.addf %add3A_1523, %mul3A_1543 : vector<32xbf16>
        %mul3A_1545 = arith.mulf %pack3A_1542, %pack3A_1542 : vector<32xbf16>
        %add3A_1546 = arith.addf %add3A_1525, %mul3A_1545 : vector<32xbf16>
        %get3A_1547 = arith.constant 3 : i32
        %get3A_1548 = arith.index_cast %get3A_1547 : i32 to index
        %get3A_1549 = arith.index_cast %scan3A_890 : i32 to index
        %get3A_1550 = arith.constant 480 : index
        %get3A_1551 = tpu.vector_load %arg8[%get3A_1548, %get3A_1549, %get3A_1550] {strides = array<i32>} : memref<4x16x512xi32, #tpu.memory_space<vmem>>, vector<16xi32>,
        %bitcast3A_1552 = vector.bitcast %get3A_1551 : vector<16xi32> to vector<32xbf16>
        %get3A_1553 = arith.constant 3 : i32
        %get3A_1554 = arith.index_cast %get3A_1553 : i32 to index
        %get3A_1555 = arith.index_cast %scan3A_890 : i32 to index
        %get3A_1556 = arith.constant 960 : index
        %get3A_1557 = tpu.vector_load %arg7[%get3A_1554, %get3A_1555, %get3A_1556] {strides = array<i32>} : memref<4x16x1024xf32, #tpu.memory_space<vmem>>, vector<16xf32>,
        %get3A_1558 = arith.constant 3 : i32
        %get3A_1559 = arith.index_cast %get3A_1558 : i32 to index
        %get3A_1560 = arith.index_cast %scan3A_890 : i32 to index
        %get3A_1561 = arith.constant 976 : index
        %get3A_1562 = tpu.vector_load %arg7[%get3A_1559, %get3A_1560, %get3A_1561] {strides = array<i32>} : memref<4x16x1024xf32, #tpu.memory_space<vmem>>, vector<16xf32>,
        %pack3A_1563 = tpu.pack_subelements %get3A_1557, %get3A_1562 {pack_format = #tpu.pack_format<interleaved>, positions = array<i32: 0, 1>} : vector<16xf32>, vector<16xf32> -> vector<32xbf16>
        %mul3A_1564 = arith.mulf %pack3A_1563, %bitcast3A_1552 : vector<32xbf16>
        %add3A_1565 = arith.addf %add3A_1544, %mul3A_1564 : vector<32xbf16>
        %mul3A_1566 = arith.mulf %pack3A_1563, %pack3A_1563 : vector<32xbf16>
        %add3A_1567 = arith.addf %add3A_1546, %mul3A_1566 : vector<32xbf16>
        %get3A_1568 = arith.constant 3 : i32
        %get3A_1569 = arith.index_cast %get3A_1568 : i32 to index
        %get3A_1570 = arith.index_cast %scan3A_890 : i32 to index
        %get3A_1571 = arith.constant 496 : index
        %get3A_1572 = tpu.vector_load %arg8[%get3A_1569, %get3A_1570, %get3A_1571] {strides = array<i32>} : memref<4x16x512xi32, #tpu.memory_space<vmem>>, vector<16xi32>,
        %bitcast3A_1573 = vector.bitcast %get3A_1572 : vector<16xi32> to vector<32xbf16>
        %get3A_1574 = arith.constant 3 : i32
        %get3A_1575 = arith.index_cast %get3A_1574 : i32 to index
        %get3A_1576 = arith.index_cast %scan3A_890 : i32 to index
        %get3A_1577 = arith.constant 992 : index
        %get3A_1578 = tpu.vector_load %arg7[%get3A_1575, %get3A_1576, %get3A_1577] {strides = array<i32>} : memref<4x16x1024xf32, #tpu.memory_space<vmem>>, vector<16xf32>,
        %get3A_1579 = arith.constant 3 : i32
        %get3A_1580 = arith.index_cast %get3A_1579 : i32 to index
        %get3A_1581 = arith.index_cast %scan3A_890 : i32 to index
        %get3A_1582 = arith.constant 1008 : index
        %get3A_1583 = tpu.vector_load %arg7[%get3A_1580, %get3A_1581, %get3A_1582] {strides = array<i32>} : memref<4x16x1024xf32, #tpu.memory_space<vmem>>, vector<16xf32>,
        %pack3A_1584 = tpu.pack_subelements %get3A_1578, %get3A_1583 {pack_format = #tpu.pack_format<interleaved>, positions = array<i32: 0, 1>} : vector<16xf32>, vector<16xf32> -> vector<32xbf16>
        %mul3A_1585 = arith.mulf %pack3A_1584, %bitcast3A_1573 : vector<32xbf16>
        %add3A_1586 = arith.addf %add3A_1565, %mul3A_1585 : vector<32xbf16>
        %mul3A_1587 = arith.mulf %pack3A_1584, %pack3A_1584 : vector<32xbf16>
        %add3A_1588 = arith.addf %add3A_1567, %mul3A_1587 : vector<32xbf16>
        %unpack3A_1589 = tpu.unpack_subelements %add3A_1586, 0 {pack_format = #tpu.pack_format<interleaved>} : vector<32xbf16> -> vector<16xf32>
        %unpack3A_1590 = tpu.unpack_subelements %add3A_1586, 1 {pack_format = #tpu.pack_format<interleaved>} : vector<32xbf16> -> vector<16xf32>
        %unpack3A_1591 = tpu.unpack_subelements %add3A_1588, 0 {pack_format = #tpu.pack_format<interleaved>} : vector<32xbf16> -> vector<16xf32>
        %unpack3A_1592 = tpu.unpack_subelements %add3A_1588, 1 {pack_format = #tpu.pack_format<interleaved>} : vector<32xbf16> -> vector<16xf32>
        %add3A_1593 = arith.addf %add3A_1417, %unpack3A_1589 : vector<16xf32>
        %add3A_1594 = arith.addf %add3A_1418, %unpack3A_1590 : vector<16xf32>
        %add3A_1595 = arith.addf %add3A_1419, %unpack3A_1591 : vector<16xf32>
        %add3A_1596 = arith.addf %add3A_1420, %unpack3A_1592 : vector<16xf32>
        %add3A_1597 = arith.addf %add3A_1593, %add3A_1594 : vector<16xf32>
        %mul3A_1598 = arith.constant 16 : i32
        %mul3A_1599 = arith.muli %scan3A_890, %mul3A_1598 : i32
        %swap3A_1600 = arith.index_cast %mul3A_1599 : i32 to index
        %swap3A_1601 = tpu.vector_load %arg9[%swap3A_1600] {strides = array<i32>} : memref<256xf32, #tpu.memory_space<vmem>>, vector<16xf32>,
        tpu.vector_store %arg9[%swap3A_1600], %add3A_1597 {strides = array<i32>} : memref<256xf32, #tpu.memory_space<vmem>>, vector<16xf32>,
        %add3A_1602 = arith.addf %add3A_1595, %add3A_1596 : vector<16xf32>
        %mul3A_1603 = arith.constant 16 : i32
        %mul3A_1604 = arith.muli %scan3A_890, %mul3A_1603 : i32
        %swap3A_1605 = arith.index_cast %mul3A_1604 : i32 to index
        %swap3A_1606 = tpu.vector_load %arg10[%swap3A_1605] {strides = array<i32>} : memref<256xf32, #tpu.memory_space<vmem>>, vector<16xf32>,
        tpu.vector_store %arg10[%swap3A_1605], %add3A_1602 {strides = array<i32>} : memref<256xf32, #tpu.memory_space<vmem>>, vector<16xf32>,
        %scan3A_1607 = arith.constant 0 : i32
        scf.yield %scan3A_1607 : i32
      }
      %scan3A_734 = arith.constant 16 : i32
      %iota3A_735 = tpu.iota {dimensions = array<i32: 0>} : vector<16xi32>
      %mul3A_736 = arith.constant 16 : i32
      %mul3A_737 = vector.broadcast %mul3A_736 : i32 to vector<16xi32>
      %mul3A_738 = arith.muli %iota3A_735, %mul3A_737 : vector<16xi32>
      %broadcast_in_dim3A_739 = arith.constant 0.000000e+00 : f32
      %broadcast_in_dim3A_740 = vector.broadcast %broadcast_in_dim3A_739 : f32 to vector<16xf32>
      %broadcast_in_dim3A_741 = arith.constant 0.000000e+00 : f32
      %broadcast_in_dim3A_742 = vector.broadcast %broadcast_in_dim3A_741 : f32 to vector<16xf32>
      %add3A_743 = arith.constant 0 : i32
      %add3A_744 = vector.broadcast %add3A_743 : i32 to vector<16xi32>
      %add3A_745 = arith.addi %mul3A_738, %add3A_744 : vector<16xi32>
      %gather3A_746 = tpu.vector_load_idx %arg9[%add3A_745] : memref<256xf32, #tpu.memory_space<vmem>>[vector<16xi32>], vector<16xf32>,
      %add3A_747 = arith.addf %broadcast_in_dim3A_740, %gather3A_746 : vector<16xf32>
      %gather3A_748 = tpu.vector_load_idx %arg10[%add3A_745] : memref<256xf32, #tpu.memory_space<vmem>>[vector<16xi32>], vector<16xf32>,
      %add3A_749 = arith.addf %broadcast_in_dim3A_742, %gather3A_748 : vector<16xf32>
      %add3A_750 = arith.constant 1 : i32
      %add3A_751 = vector.broadcast %add3A_750 : i32 to vector<16xi32>
      %add3A_752 = arith.addi %mul3A_738, %add3A_751 : vector<16xi32>
      %gather3A_753 = tpu.vector_load_idx %arg9[%add3A_752] : memref<256xf32, #tpu.memory_space<vmem>>[vector<16xi32>], vector<16xf32>,
      %add3A_754 = arith.addf %add3A_747, %gather3A_753 : vector<16xf32>
      %gather3A_755 = tpu.vector_load_idx %arg10[%add3A_752] : memref<256xf32, #tpu.memory_space<vmem>>[vector<16xi32>], vector<16xf32>,
      %add3A_756 = arith.addf %add3A_749, %gather3A_755 : vector<16xf32>
      %add3A_757 = arith.constant 2 : i32
      %add3A_758 = vector.broadcast %add3A_757 : i32 to vector<16xi32>
      %add3A_759 = arith.addi %mul3A_738, %add3A_758 : vector<16xi32>
      %gather3A_760 = tpu.vector_load_idx %arg9[%add3A_759] : memref<256xf32, #tpu.memory_space<vmem>>[vector<16xi32>], vector<16xf32>,
      %add3A_761 = arith.addf %add3A_754, %gather3A_760 : vector<16xf32>
      %gather3A_762 = tpu.vector_load_idx %arg10[%add3A_759] : memref<256xf32, #tpu.memory_space<vmem>>[vector<16xi32>], vector<16xf32>,
      %add3A_763 = arith.addf %add3A_756, %gather3A_762 : vector<16xf32>
      %add3A_764 = arith.constant 3 : i32
      %add3A_765 = vector.broadcast %add3A_764 : i32 to vector<16xi32>
      %add3A_766 = arith.addi %mul3A_738, %add3A_765 : vector<16xi32>
      %gather3A_767 = tpu.vector_load_idx %arg9[%add3A_766] : memref<256xf32, #tpu.memory_space<vmem>>[vector<16xi32>], vector<16xf32>,
      %add3A_768 = arith.addf %add3A_761, %gather3A_767 : vector<16xf32>
      %gather3A_769 = tpu.vector_load_idx %arg10[%add3A_766] : memref<256xf32, #tpu.memory_space<vmem>>[vector<16xi32>], vector<16xf32>,
      %add3A_770 = arith.addf %add3A_763, %gather3A_769 : vector<16xf32>
      %add3A_771 = arith.constant 4 : i32
      %add3A_772 = vector.broadcast %add3A_771 : i32 to vector<16xi32>
      %add3A_773 = arith.addi %mul3A_738, %add3A_772 : vector<16xi32>
      %gather3A_774 = tpu.vector_load_idx %arg9[%add3A_773] : memref<256xf32, #tpu.memory_space<vmem>>[vector<16xi32>], vector<16xf32>,
      %add3A_775 = arith.addf %add3A_768, %gather3A_774 : vector<16xf32>
      %gather3A_776 = tpu.vector_load_idx %arg10[%add3A_773] : memref<256xf32, #tpu.memory_space<vmem>>[vector<16xi32>], vector<16xf32>,
      %add3A_777 = arith.addf %add3A_770, %gather3A_776 : vector<16xf32>
      %add3A_778 = arith.constant 5 : i32
      %add3A_779 = vector.broadcast %add3A_778 : i32 to vector<16xi32>
      %add3A_780 = arith.addi %mul3A_738, %add3A_779 : vector<16xi32>
      %gather3A_781 = tpu.vector_load_idx %arg9[%add3A_780] : memref<256xf32, #tpu.memory_space<vmem>>[vector<16xi32>], vector<16xf32>,
      %add3A_782 = arith.addf %add3A_775, %gather3A_781 : vector<16xf32>
      %gather3A_783 = tpu.vector_load_idx %arg10[%add3A_780] : memref<256xf32, #tpu.memory_space<vmem>>[vector<16xi32>], vector<16xf32>,
      %add3A_784 = arith.addf %add3A_777, %gather3A_783 : vector<16xf32>
      %add3A_785 = arith.constant 6 : i32
      %add3A_786 = vector.broadcast %add3A_785 : i32 to vector<16xi32>
      %add3A_787 = arith.addi %mul3A_738, %add3A_786 : vector<16xi32>
      %gather3A_788 = tpu.vector_load_idx %arg9[%add3A_787] : memref<256xf32, #tpu.memory_space<vmem>>[vector<16xi32>], vector<16xf32>,
      %add3A_789 = arith.addf %add3A_782, %gather3A_788 : vector<16xf32>
      %gather3A_790 = tpu.vector_load_idx %arg10[%add3A_787] : memref<256xf32, #tpu.memory_space<vmem>>[vector<16xi32>], vector<16xf32>,
      %add3A_791 = arith.addf %add3A_784, %gather3A_790 : vector<16xf32>
      %add3A_792 = arith.constant 7 : i32
      %add3A_793 = vector.broadcast %add3A_792 : i32 to vector<16xi32>
      %add3A_794 = arith.addi %mul3A_738, %add3A_793 : vector<16xi32>
      %gather3A_795 = tpu.vector_load_idx %arg9[%add3A_794] : memref<256xf32, #tpu.memory_space<vmem>>[vector<16xi32>], vector<16xf32>,
      %add3A_796 = arith.addf %add3A_789, %gather3A_795 : vector<16xf32>
      %gather3A_797 = tpu.vector_load_idx %arg10[%add3A_794] : memref<256xf32, #tpu.memory_space<vmem>>[vector<16xi32>], vector<16xf32>,
      %add3A_798 = arith.addf %add3A_791, %gather3A_797 : vector<16xf32>
      %add3A_799 = arith.constant 8 : i32
      %add3A_800 = vector.broadcast %add3A_799 : i32 to vector<16xi32>
      %add3A_801 = arith.addi %mul3A_738, %add3A_800 : vector<16xi32>
      %gather3A_802 = tpu.vector_load_idx %arg9[%add3A_801] : memref<256xf32, #tpu.memory_space<vmem>>[vector<16xi32>], vector<16xf32>,
      %add3A_803 = arith.addf %add3A_796, %gather3A_802 : vector<16xf32>
      %gather3A_804 = tpu.vector_load_idx %arg10[%add3A_801] : memref<256xf32, #tpu.memory_space<vmem>>[vector<16xi32>], vector<16xf32>,
      %add3A_805 = arith.addf %add3A_798, %gather3A_804 : vector<16xf32>
      %add3A_806 = arith.constant 9 : i32
      %add3A_807 = vector.broadcast %add3A_806 : i32 to vector<16xi32>
      %add3A_808 = arith.addi %mul3A_738, %add3A_807 : vector<16xi32>
      %gather3A_809 = tpu.vector_load_idx %arg9[%add3A_808] : memref<256xf32, #tpu.memory_space<vmem>>[vector<16xi32>], vector<16xf32>,
      %add3A_810 = arith.addf %add3A_803, %gather3A_809 : vector<16xf32>
      %gather3A_811 = tpu.vector_load_idx %arg10[%add3A_808] : memref<256xf32, #tpu.memory_space<vmem>>[vector<16xi32>], vector<16xf32>,
      %add3A_812 = arith.addf %add3A_805, %gather3A_811 : vector<16xf32>
      %add3A_813 = arith.constant 10 : i32
      %add3A_814 = vector.broadcast %add3A_813 : i32 to vector<16xi32>
      %add3A_815 = arith.addi %mul3A_738, %add3A_814 : vector<16xi32>
      %gather3A_816 = tpu.vector_load_idx %arg9[%add3A_815] : memref<256xf32, #tpu.memory_space<vmem>>[vector<16xi32>], vector<16xf32>,
      %add3A_817 = arith.addf %add3A_810, %gather3A_816 : vector<16xf32>
      %gather3A_818 = tpu.vector_load_idx %arg10[%add3A_815] : memref<256xf32, #tpu.memory_space<vmem>>[vector<16xi32>], vector<16xf32>,
      %add3A_819 = arith.addf %add3A_812, %gather3A_818 : vector<16xf32>
      %add3A_820 = arith.constant 11 : i32
      %add3A_821 = vector.broadcast %add3A_820 : i32 to vector<16xi32>
      %add3A_822 = arith.addi %mul3A_738, %add3A_821 : vector<16xi32>
      %gather3A_823 = tpu.vector_load_idx %arg9[%add3A_822] : memref<256xf32, #tpu.memory_space<vmem>>[vector<16xi32>], vector<16xf32>,
      %add3A_824 = arith.addf %add3A_817, %gather3A_823 : vector<16xf32>
      %gather3A_825 = tpu.vector_load_idx %arg10[%add3A_822] : memref<256xf32, #tpu.memory_space<vmem>>[vector<16xi32>], vector<16xf32>,
      %add3A_826 = arith.addf %add3A_819, %gather3A_825 : vector<16xf32>
      %add3A_827 = arith.constant 12 : i32
      %add3A_828 = vector.broadcast %add3A_827 : i32 to vector<16xi32>
      %add3A_829 = arith.addi %mul3A_738, %add3A_828 : vector<16xi32>
      %gather3A_830 = tpu.vector_load_idx %arg9[%add3A_829] : memref<256xf32, #tpu.memory_space<vmem>>[vector<16xi32>], vector<16xf32>,
      %add3A_831 = arith.addf %add3A_824, %gather3A_830 : vector<16xf32>
      %gather3A_832 = tpu.vector_load_idx %arg10[%add3A_829] : memref<256xf32, #tpu.memory_space<vmem>>[vector<16xi32>], vector<16xf32>,
      %add3A_833 = arith.addf %add3A_826, %gather3A_832 : vector<16xf32>
      %add3A_834 = arith.constant 13 : i32
      %add3A_835 = vector.broadcast %add3A_834 : i32 to vector<16xi32>
      %add3A_836 = arith.addi %mul3A_738, %add3A_835 : vector<16xi32>
      %gather3A_837 = tpu.vector_load_idx %arg9[%add3A_836] : memref<256xf32, #tpu.memory_space<vmem>>[vector<16xi32>], vector<16xf32>,
      %add3A_838 = arith.addf %add3A_831, %gather3A_837 : vector<16xf32>
      %gather3A_839 = tpu.vector_load_idx %arg10[%add3A_836] : memref<256xf32, #tpu.memory_space<vmem>>[vector<16xi32>], vector<16xf32>,
      %add3A_840 = arith.addf %add3A_833, %gather3A_839 : vector<16xf32>
      %add3A_841 = arith.constant 14 : i32
      %add3A_842 = vector.broadcast %add3A_841 : i32 to vector<16xi32>
      %add3A_843 = arith.addi %mul3A_738, %add3A_842 : vector<16xi32>
      %gather3A_844 = tpu.vector_load_idx %arg9[%add3A_843] : memref<256xf32, #tpu.memory_space<vmem>>[vector<16xi32>], vector<16xf32>,
      %add3A_845 = arith.addf %add3A_838, %gather3A_844 : vector<16xf32>
      %gather3A_846 = tpu.vector_load_idx %arg10[%add3A_843] : memref<256xf32, #tpu.memory_space<vmem>>[vector<16xi32>], vector<16xf32>,
      %add3A_847 = arith.addf %add3A_840, %gather3A_846 : vector<16xf32>
      %add3A_848 = arith.constant 15 : i32
      %add3A_849 = vector.broadcast %add3A_848 : i32 to vector<16xi32>
      %add3A_850 = arith.addi %mul3A_738, %add3A_849 : vector<16xi32>
      %gather3A_851 = tpu.vector_load_idx %arg9[%add3A_850] : memref<256xf32, #tpu.memory_space<vmem>>[vector<16xi32>], vector<16xf32>,
      %add3A_852 = arith.addf %add3A_845, %gather3A_851 : vector<16xf32>
      %gather3A_853 = tpu.vector_load_idx %arg10[%add3A_850] : memref<256xf32, #tpu.memory_space<vmem>>[vector<16xi32>], vector<16xf32>,
      %add3A_854 = arith.addf %add3A_847, %gather3A_853 : vector<16xf32>
      %get3A_855 = arith.constant 0 : index
      %get3A_856 = tpu.vector_load %arg11[%get3A_855] {strides = array<i32>} : memref<16xf32, #tpu.memory_space<vmem>>, vector<16xf32>,
      %bitcast_convert_type3A_857 = tpu.bitcast %add3A_854 : vector<16xf32> -> vector<16xi32>
      %shift_right_logical3A_858 = arith.constant 1 : i32
      %shift_right_logical3A_859 = vector.broadcast %shift_right_logical3A_858 : i32 to vector<16xi32>
      %shift_right_logical3A_860 = arith.shrui %bitcast_convert_type3A_857, %shift_right_logical3A_859 : vector<16xi32>
      %sub3A_861 = arith.constant 1597463007 : i32
      %sub3A_862 = vector.broadcast %sub3A_861 : i32 to vector<16xi32>
      %sub3A_863 = arith.subi %sub3A_862, %shift_right_logical3A_860 : vector<16xi32>
      %bitcast_convert_type3A_864 = tpu.bitcast %sub3A_863 : vector<16xi32> -> vector<16xf32>
      %mul3A_865 = arith.constant 5.000000e-01 : f32
      %mul3A_866 = vector.broadcast %mul3A_865 : f32 to vector<16xf32>
      %mul3A_867 = arith.mulf %add3A_854, %mul3A_866 : vector<16xf32>
      %mul3A_868 = arith.mulf %mul3A_867, %bitcast_convert_type3A_864 : vector<16xf32>
      %mul3A_869 = arith.mulf %mul3A_868, %bitcast_convert_type3A_864 : vector<16xf32>
      %sub3A_870 = arith.constant 1.500000e+00 : f32
      %sub3A_871 = vector.broadcast %sub3A_870 : f32 to vector<16xf32>
      %sub3A_872 = arith.subf %sub3A_871, %mul3A_869 : vector<16xf32>
      %mul3A_873 = arith.mulf %bitcast_convert_type3A_864, %sub3A_872 : vector<16xf32>
      %mul3A_874 = arith.mulf %mul3A_867, %mul3A_873 : vector<16xf32>
      %mul3A_875 = arith.mulf %mul3A_874, %mul3A_873 : vector<16xf32>
      %sub3A_876 = arith.constant 1.500000e+00 : f32
      %sub3A_877 = vector.broadcast %sub3A_876 : f32 to vector<16xf32>
      %sub3A_878 = arith.subf %sub3A_877, %mul3A_875 : vector<16xf32>
      %mul3A_879 = arith.mulf %mul3A_873, %sub3A_878 : vector<16xf32>
      %mul3A_880 = arith.mulf %mul3A_867, %mul3A_879 : vector<16xf32>
      %mul3A_881 = arith.mulf %mul3A_880, %mul3A_879 : vector<16xf32>
      %sub3A_882 = arith.constant 1.500000e+00 : f32
      %sub3A_883 = vector.broadcast %sub3A_882 : f32 to vector<16xf32>
      %sub3A_884 = arith.subf %sub3A_883, %mul3A_881 : vector<16xf32>
      %mul3A_885 = arith.mulf %mul3A_879, %sub3A_884 : vector<16xf32>
      %mul3A_886 = arith.mulf %add3A_852, %mul3A_885 : vector<16xf32>
      %add3A_887 = arith.addf %get3A_856, %mul3A_886 : vector<16xf32>
      %swap3A_888 = arith.constant 0 : index
      %swap3A_889 = tpu.vector_load %arg11[%swap3A_888] {strides = array<i32>} : memref<16xf32, #tpu.memory_space<vmem>>, vector<16xf32>,
      tpu.vector_store %arg11[%swap3A_888], %add3A_887 {strides = array<i32>} : memref<16xf32, #tpu.memory_space<vmem>>, vector<16xf32>,
    }
    %scan3A_81 = arith.constant 5 : i32
    "tpu.region"() ({
      %run_scoped3A = tpu.sem_alloc : memref<!tpu.dma_semaphore, #tpu.memory_space<semaphore_mem>>
      %dma_start3A_82 = arith.constant 0 : i32
      %dma_start3A_83 = tpu.memref_slice %arg5[%add3A, %dma_start3A_82] : memref<32x16xf32, #tpu.memory_space<hbm>> -> memref<1x16xf32, #tpu.memory_space<hbm>>
      %dma_start3A_84 = tpu.memref_squeeze %dma_start3A_83 : memref<1x16xf32, #tpu.memory_space<hbm>> -> memref<16xf32, #tpu.memory_space<hbm>>
      %dma_start3A_85 = arith.constant 0 : i32
      %dma_start3A_86 = tpu.memref_slice %arg5[%add3A, %dma_start3A_85] : memref<32x16xf32, #tpu.memory_space<hbm>> -> memref<1x16xf32, #tpu.memory_space<hbm>>
      %dma_start3A_87 = tpu.memref_squeeze %dma_start3A_86 : memref<1x16xf32, #tpu.memory_space<hbm>> -> memref<16xf32, #tpu.memory_space<hbm>>
      tpu.enqueue_dma source(%arg11 : memref<16xf32, #tpu.memory_space<vmem>>) target(%dma_start3A_87 : memref<16xf32, #tpu.memory_space<hbm>>) target_semaphore(%run_scoped3A : memref<!tpu.dma_semaphore, #tpu.memory_space<semaphore_mem>>)
      %dma_wait3A = arith.constant 0 : i32
      %dma_wait3A_88 = tpu.memref_slice %arg5[%add3A, %dma_wait3A] : memref<32x16xf32, #tpu.memory_space<hbm>> -> memref<1x16xf32, #tpu.memory_space<hbm>>
      %dma_wait3A_89 = tpu.memref_squeeze %dma_wait3A_88 : memref<1x16xf32, #tpu.memory_space<hbm>> -> memref<16xf32, #tpu.memory_space<hbm>>
      %dma_wait3A_90 = arith.constant 0 : i32
      %dma_wait3A_91 = tpu.memref_slice %arg5[%add3A, %dma_wait3A_90] : memref<32x16xf32, #tpu.memory_space<hbm>> -> memref<1x16xf32, #tpu.memory_space<hbm>>
      %dma_wait3A_92 = tpu.memref_squeeze %dma_wait3A_91 : memref<1x16xf32, #tpu.memory_space<hbm>> -> memref<16xf32, #tpu.memory_space<hbm>>
      tpu.wait_dma2 semaphore(%run_scoped3A : memref<!tpu.dma_semaphore, #tpu.memory_space<semaphore_mem>>) src(%arg11 : memref<16xf32, #tpu.memory_space<vmem>>) dst(%dma_wait3A_92 : memref<16xf32, #tpu.memory_space<hbm>>)
      tpu.yield
    }) : () -> ()
    return
  }
}

</mosaic_0001>

<sc_bundles>
// kernel: _oar_partials.3.cloned.1.call-start
scs
__scs_entry_jumppad:
0x0: {  	(pc) =	sbr.rel $0x88, $3  }
0x1: {  	(tag) =	ssettag $0x0;
	lr =	simm.s32 $0x1  }
0x2: {  	[smem:$0x3F9E] =	sst lr;
	_ =	strace $0xD0000000  }
0x3: {  	_ = 	snop  }
0x4: {  	_ = 	snop  }
0x5: {  	_ = 	snop  }
0x6: {  	_ = 	snop  }
0x7: {  	_ = 	snop  }
__scs_overlays_trampoline_lowered:
0x8: {  	[smem:$0x3FAD] =	sst s0  }
0x9: {  	[smem:$0x3FAE] =	sst s1  }
0xa: {  	[smem:$0x3FAF] =	sst s2  }
0xb: {  	[smem:$0x3FB0] =	sst s3  }
0xc: {  	[smem:$0x3FB1] =	sst s4  }
0xd: {  	[smem:$0x3FB2] =	sst s5  }
0xe: {  	[smem:$0x3FB3] =	sst s6  }
0xf: {  	[smem:$0x3FB4] =	sst s7  }
0x10: {  	[smem:$0x3FB5] =	sst s8  }
0x11: {  	[smem:$0x3FB6] =	sst s9;
	s0 =	simm.s32 @!p0 $0x0  }
0x12: {  	s1 =	sld [smem:$0x3F9C];
	s0 =	simm.s32 @p0 $0x1  }
0x13: {  	[smem:$0x3FB7] =	sst s0;
	s0 =	simm.s32 @!p1 $0x0  }
0x14: {  	s2 =	sld [smem:$0x3F9B];
	s0 =	simm.s32 @p1 $0x1  }
0x15: {  	[smem:$0x3FB8] =	sst s0;
	s0 =	simm.s32 @!p2 $0x0  }
0x16: {  	s3 =	sld [smem:$0x3FDB];
	s0 =	simm.s32 @p2 $0x1  }
0x17: {  	s4 =	simm.s32 $0x1BF5;
	[smem:$0x3FBA] =	sst s0  }
0x18: {  	s0 =	sld [smem:$0x3F9D];
	_ =	swait.ge [sflag:s4], $0x0  }
0x19: {  	s7 =	sld [smem:$0x3F9E]  }
0x1a: {  	s8 =	sadd.s32 $0xFFFFE003, lr  }
0x1b: {  	s9 =	sadd.s32 $0xFFFFFEF7, lr;
	s5 =	simm.s32 $0xFFFFFFFF;
	p2 =	slt.u32 s8, $0xFFFFF086  }
0x1c: {  	p1 =	slt.u32 s9, $0xF7A;
	s5 =	simm.s32 @!p2 $0x0  }
0x1d: {  	s5 =	simm.s32 @p1 $0x1;
	p0 =	seq.s32 s7, s2  }
0x1e: {  	s7 =	smul.u32 @!p0 $0xF7A, s2;
	p2 =	seq.s32 @!p0 s5, $0x0  }
0x1f: {  	s9 =	smul.u32 $0xF7A, s1;
	s8 =	simm.s32 @!p0 $0x1BF5;
	p2 =	por !p2, p0  }
0x20: {  	[sflag:s8] =	ssyncset.s32 @!p0 $0xFFFFF086;
	s6 =	sadd.s32 @!p0 s3, s7;
	s7 =	simm.s32 @!p0 $0x108  }
0x21: {  	s3 =	sadd.s32 s3, s9;
	s6 =	sadd.s32 @!p0 $0x88, s6;
	s7 =	simm.s32 @p2 $0x1082  }
0x22: {  	[simem:s7], [sflag:s8] =	dma.local @!p0 [hbm:s6], $0xF7A  }
0x23: {  	s9 =	sor.u32 $0xD0000000, s2;
	s6 =	simm.s32 $0x108;
	_ =	swait.ge @!p0 [sflag:s8], $0x0  }
0x24: {  	s3 =	sadd.s32 $0x88, s3;
	s6 =	simm.s32 @!p1 $0x1082;
	[sflag:s4] =	ssyncset.s32 $0xFFFFF086  }
0x25: {  	[simem:s6], [sflag:s4] =	dma.local [hbm:s3], $0xF7A  }
0x26: {  	[smem:$0x3F9E] =	sst s1;
	(tag) =	ssettag s2;
	_ =	strace s9  }
0x27: {  	s1 =	sld [smem:$0x3FAE]  }
0x28: {  	s2 =	sld [smem:$0x3FAF]  }
0x29: {  	s4 =	sld [smem:$0x3FB1]  }
0x2a: {  	p0 =	seq.s32 s5, $0x0;
	s5 =	sld [smem:$0x3FB2]  }
0x2b: {  	s6 =	sld [smem:$0x3FB3]  }
0x2c: {  	s7 =	sld [smem:$0x3FB4]  }
0x2d: {  	s3 =	simm.s32 $0x108;
	s8 =	sld [smem:$0x3FB5]  }
0x2e: {  	s3 =	simm.s32 @!p0 $0x1082;
	s9 =	sld [smem:$0x3FB6]  }
0x2f: {  	lr =	sadd.s32 s0, s3;
	s0 =	sld [smem:$0x3FAD]  }
0x30: {  	s3 =	sld [smem:$0x3FB0]  }
0x31: {  	[smem:$0x3FB9] =	sst s10  }
0x32: {  	s10 =	sld [smem:$0x3FB7];
	_ =	sdelay $0x3  }
0x33: {  	p0 =	seq.s32 s10, $0x1;
	s10 =	sld [smem:$0x3FB9];
	_ =	sdelay $0x3  }
0x34: {  	[smem:$0x3FB9] =	sst s10  }
0x35: {  	s10 =	sld [smem:$0x3FB8];
	_ =	sdelay $0x3  }
0x36: {  	p1 =	seq.s32 s10, $0x1;
	s10 =	sld [smem:$0x3FB9];
	_ =	sdelay $0x3  }
0x37: {  	[smem:$0x3FB9] =	sst s10  }
0x38: {  	s10 =	sld [smem:$0x3FBA]  }
0x39: {  	_ = 	snop;
	(pc) =	sbr.ind lr, $3  }
0x3a: {  	_ = 	snop  }
0x3b: {  	_ = 	snop  }
0x3c: {  	p2 =	seq.s32 s10, $0x1;
	s10 =	sld [smem:$0x3FB9]  }
0x3d: {  	_ =	shalt  }
0x3e: {  	_ =	shalt  }
0x3f: {  	_ =	shalt  }
0x40: {  	_ =	shalt  }
0x41: {  	_ =	shalt  }
0x42: {  	_ =	shalt  }
0x43: {  	_ =	shalt  }
0x44: {  	_ =	shalt  }
0x45: {  	_ =	shalt  }
0x46: {  	_ =	shalt  }
0x47: {  	_ =	shalt  }
0x48: {  	_ =	shalt  }
0x49: {  	_ =	shalt  }
0x4a: {  	_ =	shalt  }
0x4b: {  	_ =	shalt  }
0x4c: {  	_ =	shalt  }
0x4d: {  	_ =	shalt  }
0x4e: {  	_ =	shalt  }
0x4f: {  	_ =	shalt  }
0x50: {  	_ =	shalt  }
0x51: {  	_ =	shalt  }
0x52: {  	_ =	shalt  }
0x53: {  	_ =	shalt  }
0x54: {  	_ =	shalt  }
0x55: {  	_ =	shalt  }
0x56: {  	_ =	shalt  }
0x57: {  	_ =	shalt  }
0x58: {  	_ =	shalt  }
0x59: {  	_ =	shalt  }
0x5a: {  	_ =	shalt  }
0x5b: {  	_ =	shalt  }
0x5c: {  	_ =	shalt  }
0x5d: {  	_ =	shalt  }
0x5e: {  	_ =	shalt  }
0x5f: {  	_ =	shalt  }
0x60: {  	_ =	shalt  }
0x61: {  	_ =	shalt  }
0x62: {  	_ =	shalt  }
0x63: {  	_ =	shalt  }
0x64: {  	_ =	shalt  }
0x65: {  	_ =	shalt  }
0x66: {  	_ =	shalt  }
0x67: {  	_ =	shalt  }
0x68: {  	_ =	shalt  }
0x69: {  	_ =	shalt  }
0x6a: {  	_ =	shalt  }
0x6b: {  	_ =	shalt  }
0x6c: {  	_ =	shalt  }
0x6d: {  	_ =	shalt  }
0x6e: {  	_ =	shalt  }
0x6f: {  	_ =	shalt  }
0x70: {  	_ =	shalt  }
0x71: {  	_ =	shalt  }
0x72: {  	_ =	shalt  }
0x73: {  	_ =	shalt  }
0x74: {  	_ =	shalt  }
0x75: {  	_ =	shalt  }
0x76: {  	_ =	shalt  }
0x77: {  	_ =	shalt  }
0x78: {  	_ =	shalt  }
0x79: {  	_ =	shalt  }
0x7a: {  	_ =	shalt  }
0x7b: {  	_ =	shalt  }
0x7c: {  	_ =	shalt  }
0x7d: {  	_ =	shalt  }
0x7e: {  	_ =	shalt  }
0x7f: {  	_ =	shalt  }
0x80: {  	_ =	shalt  }
0x81: {  	_ =	shalt  }
0x82: {  	_ =	shalt  }
0x83: {  	_ =	shalt  }
0x84: {  	_ =	shalt  }
0x85: {  	_ =	shalt  }
0x86: {  	_ =	shalt  }
0x87: {  	_ =	shalt  }
.Lfunc_end0:
.L_simem_size_0:
called_computation_lowered:
.L_overlay_start_0:
0x88: {  	s2 =	sld [smem:$0x3FD9]  }
0x89: {  	s3 =	sld [smem:$0x3FFE];
	_ =	sdelay $0x1  }
0x8a: {  	s1 =	srdreg.scid  }
0x8b: {  	s0 =	sand.u32 $0x1, s1  }
0x8c: {  	s17 =	sshll.u32 s0, $0xA;
	s2 =	sadd.s32 s3, s2  }
0x8d: {  	s2 =	sadd.s32 s2, s17  }
0x8e: {  	[smem:$0x3FC5] =	sst s2  }
0x8f: {  	_ = 	snop  }
0x90: {  	s2 =	sld [smem:$0x3FC9]  }
0x91: {  	s18 =	sld [smem:$0x3FC8];
	(tm) =	ssettm $0x1  }
0x92: {  	s4 =	sld [smem:$0x3FFB];
	_ =	sdelay $0x3  }
0x93: {  	_ =	strace s4  }
0x94: {  	s4 =	sld [smem:$0x3FFC];
	_ =	sdelay $0x3  }
0x95: {  	_ =	strace s4  }
0x96: {  	s4 =	sld [smem:$0x3FFD];
	_ =	sdelay $0x3  }
0x97: {  	_ =	strace s4  }
0x98: {  	_ =	strace $0x8FFFFFFF  }
0x99: {  	s19 =	sld [smem:$0x3FDB];
	_ =	sdelay $0x1  }
0x9a: {  	s5 =	simm.s32 $_scs_section_size  }
0x9b: {  	s6 =	simm.s32 $_size__tile_overlayer_lowered;
	s7 =	simm.s32 $_tile_overlayer_lowered  }
0x9c: {  	s22 =	simm.s32 $0x1BFF;
	s21 =	sshll.u32 s7, $0x1;
	s4 =	sadd.s32 s5, s19  }
0x9d: {  	s8 =	simm.s32 $0x0;
	s20 =	sshll.u32 s6, $0x1;
	s6 =	sadd.s32 s21, s4  }
0x9e: {  	[timem:s8], [sflag:s22] =	dma.local [hbm:s6], s20  }
0x9f: {  	_ =	swait.ge [sflag:s22], s20  }
0xa0: {  	s5 =	ssub.s32 $0x0, s20;
	[sflag:s22] =	ssyncset.done $0x0  }
0xa1: {  	[sflag:s22] =	ssyncadd.s32 s5;
	_ =	sdelay $0x1  }
0xa2: {  	s23 =	simm.s32 $0x1B8B  }
0xa3: {  	_ =	swait.ge [sflag:s23], $0x1  }
0xa4: {  	[sflag:s23] =	ssyncset.done $0x0  }
0xa5: {  	s25 =	simm.s32 $0x1B8E;
	s24 =	sld [smem:$0x3FFE];
	[sflag:s23] =	ssyncadd.s32 $0xFFFFFFFF  }
0xa6: {  	s26 =	simm.s32 $execute0_lowered;
	[smem:$0x3FD2] =	sst s25  }
0xa7: {  	s6 =	sshll.u32 s26, $0x1;
	_ =	strace $0x80000046;
	[dreg:$0x1] =	wrdreg $0xFFFFFFFF  }
0xa8: {  	s28 =	simm.s32 $_size_execute0_lowered;
	s4 =	sadd.s32 s4, s6;
	[dreg:$0x0] =	wrdreg $0x0  }
0xa9: {  	s6 =	sshll.u32 s28, $0x1;
	[dreg:$0x2] =	wrdreg s4  }
0xaa: {  	[dreg:$0x3] =	wrdreg s6  }
0xab: {  	[dreg:$0x4] =	wrdreg $0xC0  }
0xac: {  	_ =	task [dreg:s8], $0x5FFFF  }
0xad: {  	[dreg:$0x1] =	wrdreg $0xFFFFFFFF  }
0xae: {  	[dreg:$0x0] =	wrdreg $0x60  }
0xaf: {  	[dreg:$0x2] =	wrdreg s2  }
0xb0: {  	[dreg:$0x3] =	wrdreg s18  }
0xb1: {  	[dreg:$0x4] =	wrdreg s24  }
0xb2: {  	[dreg:$0x5] =	wrdreg $0x9  }
0xb3: {  	_ =	task.clear_ibuf [dreg:s8], $0x6FFFF;
	_ =	strace $0x90000046  }
0xb4: {  	s29 =	simm.s32 $0x9;
	_ =	strace $0x80000048  }
0xb5: {  	_ =	swait.ge [sflag:s29], $0x1  }
0xb6: {  	[sflag:s29] =	ssyncadd.s32 $0xFFFFFFFF  }
0xb7: {  	_ =	strace $0x90000048  }
0xb8: {  	_ =	sfence  }
0xb9: {  	s30 =	sld [smem:$0x0];
	_ =	sdelay $0x2  }
0xba: {  	s31 =	sshll.u32 s1, $0xD;
	s1 =	sshrl.u32 s1, $0x2  }
0xbb: {  	s3 =	sand.u32 $0x4000, s31;
	s1 =	sadd.s32 s1, s30  }
0xbc: {  	s0 =	sor.u32 s3, s0;
	s1 =	sshll.u32 s1, $0x11  }
0xbd: {  	s0 =	sor.u32 s1, s0  }
0xbe: {  	s0 =	sadd.s32 $0x8F2B, s0  }
0xbf: {  	[sflag:s0] =	ssyncadd.remote.s32 $0x1  }
0xc0: {  	_ =	sfence.sel $0xFFFF  }
0xc1: {  	[dreg:$0x0] =	wrdreg $0xFFFFFFFF;
	(pc) =	sbr.abs _section_cstart, $3  }
0xc2: {  	[dreg:$0x1] =	wrdreg $0xFFFFFFFF  }
0xc3: {  	_ =	task.clear_ibuf [dreg:s8], $0x2FFFF;
	_ =	strace $0x9FFFFFFF  }
0xc4: {  	(tm) =	ssettm $0x7FFFFFFF  }
0xc5: {  	_ =	shalt  }
tec
execute0_lowered:
.L_overlay_start_1:
0x0: {  	(tag) =	ssettag $0x1  }
0x1: {  	s1 =	rddreg [dreg:$0x0]  }
0x2: {  	s0 =	rddreg [dreg:$0x1]  }
0x3: {  	s2 =	srdreg.scid;
	s4 =	stileid.u32  }
0x4: {  	s3 =	rddreg [dreg:$0x2];
	s30 =	simm.s32 $0xC180;
	s31 =	simm.s32 $0x16180  }
0x5: {  	s14 =	simm.s32 $0x17980;
	s15 =	simm.s32 $0x1;
	s16 =	simm.s32 $0x5  }
0x6: {  	s17 =	simm.s32 $0x18180;
	s18 =	simm.s32 $0x18280;
	s19 =	simm.s32 $0x2  }
0x7: {  	s20 =	simm.s32 $0x6;
	s2 =	sand.u32 $0x1, s2;
	s5 =	sshll.u32 s4, $0x1  }
0x8: {  	s21 =	simm.s32 $0x3;
	s22 =	simm.s32 $0x7;
	s6 =	sor.u32 s2, s5  }
0x9: {  	s23 =	simm.s32 $0x4;
	s4 =	simm.s32 $0x0;
	s5 =	smul.u32 $0x140, s6  }
0xa: {  	[smem:$0x7FF] =	sst s4;
	s7 =	sshll.u32 s6, $0x4;
	s6 =	smul.u32 $0xA000, s6  }
0xb: {  	s9 =	simm.s32 $0x0;
	s2 =	ssub.s32 $0x2, s2;
	_ =	strace $0x80000047  }
0xc: {  	s8 =	sshrl.u32 s2, $0x1;
	s7 =	sadd.s32 s7, s3;
	s6 =	sadd.s32 s1, s6  }
0xd: {  	s2 =	ssub.s32 s2, s8;
	s28 =	sadd.s32 $0x10000, s7;
	[dreg:$0x4] =	wrdreg s6  }
0xe: {  	s24 =	sshrl.u32 s5, $0x3;
	s29 =	smax.u32 s2, $0x1;
	[dreg:$0x8] =	wrdreg s28  }
0xf: {  	v0 =	vimm.f32 $0.0e+00;
	v4 =	vlaneseq.u32;
	s8 =	sadd.s32 $0x100, s3;
	s0 =	sadd.s32 s0, s24;
	[dreg:$0x9] =	wrdreg s29  }
0x10: {  	vm0 =	vmmov $0xffff;
	v5 =	vimm.bf16 $0.0e+00;
	v2 =	vmul.u32 $0x10, v4;
	s7 =	simm.s32 $0x9;
	s25 =	sadd.s32 $0x800, s6;
	[dreg:$0x5] =	wrdreg s0  }
0x11: {  	v1 =	vand.u32 $0x7, v4;
	v3 =	vshrl.u32 v4, $0x3;
	v4 =	vor.u32 $0x8, v4;
	s2 =	simm.s32 $0x16980;
	s26 =	sadd.s32 $0x1000, s6;
	[dreg:$0x6] =	wrdreg s25  }
0x12: {  	v3 =	vmul.u32 $0x8, v3;
	v6 =	vor.u32 $0x1, v2;
	v7 =	vor.u32 $0x2, v2;
	s24 =	simm.s32 $0x8;
	[dreg:$0x7] =	wrdreg s26;
	s0 =	simm.s32 $0x17180  }
.LBB2_1:
0x13: {  	[dreg:$0xa] =	wrdreg s9  }
0x14: {  	s6 =	rddreg [dreg:$0x5]  }
0x15: {  	[tilespmem:s4], [sflag:$0x9] =	stream.linear.gather [hbm4b:s6+s4], $0x140, $0x38;
	[tilespmem:$0x18400] =	vst v63  }
0x16: {  	_ =	swait.ge [sflag:s7], $0x140  }
0x17: {  	[sflag:s7] =	ssyncset.done $0x0  }
0x18: {  	[sflag:s7] =	ssyncadd.s32 $0xFFFFFEC0  }
0x19: {  	s9 =	simm.s32 $0x180;
	s7 =	rddreg [dreg:$0x4];
	[tilespmem:$0x18380] =	vst v0  }
0x1a: {  	[tilespmem:s9], [sflag:$0x1] =	stream.linear.gather [hbm4b:s7+s4], $0x4000, $0x38;
	[tilespmem:$0x18400] =	vst v63  }
0x1b: {  	v8 =	vld [tilespmem:$0x0];
	_ =	sdelay $0x4  }
0x1c: {  	v9 =	vshll.u32 v8, $0x2  }
0x1d: {  	v8 =	vand.u32 $0x7, v8;
	v9 =	vand.u32 $0xFFFFFFE0, v9  }
0x1e: {  	v8 =	vor.u32 v8, v9  }
0x1f: {  	v9 =	vperm.xlane v8, v1;
	_ =	sdelay $0x1  }
0x20: {  	v9 =	vadd.s32 v3, v9;
	_ =	sdelay $0x1  }
0x21: {  	v8 =	vperm.xlane v8, v4;
	_ =	sdelay $0x1  }
0x22: {  	s10 =	simm.s32 $0x10180;
	v8 =	vadd.s32 v3, v8  }
0x23: {  	[tilespmem:s10], [sflag:$0x5] =	stream.indirect_vreg.gather [hbm4b:s3+s4], $0x80, v9, vm0, $0xb8;
	[tilespmem:$0x18400] =	vst v63  }
0x24: {  	s11 =	simm.s32 $0x10980  }
0x25: {  	[tilespmem:s11], [sflag:$0x5] =	stream.indirect_vreg.gather [hbm4b:s8+s4], $0x80, v9, vm0, $0xb8;
	[tilespmem:$0x18400] =	vst v63  }
0x26: {  	s12 =	simm.s32 $0x11180  }
0x27: {  	[tilespmem:s12], [sflag:$0x5] =	stream.indirect_vreg.gather [hbm4b:s3+s4], $0x80, v8, vm0, $0xb8;
	[tilespmem:$0x18400] =	vst v63  }
0x28: {  	s13 =	simm.s32 $0x11980  }
0x29: {  	[tilespmem:s13], [sflag:$0x5] =	stream.indirect_vreg.gather [hbm4b:s8+s4], $0x80, v8, vm0, $0xb8;
	[tilespmem:$0x18400] =	vst v63  }
0x2a: {  	s26 =	simm.s32 $0x4180;
	s25 =	rddreg [dreg:$0x6]  }
0x2b: {  	[tilespmem:s26], [sflag:$0x2] =	stream.linear.gather [hbm4b:s25+s4], $0x4000, $0x38;
	[tilespmem:$0x18400] =	vst v63  }
0x2c: {  	v8 =	vld [tilespmem:$0x10];
	_ =	sdelay $0x4  }
0x2d: {  	v62 =	vshll.u32 v8, $0x2  }
0x2e: {  	v8 =	vand.u32 $0x7, v8;
	v9 =	vand.u32 $0xFFFFFFE0, v62  }
0x2f: {  	v8 =	vor.u32 v8, v9  }
0x30: {  	v9 =	vperm.xlane v8, v1;
	_ =	sdelay $0x1  }
0x31: {  	v9 =	vadd.s32 v3, v9;
	_ =	sdelay $0x1  }
0x32: {  	v8 =	vperm.xlane v8, v4;
	_ =	sdelay $0x1  }
0x33: {  	s29 =	simm.s32 $0x12180;
	v8 =	vadd.s32 v3, v8  }
0x34: {  	[tilespmem:s29], [sflag:$0x6] =	stream.indirect_vreg.gather [hbm4b:s3+s4], $0x80, v9, vm0, $0xb8;
	[tilespmem:$0x18400] =	vst v63  }
0x35: {  	s7 =	simm.s32 $0x12980  }
0x36: {  	[tilespmem:s7], [sflag:$0x6] =	stream.indirect_vreg.gather [hbm4b:s8+s4], $0x80, v9, vm0, $0xb8;
	[tilespmem:$0x18400] =	vst v63  }
0x37: {  	s9 =	simm.s32 $0x13180  }
0x38: {  	[tilespmem:s9], [sflag:$0x6] =	stream.indirect_vreg.gather [hbm4b:s3+s4], $0x80, v8, vm0, $0xb8;
	[tilespmem:$0x18400] =	vst v63  }
0x39: {  	s10 =	simm.s32 $0x13980  }
0x3a: {  	[tilespmem:s10], [sflag:$0x6] =	stream.indirect_vreg.gather [hbm4b:s8+s4], $0x80, v8, vm0, $0xb8;
	[tilespmem:$0x18400] =	vst v63  }
0x3b: {  	s11 =	rddreg [dreg:$0x7];
	s12 =	simm.s32 $0x8180  }
0x3c: {  	[tilespmem:s12], [sflag:$0x3] =	stream.linear.gather [hbm4b:s11+s4], $0x4000, $0x38;
	[tilespmem:$0x18400] =	vst v63  }
0x3d: {  	v8 =	vld [tilespmem:$0x20];
	_ =	sdelay $0x4  }
0x3e: {  	v63 =	vshll.u32 v8, $0x2  }
0x3f: {  	v8 =	vand.u32 $0x7, v8;
	v9 =	vand.u32 $0xFFFFFFE0, v63  }
0x40: {  	v8 =	vor.u32 v8, v9  }
0x41: {  	v9 =	vperm.xlane v8, v1;
	_ =	sdelay $0x1  }
0x42: {  	v9 =	vadd.s32 v3, v9;
	_ =	sdelay $0x1  }
0x43: {  	v8 =	vperm.xlane v8, v4;
	_ =	sdelay $0x1  }
0x44: {  	s13 =	simm.s32 $0x14180;
	v8 =	vadd.s32 v3, v8  }
0x45: {  	[tilespmem:s13], [sflag:$0x7] =	stream.indirect_vreg.gather [hbm4b:s3+s4], $0x80, v9, vm0, $0xb8;
	[tilespmem:$0x18400] =	vst v63  }
0x46: {  	s25 =	simm.s32 $0x14980  }
0x47: {  	[tilespmem:s25], [sflag:$0x7] =	stream.indirect_vreg.gather [hbm4b:s8+s4], $0x80, v9, vm0, $0xb8;
	[tilespmem:$0x18400] =	vst v63  }
0x48: {  	s26 =	simm.s32 $0x15180  }
0x49: {  	[tilespmem:s26], [sflag:$0x7] =	stream.indirect_vreg.gather [hbm4b:s3+s4], $0x80, v8, vm0, $0xb8;
	[tilespmem:$0x18400] =	vst v63  }
0x4a: {  	s28 =	simm.s32 $0x0;
	s29 =	simm.s32 $0x15980  }
0x4b: {  	[tilespmem:s29], [sflag:$0x7] =	stream.indirect_vreg.gather [hbm4b:s8+s4], $0x80, v8, vm0, $0xb8;
	[tilespmem:$0x18400] =	vst v63  }
.LBB2_2:
0x4c: {  	s29 =	sshll.u32 s28, $0x6  }
0x4d: {  	s6 =	sor.u32 $0x30, s29  }
0x4e: {  	s6 =	sadd.s32 s5, s6  }
0x4f: {  	s6 =	sshll.u32 s6, $0x7  }
0x50: {  	s25 =	simm.s32 $0x0;
	s6 =	sadd.s32 s1, s6  }
0x51: {  	[tilespmem:s30], [sflag:$0x4] =	stream.linear.gather [hbm4b:s6+s25], $0x4000, $0x38;
	[tilespmem:$0x18400] =	vst v63  }
0x52: {  	v8 =	vld [tilespmem:s29+$0x30];
	_ =	sdelay $0x4  }
0x53: {  	v9 =	vshll.u32 v8, $0x2  }
0x54: {  	v8 =	vand.u32 $0x7, v8;
	v9 =	vand.u32 $0xFFFFFFE0, v9  }
0x55: {  	v8 =	vor.u32 v8, v9  }
0x56: {  	v9 =	vperm.xlane v8, v1;
	_ =	sdelay $0x1  }
0x57: {  	v9 =	vadd.s32 v3, v9;
	_ =	sdelay $0x1  }
0x58: {  	v8 =	vperm.xlane v8, v4;
	_ =	sdelay $0x1  }
0x59: {  	v8 =	vadd.s32 v3, v8  }
0x5a: {  	[tilespmem:s31], [sflag:$0x8] =	stream.indirect_vreg.gather [hbm4b:s3+s25], $0x80, v9, vm0, $0xb8;
	[tilespmem:$0x18400] =	vst v63  }
0x5b: {  	_ = 	snop  }
0x5c: {  	[tilespmem:s2], [sflag:$0x8] =	stream.indirect_vreg.gather [hbm4b:s8+s25], $0x80, v9, vm0, $0xb8;
	[tilespmem:$0x18400] =	vst v63  }
0x5d: {  	_ = 	snop  }
0x5e: {  	[tilespmem:s0], [sflag:$0x8] =	stream.indirect_vreg.gather [hbm4b:s3+s25], $0x80, v8, vm0, $0xb8;
	[tilespmem:$0x18400] =	vst v63  }
0x5f: {  	_ = 	snop  }
0x60: {  	[tilespmem:s14], [sflag:$0x8] =	stream.indirect_vreg.gather [hbm4b:s8+s25], $0x80, v8, vm0, $0xb8;
	[tilespmem:$0x18400] =	vst v63  }
0x61: {  	_ =	swait.ge [sflag:s15], $0x4000  }
0x62: {  	[sflag:s15] =	ssyncset.done $0x0  }
0x63: {  	[sflag:s15] =	ssyncadd.s32 $0xFFFFC000  }
0x64: {  	_ =	swait.ge [sflag:s16], $0x2000  }
0x65: {  	s7 =	simm.s32 $0x18180;
	[sflag:s16] =	ssyncset.done $0x0  }
0x66: {  	s9 =	simm.s32 $0x18280;
	s10 =	simm.s32 $0x0;
	[sflag:s16] =	ssyncadd.s32 $0xFFFFE000  }
.LBB2_3:
0x67: {  	s6 =	sshll.u32 s10, $0x9  }
0x68: {  	s11 =	sand.u32 $0x380, s25;
	s12 =	sshll.u32 s10, $0xA;
	s6 =	sand.u32 $0x3FFFF000, s6  }
0x69: {  	s12 =	sand.u32 $0x3FFFE000, s12;
	s6 =	sor.u32 s11, s6  }
0x6a: {  	s12 =	sor.u32 s11, s12;
	v8 =	vld [tilespmem:s6+$0x10180]  }
0x6b: {  	v9 =	vld [tilespmem:s12+$0x180]  }
0x6c: {  	v10 =	vld [tilespmem:s12+$0x190]  }
0x6d: {  	v12 =	vld [tilespmem:s12+$0x1A0]  }
0x6e: {  	v13 =	vld [tilespmem:s12+$0x1B0]  }
0x6f: {  	v15 =	vld [tilespmem:s12+$0x1C0]  }
0x70: {  	v16 =	vld [tilespmem:s12+$0x1D0]  }
0x71: {  	v18 =	vld [tilespmem:s12+$0x1E0]  }
0x72: {  	v19 =	vld [tilespmem:s12+$0x1F0]  }
0x73: {  	v21 =	vld [tilespmem:s12+$0x580]  }
0x74: {  	v22 =	vld [tilespmem:s12+$0x590]  }
0x75: {  	v24 =	vld [tilespmem:s12+$0x5A0]  }
0x76: {  	v25 =	vld [tilespmem:s12+$0x5B0]  }
0x77: {  	v27 =	vld [tilespmem:s12+$0x5C0]  }
0x78: {  	v28 =	vld [tilespmem:s12+$0x5D0]  }
0x79: {  	v30 =	vld [tilespmem:s12+$0x5E0]  }
0x7a: {  	v31 =	vld [tilespmem:s12+$0x5F0]  }
0x7b: {  	v33 =	vld [tilespmem:s12+$0x980]  }
0x7c: {  	v34 =	vld [tilespmem:s12+$0x990]  }
0x7d: {  	v36 =	vld [tilespmem:s12+$0x9A0]  }
0x7e: {  	v37 =	vld [tilespmem:s12+$0x9B0]  }
0x7f: {  	v39 =	vld [tilespmem:s12+$0x9C0]  }
0x80: {  	v40 =	vld [tilespmem:s12+$0x9D0]  }
0x81: {  	v42 =	vld [tilespmem:s12+$0x9E0]  }
0x82: {  	v43 =	vld [tilespmem:s12+$0x9F0]  }
0x83: {  	v45 =	vld [tilespmem:s12+$0xD80]  }
0x84: {  	v46 =	vld [tilespmem:s12+$0xD90]  }
0x85: {  	s26 =	sadd.s32 $0x10180, s6;
	v47 =	vld [tilespmem:s12+$0xDA0]  }
0x86: {  	v11 =	vld [tilespmem:s26+$0x10]  }
0x87: {  	v14 =	vld [tilespmem:s26+$0x20]  }
0x88: {  	v17 =	vld [tilespmem:s26+$0x30]  }
0x89: {  	v20 =	vld [tilespmem:s26+$0x40]  }
0x8a: {  	v23 =	vld [tilespmem:s26+$0x50]  }
0x8b: {  	v26 =	vld [tilespmem:s26+$0x60]  }
0x8c: {  	v29 =	vld [tilespmem:s26+$0x70]  }
0x8d: {  	v32 =	vld [tilespmem:s26+$0x400]  }
0x8e: {  	v35 =	vld [tilespmem:s26+$0x410]  }
0x8f: {  	v38 =	vld [tilespmem:s26+$0x420]  }
0x90: {  	v41 =	vld [tilespmem:s26+$0x430]  }
0x91: {  	v44 =	vld [tilespmem:s26+$0x440]  }
0x92: {  	v48 =	vld [tilespmem:s26+$0x460]  }
0x93: {  	v9 =	vpack.i.f32.bf16 v10, v9;
	v10 =	vld [tilespmem:s26+$0x450]  }
0x94: {  	v12 =	vpack.i.f32.bf16 v13, v12;
	v13 =	vld [tilespmem:s12+$0xDB0]  }
0x95: {  	v15 =	vpack.i.f32.bf16 v16, v15;
	v16 =	vld [tilespmem:s12+$0xDC0]  }
0x96: {  	v61 =	vpack.i.f32.bf16 v19, v18;
	v18 =	vld [tilespmem:s26+$0x470]  }
0x97: {  	v19 =	vld [tilespmem:s12+$0xDF0]  }
0x98: {  	v49 =	vpack.i.f32.bf16 v22, v21;
	v21 =	vld [tilespmem:s12+$0x1180]  }
0x99: {  	v22 =	vld [tilespmem:s12+$0x1190];
	v8 =	vmul.bf16 v9, v8;
	v11 =	vmul.bf16 v12, v11  }
0x9a: {  	v54 =	vpack.i.f32.bf16 v28, v27;
	v28 =	vld [tilespmem:s26+$0x820];
	v9 =	vmul.bf16 v9, v9;
	v12 =	vmul.bf16 v12, v12  }
0x9b: {  	v51 =	vpack.i.f32.bf16 v25, v24;
	v24 =	vld [tilespmem:s12+$0x11C0];
	v59 =	vmul.bf16 v15, v14;
	v60 =	vmul.bf16 v15, v15  }
0x9c: {  	v56 =	vpack.i.f32.bf16 v34, v33;
	v33 =	vld [tilespmem:s12+$0x11D0];
	v62 =	vmul.bf16 v61, v17;
	v63 =	vmul.bf16 v61, v61  }
0x9d: {  	v58 =	vpack.i.f32.bf16 v37, v36;
	v36 =	vld [tilespmem:s12+$0x11F0];
	v50 =	vmul.bf16 v49, v20;
	v52 =	vmul.bf16 v49, v49  }
0x9e: {  	v30 =	vpack.i.f32.bf16 v31, v30;
	v14 =	vld [tilespmem:s12+$0xDD0];
	v53 =	vmul.bf16 v51, v23;
	v55 =	vmul.bf16 v54, v26  }
0x9f: {  	v20 =	vld [tilespmem:s26+$0x800];
	v57 =	vmul.bf16 v56, v32;
	v25 =	vmul.bf16 v56, v56;
	v49 =	vpack.i.f32.bf16 v46, v45  }
0xa0: {  	v15 =	vld [tilespmem:s12+$0x11A0];
	v29 =	vmul.bf16 v30, v29;
	v8 =	vadd.bf16 v5, v8;
	v9 =	vadd.bf16 v12, v9  }
0xa1: {  	v26 =	vld [tilespmem:s12+$0x11B0];
	v12 =	vmul.bf16 v51, v51;
	v27 =	vadd.bf16 v5, v57;
	v51 =	vmul.bf16 v49, v49  }
0xa2: {  	v32 =	vld [tilespmem:s12+$0x11E0];
	v8 =	vadd.bf16 v11, v8;
	v9 =	vadd.bf16 v60, v9;
	v11 =	vmul.bf16 v54, v54  }
0xa3: {  	v31 =	vld [tilespmem:s26+$0x840];
	v60 =	vpack.i.f32.bf16 v40, v39;
	v40 =	vpack.i.f32.bf16 v43, v42;
	v13 =	vpack.i.f32.bf16 v13, v47  }
0xa4: {  	v23 =	vld [tilespmem:s26+$0x810];
	v21 =	vpack.i.f32.bf16 v22, v21;
	v42 =	vmul.bf16 v40, v41;
	v43 =	vmul.bf16 v40, v40  }
0xa5: {  	v37 =	vld [tilespmem:s12+$0x1580];
	v24 =	vpack.i.f32.bf16 v33, v24;
	v10 =	vmul.bf16 v13, v10;
	v13 =	vmul.bf16 v13, v13  }
0xa6: {  	v34 =	vld [tilespmem:s26+$0x850];
	v14 =	vpack.i.f32.bf16 v14, v16;
	v20 =	vmul.bf16 v21, v20;
	v15 =	vpack.i.f32.bf16 v26, v15  }
0xa7: {  	v17 =	vld [tilespmem:s12+$0xDE0];
	v46 =	vpack.i.f32.bf16 v36, v32;
	v8 =	vadd.bf16 v59, v8;
	v59 =	vmul.bf16 v58, v35  }
0xa8: {  	v45 =	vld [tilespmem:s12+$0x19B0];
	v9 =	vadd.bf16 v63, v9;
	v63 =	vmul.bf16 v60, v60;
	v54 =	vmul.bf16 v14, v14  }
0xa9: {  	v16 =	vld [tilespmem:s12+$0x15B0];
	v23 =	vmul.bf16 v15, v23;
	v20 =	vadd.bf16 v5, v20;
	v8 =	vadd.bf16 v62, v8  }
0xaa: {  	v35 =	vld [tilespmem:s26+$0x830];
	v15 =	vmul.bf16 v15, v15;
	v9 =	vadd.bf16 v52, v9;
	v61 =	vadd.bf16 v59, v27  }
0xab: {  	v62 =	vmul.bf16 v60, v38;
	v27 =	vld [tilespmem:s12+$0x15A0];
	v52 =	vmul.bf16 v30, v30;
	v8 =	vadd.bf16 v50, v8  }
0xac: {  	v47 =	vld [tilespmem:s26+$0xC20];
	v20 =	vadd.bf16 v23, v20;
	v9 =	vadd.bf16 v12, v9;
	v12 =	vmul.bf16 v58, v58  }
0xad: {  	v41 =	vld [tilespmem:s12+$0x1990];
	v50 =	vmul.bf16 v49, v44;
	v44 =	vmul.bf16 v24, v28;
	v8 =	vadd.bf16 v53, v8  }
0xae: {  	v38 =	vld [tilespmem:s12+$0x1590];
	v24 =	vmul.bf16 v24, v24;
	v9 =	vadd.bf16 v11, v9;
	v12 =	vadd.bf16 v12, v25  }
0xaf: {  	v60 =	vld [tilespmem:s26+$0xC00];
	v11 =	vadd.bf16 v62, v61;
	v53 =	vmul.bf16 v14, v48;
	v48 =	vmul.bf16 v46, v35  }
0xb0: {  	v49 =	vld [tilespmem:s12+$0x19C0];
	v16 =	vpack.i.f32.bf16 v16, v27;
	v8 =	vadd.bf16 v55, v8;
	v12 =	vadd.bf16 v63, v12  }
0xb1: {  	v62 =	vld [tilespmem:s12+$0x1980];
	v11 =	vadd.bf16 v42, v11;
	v55 =	vpack.i.f32.bf16 v19, v17;
	v9 =	vadd.bf16 v52, v9  }
0xb2: {  	v14 =	vld [tilespmem:s26+$0x870];
	v63 =	vmul.bf16 v21, v21;
	v56 =	vmul.bf16 v55, v18;
	v12 =	vadd.bf16 v43, v12  }
0xb3: {  	v17 =	vld [tilespmem:s12+$0x15C0];
	v58 =	vmul.bf16 v55, v55;
	v8 =	vadd.bf16 v29, v8;
	v11 =	vadd.bf16 v50, v11  }
0xb4: {  	v18 =	vld [tilespmem:s12+$0x15D0];
	v25 =	vunpack.i.l.bf16.f32 v9;
	v15 =	vadd.bf16 v15, v63;
	v9 =	vunpack.i.u.bf16.f32 v9  }
0xb5: {  	v43 =	vld [tilespmem:s12+$0x19A0];
	v50 =	vmul.bf16 v46, v46;
	v25 =	vadd.f32 $0.0e+00, v25;
	v9 =	vadd.f32 $0.0e+00, v9  }
0xb6: {  	v63 =	vld [tilespmem:s12+$0x1D90];
	v21 =	vpack.i.f32.bf16 v41, v62;
	v12 =	vadd.bf16 v51, v12;
	v10 =	vadd.bf16 v10, v11  }
0xb7: {  	v62 =	vld [tilespmem:s12+$0x1D80];
	v57 =	vunpack.i.l.bf16.f32 v8;
	v8 =	vunpack.i.u.bf16.f32 v8;
	v15 =	vadd.bf16 v24, v15  }
0xb8: {  	v51 =	vld [tilespmem:s12+$0x19D0];
	v22 =	vmul.bf16 v21, v60;
	v19 =	vadd.f32 $0.0e+00, v57;
	v8 =	vadd.f32 $0.0e+00, v8  }
0xb9: {  	v42 =	vld [tilespmem:s26+$0xC10];
	v21 =	vmul.bf16 v21, v21;
	v12 =	vadd.bf16 v13, v12;
	v10 =	vadd.bf16 v53, v10  }
0xba: {  	v29 =	vld [tilespmem:s26+$0x860];
	v53 =	vpack.i.f32.bf16 v38, v37;
	v15 =	vadd.bf16 v50, v15;
	v60 =	vadd.bf16 v5, v22  }
0xbb: {  	v11 =	vld [tilespmem:s12+$0x15E0];
	v40 =	vpack.i.f32.bf16 v18, v17;
	v55 =	vmul.bf16 v53, v31;
	v12 =	vadd.bf16 v54, v12  }
0xbc: {  	v13 =	vld [tilespmem:s12+$0x15F0];
	v23 =	vpack.i.f32.bf16 v45, v43;
	v10 =	vadd.bf16 v56, v10;
	v24 =	vpack.i.f32.bf16 v63, v62  }
0xbd: {  	v57 =	vld [tilespmem:s12+$0x19F0];
	v36 =	vpack.i.f32.bf16 v51, v49;
	v51 =	vmul.bf16 v24, v24;
	v12 =	vadd.bf16 v58, v12  }
0xbe: {  	v45 =	vld [tilespmem:s12+$0x1DC0];
	v59 =	vunpack.i.u.bf16.f32 v10;
	v10 =	vunpack.i.l.bf16.f32 v10;
	v58 =	vmul.bf16 v16, v34  }
0xbf: {  	v56 =	vld [tilespmem:s12+$0x19E0];
	v16 =	vmul.bf16 v16, v16;
	v38 =	vmul.bf16 v36, v47;
	v10 =	vadd.f32 v10, v19  }
0xc0: {  	v54 =	vld [tilespmem:s26+$0xC30];
	v22 =	vmul.bf16 v36, v36;
	v8 =	vadd.f32 v59, v8;
	v19 =	vadd.bf16 v44, v20  }
0xc1: {  	v47 =	vld [tilespmem:s12+$0x1DD0];
	v44 =	vmul.bf16 v40, v29;
	v11 =	vpack.i.f32.bf16 v13, v11;
	v61 =	vunpack.i.l.bf16.f32 v12  }
0xc2: {  	v59 =	vld [tilespmem:s26+$0xC40];
	v12 =	vunpack.i.u.bf16.f32 v12;
	v14 =	vmul.bf16 v11, v14;
	v11 =	vmul.bf16 v11, v11  }
0xc3: {  	v43 =	vld [tilespmem:s26+$0xC60];
	v25 =	vadd.f32 v61, v25;
	v52 =	vadd.bf16 v48, v19;
	v19 =	vmul.bf16 v53, v53  }
0xc4: {  	v39 =	vld [tilespmem:s12+$0x1DA0];
	v61 =	vmul.bf16 v23, v42;
	v23 =	vmul.bf16 v23, v23;
	v41 =	vpack.i.f32.bf16 v57, v56  }
0xc5: {  	v9 =	vadd.f32 v12, v9;
	v42 =	vld [tilespmem:s12+$0x1DB0];
	v20 =	vmul.bf16 v41, v54;
	v15 =	vadd.bf16 v19, v15  }
0xc6: {  	v37 =	vld [tilespmem:s26+$0xC50];
	v17 =	vmul.bf16 v41, v41;
	v19 =	vadd.bf16 v61, v60;
	v21 =	vadd.bf16 v23, v21  }
0xc7: {  	v48 =	vld [tilespmem:s12+$0x1DE0];
	v12 =	vadd.bf16 v55, v52;
	v55 =	vpack.i.f32.bf16 v47, v45;
	v46 =	vmul.bf16 v24, v59  }
0xc8: {  	v52 =	vld [tilespmem:s12+$0x1DF0];
	v57 =	vmul.bf16 v55, v43;
	v19 =	vadd.bf16 v38, v19;
	v21 =	vadd.bf16 v22, v21  }
0xc9: {  	v12 =	vadd.bf16 v58, v12;
	v15 =	vadd.bf16 v16, v15;
	v16 =	vmul.bf16 v40, v40  }
0xca: {  	v53 =	vld [tilespmem:s26+$0xC70];
	v18 =	vpack.i.f32.bf16 v42, v39;
	v19 =	vadd.bf16 v20, v19;
	v49 =	vadd.bf16 v17, v21  }
0xcb: {  	v12 =	vadd.bf16 v44, v12;
	v15 =	vadd.bf16 v16, v15;
	v54 =	vmul.bf16 v18, v37  }
0xcc: {  	v18 =	vmul.bf16 v18, v18;
	v50 =	vadd.bf16 v46, v19;
	v16 =	vadd.bf16 v51, v49  }
0xcd: {  	v13 =	vpack.i.f32.bf16 v52, v48;
	v12 =	vadd.bf16 v14, v12;
	v11 =	vadd.bf16 v11, v15  }
0xce: {  	v14 =	vmul.bf16 v55, v55;
	v56 =	vadd.bf16 v54, v50;
	v16 =	vadd.bf16 v18, v16  }
0xcf: {  	v59 =	vmul.bf16 v13, v53;
	v13 =	vmul.bf16 v13, v13;
	v58 =	vunpack.i.l.bf16.f32 v12  }
0xd0: {  	v12 =	vunpack.i.u.bf16.f32 v12;
	v15 =	vadd.bf16 v57, v56;
	v14 =	vadd.bf16 v14, v16  }
0xd1: {  	v61 =	vunpack.i.u.bf16.f32 v11;
	v10 =	vadd.f32 v58, v10;
	v8 =	vadd.f32 v12, v8  }
0xd2: {  	v11 =	vunpack.i.l.bf16.f32 v11;
	v60 =	vadd.bf16 v59, v15;
	v13 =	vadd.bf16 v13, v14  }
0xd3: {  	v11 =	vadd.f32 v11, v25;
	v9 =	vadd.f32 v61, v9  }
0xd4: {  	v62 =	vunpack.i.u.bf16.f32 v60;
	v12 =	vunpack.i.l.bf16.f32 v60;
	v63 =	vunpack.i.u.bf16.f32 v13  }
0xd5: {  	p0 =	sne.s32 s10, $0xF;
	v13 =	vunpack.i.l.bf16.f32 v13;
	v10 =	vadd.f32 v12, v10;
	v8 =	vadd.f32 v62, v8  }
.Ltmp0:
0xd6: {  	v11 =	vadd.f32 v13, v11;
	v9 =	vadd.f32 v63, v9;
	(pc) =	sbr.rel @p0 .LBB2_3-.Ltmp0, $4  }
0xd7: {  	v8 =	vadd.f32 v10, v8  }
0xd8: {  	v9 =	vadd.f32 v11, v9  }
0xd9: {  	s25 =	sadd.s32 $0x80, s25;
	[tilespmem:s7+$0x0] =	vst v8  }
0xda: {  	s10 =	sadd.s32 $0x1, s10;
	s7 =	sadd.s32 $0x10, s7;
	[tilespmem:s9+$0x0] =	vst v9;
	s9 =	sadd.s32 $0x10, s9  }
0xdb: {  	_ =	sdelay $0x3  }
0xdc: {  	v8 =	vld.idx.msk [tilespmem:v2+s18+$0x0], $0xffff  }
0xdd: {  	v20 =	vor.u32 $0x3, v2  }
0xde: {  	v9 =	vld.idx.msk [tilespmem:v6+s18+$0x0], $0xffff  }
0xdf: {  	v18 =	vor.u32 $0x4, v2  }
0xe0: {  	v10 =	vld.idx.msk [tilespmem:v7+s18+$0x0], $0xffff  }
0xe1: {  	v19 =	vor.u32 $0x5, v2;
	v8 =	vadd.f32 $0.0e+00, v8  }
0xe2: {  	v11 =	vld.idx.msk [tilespmem:v20+s18+$0x0], $0xffff  }
0xe3: {  	v16 =	vor.u32 $0x6, v2;
	v8 =	vadd.f32 v9, v8  }
0xe4: {  	v12 =	vld.idx.msk [tilespmem:v18+s18+$0x0], $0xffff  }
0xe5: {  	v9 =	vadd.f32 v10, v8;
	v8 =	vor.u32 $0x7, v2  }
0xe6: {  	v13 =	vld.idx.msk [tilespmem:v19+s18+$0x0], $0xffff  }
0xe7: {  	v10 =	vadd.f32 v11, v9;
	v9 =	vor.u32 $0x8, v2  }
0xe8: {  	v14 =	vld.idx.msk [tilespmem:v16+s18+$0x0], $0xffff  }
0xe9: {  	v11 =	vadd.f32 v12, v10;
	v10 =	vor.u32 $0x9, v2  }
0xea: {  	v15 =	vld.idx.msk [tilespmem:v8+s18+$0x0], $0xffff  }
0xeb: {  	v12 =	vadd.f32 v13, v11;
	v11 =	vor.u32 $0xA, v2  }
0xec: {  	v17 =	vld.idx.msk [tilespmem:v9+s18+$0x0], $0xffff  }
0xed: {  	v13 =	vadd.f32 v14, v12;
	v12 =	vor.u32 $0xB, v2  }
0xee: {  	v21 =	vld.idx.msk [tilespmem:v10+s18+$0x0], $0xffff  }
0xef: {  	v14 =	vadd.f32 v15, v13;
	v13 =	vor.u32 $0xC, v2  }
0xf0: {  	v22 =	vld.idx.msk [tilespmem:v11+s18+$0x0], $0xffff  }
0xf1: {  	v15 =	vadd.f32 v17, v14;
	v14 =	vor.u32 $0xD, v2  }
0xf2: {  	v23 =	vld.idx.msk [tilespmem:v12+s18+$0x0], $0xffff  }
0xf3: {  	v17 =	vadd.f32 v21, v15;
	v15 =	vor.u32 $0xE, v2  }
0xf4: {  	v21 =	vld.idx.msk [tilespmem:v13+s18+$0x0], $0xffff  }
0xf5: {  	v24 =	vld.idx.msk [tilespmem:v2+s17+$0x0], $0xffff;
	v22 =	vadd.f32 v22, v17;
	v17 =	vor.u32 $0xF, v2  }
0xf6: {  	v25 =	vld.idx.msk [tilespmem:v14+s18+$0x0], $0xffff  }
0xf7: {  	v26 =	vld.idx.msk [tilespmem:v6+s17+$0x0], $0xffff;
	v22 =	vadd.f32 v23, v22  }
0xf8: {  	v23 =	vld.idx.msk [tilespmem:v15+s18+$0x0], $0xffff  }
0xf9: {  	v27 =	vld.idx.msk [tilespmem:v7+s17+$0x0], $0xffff;
	v21 =	vadd.f32 v21, v22  }
0xfa: {  	v22 =	vld.idx.msk [tilespmem:v17+s18+$0x0], $0xffff  }
0xfb: {  	v24 =	vadd.f32 $0.0e+00, v24;
	v21 =	vadd.f32 v25, v21  }
0xfc: {  	v49 =	vld.idx.msk [tilespmem:v20+s17+$0x0], $0xffff  }
0xfd: {  	v24 =	vadd.f32 v26, v24;
	v21 =	vadd.f32 v23, v21  }
0xfe: {  	v23 =	vld.idx.msk [tilespmem:v18+s17+$0x0], $0xffff  }
0xff: {  	v24 =	vadd.f32 v27, v24;
	v21 =	vadd.f32 v22, v21  }
0x100: {  	v22 =	vld.idx.msk [tilespmem:v19+s17+$0x0], $0xffff  }
0x101: {  	v24 =	vadd.f32 v49, v24;
	v50 =	vshrl.u32 v21, $0x1;
	v21 =	vmul.f32 $5.000000000e-01, v21  }
0x102: {  	v51 =	vld.idx.msk [tilespmem:v16+s17+$0x0], $0xffff;
	v25 =	vsub.s32 $0x5F3759DF, v50  }
0x103: {  	v23 =	vadd.f32 v23, v24;
	v52 =	vmul.f32 v25, v21  }
0x104: {  	v53 =	vld.idx.msk [tilespmem:v8+s17+$0x0], $0xffff  }
0x105: {  	v22 =	vadd.f32 v22, v23;
	v23 =	vmul.f32 v25, v52  }
0x106: {  	v54 =	vld.idx.msk [tilespmem:v9+s17+$0x0], $0xffff  }
0x107: {  	v22 =	vadd.f32 v51, v22;
	v23 =	vsub.f32 $1.500000000e+00, v23  }
0x108: {  	v55 =	vld.idx.msk [tilespmem:v10+s17+$0x0], $0xffff  }
0x109: {  	v22 =	vadd.f32 v53, v22;
	v23 =	vmul.f32 v25, v23  }
0x10a: {  	v56 =	vld.idx.msk [tilespmem:v11+s17+$0x0], $0xffff  }
0x10b: {  	v22 =	vadd.f32 v54, v22;
	v57 =	vmul.f32 v23, v21  }
0x10c: {  	v58 =	vld.idx.msk [tilespmem:v12+s17+$0x0], $0xffff  }
0x10d: {  	v22 =	vadd.f32 v55, v22;
	v24 =	vmul.f32 v57, v23  }
0x10e: {  	v59 =	vld.idx.msk [tilespmem:v13+s17+$0x0], $0xffff  }
0x10f: {  	v22 =	vadd.f32 v56, v22;
	v24 =	vsub.f32 $1.500000000e+00, v24  }
0x110: {  	v60 =	vld.idx.msk [tilespmem:v14+s17+$0x0], $0xffff  }
0x111: {  	v22 =	vadd.f32 v58, v22;
	v23 =	vmul.f32 v24, v23  }
0x112: {  	v61 =	vld.idx.msk [tilespmem:v15+s17+$0x0], $0xffff  }
0x113: {  	v22 =	vadd.f32 v59, v22;
	v21 =	vmul.f32 v23, v21  }
0x114: {  	v62 =	vld.idx.msk [tilespmem:v17+s17+$0x0], $0xffff  }
0x115: {  	v22 =	vadd.f32 v60, v22;
	v21 =	vmul.f32 v21, v23;
	_ =	sdelay $0x1  }
0x116: {  	v22 =	vadd.f32 v61, v22;
	v21 =	vsub.f32 $1.500000000e+00, v21  }
0x117: {  	v63 =	vld [tilespmem:$0x18380]  }
0x118: {  	v22 =	vadd.f32 v62, v22;
	v21 =	vmul.f32 v21, v23;
	_ =	sdelay $0x1  }
0x119: {  	p0 =	seq.s32 s28, $0x4;
	v21 =	vmul.f32 v21, v22  }
0x11a: {  	s6 =	sadd.s32 @!p0 $0x40, s29  }
0x11b: {  	s6 =	sadd.s32 @!p0 s5, s6;
	v21 =	vadd.f32 v21, v63  }
0x11c: {  	s6 =	sshll.u32 @!p0 s6, $0x7  }
0x11d: {  	s7 =	simm.s32 @!p0 $0x0;
	s9 =	simm.s32 @!p0 $0x180;
	s6 =	sadd.s32 @!p0 s1, s6;
	[tilespmem:$0x18380] =	vst v21  }
0x11e: {  	[tilespmem:s9], [sflag:$0x1] =	stream.linear.gather @!p0 [hbm4b:s6+s7], $0x4000, $0x38;
	[tilespmem:$0x18400] =	vst v63  }
0x11f: {  	v21 =	vld @!p0 [tilespmem:s29+$0x40];
	_ =	sdelay $0x4  }
0x120: {  	v22 =	vshll.u32 @!p0 v21, $0x2  }
0x121: {  	v23 =	vlaneseq.u32 @!p0;
	v21 =	vand.u32 @!p0 $0x7, v21;
	v22 =	vand.u32 @!p0 $0xFFFFFFE0, v22  }
0x122: {  	v24 =	vshrl.u32 @!p0 v23, $0x3;
	v21 =	vor.u32 @!p0 v21, v22;
	v22 =	vand.u32 @!p0 $0x7, v23  }
0x123: {  	v24 =	vmul.u32 @!p0 $0x8, v24;
	v22 =	vperm.xlane @!p0 v21, v22;
	_ =	sdelay $0x1  }
0x124: {  	v22 =	vadd.s32 @!p0 v24, v22  }
0x125: {  	v23 =	vor.u32 @!p0 $0x8, v23  }
0x126: {  	v21 =	vperm.xlane @!p0 v21, v23;
	_ =	sdelay $0x1  }
0x127: {  	vm1 =	vmmov @!p0 $0xffff;
	s6 =	simm.s32 @!p0 $0x10180;
	v21 =	vadd.s32 @!p0 v24, v21  }
0x128: {  	[tilespmem:s6], [sflag:$0x5] =	stream.indirect_vreg.gather @!p0 [hbm4b:s3+s7], $0x80, v22, vm1, $0xb8;
	[tilespmem:$0x18400] =	vst v63  }
0x129: {  	s6 =	simm.s32 @!p0 $0x10980  }
0x12a: {  	[tilespmem:s6], [sflag:$0x5] =	stream.indirect_vreg.gather @!p0 [hbm4b:s8+s7], $0x80, v22, vm1, $0xb8;
	[tilespmem:$0x18400] =	vst v63  }
0x12b: {  	s6 =	simm.s32 @!p0 $0x11180  }
0x12c: {  	[tilespmem:s6], [sflag:$0x5] =	stream.indirect_vreg.gather @!p0 [hbm4b:s3+s7], $0x80, v21, vm1, $0xb8;
	[tilespmem:$0x18400] =	vst v63  }
0x12d: {  	s6 =	simm.s32 @!p0 $0x11980  }
0x12e: {  	[tilespmem:s6], [sflag:$0x5] =	stream.indirect_vreg.gather @!p0 [hbm4b:s8+s7], $0x80, v21, vm1, $0xb8;
	[tilespmem:$0x18400] =	vst v63  }
0x12f: {  	_ =	swait.ge [sflag:s19], $0x4000  }
0x130: {  	[sflag:s19] =	ssyncset.done $0x0  }
0x131: {  	[sflag:s19] =	ssyncadd.s32 $0xFFFFC000  }
0x132: {  	_ =	swait.ge [sflag:s20], $0x2000  }
0x133: {  	s25 =	simm.s32 $0x18180;
	s10 =	simm.s32 $0x0;
	[sflag:s20] =	ssyncset.done $0x0  }
0x134: {  	s9 =	simm.s32 $0x0;
	s7 =	simm.s32 $0x18280;
	[sflag:s20] =	ssyncadd.s32 $0xFFFFE000  }
.LBB2_5:
0x135: {  	s6 =	sshrl.u32 s10, $0x3  }
0x136: {  	s11 =	sand.u32 $0x380, s9;
	s13 =	sshll.u32 s6, $0xC;
	s26 =	sshll.u32 s6, $0xD  }
0x137: {  	s12 =	sor.u32 s11, s13;
	s11 =	sor.u32 s11, s26  }
0x138: {  	v22 =	vld [tilespmem:s11+$0x4180]  }
0x139: {  	v23 =	vld [tilespmem:s11+$0x4190]  }
0x13a: {  	v25 =	vld [tilespmem:s11+$0x41A0]  }
0x13b: {  	v26 =	vld [tilespmem:s11+$0x41B0]  }
0x13c: {  	v28 =	vld [tilespmem:s11+$0x41C0]  }
0x13d: {  	v29 =	vld [tilespmem:s11+$0x41D0]  }
0x13e: {  	v31 =	vld [tilespmem:s11+$0x41E0]  }
0x13f: {  	v32 =	vld [tilespmem:s11+$0x41F0]  }
0x140: {  	v46 =	vld [tilespmem:s11+$0x4980]  }
0x141: {  	v47 =	vld [tilespmem:s11+$0x4990]  }
0x142: {  	v49 =	vld [tilespmem:s11+$0x49A0]  }
0x143: {  	v50 =	vld [tilespmem:s11+$0x49B0]  }
0x144: {  	v52 =	vld [tilespmem:s11+$0x49C0]  }
0x145: {  	v53 =	vld [tilespmem:s11+$0x49D0]  }
0x146: {  	v55 =	vld [tilespmem:s11+$0x49E0]  }
0x147: {  	s6 =	sadd.s32 $0x10180, s12;
	v56 =	vld [tilespmem:s11+$0x49F0]  }
0x148: {  	v21 =	vld [tilespmem:s6+$0x2000]  }
0x149: {  	v24 =	vld [tilespmem:s6+$0x2010]  }
0x14a: {  	v27 =	vld [tilespmem:s6+$0x2020]  }
0x14b: {  	v30 =	vld [tilespmem:s6+$0x2030]  }
0x14c: {  	v33 =	vld [tilespmem:s6+$0x2040]  }
0x14d: {  	v36 =	vld [tilespmem:s6+$0x2050]  }
0x14e: {  	s12 =	sadd.s32 s26, s9;
	v39 =	vld [tilespmem:s6+$0x2060]  }
0x14f: {  	s26 =	sor.u32 $0x4400, s12;
	v42 =	vld [tilespmem:s6+$0x2070]  }
0x150: {  	v34 =	vld [tilespmem:s26+$0x180]  }
0x151: {  	v35 =	vld [tilespmem:s26+$0x190]  }
0x152: {  	v37 =	vld [tilespmem:s26+$0x1A0]  }
0x153: {  	v38 =	vld [tilespmem:s26+$0x1B0]  }
0x154: {  	v40 =	vld [tilespmem:s26+$0x1C0]  }
0x155: {  	v41 =	vld [tilespmem:s26+$0x1D0]  }
0x156: {  	v43 =	vld [tilespmem:s26+$0x1E0]  }
0x157: {  	s4 =	sor.u32 $0x4C00, s12;
	v44 =	vld [tilespmem:s26+$0x1F0]  }
0x158: {  	v58 =	vld [tilespmem:s4+$0x180]  }
0x159: {  	s13 =	sadd.s32 s13, s9;
	v59 =	vld [tilespmem:s4+$0x190]  }
0x15a: {  	s26 =	sor.u32 $0x2400, s13;
	v60 =	vld [tilespmem:s4+$0x1A0]  }
0x15b: {  	v45 =	vld [tilespmem:s26+$0x10180]  }
0x15c: {  	v48 =	vld [tilespmem:s26+$0x10190]  }
0x15d: {  	v51 =	vld [tilespmem:s26+$0x101A0]  }
0x15e: {  	v54 =	vld [tilespmem:s26+$0x101B0]  }
0x15f: {  	v57 =	vld [tilespmem:s26+$0x101C0]  }
0x160: {  	v61 =	vld [tilespmem:s26+$0x101E0]  }
0x161: {  	v22 =	vpack.i.f32.bf16 v23, v22;
	v23 =	vld [tilespmem:s26+$0x101D0]  }
0x162: {  	v25 =	vpack.i.f32.bf16 v26, v25;
	v26 =	vld [tilespmem:s4+$0x1B0]  }
0x163: {  	v28 =	vpack.i.f32.bf16 v29, v28;
	v29 =	vld [tilespmem:s4+$0x1C0]  }
0x164: {  	v63 =	vpack.i.f32.bf16 v32, v31;
	v31 =	vld [tilespmem:s26+$0x101F0];
	v21 =	vmul.bf16 v22, v21  }
0x165: {  	v24 =	vmul.bf16 v25, v24;
	v62 =	vmul.bf16 v28, v27;
	v27 =	vld [tilespmem:s4+$0x1D0]  }
0x166: {  	v32 =	vld [tilespmem:s4+$0x1F0];
	v22 =	vmul.bf16 v22, v22;
	v25 =	vmul.bf16 v25, v25  }
0x167: {  	v43 =	vpack.i.f32.bf16 v44, v43;
	v44 =	vld [tilespmem:s6+$0x2840];
	v21 =	vadd.bf16 v5, v21  }
0x168: {  	v22 =	vadd.bf16 v25, v22;
	v25 =	vmul.bf16 v28, v28;
	v28 =	vld [tilespmem:s11+$0x51A0]  }
0x169: {  	v53 =	vpack.i.f32.bf16 v53, v52;
	s26 =	sor.u32 $0x5400, s12;
	v21 =	vadd.bf16 v24, v21;
	v24 =	vpack.i.f32.bf16 v41, v40;
	v41 =	vld [tilespmem:s6+$0x2820]  }
0x16a: {  	v52 =	vmul.bf16 v53, v53;
	v27 =	vpack.i.f32.bf16 v27, v29;
	v29 =	vld [tilespmem:s26+$0x1B0]  }
0x16b: {  	v22 =	vadd.bf16 v25, v22;
	v21 =	vadd.bf16 v62, v21;
	v62 =	vmul.bf16 v63, v30;
	v30 =	vld [tilespmem:s4+$0x1E0]  }
0x16c: {  	v25 =	vmul.bf16 v63, v63;
	v26 =	vpack.i.f32.bf16 v26, v60;
	v63 =	vpack.i.f32.bf16 v35, v34;
	v34 =	vld [tilespmem:s11+$0x5180]  }
0x16d: {  	v42 =	vmul.bf16 v43, v42;
	v23 =	vmul.bf16 v26, v23;
	v35 =	vld [tilespmem:s11+$0x5190]  }
0x16e: {  	v26 =	vmul.bf16 v26, v26;
	v22 =	vadd.bf16 v25, v22;
	v25 =	vpack.i.f32.bf16 v38, v37;
	v37 =	vld [tilespmem:s11+$0x51C0]  }
0x16f: {  	v38 =	vpack.i.f32.bf16 v47, v46;
	v46 =	vld [tilespmem:s11+$0x51D0];
	v21 =	vadd.bf16 v62, v21;
	v62 =	vmul.bf16 v63, v33  }
0x170: {  	v47 =	vmul.bf16 v38, v45;
	v33 =	vld [tilespmem:s6+$0x2800];
	v63 =	vmul.bf16 v63, v63  }
0x171: {  	v38 =	vmul.bf16 v38, v38;
	v45 =	vld [tilespmem:s11+$0x51E0];
	v21 =	vadd.bf16 v62, v21;
	v62 =	vmul.bf16 v25, v36  }
0x172: {  	v22 =	vadd.bf16 v63, v22;
	v25 =	vmul.bf16 v25, v25;
	v63 =	vmul.bf16 v24, v39;
	v39 =	vld [tilespmem:s11+$0x51B0]  }
0x173: {  	v40 =	vadd.bf16 v5, v47;
	v47 =	vld [tilespmem:s6+$0x2850];
	v24 =	vmul.bf16 v24, v24;
	v34 =	vpack.i.f32.bf16 v35, v34  }
0x174: {  	s13 =	sor.u32 $0x2C00, s13;
	v36 =	vld [tilespmem:s6+$0x2810];
	v21 =	vadd.bf16 v62, v21;
	v22 =	vadd.bf16 v25, v22;
	v62 =	vpack.i.f32.bf16 v50, v49  }
0x175: {  	v35 =	vld [tilespmem:s13+$0x10180];
	v37 =	vpack.i.f32.bf16 v46, v37;
	v25 =	vmul.bf16 v62, v62;
	v33 =	vmul.bf16 v34, v33  }
0x176: {  	v49 =	vld [tilespmem:s11+$0x51F0];
	v21 =	vadd.bf16 v63, v21;
	v63 =	vmul.bf16 v62, v48;
	v22 =	vadd.bf16 v24, v22  }
0x177: {  	v50 =	vld [tilespmem:s26+$0x180];
	v25 =	vadd.bf16 v25, v38;
	v28 =	vpack.i.f32.bf16 v39, v28;
	v33 =	vadd.bf16 v5, v33  }
0x178: {  	v48 =	vld [tilespmem:s6+$0x2830];
	v62 =	vadd.bf16 v63, v40;
	v63 =	vmul.bf16 v53, v51;
	v53 =	vpack.i.f32.bf16 v56, v55  }
0x179: {  	v39 =	vld [tilespmem:s13+$0x10190];
	v21 =	vadd.bf16 v42, v21;
	v36 =	vmul.bf16 v28, v36;
	v28 =	vmul.bf16 v28, v28  }
0x17a: {  	v51 =	vld [tilespmem:s26+$0x190];
	v55 =	vmul.bf16 v53, v54;
	v25 =	vadd.bf16 v52, v25;
	v56 =	vmul.bf16 v53, v53  }
0x17b: {  	v40 =	vld [tilespmem:s26+$0x1A0];
	v53 =	vmul.bf16 v43, v43;
	v54 =	vmul.bf16 v27, v61;
	v24 =	vadd.bf16 v63, v62  }
0x17c: {  	v42 =	vld [tilespmem:s6+$0x2860];
	v62 =	vpack.i.f32.bf16 v59, v58;
	v58 =	vunpack.i.l.bf16.f32 v21;
	v21 =	vunpack.i.u.bf16.f32 v21  }
0x17d: {  	v43 =	vld [tilespmem:s11+$0x59A0];
	v33 =	vadd.bf16 v36, v33;
	v63 =	vmul.bf16 v62, v57;
	v25 =	vadd.bf16 v56, v25  }
0x17e: {  	v52 =	vmul.bf16 v62, v62;
	v56 =	vpack.i.f32.bf16 v32, v30;
	v30 =	vld [tilespmem:s26+$0x1C0];
	v22 =	vadd.bf16 v53, v22  }
0x17f: {  	v32 =	vadd.f32 $0.0e+00, v58;
	v21 =	vadd.f32 $0.0e+00, v21;
	v53 =	vld [tilespmem:s11+$0x5980];
	v62 =	vmul.bf16 v34, v34  }
0x180: {  	v24 =	vadd.bf16 v55, v24;
	v55 =	vmul.bf16 v27, v27;
	v57 =	vmul.bf16 v56, v31;
	v31 =	vld [tilespmem:s26+$0x1D0]  }
0x181: {  	v59 =	vmul.bf16 v56, v56;
	v27 =	vld [tilespmem:s6+$0x2870];
	v25 =	vadd.bf16 v52, v25;
	v38 =	vunpack.i.l.bf16.f32 v22  }
0x182: {  	v28 =	vadd.bf16 v28, v62;
	v52 =	vmul.bf16 v37, v41;
	v24 =	vadd.bf16 v63, v24;
	v63 =	vld [tilespmem:s11+$0x5990]  }
0x183: {  	v22 =	vunpack.i.u.bf16.f32 v22;
	v37 =	vmul.bf16 v37, v37;
	v25 =	vadd.bf16 v26, v25;
	v26 =	vld [tilespmem:s26+$0x1F0]  }
0x184: {  	v29 =	vpack.i.f32.bf16 v29, v40;
	v38 =	vadd.f32 $0.0e+00, v38;
	v23 =	vadd.bf16 v23, v24;
	v24 =	vld [tilespmem:s26+$0x1E0]  }
0x185: {  	v22 =	vadd.f32 $0.0e+00, v22;
	s26 =	sor.u32 $0x5C00, s12;
	v25 =	vadd.bf16 v55, v25;
	v55 =	vpack.i.f32.bf16 v49, v45;
	v45 =	vld [tilespmem:s13+$0x101A0]  }
0x186: {  	v49 =	vmul.bf16 v29, v47;
	v29 =	vmul.bf16 v29, v29;
	v47 =	vld [tilespmem:s26+$0x1D0];
	v23 =	vadd.bf16 v54, v23  }
0x187: {  	v28 =	vadd.bf16 v37, v28;
	v54 =	vld [tilespmem:s11+$0x59B0];
	v56 =	vmul.bf16 v55, v48;
	v58 =	vmul.bf16 v55, v55  }
0x188: {  	v48 =	vld [tilespmem:s11+$0x59F0];
	v25 =	vadd.bf16 v59, v25;
	v34 =	vpack.i.f32.bf16 v63, v53;
	v23 =	vadd.bf16 v57, v23  }
0x189: {  	v59 =	vld [tilespmem:s11+$0x59D0];
	v28 =	vadd.bf16 v58, v28;
	v35 =	vmul.bf16 v34, v35;
	v34 =	vmul.bf16 v34, v34  }
0x18a: {  	v63 =	vld [tilespmem:s11+$0x59E0];
	v61 =	vunpack.i.l.bf16.f32 v25;
	v25 =	vunpack.i.u.bf16.f32 v25;
	v24 =	vpack.i.f32.bf16 v26, v24  }
0x18b: {  	v57 =	vld [tilespmem:s11+$0x59C0];
	v60 =	vunpack.i.u.bf16.f32 v23;
	v23 =	vunpack.i.l.bf16.f32 v23;
	v38 =	vadd.f32 v61, v38  }
0x18c: {  	v53 =	vld [tilespmem:s26+$0x180];
	v22 =	vadd.f32 v25, v22;
	v61 =	vpack.i.f32.bf16 v51, v50;
	v51 =	vadd.bf16 v5, v35  }
0x18d: {  	v58 =	vld [tilespmem:s26+$0x1A0];
	v27 =	vmul.bf16 v24, v27;
	v24 =	vmul.bf16 v24, v24;
	v23 =	vadd.f32 v23, v32  }
0x18e: {  	v32 =	vadd.bf16 v52, v33;
	v33 =	vld [tilespmem:s13+$0x101B0];
	v62 =	vmul.bf16 v61, v44;
	v36 =	vpack.i.f32.bf16 v54, v43  }
0x18f: {  	v21 =	vadd.f32 v60, v21;
	v54 =	vld [tilespmem:s26+$0x190];
	v52 =	vmul.bf16 v36, v39;
	v36 =	vmul.bf16 v36, v36  }
0x190: {  	v44 =	vld [tilespmem:s26+$0x1C0];
	v60 =	vadd.bf16 v56, v32;
	v32 =	vmul.bf16 v61, v61;
	v55 =	vpack.i.f32.bf16 v59, v57  }
0x191: {  	v50 =	vld [tilespmem:s13+$0x101C0];
	v59 =	vpack.i.f32.bf16 v31, v30;
	v34 =	vadd.bf16 v36, v34;
	v57 =	vmul.bf16 v55, v45  }
0x192: {  	v56 =	vld [tilespmem:s13+$0x101D0];
	v35 =	vmul.bf16 v55, v55;
	v25 =	vadd.bf16 v62, v60;
	v28 =	vadd.bf16 v32, v28  }
0x193: {  	v61 =	vld [tilespmem:s26+$0x1B0];
	v32 =	vadd.bf16 v52, v51;
	v60 =	vpack.i.f32.bf16 v48, v63;
	v63 =	vmul.bf16 v59, v42  }
0x194: {  	v62 =	vld [tilespmem:s13+$0x101E0];
	v34 =	vadd.bf16 v35, v34;
	v33 =	vmul.bf16 v60, v33;
	v37 =	vpack.i.f32.bf16 v54, v53  }
0x195: {  	v48 =	vld [tilespmem:s26+$0x1E0];
	v30 =	vmul.bf16 v60, v60;
	v55 =	vpack.i.f32.bf16 v47, v44;
	v25 =	vadd.bf16 v49, v25  }
0x196: {  	v52 =	vld [tilespmem:s26+$0x1F0];
	v28 =	vadd.bf16 v29, v28;
	v32 =	vadd.bf16 v57, v32;
	v29 =	vmul.bf16 v59, v59  }
0x197: {  	v46 =	vmul.bf16 v37, v50;
	v51 =	vmul.bf16 v37, v37;
	v49 =	vadd.bf16 v30, v34  }
0x198: {  	v53 =	vld [tilespmem:s13+$0x101F0];
	v31 =	vpack.i.f32.bf16 v61, v58;
	v32 =	vadd.bf16 v33, v32;
	v25 =	vadd.bf16 v63, v25  }
0x199: {  	v28 =	vadd.bf16 v29, v28;
	v54 =	vmul.bf16 v31, v56;
	v31 =	vmul.bf16 v31, v31  }
0x19a: {  	v29 =	vadd.bf16 v51, v49;
	v57 =	vmul.bf16 v55, v62;
	v50 =	vadd.bf16 v46, v32  }
0x19b: {  	v26 =	vpack.i.f32.bf16 v52, v48;
	v25 =	vadd.bf16 v27, v25;
	v24 =	vadd.bf16 v24, v28  }
0x19c: {  	v27 =	vmul.bf16 v55, v55;
	v29 =	vadd.bf16 v31, v29;
	v56 =	vadd.bf16 v54, v50  }
0x19d: {  	v59 =	vmul.bf16 v26, v53;
	v26 =	vmul.bf16 v26, v26;
	v58 =	vunpack.i.l.bf16.f32 v25  }
0x19e: {  	v25 =	vunpack.i.u.bf16.f32 v25;
	v27 =	vadd.bf16 v27, v29;
	v28 =	vadd.bf16 v57, v56  }
0x19f: {  	v61 =	vunpack.i.u.bf16.f32 v24;
	v23 =	vadd.f32 v58, v23;
	v21 =	vadd.f32 v25, v21  }
0x1a0: {  	v24 =	vunpack.i.l.bf16.f32 v24;
	v26 =	vadd.bf16 v26, v27;
	v60 =	vadd.bf16 v59, v28  }
0x1a1: {  	v24 =	vadd.f32 v24, v38;
	v22 =	vadd.f32 v61, v22  }
0x1a2: {  	v63 =	vunpack.i.u.bf16.f32 v26;
	v62 =	vunpack.i.u.bf16.f32 v60;
	v25 =	vunpack.i.l.bf16.f32 v60  }
0x1a3: {  	p1 =	sne.s32 s10, $0xF;
	v26 =	vunpack.i.l.bf16.f32 v26;
	v23 =	vadd.f32 v25, v23;
	v21 =	vadd.f32 v62, v21  }
.Ltmp1:
0x1a4: {  	v24 =	vadd.f32 v26, v24;
	v22 =	vadd.f32 v63, v22;
	(pc) =	sbr.rel @p1 .LBB2_5-.Ltmp1, $4  }
0x1a5: {  	v21 =	vadd.f32 v23, v21  }
0x1a6: {  	v22 =	vadd.f32 v24, v22  }
0x1a7: {  	s10 =	sadd.s32 $0x1, s10;
	[tilespmem:s25+$0x0] =	vst v21  }
0x1a8: {  	s9 =	sadd.s32 $0x80, s9;
	s25 =	sadd.s32 $0x10, s25;
	[tilespmem:s7+$0x0] =	vst v22;
	s7 =	sadd.s32 $0x10, s7  }
0x1a9: {  	_ =	sdelay $0x3  }
0x1aa: {  	v21 =	vld.idx.msk [tilespmem:v2+s18+$0x0], $0xffff;
	_ =	sdelay $0x1  }
0x1ab: {  	v22 =	vld.idx.msk [tilespmem:v6+s18+$0x0], $0xffff;
	_ =	sdelay $0x1  }
0x1ac: {  	v23 =	vld.idx.msk [tilespmem:v7+s18+$0x0], $0xffff  }
0x1ad: {  	v21 =	vadd.f32 $0.0e+00, v21  }
0x1ae: {  	v24 =	vld.idx.msk [tilespmem:v20+s18+$0x0], $0xffff  }
0x1af: {  	v21 =	vadd.f32 v22, v21  }
0x1b0: {  	v22 =	vld.idx.msk [tilespmem:v18+s18+$0x0], $0xffff  }
0x1b1: {  	v21 =	vadd.f32 v23, v21  }
0x1b2: {  	v23 =	vld.idx.msk [tilespmem:v19+s18+$0x0], $0xffff  }
0x1b3: {  	v21 =	vadd.f32 v24, v21  }
0x1b4: {  	v46 =	vld.idx.msk [tilespmem:v16+s18+$0x0], $0xffff  }
0x1b5: {  	v21 =	vadd.f32 v22, v21  }
0x1b6: {  	v22 =	vld.idx.msk [tilespmem:v8+s18+$0x0], $0xffff  }
0x1b7: {  	v21 =	vadd.f32 v23, v21  }
0x1b8: {  	v23 =	vld.idx.msk [tilespmem:v9+s18+$0x0], $0xffff  }
0x1b9: {  	v21 =	vadd.f32 v46, v21  }
0x1ba: {  	v47 =	vld.idx.msk [tilespmem:v10+s18+$0x0], $0xffff  }
0x1bb: {  	v21 =	vadd.f32 v22, v21  }
0x1bc: {  	v22 =	vld.idx.msk [tilespmem:v11+s18+$0x0], $0xffff  }
0x1bd: {  	v21 =	vadd.f32 v23, v21  }
0x1be: {  	v23 =	vld.idx.msk [tilespmem:v12+s18+$0x0], $0xffff  }
0x1bf: {  	v21 =	vadd.f32 v47, v21  }
0x1c0: {  	v48 =	vld.idx.msk [tilespmem:v13+s18+$0x0], $0xffff  }
0x1c1: {  	v25 =	vld.idx.msk [tilespmem:v2+s17+$0x0], $0xffff;
	v21 =	vadd.f32 v22, v21  }
0x1c2: {  	v22 =	vld.idx.msk [tilespmem:v14+s18+$0x0], $0xffff  }
0x1c3: {  	v26 =	vld.idx.msk [tilespmem:v6+s17+$0x0], $0xffff;
	v21 =	vadd.f32 v23, v21  }
0x1c4: {  	v23 =	vld.idx.msk [tilespmem:v15+s18+$0x0], $0xffff  }
0x1c5: {  	v27 =	vld.idx.msk [tilespmem:v7+s17+$0x0], $0xffff;
	v21 =	vadd.f32 v48, v21  }
0x1c6: {  	v49 =	vld.idx.msk [tilespmem:v17+s18+$0x0], $0xffff  }
0x1c7: {  	v25 =	vadd.f32 $0.0e+00, v25;
	v21 =	vadd.f32 v22, v21  }
0x1c8: {  	v22 =	vld.idx.msk [tilespmem:v20+s17+$0x0], $0xffff  }
0x1c9: {  	v25 =	vadd.f32 v26, v25;
	v21 =	vadd.f32 v23, v21  }
0x1ca: {  	v23 =	vld.idx.msk [tilespmem:v18+s17+$0x0], $0xffff  }
0x1cb: {  	v25 =	vadd.f32 v27, v25;
	v21 =	vadd.f32 v49, v21  }
0x1cc: {  	v50 =	vld.idx.msk [tilespmem:v19+s17+$0x0], $0xffff  }
0x1cd: {  	v22 =	vadd.f32 v22, v25;
	v51 =	vshrl.u32 v21, $0x1;
	v21 =	vmul.f32 $5.000000000e-01, v21  }
0x1ce: {  	v52 =	vld.idx.msk [tilespmem:v16+s17+$0x0], $0xffff;
	v25 =	vsub.s32 $0x5F3759DF, v51  }
0x1cf: {  	v22 =	vadd.f32 v23, v22;
	v23 =	vmul.f32 v25, v21  }
0x1d0: {  	v53 =	vld.idx.msk [tilespmem:v8+s17+$0x0], $0xffff  }
0x1d1: {  	v22 =	vadd.f32 v50, v22;
	v23 =	vmul.f32 v25, v23  }
0x1d2: {  	v54 =	vld.idx.msk [tilespmem:v9+s17+$0x0], $0xffff  }
0x1d3: {  	v22 =	vadd.f32 v52, v22;
	v23 =	vsub.f32 $1.500000000e+00, v23  }
0x1d4: {  	v55 =	vld.idx.msk [tilespmem:v10+s17+$0x0], $0xffff  }
0x1d5: {  	v22 =	vadd.f32 v53, v22;
	v23 =	vmul.f32 v25, v23  }
0x1d6: {  	v56 =	vld.idx.msk [tilespmem:v11+s17+$0x0], $0xffff  }
0x1d7: {  	v22 =	vadd.f32 v54, v22;
	v57 =	vmul.f32 v23, v21  }
0x1d8: {  	v58 =	vld.idx.msk [tilespmem:v12+s17+$0x0], $0xffff  }
0x1d9: {  	v22 =	vadd.f32 v55, v22;
	v24 =	vmul.f32 v57, v23  }
0x1da: {  	v59 =	vld.idx.msk [tilespmem:v13+s17+$0x0], $0xffff  }
0x1db: {  	v22 =	vadd.f32 v56, v22;
	v24 =	vsub.f32 $1.500000000e+00, v24  }
0x1dc: {  	v60 =	vld.idx.msk [tilespmem:v14+s17+$0x0], $0xffff  }
0x1dd: {  	v22 =	vadd.f32 v58, v22;
	v23 =	vmul.f32 v24, v23  }
0x1de: {  	v61 =	vld.idx.msk [tilespmem:v15+s17+$0x0], $0xffff  }
0x1df: {  	v22 =	vadd.f32 v59, v22;
	v21 =	vmul.f32 v23, v21  }
0x1e0: {  	v62 =	vld.idx.msk [tilespmem:v17+s17+$0x0], $0xffff  }
0x1e1: {  	v22 =	vadd.f32 v60, v22;
	v21 =	vmul.f32 v21, v23;
	_ =	sdelay $0x1  }
0x1e2: {  	v22 =	vadd.f32 v61, v22;
	v21 =	vsub.f32 $1.500000000e+00, v21  }
0x1e3: {  	v63 =	vld [tilespmem:$0x18380]  }
0x1e4: {  	v22 =	vadd.f32 v62, v22;
	v21 =	vmul.f32 v21, v23;
	_ =	sdelay $0x1  }
0x1e5: {  	v21 =	vmul.f32 v21, v22  }
0x1e6: {  	s4 =	sadd.s32 @!p0 $0x50, s29  }
0x1e7: {  	s4 =	sadd.s32 @!p0 s5, s4;
	v21 =	vadd.f32 v21, v63  }
0x1e8: {  	s4 =	sshll.u32 @!p0 s4, $0x7  }
0x1e9: {  	s6 =	simm.s32 @!p0 $0x0;
	s7 =	simm.s32 @!p0 $0x4180;
	s4 =	sadd.s32 @!p0 s1, s4;
	[tilespmem:$0x18380] =	vst v21  }
0x1ea: {  	[tilespmem:s7], [sflag:$0x2] =	stream.linear.gather @!p0 [hbm4b:s4+s6], $0x4000, $0x38;
	[tilespmem:$0x18400] =	vst v63  }
0x1eb: {  	v21 =	vld @!p0 [tilespmem:s29+$0x50];
	_ =	sdelay $0x4  }
0x1ec: {  	v22 =	vshll.u32 @!p0 v21, $0x2  }
0x1ed: {  	v23 =	vlaneseq.u32 @!p0;
	v21 =	vand.u32 @!p0 $0x7, v21;
	v22 =	vand.u32 @!p0 $0xFFFFFFE0, v22  }
0x1ee: {  	v24 =	vshrl.u32 @!p0 v23, $0x3;
	v21 =	vor.u32 @!p0 v21, v22;
	v22 =	vand.u32 @!p0 $0x7, v23  }
0x1ef: {  	v24 =	vmul.u32 @!p0 $0x8, v24;
	v22 =	vperm.xlane @!p0 v21, v22;
	_ =	sdelay $0x1  }
0x1f0: {  	v22 =	vadd.s32 @!p0 v24, v22  }
0x1f1: {  	v23 =	vor.u32 @!p0 $0x8, v23  }
0x1f2: {  	v21 =	vperm.xlane @!p0 v21, v23;
	_ =	sdelay $0x1  }
0x1f3: {  	s4 =	simm.s32 @!p0 $0x12180;
	v21 =	vadd.s32 @!p0 v24, v21  }
0x1f4: {  	[tilespmem:s4], [sflag:$0x6] =	stream.indirect_vreg.gather @!p0 [hbm4b:s3+s6], $0x80, v22, vm1, $0xb8;
	[tilespmem:$0x18400] =	vst v63  }
0x1f5: {  	s4 =	simm.s32 @!p0 $0x12980  }
0x1f6: {  	[tilespmem:s4], [sflag:$0x6] =	stream.indirect_vreg.gather @!p0 [hbm4b:s8+s6], $0x80, v22, vm1, $0xb8;
	[tilespmem:$0x18400] =	vst v63  }
0x1f7: {  	s4 =	simm.s32 @!p0 $0x13180  }
0x1f8: {  	[tilespmem:s4], [sflag:$0x6] =	stream.indirect_vreg.gather @!p0 [hbm4b:s3+s6], $0x80, v21, vm1, $0xb8;
	[tilespmem:$0x18400] =	vst v63  }
0x1f9: {  	s4 =	simm.s32 @!p0 $0x13980  }
0x1fa: {  	[tilespmem:s4], [sflag:$0x6] =	stream.indirect_vreg.gather @!p0 [hbm4b:s8+s6], $0x80, v21, vm1, $0xb8;
	[tilespmem:$0x18400] =	vst v63  }
0x1fb: {  	_ =	swait.ge [sflag:s21], $0x4000  }
0x1fc: {  	[sflag:s21] =	ssyncset.done $0x0  }
0x1fd: {  	[sflag:s21] =	ssyncadd.s32 $0xFFFFC000  }
0x1fe: {  	_ =	swait.ge [sflag:s22], $0x2000  }
0x1ff: {  	s25 =	simm.s32 $0x18180;
	s9 =	simm.s32 $0x0;
	[sflag:s22] =	ssyncset.done $0x0  }
0x200: {  	s10 =	simm.s32 $0x0;
	s7 =	simm.s32 $0x18280;
	[sflag:s22] =	ssyncadd.s32 $0xFFFFE000  }
.LBB2_7:
0x201: {  	s4 =	sshrl.u32 s10, $0x3  }
0x202: {  	s11 =	sand.u32 $0x380, s9;
	s13 =	sshll.u32 s4, $0xC;
	s4 =	sshll.u32 s4, $0xD  }
0x203: {  	s6 =	sor.u32 s11, s13;
	s11 =	sor.u32 s11, s4  }
0x204: {  	v22 =	vld [tilespmem:s11+$0x8180]  }
0x205: {  	v23 =	vld [tilespmem:s11+$0x8190]  }
0x206: {  	v25 =	vld [tilespmem:s11+$0x81A0]  }
0x207: {  	v26 =	vld [tilespmem:s11+$0x81B0]  }
0x208: {  	v28 =	vld [tilespmem:s11+$0x81C0]  }
0x209: {  	v29 =	vld [tilespmem:s11+$0x81D0]  }
0x20a: {  	v31 =	vld [tilespmem:s11+$0x81E0]  }
0x20b: {  	v32 =	vld [tilespmem:s11+$0x81F0]  }
0x20c: {  	v46 =	vld [tilespmem:s11+$0x8980]  }
0x20d: {  	v47 =	vld [tilespmem:s11+$0x8990]  }
0x20e: {  	v49 =	vld [tilespmem:s11+$0x89A0]  }
0x20f: {  	v50 =	vld [tilespmem:s11+$0x89B0]  }
0x210: {  	v52 =	vld [tilespmem:s11+$0x89C0]  }
0x211: {  	v53 =	vld [tilespmem:s11+$0x89D0]  }
0x212: {  	v55 =	vld [tilespmem:s11+$0x89E0]  }
0x213: {  	s6 =	sadd.s32 $0x10180, s6;
	v56 =	vld [tilespmem:s11+$0x89F0]  }
0x214: {  	v21 =	vld [tilespmem:s6+$0x4000]  }
0x215: {  	v24 =	vld [tilespmem:s6+$0x4010]  }
0x216: {  	v27 =	vld [tilespmem:s6+$0x4020]  }
0x217: {  	s12 =	sadd.s32 s4, s9;
	v30 =	vld [tilespmem:s6+$0x4030]  }
0x218: {  	s4 =	sor.u32 $0x8400, s12;
	v33 =	vld [tilespmem:s6+$0x4040]  }
0x219: {  	v34 =	vld [tilespmem:s4+$0x180]  }
0x21a: {  	v35 =	vld [tilespmem:s4+$0x190]  }
0x21b: {  	v36 =	vld [tilespmem:s6+$0x4050]  }
0x21c: {  	v37 =	vld [tilespmem:s4+$0x1A0]  }
0x21d: {  	v38 =	vld [tilespmem:s4+$0x1B0]  }
0x21e: {  	v39 =	vld [tilespmem:s6+$0x4060]  }
0x21f: {  	v40 =	vld [tilespmem:s4+$0x1C0]  }
0x220: {  	v41 =	vld [tilespmem:s4+$0x1D0]  }
0x221: {  	v42 =	vld [tilespmem:s6+$0x4070]  }
0x222: {  	v43 =	vld [tilespmem:s4+$0x1E0]  }
0x223: {  	s26 =	sor.u32 $0x8C00, s12;
	v44 =	vld [tilespmem:s4+$0x1F0]  }
0x224: {  	v58 =	vld [tilespmem:s26+$0x180]  }
0x225: {  	s13 =	sadd.s32 s13, s9;
	v59 =	vld [tilespmem:s26+$0x190]  }
0x226: {  	s4 =	sor.u32 $0x4400, s13;
	v60 =	vld [tilespmem:s26+$0x1A0]  }
0x227: {  	v45 =	vld [tilespmem:s4+$0x10180]  }
0x228: {  	v48 =	vld [tilespmem:s4+$0x10190]  }
0x229: {  	v51 =	vld [tilespmem:s4+$0x101A0]  }
0x22a: {  	v54 =	vld [tilespmem:s4+$0x101B0]  }
0x22b: {  	v57 =	vld [tilespmem:s4+$0x101C0]  }
0x22c: {  	v61 =	vld [tilespmem:s4+$0x101E0]  }
0x22d: {  	v22 =	vpack.i.f32.bf16 v23, v22;
	v23 =	vld [tilespmem:s4+$0x101D0]  }
0x22e: {  	v25 =	vpack.i.f32.bf16 v26, v25;
	v26 =	vld [tilespmem:s26+$0x1B0]  }
0x22f: {  	v28 =	vpack.i.f32.bf16 v29, v28;
	v29 =	vld [tilespmem:s26+$0x1C0]  }
0x230: {  	v63 =	vpack.i.f32.bf16 v32, v31;
	v31 =	vld [tilespmem:s4+$0x101F0];
	v21 =	vmul.bf16 v22, v21  }
0x231: {  	v32 =	vld [tilespmem:s26+$0x1F0];
	v24 =	vmul.bf16 v25, v24;
	v22 =	vmul.bf16 v22, v22  }
0x232: {  	v25 =	vmul.bf16 v25, v25;
	v62 =	vmul.bf16 v28, v27;
	v27 =	vld [tilespmem:s26+$0x1D0];
	v21 =	vadd.bf16 v5, v21  }
0x233: {  	v43 =	vpack.i.f32.bf16 v44, v43;
	v44 =	vld [tilespmem:s6+$0x4840]  }
0x234: {  	v22 =	vadd.bf16 v25, v22;
	v25 =	vmul.bf16 v28, v28;
	v28 =	vld [tilespmem:s11+$0x91A0];
	v21 =	vadd.bf16 v24, v21  }
0x235: {  	v24 =	vpack.i.f32.bf16 v41, v40;
	v41 =	vld [tilespmem:s6+$0x4820]  }
0x236: {  	v53 =	vpack.i.f32.bf16 v53, v52;
	v21 =	vadd.bf16 v62, v21;
	v62 =	vmul.bf16 v63, v30;
	v30 =	vld [tilespmem:s26+$0x1E0]  }
0x237: {  	v22 =	vadd.bf16 v25, v22;
	v25 =	vmul.bf16 v63, v63;
	v63 =	vpack.i.f32.bf16 v35, v34;
	v34 =	vld [tilespmem:s11+$0x9180]  }
0x238: {  	v52 =	vmul.bf16 v53, v53;
	v35 =	vld [tilespmem:s11+$0x9190]  }
0x239: {  	v26 =	vpack.i.f32.bf16 v26, v60;
	v22 =	vadd.bf16 v25, v22;
	v25 =	vpack.i.f32.bf16 v38, v37;
	v37 =	vld [tilespmem:s11+$0x91C0]  }
0x23a: {  	v42 =	vmul.bf16 v43, v42;
	v23 =	vmul.bf16 v26, v23;
	v38 =	vpack.i.f32.bf16 v47, v46;
	v46 =	vld [tilespmem:s11+$0x91D0]  }
0x23b: {  	v47 =	vmul.bf16 v38, v45;
	v45 =	vld [tilespmem:s11+$0x91E0];
	v21 =	vadd.bf16 v62, v21;
	v62 =	vmul.bf16 v63, v33  }
0x23c: {  	v26 =	vmul.bf16 v26, v26;
	v27 =	vpack.i.f32.bf16 v27, v29;
	s26 =	sor.u32 $0x9400, s12;
	v33 =	vld [tilespmem:s6+$0x4800];
	v63 =	vmul.bf16 v63, v63  }
0x23d: {  	v38 =	vmul.bf16 v38, v38;
	v29 =	vld [tilespmem:s26+$0x1B0];
	v21 =	vadd.bf16 v62, v21;
	v62 =	vmul.bf16 v25, v36  }
0x23e: {  	v22 =	vadd.bf16 v63, v22;
	v25 =	vmul.bf16 v25, v25;
	v63 =	vmul.bf16 v24, v39;
	v39 =	vld [tilespmem:s11+$0x91B0]  }
0x23f: {  	v40 =	vadd.bf16 v5, v47;
	v47 =	vld [tilespmem:s6+$0x4850];
	v24 =	vmul.bf16 v24, v24;
	v34 =	vpack.i.f32.bf16 v35, v34  }
0x240: {  	s13 =	sor.u32 $0x4C00, s13;
	v36 =	vld [tilespmem:s6+$0x4810];
	v21 =	vadd.bf16 v62, v21;
	v22 =	vadd.bf16 v25, v22;
	v62 =	vpack.i.f32.bf16 v50, v49  }
0x241: {  	v35 =	vld [tilespmem:s13+$0x10180];
	v37 =	vpack.i.f32.bf16 v46, v37;
	v25 =	vmul.bf16 v62, v62;
	v33 =	vmul.bf16 v34, v33  }
0x242: {  	v49 =	vld [tilespmem:s11+$0x91F0];
	v21 =	vadd.bf16 v63, v21;
	v63 =	vmul.bf16 v62, v48;
	v22 =	vadd.bf16 v24, v22  }
0x243: {  	v50 =	vld [tilespmem:s26+$0x180];
	v25 =	vadd.bf16 v25, v38;
	v28 =	vpack.i.f32.bf16 v39, v28;
	v33 =	vadd.bf16 v5, v33  }
0x244: {  	v48 =	vld [tilespmem:s6+$0x4830];
	v62 =	vadd.bf16 v63, v40;
	v63 =	vmul.bf16 v53, v51;
	v53 =	vpack.i.f32.bf16 v56, v55  }
0x245: {  	v39 =	vld [tilespmem:s13+$0x10190];
	v21 =	vadd.bf16 v42, v21;
	v36 =	vmul.bf16 v28, v36;
	v28 =	vmul.bf16 v28, v28  }
0x246: {  	v51 =	vld [tilespmem:s26+$0x190];
	v55 =	vmul.bf16 v53, v54;
	v25 =	vadd.bf16 v52, v25;
	v56 =	vmul.bf16 v53, v53  }
0x247: {  	v40 =	vld [tilespmem:s26+$0x1A0];
	v53 =	vmul.bf16 v43, v43;
	v54 =	vmul.bf16 v27, v61;
	v24 =	vadd.bf16 v63, v62  }
0x248: {  	v42 =	vld [tilespmem:s6+$0x4860];
	v62 =	vpack.i.f32.bf16 v59, v58;
	v58 =	vunpack.i.l.bf16.f32 v21;
	v21 =	vunpack.i.u.bf16.f32 v21  }
0x249: {  	v43 =	vld [tilespmem:s11+$0x99A0];
	v33 =	vadd.bf16 v36, v33;
	v63 =	vmul.bf16 v62, v57;
	v25 =	vadd.bf16 v56, v25  }
0x24a: {  	v52 =	vmul.bf16 v62, v62;
	v56 =	vpack.i.f32.bf16 v32, v30;
	v30 =	vld [tilespmem:s26+$0x1C0];
	v22 =	vadd.bf16 v53, v22  }
0x24b: {  	v32 =	vadd.f32 $0.0e+00, v58;
	v21 =	vadd.f32 $0.0e+00, v21;
	v53 =	vld [tilespmem:s11+$0x9980];
	v62 =	vmul.bf16 v34, v34  }
0x24c: {  	v24 =	vadd.bf16 v55, v24;
	v55 =	vmul.bf16 v27, v27;
	v57 =	vmul.bf16 v56, v31;
	v31 =	vld [tilespmem:s26+$0x1D0]  }
0x24d: {  	v59 =	vmul.bf16 v56, v56;
	v27 =	vld [tilespmem:s6+$0x4870];
	v25 =	vadd.bf16 v52, v25;
	v38 =	vunpack.i.l.bf16.f32 v22  }
0x24e: {  	v28 =	vadd.bf16 v28, v62;
	v52 =	vmul.bf16 v37, v41;
	v24 =	vadd.bf16 v63, v24;
	v63 =	vld [tilespmem:s11+$0x9990]  }
0x24f: {  	v22 =	vunpack.i.u.bf16.f32 v22;
	v37 =	vmul.bf16 v37, v37;
	v25 =	vadd.bf16 v26, v25;
	v26 =	vld [tilespmem:s26+$0x1F0]  }
0x250: {  	v29 =	vpack.i.f32.bf16 v29, v40;
	v38 =	vadd.f32 $0.0e+00, v38;
	v23 =	vadd.bf16 v23, v24;
	v24 =	vld [tilespmem:s26+$0x1E0]  }
0x251: {  	v22 =	vadd.f32 $0.0e+00, v22;
	s26 =	sor.u32 $0x9C00, s12;
	v25 =	vadd.bf16 v55, v25;
	v55 =	vpack.i.f32.bf16 v49, v45;
	v45 =	vld [tilespmem:s13+$0x101A0]  }
0x252: {  	v49 =	vmul.bf16 v29, v47;
	v29 =	vmul.bf16 v29, v29;
	v47 =	vld [tilespmem:s26+$0x1D0];
	v23 =	vadd.bf16 v54, v23  }
0x253: {  	v28 =	vadd.bf16 v37, v28;
	v54 =	vld [tilespmem:s11+$0x99B0];
	v56 =	vmul.bf16 v55, v48;
	v58 =	vmul.bf16 v55, v55  }
0x254: {  	v48 =	vld [tilespmem:s11+$0x99F0];
	v25 =	vadd.bf16 v59, v25;
	v34 =	vpack.i.f32.bf16 v63, v53;
	v23 =	vadd.bf16 v57, v23  }
0x255: {  	v59 =	vld [tilespmem:s11+$0x99D0];
	v28 =	vadd.bf16 v58, v28;
	v35 =	vmul.bf16 v34, v35;
	v34 =	vmul.bf16 v34, v34  }
0x256: {  	v63 =	vld [tilespmem:s11+$0x99E0];
	v61 =	vunpack.i.l.bf16.f32 v25;
	v25 =	vunpack.i.u.bf16.f32 v25;
	v24 =	vpack.i.f32.bf16 v26, v24  }
0x257: {  	v57 =	vld [tilespmem:s11+$0x99C0];
	v60 =	vunpack.i.u.bf16.f32 v23;
	v23 =	vunpack.i.l.bf16.f32 v23;
	v38 =	vadd.f32 v61, v38  }
0x258: {  	v53 =	vld [tilespmem:s26+$0x180];
	v22 =	vadd.f32 v25, v22;
	v61 =	vpack.i.f32.bf16 v51, v50;
	v51 =	vadd.bf16 v5, v35  }
0x259: {  	v58 =	vld [tilespmem:s26+$0x1A0];
	v27 =	vmul.bf16 v24, v27;
	v24 =	vmul.bf16 v24, v24;
	v23 =	vadd.f32 v23, v32  }
0x25a: {  	v32 =	vadd.bf16 v52, v33;
	v33 =	vld [tilespmem:s13+$0x101B0];
	v62 =	vmul.bf16 v61, v44;
	v36 =	vpack.i.f32.bf16 v54, v43  }
0x25b: {  	v21 =	vadd.f32 v60, v21;
	v54 =	vld [tilespmem:s26+$0x190];
	v52 =	vmul.bf16 v36, v39;
	v36 =	vmul.bf16 v36, v36  }
0x25c: {  	v44 =	vld [tilespmem:s26+$0x1C0];
	v60 =	vadd.bf16 v56, v32;
	v32 =	vmul.bf16 v61, v61;
	v55 =	vpack.i.f32.bf16 v59, v57  }
0x25d: {  	v50 =	vld [tilespmem:s13+$0x101C0];
	v59 =	vpack.i.f32.bf16 v31, v30;
	v34 =	vadd.bf16 v36, v34;
	v57 =	vmul.bf16 v55, v45  }
0x25e: {  	v56 =	vld [tilespmem:s13+$0x101D0];
	v35 =	vmul.bf16 v55, v55;
	v25 =	vadd.bf16 v62, v60;
	v28 =	vadd.bf16 v32, v28  }
0x25f: {  	v61 =	vld [tilespmem:s26+$0x1B0];
	v32 =	vadd.bf16 v52, v51;
	v60 =	vpack.i.f32.bf16 v48, v63;
	v63 =	vmul.bf16 v59, v42  }
0x260: {  	v62 =	vld [tilespmem:s13+$0x101E0];
	v34 =	vadd.bf16 v35, v34;
	v33 =	vmul.bf16 v60, v33;
	v37 =	vpack.i.f32.bf16 v54, v53  }
0x261: {  	v48 =	vld [tilespmem:s26+$0x1E0];
	v30 =	vmul.bf16 v60, v60;
	v55 =	vpack.i.f32.bf16 v47, v44;
	v25 =	vadd.bf16 v49, v25  }
0x262: {  	v52 =	vld [tilespmem:s26+$0x1F0];
	v28 =	vadd.bf16 v29, v28;
	v32 =	vadd.bf16 v57, v32;
	v29 =	vmul.bf16 v59, v59  }
0x263: {  	v46 =	vmul.bf16 v37, v50;
	v51 =	vmul.bf16 v37, v37;
	v49 =	vadd.bf16 v30, v34  }
0x264: {  	v53 =	vld [tilespmem:s13+$0x101F0];
	v31 =	vpack.i.f32.bf16 v61, v58;
	v32 =	vadd.bf16 v33, v32;
	v25 =	vadd.bf16 v63, v25  }
0x265: {  	v28 =	vadd.bf16 v29, v28;
	v54 =	vmul.bf16 v31, v56;
	v31 =	vmul.bf16 v31, v31  }
0x266: {  	v29 =	vadd.bf16 v51, v49;
	v57 =	vmul.bf16 v55, v62;
	v50 =	vadd.bf16 v46, v32  }
0x267: {  	v26 =	vpack.i.f32.bf16 v52, v48;
	v25 =	vadd.bf16 v27, v25;
	v24 =	vadd.bf16 v24, v28  }
0x268: {  	v27 =	vmul.bf16 v55, v55;
	v29 =	vadd.bf16 v31, v29;
	v56 =	vadd.bf16 v54, v50  }
0x269: {  	v59 =	vmul.bf16 v26, v53;
	v26 =	vmul.bf16 v26, v26;
	v58 =	vunpack.i.l.bf16.f32 v25  }
0x26a: {  	v25 =	vunpack.i.u.bf16.f32 v25;
	v27 =	vadd.bf16 v27, v29;
	v28 =	vadd.bf16 v57, v56  }
0x26b: {  	v61 =	vunpack.i.u.bf16.f32 v24;
	v23 =	vadd.f32 v58, v23;
	v21 =	vadd.f32 v25, v21  }
0x26c: {  	v24 =	vunpack.i.l.bf16.f32 v24;
	v26 =	vadd.bf16 v26, v27;
	v60 =	vadd.bf16 v59, v28  }
0x26d: {  	v24 =	vadd.f32 v24, v38;
	v22 =	vadd.f32 v61, v22  }
0x26e: {  	v63 =	vunpack.i.u.bf16.f32 v26;
	v62 =	vunpack.i.u.bf16.f32 v60;
	v25 =	vunpack.i.l.bf16.f32 v60  }
0x26f: {  	p1 =	sne.s32 s10, $0xF;
	v26 =	vunpack.i.l.bf16.f32 v26;
	v23 =	vadd.f32 v25, v23;
	v21 =	vadd.f32 v62, v21  }
.Ltmp2:
0x270: {  	v24 =	vadd.f32 v26, v24;
	v22 =	vadd.f32 v63, v22;
	(pc) =	sbr.rel @p1 .LBB2_7-.Ltmp2, $4  }
0x271: {  	v21 =	vadd.f32 v23, v21  }
0x272: {  	v22 =	vadd.f32 v24, v22  }
0x273: {  	s10 =	sadd.s32 $0x1, s10;
	[tilespmem:s25+$0x0] =	vst v21  }
0x274: {  	s9 =	sadd.s32 $0x80, s9;
	s25 =	sadd.s32 $0x10, s25;
	[tilespmem:s7+$0x0] =	vst v22;
	s7 =	sadd.s32 $0x10, s7  }
0x275: {  	_ =	sdelay $0x3  }
0x276: {  	v21 =	vld.idx.msk [tilespmem:v2+s18+$0x0], $0xffff;
	_ =	sdelay $0x1  }
0x277: {  	v22 =	vld.idx.msk [tilespmem:v6+s18+$0x0], $0xffff;
	_ =	sdelay $0x1  }
0x278: {  	v23 =	vld.idx.msk [tilespmem:v7+s18+$0x0], $0xffff  }
0x279: {  	v21 =	vadd.f32 $0.0e+00, v21  }
0x27a: {  	v24 =	vld.idx.msk [tilespmem:v20+s18+$0x0], $0xffff  }
0x27b: {  	v21 =	vadd.f32 v22, v21  }
0x27c: {  	v22 =	vld.idx.msk [tilespmem:v18+s18+$0x0], $0xffff  }
0x27d: {  	v21 =	vadd.f32 v23, v21  }
0x27e: {  	v23 =	vld.idx.msk [tilespmem:v19+s18+$0x0], $0xffff  }
0x27f: {  	v21 =	vadd.f32 v24, v21  }
0x280: {  	v46 =	vld.idx.msk [tilespmem:v16+s18+$0x0], $0xffff  }
0x281: {  	v21 =	vadd.f32 v22, v21  }
0x282: {  	v22 =	vld.idx.msk [tilespmem:v8+s18+$0x0], $0xffff  }
0x283: {  	v21 =	vadd.f32 v23, v21  }
0x284: {  	v23 =	vld.idx.msk [tilespmem:v9+s18+$0x0], $0xffff  }
0x285: {  	v21 =	vadd.f32 v46, v21  }
0x286: {  	v47 =	vld.idx.msk [tilespmem:v10+s18+$0x0], $0xffff  }
0x287: {  	v21 =	vadd.f32 v22, v21  }
0x288: {  	v22 =	vld.idx.msk [tilespmem:v11+s18+$0x0], $0xffff  }
0x289: {  	v21 =	vadd.f32 v23, v21  }
0x28a: {  	v23 =	vld.idx.msk [tilespmem:v12+s18+$0x0], $0xffff  }
0x28b: {  	v21 =	vadd.f32 v47, v21  }
0x28c: {  	v48 =	vld.idx.msk [tilespmem:v13+s18+$0x0], $0xffff  }
0x28d: {  	v25 =	vld.idx.msk [tilespmem:v2+s17+$0x0], $0xffff;
	v21 =	vadd.f32 v22, v21  }
0x28e: {  	v22 =	vld.idx.msk [tilespmem:v14+s18+$0x0], $0xffff  }
0x28f: {  	v26 =	vld.idx.msk [tilespmem:v6+s17+$0x0], $0xffff;
	v21 =	vadd.f32 v23, v21  }
0x290: {  	v23 =	vld.idx.msk [tilespmem:v15+s18+$0x0], $0xffff  }
0x291: {  	v27 =	vld.idx.msk [tilespmem:v7+s17+$0x0], $0xffff;
	v21 =	vadd.f32 v48, v21  }
0x292: {  	v49 =	vld.idx.msk [tilespmem:v17+s18+$0x0], $0xffff  }
0x293: {  	v25 =	vadd.f32 $0.0e+00, v25;
	v21 =	vadd.f32 v22, v21  }
0x294: {  	v22 =	vld.idx.msk [tilespmem:v20+s17+$0x0], $0xffff  }
0x295: {  	v25 =	vadd.f32 v26, v25;
	v21 =	vadd.f32 v23, v21  }
0x296: {  	v23 =	vld.idx.msk [tilespmem:v18+s17+$0x0], $0xffff  }
0x297: {  	v25 =	vadd.f32 v27, v25;
	v21 =	vadd.f32 v49, v21  }
0x298: {  	v50 =	vld.idx.msk [tilespmem:v19+s17+$0x0], $0xffff  }
0x299: {  	v22 =	vadd.f32 v22, v25;
	v51 =	vshrl.u32 v21, $0x1;
	v21 =	vmul.f32 $5.000000000e-01, v21  }
0x29a: {  	v52 =	vld.idx.msk [tilespmem:v16+s17+$0x0], $0xffff;
	v25 =	vsub.s32 $0x5F3759DF, v51  }
0x29b: {  	v22 =	vadd.f32 v23, v22;
	v23 =	vmul.f32 v25, v21  }
0x29c: {  	v53 =	vld.idx.msk [tilespmem:v8+s17+$0x0], $0xffff  }
0x29d: {  	v22 =	vadd.f32 v50, v22;
	v23 =	vmul.f32 v25, v23  }
0x29e: {  	v54 =	vld.idx.msk [tilespmem:v9+s17+$0x0], $0xffff  }
0x29f: {  	v22 =	vadd.f32 v52, v22;
	v23 =	vsub.f32 $1.500000000e+00, v23  }
0x2a0: {  	v55 =	vld.idx.msk [tilespmem:v10+s17+$0x0], $0xffff  }
0x2a1: {  	v22 =	vadd.f32 v53, v22;
	v23 =	vmul.f32 v25, v23  }
0x2a2: {  	v56 =	vld.idx.msk [tilespmem:v11+s17+$0x0], $0xffff  }
0x2a3: {  	v22 =	vadd.f32 v54, v22;
	v57 =	vmul.f32 v23, v21  }
0x2a4: {  	v58 =	vld.idx.msk [tilespmem:v12+s17+$0x0], $0xffff  }
0x2a5: {  	v22 =	vadd.f32 v55, v22;
	v24 =	vmul.f32 v57, v23  }
0x2a6: {  	v59 =	vld.idx.msk [tilespmem:v13+s17+$0x0], $0xffff  }
0x2a7: {  	v22 =	vadd.f32 v56, v22;
	v24 =	vsub.f32 $1.500000000e+00, v24  }
0x2a8: {  	v60 =	vld.idx.msk [tilespmem:v14+s17+$0x0], $0xffff  }
0x2a9: {  	v22 =	vadd.f32 v58, v22;
	v23 =	vmul.f32 v24, v23  }
0x2aa: {  	v61 =	vld.idx.msk [tilespmem:v15+s17+$0x0], $0xffff  }
0x2ab: {  	v22 =	vadd.f32 v59, v22;
	v21 =	vmul.f32 v23, v21  }
0x2ac: {  	v62 =	vld.idx.msk [tilespmem:v17+s17+$0x0], $0xffff  }
0x2ad: {  	v22 =	vadd.f32 v60, v22;
	v21 =	vmul.f32 v21, v23;
	_ =	sdelay $0x1  }
0x2ae: {  	v22 =	vadd.f32 v61, v22;
	v21 =	vsub.f32 $1.500000000e+00, v21  }
0x2af: {  	v63 =	vld [tilespmem:$0x18380]  }
0x2b0: {  	v22 =	vadd.f32 v62, v22;
	v21 =	vmul.f32 v21, v23;
	_ =	sdelay $0x1  }
0x2b1: {  	v21 =	vmul.f32 v21, v22  }
0x2b2: {  	s4 =	sadd.s32 @!p0 $0x60, s29  }
0x2b3: {  	s4 =	sadd.s32 @!p0 s5, s4;
	v21 =	vadd.f32 v21, v63  }
0x2b4: {  	s4 =	sshll.u32 @!p0 s4, $0x7  }
0x2b5: {  	s6 =	simm.s32 @!p0 $0x0;
	s7 =	simm.s32 @!p0 $0x8180;
	s4 =	sadd.s32 @!p0 s1, s4;
	[tilespmem:$0x18380] =	vst v21  }
0x2b6: {  	[tilespmem:s7], [sflag:$0x3] =	stream.linear.gather @!p0 [hbm4b:s4+s6], $0x4000, $0x38;
	[tilespmem:$0x18400] =	vst v63  }
0x2b7: {  	v21 =	vld @!p0 [tilespmem:s29+$0x60];
	_ =	sdelay $0x4  }
0x2b8: {  	v22 =	vshll.u32 @!p0 v21, $0x2  }
0x2b9: {  	v23 =	vlaneseq.u32 @!p0;
	v21 =	vand.u32 @!p0 $0x7, v21;
	v22 =	vand.u32 @!p0 $0xFFFFFFE0, v22  }
0x2ba: {  	v24 =	vshrl.u32 @!p0 v23, $0x3;
	v21 =	vor.u32 @!p0 v21, v22;
	v22 =	vand.u32 @!p0 $0x7, v23  }
0x2bb: {  	v24 =	vmul.u32 @!p0 $0x8, v24;
	v22 =	vperm.xlane @!p0 v21, v22;
	_ =	sdelay $0x1  }
0x2bc: {  	v22 =	vadd.s32 @!p0 v24, v22  }
0x2bd: {  	v23 =	vor.u32 @!p0 $0x8, v23  }
0x2be: {  	v21 =	vperm.xlane @!p0 v21, v23;
	_ =	sdelay $0x1  }
0x2bf: {  	s4 =	simm.s32 @!p0 $0x14180;
	v21 =	vadd.s32 @!p0 v24, v21  }
0x2c0: {  	[tilespmem:s4], [sflag:$0x7] =	stream.indirect_vreg.gather @!p0 [hbm4b:s3+s6], $0x80, v22, vm1, $0xb8;
	[tilespmem:$0x18400] =	vst v63  }
0x2c1: {  	s4 =	simm.s32 @!p0 $0x14980  }
0x2c2: {  	[tilespmem:s4], [sflag:$0x7] =	stream.indirect_vreg.gather @!p0 [hbm4b:s8+s6], $0x80, v22, vm1, $0xb8;
	[tilespmem:$0x18400] =	vst v63  }
0x2c3: {  	s4 =	simm.s32 @!p0 $0x15180  }
0x2c4: {  	[tilespmem:s4], [sflag:$0x7] =	stream.indirect_vreg.gather @!p0 [hbm4b:s3+s6], $0x80, v21, vm1, $0xb8;
	[tilespmem:$0x18400] =	vst v63  }
0x2c5: {  	s4 =	simm.s32 @!p0 $0x15980  }
0x2c6: {  	[tilespmem:s4], [sflag:$0x7] =	stream.indirect_vreg.gather @!p0 [hbm4b:s8+s6], $0x80, v21, vm1, $0xb8;
	[tilespmem:$0x18400] =	vst v63  }
0x2c7: {  	_ =	swait.ge [sflag:s23], $0x4000  }
0x2c8: {  	[sflag:s23] =	ssyncset.done $0x0  }
0x2c9: {  	[sflag:s23] =	ssyncadd.s32 $0xFFFFC000  }
0x2ca: {  	_ =	swait.ge [sflag:s24], $0x2000  }
0x2cb: {  	s25 =	simm.s32 $0x18180;
	s9 =	simm.s32 $0x0;
	[sflag:s24] =	ssyncset.done $0x0  }
0x2cc: {  	s10 =	simm.s32 $0x0;
	s7 =	simm.s32 $0x18280;
	[sflag:s24] =	ssyncadd.s32 $0xFFFFE000  }
.LBB2_9:
0x2cd: {  	s4 =	sshrl.u32 s10, $0x3  }
0x2ce: {  	s11 =	sand.u32 $0x380, s9;
	s13 =	sshll.u32 s4, $0xC;
	s4 =	sshll.u32 s4, $0xD  }
0x2cf: {  	s6 =	sor.u32 s11, s13;
	s11 =	sor.u32 s11, s4  }
0x2d0: {  	v22 =	vld [tilespmem:s11+$0xC180]  }
0x2d1: {  	v23 =	vld [tilespmem:s11+$0xC190]  }
0x2d2: {  	v25 =	vld [tilespmem:s11+$0xC1A0]  }
0x2d3: {  	v26 =	vld [tilespmem:s11+$0xC1B0]  }
0x2d4: {  	v28 =	vld [tilespmem:s11+$0xC1C0]  }
0x2d5: {  	v29 =	vld [tilespmem:s11+$0xC1D0]  }
0x2d6: {  	v31 =	vld [tilespmem:s11+$0xC1E0]  }
0x2d7: {  	v32 =	vld [tilespmem:s11+$0xC1F0]  }
0x2d8: {  	v46 =	vld [tilespmem:s11+$0xC980]  }
0x2d9: {  	v47 =	vld [tilespmem:s11+$0xC990]  }
0x2da: {  	v49 =	vld [tilespmem:s11+$0xC9A0]  }
0x2db: {  	v50 =	vld [tilespmem:s11+$0xC9B0]  }
0x2dc: {  	v52 =	vld [tilespmem:s11+$0xC9C0]  }
0x2dd: {  	v53 =	vld [tilespmem:s11+$0xC9D0]  }
0x2de: {  	v55 =	vld [tilespmem:s11+$0xC9E0]  }
0x2df: {  	s6 =	sadd.s32 $0x10180, s6;
	v56 =	vld [tilespmem:s11+$0xC9F0]  }
0x2e0: {  	v21 =	vld [tilespmem:s6+$0x6000]  }
0x2e1: {  	v24 =	vld [tilespmem:s6+$0x6010]  }
0x2e2: {  	v27 =	vld [tilespmem:s6+$0x6020]  }
0x2e3: {  	s12 =	sadd.s32 s4, s9;
	v30 =	vld [tilespmem:s6+$0x6030]  }
0x2e4: {  	s4 =	sor.u32 $0xC400, s12;
	v33 =	vld [tilespmem:s6+$0x6040]  }
0x2e5: {  	v34 =	vld [tilespmem:s4+$0x180]  }
0x2e6: {  	v35 =	vld [tilespmem:s4+$0x190]  }
0x2e7: {  	v36 =	vld [tilespmem:s6+$0x6050]  }
0x2e8: {  	v37 =	vld [tilespmem:s4+$0x1A0]  }
0x2e9: {  	v38 =	vld [tilespmem:s4+$0x1B0]  }
0x2ea: {  	v39 =	vld [tilespmem:s6+$0x6060]  }
0x2eb: {  	v40 =	vld [tilespmem:s4+$0x1C0]  }
0x2ec: {  	v41 =	vld [tilespmem:s4+$0x1D0]  }
0x2ed: {  	v42 =	vld [tilespmem:s6+$0x6070]  }
0x2ee: {  	s13 =	sadd.s32 s13, s9;
	v43 =	vld [tilespmem:s4+$0x1E0]  }
0x2ef: {  	s29 =	sor.u32 $0x6400, s13;
	v44 =	vld [tilespmem:s4+$0x1F0]  }
0x2f0: {  	v45 =	vld [tilespmem:s29+$0x10180]  }
0x2f1: {  	v48 =	vld [tilespmem:s29+$0x10190]  }
0x2f2: {  	v51 =	vld [tilespmem:s29+$0x101A0]  }
0x2f3: {  	v54 =	vld [tilespmem:s29+$0x101B0]  }
0x2f4: {  	s26 =	sor.u32 $0xCC00, s12;
	v57 =	vld [tilespmem:s29+$0x101C0]  }
0x2f5: {  	v58 =	vld [tilespmem:s26+$0x180]  }
0x2f6: {  	v59 =	vld [tilespmem:s26+$0x190]  }
0x2f7: {  	v60 =	vld [tilespmem:s26+$0x1A0]  }
0x2f8: {  	v61 =	vld [tilespmem:s29+$0x101E0]  }
0x2f9: {  	v22 =	vpack.i.f32.bf16 v23, v22;
	v23 =	vld [tilespmem:s29+$0x101D0]  }
0x2fa: {  	v25 =	vpack.i.f32.bf16 v26, v25;
	v26 =	vld [tilespmem:s26+$0x1B0]  }
0x2fb: {  	v28 =	vpack.i.f32.bf16 v29, v28;
	v29 =	vld [tilespmem:s26+$0x1C0]  }
0x2fc: {  	v63 =	vpack.i.f32.bf16 v32, v31;
	v31 =	vld [tilespmem:s29+$0x101F0];
	v21 =	vmul.bf16 v22, v21  }
0x2fd: {  	v24 =	vmul.bf16 v25, v24;
	v62 =	vmul.bf16 v28, v27;
	v27 =	vld [tilespmem:s26+$0x1D0]  }
0x2fe: {  	v32 =	vld [tilespmem:s26+$0x1F0];
	v22 =	vmul.bf16 v22, v22;
	v25 =	vmul.bf16 v25, v25  }
0x2ff: {  	v43 =	vpack.i.f32.bf16 v44, v43;
	v44 =	vld [tilespmem:s6+$0x6840];
	v21 =	vadd.bf16 v5, v21  }
0x300: {  	v22 =	vadd.bf16 v25, v22;
	v25 =	vmul.bf16 v28, v28;
	v28 =	vld [tilespmem:s11+$0xD1A0]  }
0x301: {  	v53 =	vpack.i.f32.bf16 v53, v52;
	s29 =	sor.u32 $0xD400, s12;
	v21 =	vadd.bf16 v24, v21;
	v24 =	vpack.i.f32.bf16 v41, v40;
	v41 =	vld [tilespmem:s6+$0x6820]  }
0x302: {  	v52 =	vmul.bf16 v53, v53;
	v27 =	vpack.i.f32.bf16 v27, v29;
	v29 =	vld [tilespmem:s29+$0x1B0]  }
0x303: {  	v22 =	vadd.bf16 v25, v22;
	v21 =	vadd.bf16 v62, v21;
	v62 =	vmul.bf16 v63, v30;
	v30 =	vld [tilespmem:s26+$0x1E0]  }
0x304: {  	v25 =	vmul.bf16 v63, v63;
	v26 =	vpack.i.f32.bf16 v26, v60;
	v63 =	vpack.i.f32.bf16 v35, v34;
	v34 =	vld [tilespmem:s11+$0xD180]  }
0x305: {  	v42 =	vmul.bf16 v43, v42;
	v23 =	vmul.bf16 v26, v23;
	v35 =	vld [tilespmem:s11+$0xD190]  }
0x306: {  	v26 =	vmul.bf16 v26, v26;
	v22 =	vadd.bf16 v25, v22;
	v25 =	vpack.i.f32.bf16 v38, v37;
	v37 =	vld [tilespmem:s11+$0xD1C0]  }
0x307: {  	v38 =	vpack.i.f32.bf16 v47, v46;
	v46 =	vld [tilespmem:s11+$0xD1D0];
	v21 =	vadd.bf16 v62, v21;
	v62 =	vmul.bf16 v63, v33  }
0x308: {  	v47 =	vmul.bf16 v38, v45;
	v33 =	vld [tilespmem:s6+$0x6800];
	v63 =	vmul.bf16 v63, v63  }
0x309: {  	v38 =	vmul.bf16 v38, v38;
	v45 =	vld [tilespmem:s11+$0xD1E0];
	v21 =	vadd.bf16 v62, v21;
	v62 =	vmul.bf16 v25, v36  }
0x30a: {  	v22 =	vadd.bf16 v63, v22;
	v25 =	vmul.bf16 v25, v25;
	v63 =	vmul.bf16 v24, v39;
	v39 =	vld [tilespmem:s11+$0xD1B0]  }
0x30b: {  	v40 =	vadd.bf16 v5, v47;
	v47 =	vld [tilespmem:s6+$0x6850];
	v24 =	vmul.bf16 v24, v24;
	v34 =	vpack.i.f32.bf16 v35, v34  }
0x30c: {  	s26 =	sor.u32 $0x6C00, s13;
	v36 =	vld [tilespmem:s6+$0x6810];
	v21 =	vadd.bf16 v62, v21;
	v22 =	vadd.bf16 v25, v22;
	v62 =	vpack.i.f32.bf16 v50, v49  }
0x30d: {  	v35 =	vld [tilespmem:s26+$0x10180];
	v37 =	vpack.i.f32.bf16 v46, v37;
	v25 =	vmul.bf16 v62, v62;
	v33 =	vmul.bf16 v34, v33  }
0x30e: {  	v49 =	vld [tilespmem:s11+$0xD1F0];
	v21 =	vadd.bf16 v63, v21;
	v63 =	vmul.bf16 v62, v48;
	v22 =	vadd.bf16 v24, v22  }
0x30f: {  	v50 =	vld [tilespmem:s29+$0x180];
	v25 =	vadd.bf16 v25, v38;
	v28 =	vpack.i.f32.bf16 v39, v28;
	v33 =	vadd.bf16 v5, v33  }
0x310: {  	v48 =	vld [tilespmem:s6+$0x6830];
	v62 =	vadd.bf16 v63, v40;
	v63 =	vmul.bf16 v53, v51;
	v53 =	vpack.i.f32.bf16 v56, v55  }
0x311: {  	v39 =	vld [tilespmem:s26+$0x10190];
	v21 =	vadd.bf16 v42, v21;
	v36 =	vmul.bf16 v28, v36;
	v28 =	vmul.bf16 v28, v28  }
0x312: {  	v51 =	vld [tilespmem:s29+$0x190];
	v55 =	vmul.bf16 v53, v54;
	v25 =	vadd.bf16 v52, v25;
	v56 =	vmul.bf16 v53, v53  }
0x313: {  	v40 =	vld [tilespmem:s29+$0x1A0];
	v53 =	vmul.bf16 v43, v43;
	v54 =	vmul.bf16 v27, v61;
	v24 =	vadd.bf16 v63, v62  }
0x314: {  	v42 =	vld [tilespmem:s6+$0x6860];
	v62 =	vpack.i.f32.bf16 v59, v58;
	v58 =	vunpack.i.l.bf16.f32 v21;
	v21 =	vunpack.i.u.bf16.f32 v21  }
0x315: {  	v43 =	vld [tilespmem:s11+$0xD9A0];
	v33 =	vadd.bf16 v36, v33;
	v63 =	vmul.bf16 v62, v57;
	v25 =	vadd.bf16 v56, v25  }
0x316: {  	v52 =	vmul.bf16 v62, v62;
	v56 =	vpack.i.f32.bf16 v32, v30;
	v30 =	vld [tilespmem:s29+$0x1C0];
	v22 =	vadd.bf16 v53, v22  }
0x317: {  	v32 =	vadd.f32 $0.0e+00, v58;
	v21 =	vadd.f32 $0.0e+00, v21;
	v53 =	vld [tilespmem:s11+$0xD980];
	v62 =	vmul.bf16 v34, v34  }
0x318: {  	v24 =	vadd.bf16 v55, v24;
	v55 =	vmul.bf16 v27, v27;
	v57 =	vmul.bf16 v56, v31;
	v31 =	vld [tilespmem:s29+$0x1D0]  }
0x319: {  	v59 =	vmul.bf16 v56, v56;
	v27 =	vld [tilespmem:s6+$0x6870];
	v25 =	vadd.bf16 v52, v25;
	v38 =	vunpack.i.l.bf16.f32 v22  }
0x31a: {  	v28 =	vadd.bf16 v28, v62;
	v52 =	vmul.bf16 v37, v41;
	v24 =	vadd.bf16 v63, v24;
	v63 =	vld [tilespmem:s11+$0xD990]  }
0x31b: {  	v22 =	vunpack.i.u.bf16.f32 v22;
	v37 =	vmul.bf16 v37, v37;
	v25 =	vadd.bf16 v26, v25;
	v26 =	vld [tilespmem:s29+$0x1F0]  }
0x31c: {  	v29 =	vpack.i.f32.bf16 v29, v40;
	v38 =	vadd.f32 $0.0e+00, v38;
	v23 =	vadd.bf16 v23, v24;
	v24 =	vld [tilespmem:s29+$0x1E0]  }
0x31d: {  	v22 =	vadd.f32 $0.0e+00, v22;
	s29 =	sor.u32 $0xDC00, s12;
	v25 =	vadd.bf16 v55, v25;
	v55 =	vpack.i.f32.bf16 v49, v45;
	v45 =	vld [tilespmem:s26+$0x101A0]  }
0x31e: {  	v49 =	vmul.bf16 v29, v47;
	v29 =	vmul.bf16 v29, v29;
	v47 =	vld [tilespmem:s29+$0x1D0];
	v23 =	vadd.bf16 v54, v23  }
0x31f: {  	v28 =	vadd.bf16 v37, v28;
	v54 =	vld [tilespmem:s11+$0xD9B0];
	v56 =	vmul.bf16 v55, v48;
	v58 =	vmul.bf16 v55, v55  }
0x320: {  	v48 =	vld [tilespmem:s11+$0xD9F0];
	v25 =	vadd.bf16 v59, v25;
	v34 =	vpack.i.f32.bf16 v63, v53;
	v23 =	vadd.bf16 v57, v23  }
0x321: {  	v59 =	vld [tilespmem:s11+$0xD9D0];
	v28 =	vadd.bf16 v58, v28;
	v35 =	vmul.bf16 v34, v35;
	v34 =	vmul.bf16 v34, v34  }
0x322: {  	v63 =	vld [tilespmem:s11+$0xD9E0];
	v61 =	vunpack.i.l.bf16.f32 v25;
	v25 =	vunpack.i.u.bf16.f32 v25;
	v24 =	vpack.i.f32.bf16 v26, v24  }
0x323: {  	v57 =	vld [tilespmem:s11+$0xD9C0];
	v60 =	vunpack.i.u.bf16.f32 v23;
	v23 =	vunpack.i.l.bf16.f32 v23;
	v38 =	vadd.f32 v61, v38  }
0x324: {  	v53 =	vld [tilespmem:s29+$0x180];
	v22 =	vadd.f32 v25, v22;
	v61 =	vpack.i.f32.bf16 v51, v50;
	v51 =	vadd.bf16 v5, v35  }
0x325: {  	v58 =	vld [tilespmem:s29+$0x1A0];
	v27 =	vmul.bf16 v24, v27;
	v24 =	vmul.bf16 v24, v24;
	v23 =	vadd.f32 v23, v32  }
0x326: {  	v32 =	vadd.bf16 v52, v33;
	v33 =	vld [tilespmem:s26+$0x101B0];
	v62 =	vmul.bf16 v61, v44;
	v36 =	vpack.i.f32.bf16 v54, v43  }
0x327: {  	v21 =	vadd.f32 v60, v21;
	v54 =	vld [tilespmem:s29+$0x190];
	v52 =	vmul.bf16 v36, v39;
	v36 =	vmul.bf16 v36, v36  }
0x328: {  	v44 =	vld [tilespmem:s29+$0x1C0];
	v60 =	vadd.bf16 v56, v32;
	v32 =	vmul.bf16 v61, v61;
	v55 =	vpack.i.f32.bf16 v59, v57  }
0x329: {  	v50 =	vld [tilespmem:s26+$0x101C0];
	v59 =	vpack.i.f32.bf16 v31, v30;
	v34 =	vadd.bf16 v36, v34;
	v57 =	vmul.bf16 v55, v45  }
0x32a: {  	v56 =	vld [tilespmem:s26+$0x101D0];
	v35 =	vmul.bf16 v55, v55;
	v25 =	vadd.bf16 v62, v60;
	v28 =	vadd.bf16 v32, v28  }
0x32b: {  	v61 =	vld [tilespmem:s29+$0x1B0];
	v32 =	vadd.bf16 v52, v51;
	v60 =	vpack.i.f32.bf16 v48, v63;
	v63 =	vmul.bf16 v59, v42  }
0x32c: {  	v62 =	vld [tilespmem:s26+$0x101E0];
	v34 =	vadd.bf16 v35, v34;
	v33 =	vmul.bf16 v60, v33;
	v37 =	vpack.i.f32.bf16 v54, v53  }
0x32d: {  	v48 =	vld [tilespmem:s29+$0x1E0];
	v30 =	vmul.bf16 v60, v60;
	v55 =	vpack.i.f32.bf16 v47, v44;
	v25 =	vadd.bf16 v49, v25  }
0x32e: {  	v52 =	vld [tilespmem:s29+$0x1F0];
	v28 =	vadd.bf16 v29, v28;
	v32 =	vadd.bf16 v57, v32;
	v29 =	vmul.bf16 v59, v59  }
0x32f: {  	v46 =	vmul.bf16 v37, v50;
	v51 =	vmul.bf16 v37, v37;
	v49 =	vadd.bf16 v30, v34  }
0x330: {  	v53 =	vld [tilespmem:s26+$0x101F0];
	v31 =	vpack.i.f32.bf16 v61, v58;
	v32 =	vadd.bf16 v33, v32;
	v25 =	vadd.bf16 v63, v25  }
0x331: {  	v28 =	vadd.bf16 v29, v28;
	v54 =	vmul.bf16 v31, v56;
	v31 =	vmul.bf16 v31, v31  }
0x332: {  	v29 =	vadd.bf16 v51, v49;
	v57 =	vmul.bf16 v55, v62;
	v50 =	vadd.bf16 v46, v32  }
0x333: {  	v26 =	vpack.i.f32.bf16 v52, v48;
	v25 =	vadd.bf16 v27, v25;
	v24 =	vadd.bf16 v24, v28  }
0x334: {  	v27 =	vmul.bf16 v55, v55;
	v29 =	vadd.bf16 v31, v29;
	v56 =	vadd.bf16 v54, v50  }
0x335: {  	v59 =	vmul.bf16 v26, v53;
	v26 =	vmul.bf16 v26, v26;
	v58 =	vunpack.i.l.bf16.f32 v25  }
0x336: {  	v25 =	vunpack.i.u.bf16.f32 v25;
	v27 =	vadd.bf16 v27, v29;
	v28 =	vadd.bf16 v57, v56  }
0x337: {  	v61 =	vunpack.i.u.bf16.f32 v24;
	v23 =	vadd.f32 v58, v23;
	v21 =	vadd.f32 v25, v21  }
0x338: {  	v24 =	vunpack.i.l.bf16.f32 v24;
	v26 =	vadd.bf16 v26, v27;
	v60 =	vadd.bf16 v59, v28  }
0x339: {  	v24 =	vadd.f32 v24, v38;
	v22 =	vadd.f32 v61, v22  }
0x33a: {  	v63 =	vunpack.i.u.bf16.f32 v26;
	v62 =	vunpack.i.u.bf16.f32 v60;
	v25 =	vunpack.i.l.bf16.f32 v60  }
0x33b: {  	p0 =	sne.s32 s10, $0xF;
	v26 =	vunpack.i.l.bf16.f32 v26;
	v23 =	vadd.f32 v25, v23;
	v21 =	vadd.f32 v62, v21  }
.Ltmp3:
0x33c: {  	v24 =	vadd.f32 v26, v24;
	v22 =	vadd.f32 v63, v22;
	(pc) =	sbr.rel @p0 .LBB2_9-.Ltmp3, $4  }
0x33d: {  	v21 =	vadd.f32 v23, v21  }
0x33e: {  	v22 =	vadd.f32 v24, v22  }
0x33f: {  	s10 =	sadd.s32 $0x1, s10;
	[tilespmem:s25+$0x0] =	vst v21  }
0x340: {  	s9 =	sadd.s32 $0x80, s9;
	s25 =	sadd.s32 $0x10, s25;
	[tilespmem:s7+$0x0] =	vst v22;
	s7 =	sadd.s32 $0x10, s7  }
0x341: {  	_ =	sdelay $0x3  }
0x342: {  	v21 =	vld.idx.msk [tilespmem:v2+s18+$0x0], $0xffff;
	_ =	sdelay $0x1  }
0x343: {  	v22 =	vld.idx.msk [tilespmem:v6+s18+$0x0], $0xffff;
	_ =	sdelay $0x1  }
0x344: {  	v23 =	vld.idx.msk [tilespmem:v7+s18+$0x0], $0xffff  }
0x345: {  	v21 =	vadd.f32 $0.0e+00, v21  }
0x346: {  	v24 =	vld.idx.msk [tilespmem:v20+s18+$0x0], $0xffff  }
0x347: {  	v21 =	vadd.f32 v22, v21  }
0x348: {  	v31 =	vld.idx.msk [tilespmem:v18+s18+$0x0], $0xffff  }
0x349: {  	v21 =	vadd.f32 v23, v21  }
0x34a: {  	v32 =	vld.idx.msk [tilespmem:v19+s18+$0x0], $0xffff  }
0x34b: {  	v21 =	vadd.f32 v24, v21  }
0x34c: {  	v33 =	vld.idx.msk [tilespmem:v16+s18+$0x0], $0xffff  }
0x34d: {  	v21 =	vadd.f32 v31, v21  }
0x34e: {  	v34 =	vld.idx.msk [tilespmem:v8+s18+$0x0], $0xffff  }
0x34f: {  	v21 =	vadd.f32 v32, v21  }
0x350: {  	v35 =	vld.idx.msk [tilespmem:v9+s18+$0x0], $0xffff  }
0x351: {  	v21 =	vadd.f32 v33, v21  }
0x352: {  	v36 =	vld.idx.msk [tilespmem:v10+s18+$0x0], $0xffff  }
0x353: {  	v21 =	vadd.f32 v34, v21  }
0x354: {  	v37 =	vld.idx.msk [tilespmem:v11+s18+$0x0], $0xffff  }
0x355: {  	v21 =	vadd.f32 v35, v21  }
0x356: {  	v38 =	vld.idx.msk [tilespmem:v12+s18+$0x0], $0xffff  }
0x357: {  	v21 =	vadd.f32 v36, v21  }
0x358: {  	v39 =	vld.idx.msk [tilespmem:v13+s18+$0x0], $0xffff  }
0x359: {  	v25 =	vld.idx.msk [tilespmem:v2+s17+$0x0], $0xffff;
	v21 =	vadd.f32 v37, v21  }
0x35a: {  	v40 =	vld.idx.msk [tilespmem:v14+s18+$0x0], $0xffff  }
0x35b: {  	v26 =	vld.idx.msk [tilespmem:v6+s17+$0x0], $0xffff;
	v21 =	vadd.f32 v38, v21  }
0x35c: {  	v41 =	vld.idx.msk [tilespmem:v15+s18+$0x0], $0xffff  }
0x35d: {  	v27 =	vld.idx.msk [tilespmem:v7+s17+$0x0], $0xffff;
	v21 =	vadd.f32 v39, v21  }
0x35e: {  	v42 =	vld.idx.msk [tilespmem:v17+s18+$0x0], $0xffff  }
0x35f: {  	v43 =	vadd.f32 $0.0e+00, v25;
	v21 =	vadd.f32 v40, v21  }
0x360: {  	v44 =	vld.idx.msk [tilespmem:v20+s17+$0x0], $0xffff  }
0x361: {  	v22 =	vadd.f32 v26, v43;
	v21 =	vadd.f32 v41, v21  }
0x362: {  	v45 =	vld.idx.msk [tilespmem:v18+s17+$0x0], $0xffff  }
0x363: {  	v22 =	vadd.f32 v27, v22;
	v21 =	vadd.f32 v42, v21  }
0x364: {  	v46 =	vld.idx.msk [tilespmem:v19+s17+$0x0], $0xffff  }
0x365: {  	v20 =	vadd.f32 v44, v22;
	v47 =	vshrl.u32 v21, $0x1;
	v21 =	vmul.f32 $5.000000000e-01, v21  }
0x366: {  	v48 =	vld.idx.msk [tilespmem:v16+s17+$0x0], $0xffff;
	v22 =	vsub.s32 $0x5F3759DF, v47  }
0x367: {  	v18 =	vadd.f32 v45, v20;
	v49 =	vmul.f32 v22, v21  }
0x368: {  	v8 =	vld.idx.msk [tilespmem:v8+s17+$0x0], $0xffff  }
0x369: {  	v18 =	vadd.f32 v46, v18;
	v50 =	vmul.f32 v22, v49  }
0x36a: {  	v51 =	vld.idx.msk [tilespmem:v9+s17+$0x0], $0xffff  }
0x36b: {  	v16 =	vadd.f32 v48, v18;
	v52 =	vsub.f32 $1.500000000e+00, v50  }
0x36c: {  	v53 =	vld.idx.msk [tilespmem:v10+s17+$0x0], $0xffff  }
0x36d: {  	v8 =	vadd.f32 v8, v16;
	v54 =	vmul.f32 v22, v52  }
0x36e: {  	v55 =	vld.idx.msk [tilespmem:v11+s17+$0x0], $0xffff  }
0x36f: {  	v8 =	vadd.f32 v51, v8;
	v56 =	vmul.f32 v54, v21  }
0x370: {  	v57 =	vld.idx.msk [tilespmem:v12+s17+$0x0], $0xffff  }
0x371: {  	v8 =	vadd.f32 v53, v8;
	v9 =	vmul.f32 v56, v54  }
0x372: {  	v58 =	vld.idx.msk [tilespmem:v13+s17+$0x0], $0xffff  }
0x373: {  	v8 =	vadd.f32 v55, v8;
	v9 =	vsub.f32 $1.500000000e+00, v9  }
0x374: {  	v59 =	vld.idx.msk [tilespmem:v14+s17+$0x0], $0xffff  }
0x375: {  	v8 =	vadd.f32 v57, v8;
	v9 =	vmul.f32 v9, v54  }
0x376: {  	v60 =	vld.idx.msk [tilespmem:v15+s17+$0x0], $0xffff  }
0x377: {  	v8 =	vadd.f32 v58, v8;
	v61 =	vmul.f32 v9, v21  }
0x378: {  	v62 =	vld.idx.msk [tilespmem:v17+s17+$0x0], $0xffff  }
0x379: {  	v8 =	vadd.f32 v59, v8;
	v10 =	vmul.f32 v61, v9;
	_ =	sdelay $0x1  }
0x37a: {  	v8 =	vadd.f32 v60, v8;
	v10 =	vsub.f32 $1.500000000e+00, v10  }
0x37b: {  	v63 =	vld [tilespmem:$0x18380]  }
0x37c: {  	s28 =	sadd.s32 $0x1, s28;
	v8 =	vadd.f32 v62, v8;
	v9 =	vmul.f32 v10, v9  }
0x37d: {  	p0 =	sne.s32 s28, $0x5  }
.Ltmp4:
0x37e: {  	v8 =	vmul.f32 v9, v8;
	(pc) =	sbr.rel @p0 .LBB2_2-.Ltmp4, $3  }
0x37f: {  	_ = 	snop  }
0x380: {  	v8 =	vadd.f32 v8, v63;
	_ =	sdelay $0x1  }
0x381: {  	[tilespmem:$0x18380] =	vst v8  }
0x382: {  	s4 =	simm.s32 $0x0;
	s6 =	rddreg [dreg:$0x8];
	s7 =	simm.s32 $0x18380  }
0x383: {  	[hbm4b:s6+s4] =	stream.linear.scatter [tilespmem:s7], [sflag:$0x9], $0x80, $0x38;
	[tilespmem:$0x18400] =	vst v63  }
0x384: {  	s7 =	simm.s32 $0x9  }
0x385: {  	_ =	swait.ge [sflag:s7], $0x80  }
0x386: {  	s9 =	rddreg [dreg:$0xa]  }
0x387: {  	s29 =	rddreg [dreg:$0x9];
	s9 =	sadd.s32 $0x1, s9  }
0x388: {  	p0 =	sne.s32 s9, s29  }
.Ltmp5:
0x389: {  	_ = 	snop;
	(pc) =	sbr.rel @p0 .LBB2_1-.Ltmp5, $3  }
0x38a: {  	_ =	sdelay $0x1  }
0x38b: {  	[sflag:s7] =	ssyncset.done $0x0  }
0x38c: {  	[sflag:s7] =	ssyncadd.s32 $0xFFFFFF80  }
0x38d: {  	_ =	sfence.sel $0x180000  }
0x38e: {  	[bflag:$0x0] =	sbarrier.arrive $0xFFFF  }
0x38f: {  	_ =	strace $0x90000047  }
0x390: {  	s0 =	stileid.u32;
	[bflag:$0x2] =	sbarrier.arrive $0xFFFF  }
0x391: {  	p0 =	sne.s32 s0, $0x0;
	s0 =	rddreg [dreg:$0x3]  }
0x392: {  	s0 =	sadd.s32 @!p0 $0x100000, s0  }
0x393: {  	[sflag:s0] =	ssyncadd.tile.s32 @!p0 $0x1;
	_ =	shalt  }
.Lfunc_end2:
_tile_overlayer_lowered:
.L_overlay_start_2:
0x394: {  	(tag) =	ssettag $0x2  }
0x395: {  	s0 =	rddreg [dreg:$0x0];
	s2 =	stileid.u32  }
0x396: {  	s1 =	rddreg [dreg:$0x1];
	p0 =	sne.s32 s2, $0x0  }
0x397: {  	s3 =	rddreg [dreg:$0x2];
	[bflag:$0x3] =	sbarrier.arrive $0xFFFF;
	s2 =	simm.s32 @!p0 $0x1C09  }
0x398: {  	[timem:s3], [sflag:s2] =	dma.local @!p0 [hbm:s0], s1  }
0x399: {  	s0 =	simm.s32 @!p0 $0x9  }
0x39a: {  	_ =	swait.ge @!p0 [sflag:s0], s1  }
0x39b: {  	s1 =	ssub.s32 @!p0 $0x0, s1;
	[sflag:s0] =	ssyncset.done @!p0 $0x0  }
0x39c: {  	[sflag:s0] =	ssyncadd.s32 @!p0 s1  }
0x39d: {  	[bflag:$0x3] =	sbarrier.arrive $0xFFFF  }
0x39e: {  	_ =	shalt  }

</sc_bundles>
